<compile_context>
chip_gen: v7x
topology: tpu7x:2x2x1
jax: 0.10.2.dev20260603
libtpu: 0.0.44.dev20260713+nightly
codegen_flags: <defaults>
</compile_context>

<pallas_src>
import functools

import jax
import jax.numpy as jnp
from jax import lax
from jax.experimental import pallas as pl
from jax.experimental.pallas import tpu as pltpu
from jax.experimental.pallas import tpu_sc as plsc

B = 16384
D = 64
NW = 32
BPW = B // NW
C = 64
NCHUNK = BPW // C
L = 16
NG = C // L
N_REL = 500
N_TIME = 366

_mesh = plsc.VectorSubcoreMesh(core_axis_name="c", subcore_axis_name="s")


@functools.partial(
    pl.kernel,
    mesh=_mesh,
    compiler_params=pltpu.CompilerParams(needs_layout_passes=False),
    out_type=(
        jax.ShapeDtypeStruct((B,), jnp.float32),
        jax.ShapeDtypeStruct((B,), jnp.float32),
    ),
    scratch_types=[
        pltpu.VMEM((BPW,), jnp.int32),
        pltpu.VMEM((BPW,), jnp.int32),
        pltpu.VMEM((BPW,), jnp.int32),
        pltpu.VMEM((BPW,), jnp.int32),
        pltpu.VMEM((BPW,), jnp.int32),
        pltpu.VMEM((BPW,), jnp.int32),
        pltpu.VMEM((BPW,), jnp.int32),
        pltpu.VMEM((C,), jnp.int32),
        pltpu.VMEM((C,), jnp.int32),
        pltpu.VMEM((C,), jnp.int32),
        pltpu.VMEM((C,), jnp.int32),
        pltpu.VMEM((C, 2 * D), jnp.float32),
        pltpu.VMEM((C, 2 * D), jnp.float32),
        pltpu.VMEM((C, 2 * D), jnp.float32),
        pltpu.VMEM((C, 2 * D), jnp.float32),
        pltpu.VMEM((N_REL * D,), jnp.float32),
        pltpu.VMEM((N_TIME * D,), jnp.float32),
        pltpu.VMEM((BPW,), jnp.float32),
        pltpu.VMEM((BPW,), jnp.float32),
        pltpu.SemaphoreType.DMA,
    ],
)
def _score_kernel(h_hbm, t_hbm, nh_hbm, nt_hbm, r_hbm, st_hbm, et_hbm,
                  ent_hbm, rel_hbm, time_hbm, pos_hbm, neg_hbm,
                  hi_v, ti_v, nhi_v, nti_v, ri_v, si_v, ei_v,
                  hp_v, tp_v, nhp_v, ntp_v,
                  h_v, t_v, nh_v, nt_v, rel_c, time_c,
                  pos_v, neg_v, sem):
    wid = lax.axis_index("s") * 2 + lax.axis_index("c")
    wb = wid * BPW
    pltpu.sync_copy(h_hbm.at[pl.ds(wb, BPW)], hi_v)
    pltpu.sync_copy(t_hbm.at[pl.ds(wb, BPW)], ti_v)
    pltpu.sync_copy(nh_hbm.at[pl.ds(wb, BPW)], nhi_v)
    pltpu.sync_copy(nt_hbm.at[pl.ds(wb, BPW)], nti_v)
    pltpu.sync_copy(r_hbm.at[pl.ds(wb, BPW)], ri_v)
    pltpu.sync_copy(st_hbm.at[pl.ds(wb, BPW)], si_v)
    pltpu.sync_copy(et_hbm.at[pl.ds(wb, BPW)], ei_v)
    pltpu.sync_copy(rel_hbm, rel_c)
    pltpu.sync_copy(time_hbm, time_c)

    def chunk_body(c, _):
        base = c * C

        @plsc.parallel_loop(0, C, step=L)
        def mk_pair(k):
            sl = pl.ds(base + k, L)
            hp_v[pl.ds(k, L)] = lax.shift_right_logical(hi_v[sl], 1)
            tp_v[pl.ds(k, L)] = lax.shift_right_logical(ti_v[sl], 1)
            nhp_v[pl.ds(k, L)] = lax.shift_right_logical(nhi_v[sl], 1)
            ntp_v[pl.ds(k, L)] = lax.shift_right_logical(nti_v[sl], 1)

        cps = [
            pltpu.async_copy(ent_hbm.at[hp_v], h_v, sem),
            pltpu.async_copy(ent_hbm.at[tp_v], t_v, sem),
            pltpu.async_copy(ent_hbm.at[nhp_v], nh_v, sem),
            pltpu.async_copy(ent_hbm.at[ntp_v], nt_v, sem),
        ]
        for cp in cps:
            cp.wait()

        @plsc.parallel_loop(0, NG)
        def grp(g):
            sl = pl.ds(base + g * L, L)
            slot = lax.iota(jnp.int32, L) + g * L
            hcol = (hi_v[sl] & 1) * D
            tcol = (ti_v[sl] & 1) * D
            nhcol = (nhi_v[sl] & 1) * D
            ntcol = (nti_v[sl] & 1) * D
            rbase = ri_v[sl] * D
            sbase = si_v[sl] * D
            ebase = ei_v[sl] * D
            accp = jnp.zeros((L,), jnp.float32)
            accn = jnp.zeros((L,), jnp.float32)
            for d in range(D):
                hv = plsc.load_gather(h_v, [slot, hcol + d])
                tv = plsc.load_gather(t_v, [slot, tcol + d])
                nhv = plsc.load_gather(nh_v, [slot, nhcol + d])
                ntv = plsc.load_gather(nt_v, [slot, ntcol + d])
                rv = plsc.load_gather(rel_c, [rbase + d])
                tsv = plsc.load_gather(time_c, [sbase + d])
                tev = plsc.load_gather(time_c, [ebase + d])
                trans = rv + 0.5 * (tsv + tev)
                accp = accp + jnp.abs(hv + trans - tv)
                accn = accn + jnp.abs(nhv + trans - ntv)
            pos_v[sl] = -accp
            neg_v[sl] = -accn

        return 0

    lax.fori_loop(0, NCHUNK, chunk_body, 0)

    pltpu.sync_copy(pos_v, pos_hbm.at[pl.ds(wb, BPW)])
    pltpu.sync_copy(neg_v, neg_hbm.at[pl.ds(wb, BPW)])


def kernel(heads, tails, relations, start_time, end_time,
           negative_heads, negative_tails, ent_emb, rel_emb, time_emb):
    ent_pairs = jnp.concatenate([ent_emb[0::2], ent_emb[1::2]], axis=1)
    pos, neg = _score_kernel(
        heads.astype(jnp.int32), tails.astype(jnp.int32),
        negative_heads.astype(jnp.int32), negative_tails.astype(jnp.int32),
        relations.astype(jnp.int32), start_time.astype(jnp.int32),
        end_time.astype(jnp.int32),
        ent_pairs, rel_emb.reshape(-1), time_emb.reshape(-1))
    return pos, neg

# --- scband reference (transcript-rebuilt; emitter-appended) ---
"""Pipeline reference for scband-temp-model-87643102642296 (READ-ONLY COPY).

The authoritative reference and input builder live on the scoring server;
editing this copy changes nothing except your own understanding.
"""

import jax, jax.numpy as jnp
import numpy as np

N_ENT = 1000000
N_REL = 500
N_TIME = 366
D = 64
B = 16384


def _scoring(ent_emb, rel_emb, time_emb, h_idx, t_idx, r_idx, start_time_idx, end_time_idx):
    # TTransE-style temporal translational scoring (concrete subclass of the abstract TempModel):
    # score = -|| h + r + 0.5*(tau_start + tau_end) - t ||_1
    h = jnp.take(ent_emb, h_idx, axis=0)
    t = jnp.take(ent_emb, t_idx, axis=0)
    r = jnp.take(rel_emb, r_idx, axis=0)
    ts = jnp.take(time_emb, start_time_idx, axis=0)
    te = jnp.take(time_emb, end_time_idx, axis=0)
    trans = r + 0.5 * (ts + te)
    return -jnp.sum(jnp.abs(h + trans - t), axis=-1)


def setup_inputs(seed: int = 0) -> dict:
    key = jax.random.key(seed)
    ks = jax.random.split(key, 10)
    heads = jax.random.randint(ks[0], (B,), 0, N_ENT, dtype=jnp.int64 if jax.config.jax_enable_x64 else jnp.int32)
    tails = jax.random.randint(ks[1], (B,), 0, N_ENT)
    relations = jax.random.randint(ks[2], (B,), 0, N_REL)
    start_time = jax.random.randint(ks[3], (B,), 0, N_TIME)
    end_time = jax.random.randint(ks[4], (B,), 0, N_TIME)
    negative_heads = jax.random.randint(ks[5], (B,), 0, N_ENT)
    negative_tails = jax.random.randint(ks[6], (B,), 0, N_ENT)
    ent_emb = jax.random.normal(ks[7], (N_ENT, D), dtype=jnp.float32) * 0.05
    rel_emb = jax.random.normal(ks[8], (N_REL, D), dtype=jnp.float32) * 0.05
    time_emb = jax.random.normal(ks[9], (N_TIME, D), dtype=jnp.float32) * 0.05
    return {
        "heads": heads,
        "tails": tails,
        "relations": relations,
        "start_time": start_time,
        "end_time": end_time,
        "negative_heads": negative_heads,
        "negative_tails": negative_tails,
        "ent_emb": ent_emb,
        "rel_emb": rel_emb,
        "time_emb": time_emb,
    }


def reference(heads, tails, relations, start_time, end_time, negative_heads, negative_tails, ent_emb, rel_emb, time_emb):
    pos = _scoring(ent_emb, rel_emb, time_emb, heads, tails, relations, start_time, end_time)
    negative_relations = relations  # negative_relations is None in the original call
    if negative_heads.shape[0] > negative_relations.shape[0]:
        n_neg = int(negative_heads.shape[0] // negative_relations.shape[0])
        pos = jnp.tile(pos, n_neg)
        neg = _scoring(
            ent_emb, rel_emb, time_emb,
            negative_heads, negative_tails,
            jnp.tile(negative_relations, n_neg),
            jnp.tile(start_time, n_neg),
            jnp.tile(end_time, n_neg),
        )
    else:
        neg = _scoring(ent_emb, rel_emb, time_emb, negative_heads, negative_tails, negative_relations, start_time, end_time)
    return (pos, neg)

if __name__ == "__main__":
    import jax
    _d = setup_inputs()
    print(jax.jit(kernel)(*tuple(_d.values())))

</pallas_src>

<mosaic_0001>
#map = affine_map<(d0, d1) -> (0)>
#map1 = affine_map<(d0, d1) -> (0, 0)>
module attributes {stable_mosaic.version = 14 : i64} {
  func.func @_score_kernel(%arg0: i32, %arg1: i32, %arg2: memref<16384xi32, #tpu.memory_space<hbm>>, %arg3: memref<16384xi32, #tpu.memory_space<hbm>>, %arg4: memref<16384xi32, #tpu.memory_space<hbm>>, %arg5: memref<16384xi32, #tpu.memory_space<hbm>>, %arg6: memref<16384xi32, #tpu.memory_space<hbm>>, %arg7: memref<16384xi32, #tpu.memory_space<hbm>>, %arg8: memref<16384xi32, #tpu.memory_space<hbm>>, %arg9: memref<500000x128xf32, #tpu.memory_space<hbm>>, %arg10: memref<32000xf32, #tpu.memory_space<hbm>>, %arg11: memref<23424xf32, #tpu.memory_space<hbm>>, %arg12: memref<16384xf32, #tpu.memory_space<hbm>>, %arg13: memref<16384xf32, #tpu.memory_space<hbm>>, %arg14: memref<512xi32, #tpu.memory_space<vmem>>, %arg15: memref<512xi32, #tpu.memory_space<vmem>>, %arg16: memref<512xi32, #tpu.memory_space<vmem>>, %arg17: memref<512xi32, #tpu.memory_space<vmem>>, %arg18: memref<512xi32, #tpu.memory_space<vmem>>, %arg19: memref<512xi32, #tpu.memory_space<vmem>>, %arg20: memref<512xi32, #tpu.memory_space<vmem>>, %arg21: memref<64xi32, #tpu.memory_space<vmem>>, %arg22: memref<64xi32, #tpu.memory_space<vmem>>, %arg23: memref<64xi32, #tpu.memory_space<vmem>>, %arg24: memref<64xi32, #tpu.memory_space<vmem>>, %arg25: memref<64x128xf32, #tpu.memory_space<vmem>>, %arg26: memref<64x128xf32, #tpu.memory_space<vmem>>, %arg27: memref<64x128xf32, #tpu.memory_space<vmem>>, %arg28: memref<64x128xf32, #tpu.memory_space<vmem>>, %arg29: memref<32000xf32, #tpu.memory_space<vmem>>, %arg30: memref<23424xf32, #tpu.memory_space<vmem>>, %arg31: memref<512xf32, #tpu.memory_space<vmem>>, %arg32: memref<512xf32, #tpu.memory_space<vmem>>, %arg33: memref<!tpu.dma_semaphore, #tpu.memory_space<semaphore_mem>>) attributes {dimension_semantics = [#tpu.dimension_semantics<core_parallel>, #tpu.dimension_semantics<subcore_parallel>], iteration_bounds = array<i64: 2, 16>, scalar_prefetch = 0 : i64, scratch_operands = 20 : i64, tpu.core_type = #tpu.core_type<sc_vector_subcore>, window_params = [{transform_indices = #map}, {transform_indices = #map}, {transform_indices = #map}, {transform_indices = #map}, {transform_indices = #map}, {transform_indices = #map}, {transform_indices = #map}, {transform_indices = #map1}, {transform_indices = #map}, {transform_indices = #map}, {transform_indices = #map}, {transform_indices = #map}]} {
    %mul3A = arith.constant 2 : i32
    %mul3A_0 = arith.muli %arg1, %mul3A : i32
    %add3A = arith.addi %mul3A_0, %arg0 : i32
    %mul3A_1 = arith.constant 512 : i32
    %mul3A_2 = arith.muli %add3A, %mul3A_1 : i32
    "tpu.region"() ({
      %run_scoped3A = tpu.sem_alloc : memref<!tpu.dma_semaphore, #tpu.memory_space<semaphore_mem>>
      %dma_start3A = tpu.memref_slice %arg2[%mul3A_2] : memref<16384xi32, #tpu.memory_space<hbm>> -> memref<512xi32, #tpu.memory_space<hbm>>
      %dma_start3A_9 = tpu.memref_slice %arg2[%mul3A_2] : memref<16384xi32, #tpu.memory_space<hbm>> -> memref<512xi32, #tpu.memory_space<hbm>>
      tpu.enqueue_dma source(%dma_start3A_9 : memref<512xi32, #tpu.memory_space<hbm>>) target(%arg14 : memref<512xi32, #tpu.memory_space<vmem>>) target_semaphore(%run_scoped3A : memref<!tpu.dma_semaphore, #tpu.memory_space<semaphore_mem>>)
      %dma_wait3A = tpu.memref_slice %arg2[%mul3A_2] : memref<16384xi32, #tpu.memory_space<hbm>> -> memref<512xi32, #tpu.memory_space<hbm>>
      %dma_wait3A_10 = tpu.memref_slice %arg2[%mul3A_2] : memref<16384xi32, #tpu.memory_space<hbm>> -> memref<512xi32, #tpu.memory_space<hbm>>
      tpu.wait_dma2 semaphore(%run_scoped3A : memref<!tpu.dma_semaphore, #tpu.memory_space<semaphore_mem>>) src(%dma_wait3A_10 : memref<512xi32, #tpu.memory_space<hbm>>) dst(%arg14 : memref<512xi32, #tpu.memory_space<vmem>>)
      tpu.yield
    }) : () -> ()
    "tpu.region"() ({
      %run_scoped3A = tpu.sem_alloc : memref<!tpu.dma_semaphore, #tpu.memory_space<semaphore_mem>>
      %dma_start3A = tpu.memref_slice %arg3[%mul3A_2] : memref<16384xi32, #tpu.memory_space<hbm>> -> memref<512xi32, #tpu.memory_space<hbm>>
      %dma_start3A_9 = tpu.memref_slice %arg3[%mul3A_2] : memref<16384xi32, #tpu.memory_space<hbm>> -> memref<512xi32, #tpu.memory_space<hbm>>
      tpu.enqueue_dma source(%dma_start3A_9 : memref<512xi32, #tpu.memory_space<hbm>>) target(%arg15 : memref<512xi32, #tpu.memory_space<vmem>>) target_semaphore(%run_scoped3A : memref<!tpu.dma_semaphore, #tpu.memory_space<semaphore_mem>>)
      %dma_wait3A = tpu.memref_slice %arg3[%mul3A_2] : memref<16384xi32, #tpu.memory_space<hbm>> -> memref<512xi32, #tpu.memory_space<hbm>>
      %dma_wait3A_10 = tpu.memref_slice %arg3[%mul3A_2] : memref<16384xi32, #tpu.memory_space<hbm>> -> memref<512xi32, #tpu.memory_space<hbm>>
      tpu.wait_dma2 semaphore(%run_scoped3A : memref<!tpu.dma_semaphore, #tpu.memory_space<semaphore_mem>>) src(%dma_wait3A_10 : memref<512xi32, #tpu.memory_space<hbm>>) dst(%arg15 : memref<512xi32, #tpu.memory_space<vmem>>)
      tpu.yield
    }) : () -> ()
    "tpu.region"() ({
      %run_scoped3A = tpu.sem_alloc : memref<!tpu.dma_semaphore, #tpu.memory_space<semaphore_mem>>
      %dma_start3A = tpu.memref_slice %arg4[%mul3A_2] : memref<16384xi32, #tpu.memory_space<hbm>> -> memref<512xi32, #tpu.memory_space<hbm>>
      %dma_start3A_9 = tpu.memref_slice %arg4[%mul3A_2] : memref<16384xi32, #tpu.memory_space<hbm>> -> memref<512xi32, #tpu.memory_space<hbm>>
      tpu.enqueue_dma source(%dma_start3A_9 : memref<512xi32, #tpu.memory_space<hbm>>) target(%arg16 : memref<512xi32, #tpu.memory_space<vmem>>) target_semaphore(%run_scoped3A : memref<!tpu.dma_semaphore, #tpu.memory_space<semaphore_mem>>)
      %dma_wait3A = tpu.memref_slice %arg4[%mul3A_2] : memref<16384xi32, #tpu.memory_space<hbm>> -> memref<512xi32, #tpu.memory_space<hbm>>
      %dma_wait3A_10 = tpu.memref_slice %arg4[%mul3A_2] : memref<16384xi32, #tpu.memory_space<hbm>> -> memref<512xi32, #tpu.memory_space<hbm>>
      tpu.wait_dma2 semaphore(%run_scoped3A : memref<!tpu.dma_semaphore, #tpu.memory_space<semaphore_mem>>) src(%dma_wait3A_10 : memref<512xi32, #tpu.memory_space<hbm>>) dst(%arg16 : memref<512xi32, #tpu.memory_space<vmem>>)
      tpu.yield
    }) : () -> ()
    "tpu.region"() ({
      %run_scoped3A = tpu.sem_alloc : memref<!tpu.dma_semaphore, #tpu.memory_space<semaphore_mem>>
      %dma_start3A = tpu.memref_slice %arg5[%mul3A_2] : memref<16384xi32, #tpu.memory_space<hbm>> -> memref<512xi32, #tpu.memory_space<hbm>>
      %dma_start3A_9 = tpu.memref_slice %arg5[%mul3A_2] : memref<16384xi32, #tpu.memory_space<hbm>> -> memref<512xi32, #tpu.memory_space<hbm>>
      tpu.enqueue_dma source(%dma_start3A_9 : memref<512xi32, #tpu.memory_space<hbm>>) target(%arg17 : memref<512xi32, #tpu.memory_space<vmem>>) target_semaphore(%run_scoped3A : memref<!tpu.dma_semaphore, #tpu.memory_space<semaphore_mem>>)
      %dma_wait3A = tpu.memref_slice %arg5[%mul3A_2] : memref<16384xi32, #tpu.memory_space<hbm>> -> memref<512xi32, #tpu.memory_space<hbm>>
      %dma_wait3A_10 = tpu.memref_slice %arg5[%mul3A_2] : memref<16384xi32, #tpu.memory_space<hbm>> -> memref<512xi32, #tpu.memory_space<hbm>>
      tpu.wait_dma2 semaphore(%run_scoped3A : memref<!tpu.dma_semaphore, #tpu.memory_space<semaphore_mem>>) src(%dma_wait3A_10 : memref<512xi32, #tpu.memory_space<hbm>>) dst(%arg17 : memref<512xi32, #tpu.memory_space<vmem>>)
      tpu.yield
    }) : () -> ()
    "tpu.region"() ({
      %run_scoped3A = tpu.sem_alloc : memref<!tpu.dma_semaphore, #tpu.memory_space<semaphore_mem>>
      %dma_start3A = tpu.memref_slice %arg6[%mul3A_2] : memref<16384xi32, #tpu.memory_space<hbm>> -> memref<512xi32, #tpu.memory_space<hbm>>
      %dma_start3A_9 = tpu.memref_slice %arg6[%mul3A_2] : memref<16384xi32, #tpu.memory_space<hbm>> -> memref<512xi32, #tpu.memory_space<hbm>>
      tpu.enqueue_dma source(%dma_start3A_9 : memref<512xi32, #tpu.memory_space<hbm>>) target(%arg18 : memref<512xi32, #tpu.memory_space<vmem>>) target_semaphore(%run_scoped3A : memref<!tpu.dma_semaphore, #tpu.memory_space<semaphore_mem>>)
      %dma_wait3A = tpu.memref_slice %arg6[%mul3A_2] : memref<16384xi32, #tpu.memory_space<hbm>> -> memref<512xi32, #tpu.memory_space<hbm>>
      %dma_wait3A_10 = tpu.memref_slice %arg6[%mul3A_2] : memref<16384xi32, #tpu.memory_space<hbm>> -> memref<512xi32, #tpu.memory_space<hbm>>
      tpu.wait_dma2 semaphore(%run_scoped3A : memref<!tpu.dma_semaphore, #tpu.memory_space<semaphore_mem>>) src(%dma_wait3A_10 : memref<512xi32, #tpu.memory_space<hbm>>) dst(%arg18 : memref<512xi32, #tpu.memory_space<vmem>>)
      tpu.yield
    }) : () -> ()
    "tpu.region"() ({
      %run_scoped3A = tpu.sem_alloc : memref<!tpu.dma_semaphore, #tpu.memory_space<semaphore_mem>>
      %dma_start3A = tpu.memref_slice %arg7[%mul3A_2] : memref<16384xi32, #tpu.memory_space<hbm>> -> memref<512xi32, #tpu.memory_space<hbm>>
      %dma_start3A_9 = tpu.memref_slice %arg7[%mul3A_2] : memref<16384xi32, #tpu.memory_space<hbm>> -> memref<512xi32, #tpu.memory_space<hbm>>
      tpu.enqueue_dma source(%dma_start3A_9 : memref<512xi32, #tpu.memory_space<hbm>>) target(%arg19 : memref<512xi32, #tpu.memory_space<vmem>>) target_semaphore(%run_scoped3A : memref<!tpu.dma_semaphore, #tpu.memory_space<semaphore_mem>>)
      %dma_wait3A = tpu.memref_slice %arg7[%mul3A_2] : memref<16384xi32, #tpu.memory_space<hbm>> -> memref<512xi32, #tpu.memory_space<hbm>>
      %dma_wait3A_10 = tpu.memref_slice %arg7[%mul3A_2] : memref<16384xi32, #tpu.memory_space<hbm>> -> memref<512xi32, #tpu.memory_space<hbm>>
      tpu.wait_dma2 semaphore(%run_scoped3A : memref<!tpu.dma_semaphore, #tpu.memory_space<semaphore_mem>>) src(%dma_wait3A_10 : memref<512xi32, #tpu.memory_space<hbm>>) dst(%arg19 : memref<512xi32, #tpu.memory_space<vmem>>)
      tpu.yield
    }) : () -> ()
    "tpu.region"() ({
      %run_scoped3A = tpu.sem_alloc : memref<!tpu.dma_semaphore, #tpu.memory_space<semaphore_mem>>
      %dma_start3A = tpu.memref_slice %arg8[%mul3A_2] : memref<16384xi32, #tpu.memory_space<hbm>> -> memref<512xi32, #tpu.memory_space<hbm>>
      %dma_start3A_9 = tpu.memref_slice %arg8[%mul3A_2] : memref<16384xi32, #tpu.memory_space<hbm>> -> memref<512xi32, #tpu.memory_space<hbm>>
      tpu.enqueue_dma source(%dma_start3A_9 : memref<512xi32, #tpu.memory_space<hbm>>) target(%arg20 : memref<512xi32, #tpu.memory_space<vmem>>) target_semaphore(%run_scoped3A : memref<!tpu.dma_semaphore, #tpu.memory_space<semaphore_mem>>)
      %dma_wait3A = tpu.memref_slice %arg8[%mul3A_2] : memref<16384xi32, #tpu.memory_space<hbm>> -> memref<512xi32, #tpu.memory_space<hbm>>
      %dma_wait3A_10 = tpu.memref_slice %arg8[%mul3A_2] : memref<16384xi32, #tpu.memory_space<hbm>> -> memref<512xi32, #tpu.memory_space<hbm>>
      tpu.wait_dma2 semaphore(%run_scoped3A : memref<!tpu.dma_semaphore, #tpu.memory_space<semaphore_mem>>) src(%dma_wait3A_10 : memref<512xi32, #tpu.memory_space<hbm>>) dst(%arg20 : memref<512xi32, #tpu.memory_space<vmem>>)
      tpu.yield
    }) : () -> ()
    "tpu.region"() ({
      %run_scoped3A = tpu.sem_alloc : memref<!tpu.dma_semaphore, #tpu.memory_space<semaphore_mem>>
      tpu.enqueue_dma source(%arg10 : memref<32000xf32, #tpu.memory_space<hbm>>) target(%arg29 : memref<32000xf32, #tpu.memory_space<vmem>>) target_semaphore(%run_scoped3A : memref<!tpu.dma_semaphore, #tpu.memory_space<semaphore_mem>>)
      tpu.wait_dma2 semaphore(%run_scoped3A : memref<!tpu.dma_semaphore, #tpu.memory_space<semaphore_mem>>) src(%arg10 : memref<32000xf32, #tpu.memory_space<hbm>>) dst(%arg29 : memref<32000xf32, #tpu.memory_space<vmem>>)
      tpu.yield
    }) : () -> ()
    "tpu.region"() ({
      %run_scoped3A = tpu.sem_alloc : memref<!tpu.dma_semaphore, #tpu.memory_space<semaphore_mem>>
      tpu.enqueue_dma source(%arg11 : memref<23424xf32, #tpu.memory_space<hbm>>) target(%arg30 : memref<23424xf32, #tpu.memory_space<vmem>>) target_semaphore(%run_scoped3A : memref<!tpu.dma_semaphore, #tpu.memory_space<semaphore_mem>>)
      tpu.wait_dma2 semaphore(%run_scoped3A : memref<!tpu.dma_semaphore, #tpu.memory_space<semaphore_mem>>) src(%arg11 : memref<23424xf32, #tpu.memory_space<hbm>>) dst(%arg30 : memref<23424xf32, #tpu.memory_space<vmem>>)
      tpu.yield
    }) : () -> ()
    %scan3A = arith.constant 0 : i32
    %scan3A_3 = arith.constant 0 : i32
    %scan3A_4 = arith.constant 8 : i32
    %scan3A_5 = arith.addi %scan3A_3, %scan3A_4 : i32
    %scan3A_6 = arith.constant 1 : i32
    %scan3A_7 = scf.for %scan3A_9 = %scan3A_3 to %scan3A_5 step %scan3A_6 iter_args(%scan3A_10 = %scan3A) -> (i32)  : i32 {
      %mul3A_11 = arith.constant 64 : i32
      %mul3A_12 = arith.muli %scan3A_9, %mul3A_11 : i32
      %parallel_loop3A = arith.constant 0 : i32
      %parallel_loop3A_13 = arith.constant 64 : i32
      %parallel_loop3A_14 = arith.constant 16 : i32
      scf.for %parallel_loop3A_41 = %parallel_loop3A to %parallel_loop3A_13 step %parallel_loop3A_14  : i32 {
        %parallel_loop3A_42 = arith.addi %mul3A_12, %parallel_loop3A_41 : i32
        %parallel_loop3A_43 = arith.index_cast %parallel_loop3A_42 : i32 to index
        %parallel_loop3A_44 = tpu.vector_load %arg14[%parallel_loop3A_43] {strides = array<i32>} : memref<512xi32, #tpu.memory_space<vmem>>, vector<16xi32>,
        %parallel_loop3A_45 = arith.constant 1 : i32
        %parallel_loop3A_46 = vector.broadcast %parallel_loop3A_45 : i32 to vector<16xi32>
        %parallel_loop3A_47 = arith.shrui %parallel_loop3A_44, %parallel_loop3A_46 : vector<16xi32>
        %parallel_loop3A_48 = arith.index_cast %parallel_loop3A_41 : i32 to index
        %parallel_loop3A_49 = tpu.vector_load %arg21[%parallel_loop3A_48] {strides = array<i32>} : memref<64xi32, #tpu.memory_space<vmem>>, vector<16xi32>,
        tpu.vector_store %arg21[%parallel_loop3A_48], %parallel_loop3A_47 {strides = array<i32>} : memref<64xi32, #tpu.memory_space<vmem>>, vector<16xi32>,
        %parallel_loop3A_50 = arith.index_cast %parallel_loop3A_42 : i32 to index
        %parallel_loop3A_51 = tpu.vector_load %arg15[%parallel_loop3A_50] {strides = array<i32>} : memref<512xi32, #tpu.memory_space<vmem>>, vector<16xi32>,
        %parallel_loop3A_52 = arith.constant 1 : i32
        %parallel_loop3A_53 = vector.broadcast %parallel_loop3A_52 : i32 to vector<16xi32>
        %parallel_loop3A_54 = arith.shrui %parallel_loop3A_51, %parallel_loop3A_53 : vector<16xi32>
        %parallel_loop3A_55 = arith.index_cast %parallel_loop3A_41 : i32 to index
        %parallel_loop3A_56 = tpu.vector_load %arg22[%parallel_loop3A_55] {strides = array<i32>} : memref<64xi32, #tpu.memory_space<vmem>>, vector<16xi32>,
        tpu.vector_store %arg22[%parallel_loop3A_55], %parallel_loop3A_54 {strides = array<i32>} : memref<64xi32, #tpu.memory_space<vmem>>, vector<16xi32>,
        %parallel_loop3A_57 = arith.index_cast %parallel_loop3A_42 : i32 to index
        %parallel_loop3A_58 = tpu.vector_load %arg16[%parallel_loop3A_57] {strides = array<i32>} : memref<512xi32, #tpu.memory_space<vmem>>, vector<16xi32>,
        %parallel_loop3A_59 = arith.constant 1 : i32
        %parallel_loop3A_60 = vector.broadcast %parallel_loop3A_59 : i32 to vector<16xi32>
        %parallel_loop3A_61 = arith.shrui %parallel_loop3A_58, %parallel_loop3A_60 : vector<16xi32>
        %parallel_loop3A_62 = arith.index_cast %parallel_loop3A_41 : i32 to index
        %parallel_loop3A_63 = tpu.vector_load %arg23[%parallel_loop3A_62] {strides = array<i32>} : memref<64xi32, #tpu.memory_space<vmem>>, vector<16xi32>,
        tpu.vector_store %arg23[%parallel_loop3A_62], %parallel_loop3A_61 {strides = array<i32>} : memref<64xi32, #tpu.memory_space<vmem>>, vector<16xi32>,
        %parallel_loop3A_64 = arith.index_cast %parallel_loop3A_42 : i32 to index
        %parallel_loop3A_65 = tpu.vector_load %arg17[%parallel_loop3A_64] {strides = array<i32>} : memref<512xi32, #tpu.memory_space<vmem>>, vector<16xi32>,
        %parallel_loop3A_66 = arith.constant 1 : i32
        %parallel_loop3A_67 = vector.broadcast %parallel_loop3A_66 : i32 to vector<16xi32>
        %parallel_loop3A_68 = arith.shrui %parallel_loop3A_65, %parallel_loop3A_67 : vector<16xi32>
        %parallel_loop3A_69 = arith.index_cast %parallel_loop3A_41 : i32 to index
        %parallel_loop3A_70 = tpu.vector_load %arg24[%parallel_loop3A_69] {strides = array<i32>} : memref<64xi32, #tpu.memory_space<vmem>>, vector<16xi32>,
        tpu.vector_store %arg24[%parallel_loop3A_69], %parallel_loop3A_68 {strides = array<i32>} : memref<64xi32, #tpu.memory_space<vmem>>, vector<16xi32>,
      } {sc.loop_unroll_factor = 1 : i64, sc.parallel_access}
      %dma_start3A = arith.constant 0 : i32
      %dma_start3A_15 = arith.constant 0 : i32
      %dma_start3A_16 = tpu.memref_slice %arg9[%dma_start3A, %dma_start3A_15] : memref<500000x128xf32, #tpu.memory_space<hbm>> -> memref<500000x128xf32, #tpu.memory_space<hbm>>
      tpu.enqueue_indirect_dma source(%dma_start3A_16 : memref<500000x128xf32, #tpu.memory_space<hbm>>) target(%arg25 : memref<64x128xf32, #tpu.memory_space<vmem>>) offsets(%arg21 : memref<64xi32, #tpu.memory_space<vmem>>) semaphore(%arg33 : memref<!tpu.dma_semaphore, #tpu.memory_space<semaphore_mem>>)
      %dma_start3A_17 = arith.constant 0 : i32
      %dma_start3A_18 = arith.constant 0 : i32
      %dma_start3A_19 = tpu.memref_slice %arg9[%dma_start3A_17, %dma_start3A_18] : memref<500000x128xf32, #tpu.memory_space<hbm>> -> memref<500000x128xf32, #tpu.memory_space<hbm>>
      tpu.enqueue_indirect_dma source(%dma_start3A_19 : memref<500000x128xf32, #tpu.memory_space<hbm>>) target(%arg26 : memref<64x128xf32, #tpu.memory_space<vmem>>) offsets(%arg22 : memref<64xi32, #tpu.memory_space<vmem>>) semaphore(%arg33 : memref<!tpu.dma_semaphore, #tpu.memory_space<semaphore_mem>>)
      %dma_start3A_20 = arith.constant 0 : i32
      %dma_start3A_21 = arith.constant 0 : i32
      %dma_start3A_22 = tpu.memref_slice %arg9[%dma_start3A_20, %dma_start3A_21] : memref<500000x128xf32, #tpu.memory_space<hbm>> -> memref<500000x128xf32, #tpu.memory_space<hbm>>
      tpu.enqueue_indirect_dma source(%dma_start3A_22 : memref<500000x128xf32, #tpu.memory_space<hbm>>) target(%arg27 : memref<64x128xf32, #tpu.memory_space<vmem>>) offsets(%arg23 : memref<64xi32, #tpu.memory_space<vmem>>) semaphore(%arg33 : memref<!tpu.dma_semaphore, #tpu.memory_space<semaphore_mem>>)
      %dma_start3A_23 = arith.constant 0 : i32
      %dma_start3A_24 = arith.constant 0 : i32
      %dma_start3A_25 = tpu.memref_slice %arg9[%dma_start3A_23, %dma_start3A_24] : memref<500000x128xf32, #tpu.memory_space<hbm>> -> memref<500000x128xf32, #tpu.memory_space<hbm>>
      tpu.enqueue_indirect_dma source(%dma_start3A_25 : memref<500000x128xf32, #tpu.memory_space<hbm>>) target(%arg28 : memref<64x128xf32, #tpu.memory_space<vmem>>) offsets(%arg24 : memref<64xi32, #tpu.memory_space<vmem>>) semaphore(%arg33 : memref<!tpu.dma_semaphore, #tpu.memory_space<semaphore_mem>>)
      %dma_wait3A = arith.constant 0 : i32
      %dma_wait3A_26 = arith.constant 0 : i32
      %dma_wait3A_27 = tpu.memref_slice %arg9[%dma_wait3A, %dma_wait3A_26] : memref<500000x128xf32, #tpu.memory_space<hbm>> -> memref<500000x128xf32, #tpu.memory_space<hbm>>
      tpu.wait_indirect_dma semaphore(%arg33 : memref<!tpu.dma_semaphore, #tpu.memory_space<semaphore_mem>>) src(%dma_wait3A_27 : memref<500000x128xf32, #tpu.memory_space<hbm>>) dst(%arg25 : memref<64x128xf32, #tpu.memory_space<vmem>>)
      %dma_wait3A_28 = arith.constant 0 : i32
      %dma_wait3A_29 = arith.constant 0 : i32
      %dma_wait3A_30 = tpu.memref_slice %arg9[%dma_wait3A_28, %dma_wait3A_29] : memref<500000x128xf32, #tpu.memory_space<hbm>> -> memref<500000x128xf32, #tpu.memory_space<hbm>>
      tpu.wait_indirect_dma semaphore(%arg33 : memref<!tpu.dma_semaphore, #tpu.memory_space<semaphore_mem>>) src(%dma_wait3A_30 : memref<500000x128xf32, #tpu.memory_space<hbm>>) dst(%arg26 : memref<64x128xf32, #tpu.memory_space<vmem>>)
      %dma_wait3A_31 = arith.constant 0 : i32
      %dma_wait3A_32 = arith.constant 0 : i32
      %dma_wait3A_33 = tpu.memref_slice %arg9[%dma_wait3A_31, %dma_wait3A_32] : memref<500000x128xf32, #tpu.memory_space<hbm>> -> memref<500000x128xf32, #tpu.memory_space<hbm>>
      tpu.wait_indirect_dma semaphore(%arg33 : memref<!tpu.dma_semaphore, #tpu.memory_space<semaphore_mem>>) src(%dma_wait3A_33 : memref<500000x128xf32, #tpu.memory_space<hbm>>) dst(%arg27 : memref<64x128xf32, #tpu.memory_space<vmem>>)
      %dma_wait3A_34 = arith.constant 0 : i32
      %dma_wait3A_35 = arith.constant 0 : i32
      %dma_wait3A_36 = tpu.memref_slice %arg9[%dma_wait3A_34, %dma_wait3A_35] : memref<500000x128xf32, #tpu.memory_space<hbm>> -> memref<500000x128xf32, #tpu.memory_space<hbm>>
      tpu.wait_indirect_dma semaphore(%arg33 : memref<!tpu.dma_semaphore, #tpu.memory_space<semaphore_mem>>) src(%dma_wait3A_36 : memref<500000x128xf32, #tpu.memory_space<hbm>>) dst(%arg28 : memref<64x128xf32, #tpu.memory_space<vmem>>)
      %parallel_loop3A_37 = arith.constant 0 : i32
      %parallel_loop3A_38 = arith.constant 4 : i32
      %parallel_loop3A_39 = arith.constant 1 : i32
      scf.for %parallel_loop3A_41 = %parallel_loop3A_37 to %parallel_loop3A_38 step %parallel_loop3A_39  : i32 {
        %parallel_loop3A_42 = arith.constant 16 : i32
        %parallel_loop3A_43 = arith.muli %parallel_loop3A_41, %parallel_loop3A_42 : i32
        %parallel_loop3A_44 = arith.addi %mul3A_12, %parallel_loop3A_43 : i32
        %parallel_loop3A_45 = tpu.iota {dimensions = array<i32: 0>} : vector<16xi32>
        %parallel_loop3A_46 = arith.constant 16 : i32
        %parallel_loop3A_47 = arith.muli %parallel_loop3A_41, %parallel_loop3A_46 : i32
        %parallel_loop3A_48 = vector.broadcast %parallel_loop3A_47 : i32 to vector<16xi32>
        %parallel_loop3A_49 = arith.addi %parallel_loop3A_45, %parallel_loop3A_48 : vector<16xi32>
        %parallel_loop3A_50 = arith.index_cast %parallel_loop3A_44 : i32 to index
        %parallel_loop3A_51 = tpu.vector_load %arg14[%parallel_loop3A_50] {strides = array<i32>} : memref<512xi32, #tpu.memory_space<vmem>>, vector<16xi32>,
        %parallel_loop3A_52 = arith.constant 1 : i32
        %parallel_loop3A_53 = vector.broadcast %parallel_loop3A_52 : i32 to vector<16xi32>
        %parallel_loop3A_54 = arith.andi %parallel_loop3A_51, %parallel_loop3A_53 : vector<16xi32>
        %parallel_loop3A_55 = arith.constant 64 : i32
        %parallel_loop3A_56 = vector.broadcast %parallel_loop3A_55 : i32 to vector<16xi32>
        %parallel_loop3A_57 = arith.muli %parallel_loop3A_54, %parallel_loop3A_56 : vector<16xi32>
        %parallel_loop3A_58 = arith.index_cast %parallel_loop3A_44 : i32 to index
        %parallel_loop3A_59 = tpu.vector_load %arg15[%parallel_loop3A_58] {strides = array<i32>} : memref<512xi32, #tpu.memory_space<vmem>>, vector<16xi32>,
        %parallel_loop3A_60 = arith.constant 1 : i32
        %parallel_loop3A_61 = vector.broadcast %parallel_loop3A_60 : i32 to vector<16xi32>
        %parallel_loop3A_62 = arith.andi %parallel_loop3A_59, %parallel_loop3A_61 : vector<16xi32>
        %parallel_loop3A_63 = arith.constant 64 : i32
        %parallel_loop3A_64 = vector.broadcast %parallel_loop3A_63 : i32 to vector<16xi32>
        %parallel_loop3A_65 = arith.muli %parallel_loop3A_62, %parallel_loop3A_64 : vector<16xi32>
        %parallel_loop3A_66 = arith.index_cast %parallel_loop3A_44 : i32 to index
        %parallel_loop3A_67 = tpu.vector_load %arg16[%parallel_loop3A_66] {strides = array<i32>} : memref<512xi32, #tpu.memory_space<vmem>>, vector<16xi32>,
        %parallel_loop3A_68 = arith.constant 1 : i32
        %parallel_loop3A_69 = vector.broadcast %parallel_loop3A_68 : i32 to vector<16xi32>
        %parallel_loop3A_70 = arith.andi %parallel_loop3A_67, %parallel_loop3A_69 : vector<16xi32>
        %parallel_loop3A_71 = arith.constant 64 : i32
        %parallel_loop3A_72 = vector.broadcast %parallel_loop3A_71 : i32 to vector<16xi32>
        %parallel_loop3A_73 = arith.muli %parallel_loop3A_70, %parallel_loop3A_72 : vector<16xi32>
        %parallel_loop3A_74 = arith.index_cast %parallel_loop3A_44 : i32 to index
        %parallel_loop3A_75 = tpu.vector_load %arg17[%parallel_loop3A_74] {strides = array<i32>} : memref<512xi32, #tpu.memory_space<vmem>>, vector<16xi32>,
        %parallel_loop3A_76 = arith.constant 1 : i32
        %parallel_loop3A_77 = vector.broadcast %parallel_loop3A_76 : i32 to vector<16xi32>
        %parallel_loop3A_78 = arith.andi %parallel_loop3A_75, %parallel_loop3A_77 : vector<16xi32>
        %parallel_loop3A_79 = arith.constant 64 : i32
        %parallel_loop3A_80 = vector.broadcast %parallel_loop3A_79 : i32 to vector<16xi32>
        %parallel_loop3A_81 = arith.muli %parallel_loop3A_78, %parallel_loop3A_80 : vector<16xi32>
        %parallel_loop3A_82 = arith.index_cast %parallel_loop3A_44 : i32 to index
        %parallel_loop3A_83 = tpu.vector_load %arg18[%parallel_loop3A_82] {strides = array<i32>} : memref<512xi32, #tpu.memory_space<vmem>>, vector<16xi32>,
        %parallel_loop3A_84 = arith.constant 64 : i32
        %parallel_loop3A_85 = vector.broadcast %parallel_loop3A_84 : i32 to vector<16xi32>
        %parallel_loop3A_86 = arith.muli %parallel_loop3A_83, %parallel_loop3A_85 : vector<16xi32>
        %parallel_loop3A_87 = arith.index_cast %parallel_loop3A_44 : i32 to index
        %parallel_loop3A_88 = tpu.vector_load %arg19[%parallel_loop3A_87] {strides = array<i32>} : memref<512xi32, #tpu.memory_space<vmem>>, vector<16xi32>,
        %parallel_loop3A_89 = arith.constant 64 : i32
        %parallel_loop3A_90 = vector.broadcast %parallel_loop3A_89 : i32 to vector<16xi32>
        %parallel_loop3A_91 = arith.muli %parallel_loop3A_88, %parallel_loop3A_90 : vector<16xi32>
        %parallel_loop3A_92 = arith.index_cast %parallel_loop3A_44 : i32 to index
        %parallel_loop3A_93 = tpu.vector_load %arg20[%parallel_loop3A_92] {strides = array<i32>} : memref<512xi32, #tpu.memory_space<vmem>>, vector<16xi32>,
        %parallel_loop3A_94 = arith.constant 64 : i32
        %parallel_loop3A_95 = vector.broadcast %parallel_loop3A_94 : i32 to vector<16xi32>
        %parallel_loop3A_96 = arith.muli %parallel_loop3A_93, %parallel_loop3A_95 : vector<16xi32>
        %parallel_loop3A_97 = arith.constant 0.000000e+00 : f32
        %parallel_loop3A_98 = vector.broadcast %parallel_loop3A_97 : f32 to vector<16xf32>
        %parallel_loop3A_99 = arith.constant 0.000000e+00 : f32
        %parallel_loop3A_100 = vector.broadcast %parallel_loop3A_99 : f32 to vector<16xf32>
        %parallel_loop3A_101 = arith.constant 0 : i32
        %parallel_loop3A_102 = vector.broadcast %parallel_loop3A_101 : i32 to vector<16xi32>
        %parallel_loop3A_103 = arith.addi %parallel_loop3A_57, %parallel_loop3A_102 : vector<16xi32>
        %parallel_loop3A_104 = tpu.vector_load_idx %arg25[%parallel_loop3A_49, %parallel_loop3A_103] : memref<64x128xf32, #tpu.memory_space<vmem>>[vector<16xi32>, vector<16xi32>], vector<16xf32>,
        %parallel_loop3A_105 = arith.constant 0 : i32
        %parallel_loop3A_106 = vector.broadcast %parallel_loop3A_105 : i32 to vector<16xi32>
        %parallel_loop3A_107 = arith.addi %parallel_loop3A_65, %parallel_loop3A_106 : vector<16xi32>
        %parallel_loop3A_108 = tpu.vector_load_idx %arg26[%parallel_loop3A_49, %parallel_loop3A_107] : memref<64x128xf32, #tpu.memory_space<vmem>>[vector<16xi32>, vector<16xi32>], vector<16xf32>,
        %parallel_loop3A_109 = arith.constant 0 : i32
        %parallel_loop3A_110 = vector.broadcast %parallel_loop3A_109 : i32 to vector<16xi32>
        %parallel_loop3A_111 = arith.addi %parallel_loop3A_73, %parallel_loop3A_110 : vector<16xi32>
        %parallel_loop3A_112 = tpu.vector_load_idx %arg27[%parallel_loop3A_49, %parallel_loop3A_111] : memref<64x128xf32, #tpu.memory_space<vmem>>[vector<16xi32>, vector<16xi32>], vector<16xf32>,
        %parallel_loop3A_113 = arith.constant 0 : i32
        %parallel_loop3A_114 = vector.broadcast %parallel_loop3A_113 : i32 to vector<16xi32>
        %parallel_loop3A_115 = arith.addi %parallel_loop3A_81, %parallel_loop3A_114 : vector<16xi32>
        %parallel_loop3A_116 = tpu.vector_load_idx %arg28[%parallel_loop3A_49, %parallel_loop3A_115] : memref<64x128xf32, #tpu.memory_space<vmem>>[vector<16xi32>, vector<16xi32>], vector<16xf32>,
        %parallel_loop3A_117 = arith.constant 0 : i32
        %parallel_loop3A_118 = vector.broadcast %parallel_loop3A_117 : i32 to vector<16xi32>
        %parallel_loop3A_119 = arith.addi %parallel_loop3A_86, %parallel_loop3A_118 : vector<16xi32>
        %parallel_loop3A_120 = tpu.vector_load_idx %arg29[%parallel_loop3A_119] : memref<32000xf32, #tpu.memory_space<vmem>>[vector<16xi32>], vector<16xf32>,
        %parallel_loop3A_121 = arith.constant 0 : i32
        %parallel_loop3A_122 = vector.broadcast %parallel_loop3A_121 : i32 to vector<16xi32>
        %parallel_loop3A_123 = arith.addi %parallel_loop3A_91, %parallel_loop3A_122 : vector<16xi32>
        %parallel_loop3A_124 = tpu.vector_load_idx %arg30[%parallel_loop3A_123] : memref<23424xf32, #tpu.memory_space<vmem>>[vector<16xi32>], vector<16xf32>,
        %parallel_loop3A_125 = arith.constant 0 : i32
        %parallel_loop3A_126 = vector.broadcast %parallel_loop3A_125 : i32 to vector<16xi32>
        %parallel_loop3A_127 = arith.addi %parallel_loop3A_96, %parallel_loop3A_126 : vector<16xi32>
        %parallel_loop3A_128 = tpu.vector_load_idx %arg30[%parallel_loop3A_127] : memref<23424xf32, #tpu.memory_space<vmem>>[vector<16xi32>], vector<16xf32>,
        %parallel_loop3A_129 = arith.addf %parallel_loop3A_124, %parallel_loop3A_128 : vector<16xf32>
        %parallel_loop3A_130 = arith.constant 5.000000e-01 : f32
        %parallel_loop3A_131 = vector.broadcast %parallel_loop3A_130 : f32 to vector<16xf32>
        %parallel_loop3A_132 = arith.mulf %parallel_loop3A_131, %parallel_loop3A_129 : vector<16xf32>
        %parallel_loop3A_133 = arith.addf %parallel_loop3A_120, %parallel_loop3A_132 : vector<16xf32>
        %parallel_loop3A_134 = arith.addf %parallel_loop3A_104, %parallel_loop3A_133 : vector<16xf32>
        %parallel_loop3A_135 = arith.subf %parallel_loop3A_134, %parallel_loop3A_108 : vector<16xf32>
        %parallel_loop3A_136 = math.absf %parallel_loop3A_135 : vector<16xf32>
        %parallel_loop3A_137 = arith.addf %parallel_loop3A_98, %parallel_loop3A_136 : vector<16xf32>
        %parallel_loop3A_138 = arith.addf %parallel_loop3A_112, %parallel_loop3A_133 : vector<16xf32>
        %parallel_loop3A_139 = arith.subf %parallel_loop3A_138, %parallel_loop3A_116 : vector<16xf32>
        %parallel_loop3A_140 = math.absf %parallel_loop3A_139 : vector<16xf32>
        %parallel_loop3A_141 = arith.addf %parallel_loop3A_100, %parallel_loop3A_140 : vector<16xf32>
        %parallel_loop3A_142 = arith.constant 1 : i32
        %parallel_loop3A_143 = vector.broadcast %parallel_loop3A_142 : i32 to vector<16xi32>
        %parallel_loop3A_144 = arith.addi %parallel_loop3A_57, %parallel_loop3A_143 : vector<16xi32>
        %parallel_loop3A_145 = tpu.vector_load_idx %arg25[%parallel_loop3A_49, %parallel_loop3A_144] : memref<64x128xf32, #tpu.memory_space<vmem>>[vector<16xi32>, vector<16xi32>], vector<16xf32>,
        %parallel_loop3A_146 = arith.constant 1 : i32
        %parallel_loop3A_147 = vector.broadcast %parallel_loop3A_146 : i32 to vector<16xi32>
        %parallel_loop3A_148 = arith.addi %parallel_loop3A_65, %parallel_loop3A_147 : vector<16xi32>
        %parallel_loop3A_149 = tpu.vector_load_idx %arg26[%parallel_loop3A_49, %parallel_loop3A_148] : memref<64x128xf32, #tpu.memory_space<vmem>>[vector<16xi32>, vector<16xi32>], vector<16xf32>,
        %parallel_loop3A_150 = arith.constant 1 : i32
        %parallel_loop3A_151 = vector.broadcast %parallel_loop3A_150 : i32 to vector<16xi32>
        %parallel_loop3A_152 = arith.addi %parallel_loop3A_73, %parallel_loop3A_151 : vector<16xi32>
        %parallel_loop3A_153 = tpu.vector_load_idx %arg27[%parallel_loop3A_49, %parallel_loop3A_152] : memref<64x128xf32, #tpu.memory_space<vmem>>[vector<16xi32>, vector<16xi32>], vector<16xf32>,
        %parallel_loop3A_154 = arith.constant 1 : i32
        %parallel_loop3A_155 = vector.broadcast %parallel_loop3A_154 : i32 to vector<16xi32>
        %parallel_loop3A_156 = arith.addi %parallel_loop3A_81, %parallel_loop3A_155 : vector<16xi32>
        %parallel_loop3A_157 = tpu.vector_load_idx %arg28[%parallel_loop3A_49, %parallel_loop3A_156] : memref<64x128xf32, #tpu.memory_space<vmem>>[vector<16xi32>, vector<16xi32>], vector<16xf32>,
        %parallel_loop3A_158 = arith.constant 1 : i32
        %parallel_loop3A_159 = vector.broadcast %parallel_loop3A_158 : i32 to vector<16xi32>
        %parallel_loop3A_160 = arith.addi %parallel_loop3A_86, %parallel_loop3A_159 : vector<16xi32>
        %parallel_loop3A_161 = tpu.vector_load_idx %arg29[%parallel_loop3A_160] : memref<32000xf32, #tpu.memory_space<vmem>>[vector<16xi32>], vector<16xf32>,
        %parallel_loop3A_162 = arith.constant 1 : i32
        %parallel_loop3A_163 = vector.broadcast %parallel_loop3A_162 : i32 to vector<16xi32>
        %parallel_loop3A_164 = arith.addi %parallel_loop3A_91, %parallel_loop3A_163 : vector<16xi32>
        %parallel_loop3A_165 = tpu.vector_load_idx %arg30[%parallel_loop3A_164] : memref<23424xf32, #tpu.memory_space<vmem>>[vector<16xi32>], vector<16xf32>,
        %parallel_loop3A_166 = arith.constant 1 : i32
        %parallel_loop3A_167 = vector.broadcast %parallel_loop3A_166 : i32 to vector<16xi32>
        %parallel_loop3A_168 = arith.addi %parallel_loop3A_96, %parallel_loop3A_167 : vector<16xi32>
        %parallel_loop3A_169 = tpu.vector_load_idx %arg30[%parallel_loop3A_168] : memref<23424xf32, #tpu.memory_space<vmem>>[vector<16xi32>], vector<16xf32>,
        %parallel_loop3A_170 = arith.addf %parallel_loop3A_165, %parallel_loop3A_169 : vector<16xf32>
        %parallel_loop3A_171 = arith.constant 5.000000e-01 : f32
        %parallel_loop3A_172 = vector.broadcast %parallel_loop3A_171 : f32 to vector<16xf32>
        %parallel_loop3A_173 = arith.mulf %parallel_loop3A_172, %parallel_loop3A_170 : vector<16xf32>
        %parallel_loop3A_174 = arith.addf %parallel_loop3A_161, %parallel_loop3A_173 : vector<16xf32>
        %parallel_loop3A_175 = arith.addf %parallel_loop3A_145, %parallel_loop3A_174 : vector<16xf32>
        %parallel_loop3A_176 = arith.subf %parallel_loop3A_175, %parallel_loop3A_149 : vector<16xf32>
        %parallel_loop3A_177 = math.absf %parallel_loop3A_176 : vector<16xf32>
        %parallel_loop3A_178 = arith.addf %parallel_loop3A_137, %parallel_loop3A_177 : vector<16xf32>
        %parallel_loop3A_179 = arith.addf %parallel_loop3A_153, %parallel_loop3A_174 : vector<16xf32>
        %parallel_loop3A_180 = arith.subf %parallel_loop3A_179, %parallel_loop3A_157 : vector<16xf32>
        %parallel_loop3A_181 = math.absf %parallel_loop3A_180 : vector<16xf32>
        %parallel_loop3A_182 = arith.addf %parallel_loop3A_141, %parallel_loop3A_181 : vector<16xf32>
        %parallel_loop3A_183 = arith.constant 2 : i32
        %parallel_loop3A_184 = vector.broadcast %parallel_loop3A_183 : i32 to vector<16xi32>
        %parallel_loop3A_185 = arith.addi %parallel_loop3A_57, %parallel_loop3A_184 : vector<16xi32>
        %parallel_loop3A_186 = tpu.vector_load_idx %arg25[%parallel_loop3A_49, %parallel_loop3A_185] : memref<64x128xf32, #tpu.memory_space<vmem>>[vector<16xi32>, vector<16xi32>], vector<16xf32>,
        %parallel_loop3A_187 = arith.constant 2 : i32
        %parallel_loop3A_188 = vector.broadcast %parallel_loop3A_187 : i32 to vector<16xi32>
        %parallel_loop3A_189 = arith.addi %parallel_loop3A_65, %parallel_loop3A_188 : vector<16xi32>
        %parallel_loop3A_190 = tpu.vector_load_idx %arg26[%parallel_loop3A_49, %parallel_loop3A_189] : memref<64x128xf32, #tpu.memory_space<vmem>>[vector<16xi32>, vector<16xi32>], vector<16xf32>,
        %parallel_loop3A_191 = arith.constant 2 : i32
        %parallel_loop3A_192 = vector.broadcast %parallel_loop3A_191 : i32 to vector<16xi32>
        %parallel_loop3A_193 = arith.addi %parallel_loop3A_73, %parallel_loop3A_192 : vector<16xi32>
        %parallel_loop3A_194 = tpu.vector_load_idx %arg27[%parallel_loop3A_49, %parallel_loop3A_193] : memref<64x128xf32, #tpu.memory_space<vmem>>[vector<16xi32>, vector<16xi32>], vector<16xf32>,
        %parallel_loop3A_195 = arith.constant 2 : i32
        %parallel_loop3A_196 = vector.broadcast %parallel_loop3A_195 : i32 to vector<16xi32>
        %parallel_loop3A_197 = arith.addi %parallel_loop3A_81, %parallel_loop3A_196 : vector<16xi32>
        %parallel_loop3A_198 = tpu.vector_load_idx %arg28[%parallel_loop3A_49, %parallel_loop3A_197] : memref<64x128xf32, #tpu.memory_space<vmem>>[vector<16xi32>, vector<16xi32>], vector<16xf32>,
        %parallel_loop3A_199 = arith.constant 2 : i32
        %parallel_loop3A_200 = vector.broadcast %parallel_loop3A_199 : i32 to vector<16xi32>
        %parallel_loop3A_201 = arith.addi %parallel_loop3A_86, %parallel_loop3A_200 : vector<16xi32>
        %parallel_loop3A_202 = tpu.vector_load_idx %arg29[%parallel_loop3A_201] : memref<32000xf32, #tpu.memory_space<vmem>>[vector<16xi32>], vector<16xf32>,
        %parallel_loop3A_203 = arith.constant 2 : i32
        %parallel_loop3A_204 = vector.broadcast %parallel_loop3A_203 : i32 to vector<16xi32>
        %parallel_loop3A_205 = arith.addi %parallel_loop3A_91, %parallel_loop3A_204 : vector<16xi32>
        %parallel_loop3A_206 = tpu.vector_load_idx %arg30[%parallel_loop3A_205] : memref<23424xf32, #tpu.memory_space<vmem>>[vector<16xi32>], vector<16xf32>,
        %parallel_loop3A_207 = arith.constant 2 : i32
        %parallel_loop3A_208 = vector.broadcast %parallel_loop3A_207 : i32 to vector<16xi32>
        %parallel_loop3A_209 = arith.addi %parallel_loop3A_96, %parallel_loop3A_208 : vector<16xi32>
        %parallel_loop3A_210 = tpu.vector_load_idx %arg30[%parallel_loop3A_209] : memref<23424xf32, #tpu.memory_space<vmem>>[vector<16xi32>], vector<16xf32>,
        %parallel_loop3A_211 = arith.addf %parallel_loop3A_206, %parallel_loop3A_210 : vector<16xf32>
        %parallel_loop3A_212 = arith.constant 5.000000e-01 : f32
        %parallel_loop3A_213 = vector.broadcast %parallel_loop3A_212 : f32 to vector<16xf32>
        %parallel_loop3A_214 = arith.mulf %parallel_loop3A_213, %parallel_loop3A_211 : vector<16xf32>
        %parallel_loop3A_215 = arith.addf %parallel_loop3A_202, %parallel_loop3A_214 : vector<16xf32>
        %parallel_loop3A_216 = arith.addf %parallel_loop3A_186, %parallel_loop3A_215 : vector<16xf32>
        %parallel_loop3A_217 = arith.subf %parallel_loop3A_216, %parallel_loop3A_190 : vector<16xf32>
        %parallel_loop3A_218 = math.absf %parallel_loop3A_217 : vector<16xf32>
        %parallel_loop3A_219 = arith.addf %parallel_loop3A_178, %parallel_loop3A_218 : vector<16xf32>
        %parallel_loop3A_220 = arith.addf %parallel_loop3A_194, %parallel_loop3A_215 : vector<16xf32>
        %parallel_loop3A_221 = arith.subf %parallel_loop3A_220, %parallel_loop3A_198 : vector<16xf32>
        %parallel_loop3A_222 = math.absf %parallel_loop3A_221 : vector<16xf32>
        %parallel_loop3A_223 = arith.addf %parallel_loop3A_182, %parallel_loop3A_222 : vector<16xf32>
        %parallel_loop3A_224 = arith.constant 3 : i32
        %parallel_loop3A_225 = vector.broadcast %parallel_loop3A_224 : i32 to vector<16xi32>
        %parallel_loop3A_226 = arith.addi %parallel_loop3A_57, %parallel_loop3A_225 : vector<16xi32>
        %parallel_loop3A_227 = tpu.vector_load_idx %arg25[%parallel_loop3A_49, %parallel_loop3A_226] : memref<64x128xf32, #tpu.memory_space<vmem>>[vector<16xi32>, vector<16xi32>], vector<16xf32>,
        %parallel_loop3A_228 = arith.constant 3 : i32
        %parallel_loop3A_229 = vector.broadcast %parallel_loop3A_228 : i32 to vector<16xi32>
        %parallel_loop3A_230 = arith.addi %parallel_loop3A_65, %parallel_loop3A_229 : vector<16xi32>
        %parallel_loop3A_231 = tpu.vector_load_idx %arg26[%parallel_loop3A_49, %parallel_loop3A_230] : memref<64x128xf32, #tpu.memory_space<vmem>>[vector<16xi32>, vector<16xi32>], vector<16xf32>,
        %parallel_loop3A_232 = arith.constant 3 : i32
        %parallel_loop3A_233 = vector.broadcast %parallel_loop3A_232 : i32 to vector<16xi32>
        %parallel_loop3A_234 = arith.addi %parallel_loop3A_73, %parallel_loop3A_233 : vector<16xi32>
        %parallel_loop3A_235 = tpu.vector_load_idx %arg27[%parallel_loop3A_49, %parallel_loop3A_234] : memref<64x128xf32, #tpu.memory_space<vmem>>[vector<16xi32>, vector<16xi32>], vector<16xf32>,
        %parallel_loop3A_236 = arith.constant 3 : i32
        %parallel_loop3A_237 = vector.broadcast %parallel_loop3A_236 : i32 to vector<16xi32>
        %parallel_loop3A_238 = arith.addi %parallel_loop3A_81, %parallel_loop3A_237 : vector<16xi32>
        %parallel_loop3A_239 = tpu.vector_load_idx %arg28[%parallel_loop3A_49, %parallel_loop3A_238] : memref<64x128xf32, #tpu.memory_space<vmem>>[vector<16xi32>, vector<16xi32>], vector<16xf32>,
        %parallel_loop3A_240 = arith.constant 3 : i32
        %parallel_loop3A_241 = vector.broadcast %parallel_loop3A_240 : i32 to vector<16xi32>
        %parallel_loop3A_242 = arith.addi %parallel_loop3A_86, %parallel_loop3A_241 : vector<16xi32>
        %parallel_loop3A_243 = tpu.vector_load_idx %arg29[%parallel_loop3A_242] : memref<32000xf32, #tpu.memory_space<vmem>>[vector<16xi32>], vector<16xf32>,
        %parallel_loop3A_244 = arith.constant 3 : i32
        %parallel_loop3A_245 = vector.broadcast %parallel_loop3A_244 : i32 to vector<16xi32>
        %parallel_loop3A_246 = arith.addi %parallel_loop3A_91, %parallel_loop3A_245 : vector<16xi32>
        %parallel_loop3A_247 = tpu.vector_load_idx %arg30[%parallel_loop3A_246] : memref<23424xf32, #tpu.memory_space<vmem>>[vector<16xi32>], vector<16xf32>,
        %parallel_loop3A_248 = arith.constant 3 : i32
        %parallel_loop3A_249 = vector.broadcast %parallel_loop3A_248 : i32 to vector<16xi32>
        %parallel_loop3A_250 = arith.addi %parallel_loop3A_96, %parallel_loop3A_249 : vector<16xi32>
        %parallel_loop3A_251 = tpu.vector_load_idx %arg30[%parallel_loop3A_250] : memref<23424xf32, #tpu.memory_space<vmem>>[vector<16xi32>], vector<16xf32>,
        %parallel_loop3A_252 = arith.addf %parallel_loop3A_247, %parallel_loop3A_251 : vector<16xf32>
        %parallel_loop3A_253 = arith.constant 5.000000e-01 : f32
        %parallel_loop3A_254 = vector.broadcast %parallel_loop3A_253 : f32 to vector<16xf32>
        %parallel_loop3A_255 = arith.mulf %parallel_loop3A_254, %parallel_loop3A_252 : vector<16xf32>
        %parallel_loop3A_256 = arith.addf %parallel_loop3A_243, %parallel_loop3A_255 : vector<16xf32>
        %parallel_loop3A_257 = arith.addf %parallel_loop3A_227, %parallel_loop3A_256 : vector<16xf32>
        %parallel_loop3A_258 = arith.subf %parallel_loop3A_257, %parallel_loop3A_231 : vector<16xf32>
        %parallel_loop3A_259 = math.absf %parallel_loop3A_258 : vector<16xf32>
        %parallel_loop3A_260 = arith.addf %parallel_loop3A_219, %parallel_loop3A_259 : vector<16xf32>
        %parallel_loop3A_261 = arith.addf %parallel_loop3A_235, %parallel_loop3A_256 : vector<16xf32>
        %parallel_loop3A_262 = arith.subf %parallel_loop3A_261, %parallel_loop3A_239 : vector<16xf32>
        %parallel_loop3A_263 = math.absf %parallel_loop3A_262 : vector<16xf32>
        %parallel_loop3A_264 = arith.addf %parallel_loop3A_223, %parallel_loop3A_263 : vector<16xf32>
        %parallel_loop3A_265 = arith.constant 4 : i32
        %parallel_loop3A_266 = vector.broadcast %parallel_loop3A_265 : i32 to vector<16xi32>
        %parallel_loop3A_267 = arith.addi %parallel_loop3A_57, %parallel_loop3A_266 : vector<16xi32>
        %parallel_loop3A_268 = tpu.vector_load_idx %arg25[%parallel_loop3A_49, %parallel_loop3A_267] : memref<64x128xf32, #tpu.memory_space<vmem>>[vector<16xi32>, vector<16xi32>], vector<16xf32>,
        %parallel_loop3A_269 = arith.constant 4 : i32
        %parallel_loop3A_270 = vector.broadcast %parallel_loop3A_269 : i32 to vector<16xi32>
        %parallel_loop3A_271 = arith.addi %parallel_loop3A_65, %parallel_loop3A_270 : vector<16xi32>
        %parallel_loop3A_272 = tpu.vector_load_idx %arg26[%parallel_loop3A_49, %parallel_loop3A_271] : memref<64x128xf32, #tpu.memory_space<vmem>>[vector<16xi32>, vector<16xi32>], vector<16xf32>,
        %parallel_loop3A_273 = arith.constant 4 : i32
        %parallel_loop3A_274 = vector.broadcast %parallel_loop3A_273 : i32 to vector<16xi32>
        %parallel_loop3A_275 = arith.addi %parallel_loop3A_73, %parallel_loop3A_274 : vector<16xi32>
        %parallel_loop3A_276 = tpu.vector_load_idx %arg27[%parallel_loop3A_49, %parallel_loop3A_275] : memref<64x128xf32, #tpu.memory_space<vmem>>[vector<16xi32>, vector<16xi32>], vector<16xf32>,
        %parallel_loop3A_277 = arith.constant 4 : i32
        %parallel_loop3A_278 = vector.broadcast %parallel_loop3A_277 : i32 to vector<16xi32>
        %parallel_loop3A_279 = arith.addi %parallel_loop3A_81, %parallel_loop3A_278 : vector<16xi32>
        %parallel_loop3A_280 = tpu.vector_load_idx %arg28[%parallel_loop3A_49, %parallel_loop3A_279] : memref<64x128xf32, #tpu.memory_space<vmem>>[vector<16xi32>, vector<16xi32>], vector<16xf32>,
        %parallel_loop3A_281 = arith.constant 4 : i32
        %parallel_loop3A_282 = vector.broadcast %parallel_loop3A_281 : i32 to vector<16xi32>
        %parallel_loop3A_283 = arith.addi %parallel_loop3A_86, %parallel_loop3A_282 : vector<16xi32>
        %parallel_loop3A_284 = tpu.vector_load_idx %arg29[%parallel_loop3A_283] : memref<32000xf32, #tpu.memory_space<vmem>>[vector<16xi32>], vector<16xf32>,
        %parallel_loop3A_285 = arith.constant 4 : i32
        %parallel_loop3A_286 = vector.broadcast %parallel_loop3A_285 : i32 to vector<16xi32>
        %parallel_loop3A_287 = arith.addi %parallel_loop3A_91, %parallel_loop3A_286 : vector<16xi32>
        %parallel_loop3A_288 = tpu.vector_load_idx %arg30[%parallel_loop3A_287] : memref<23424xf32, #tpu.memory_space<vmem>>[vector<16xi32>], vector<16xf32>,
        %parallel_loop3A_289 = arith.constant 4 : i32
        %parallel_loop3A_290 = vector.broadcast %parallel_loop3A_289 : i32 to vector<16xi32>
        %parallel_loop3A_291 = arith.addi %parallel_loop3A_96, %parallel_loop3A_290 : vector<16xi32>
        %parallel_loop3A_292 = tpu.vector_load_idx %arg30[%parallel_loop3A_291] : memref<23424xf32, #tpu.memory_space<vmem>>[vector<16xi32>], vector<16xf32>,
        %parallel_loop3A_293 = arith.addf %parallel_loop3A_288, %parallel_loop3A_292 : vector<16xf32>
        %parallel_loop3A_294 = arith.constant 5.000000e-01 : f32
        %parallel_loop3A_295 = vector.broadcast %parallel_loop3A_294 : f32 to vector<16xf32>
        %parallel_loop3A_296 = arith.mulf %parallel_loop3A_295, %parallel_loop3A_293 : vector<16xf32>
        %parallel_loop3A_297 = arith.addf %parallel_loop3A_284, %parallel_loop3A_296 : vector<16xf32>
        %parallel_loop3A_298 = arith.addf %parallel_loop3A_268, %parallel_loop3A_297 : vector<16xf32>
        %parallel_loop3A_299 = arith.subf %parallel_loop3A_298, %parallel_loop3A_272 : vector<16xf32>
        %parallel_loop3A_300 = math.absf %parallel_loop3A_299 : vector<16xf32>
        %parallel_loop3A_301 = arith.addf %parallel_loop3A_260, %parallel_loop3A_300 : vector<16xf32>
        %parallel_loop3A_302 = arith.addf %parallel_loop3A_276, %parallel_loop3A_297 : vector<16xf32>
        %parallel_loop3A_303 = arith.subf %parallel_loop3A_302, %parallel_loop3A_280 : vector<16xf32>
        %parallel_loop3A_304 = math.absf %parallel_loop3A_303 : vector<16xf32>
        %parallel_loop3A_305 = arith.addf %parallel_loop3A_264, %parallel_loop3A_304 : vector<16xf32>
        %parallel_loop3A_306 = arith.constant 5 : i32
        %parallel_loop3A_307 = vector.broadcast %parallel_loop3A_306 : i32 to vector<16xi32>
        %parallel_loop3A_308 = arith.addi %parallel_loop3A_57, %parallel_loop3A_307 : vector<16xi32>
        %parallel_loop3A_309 = tpu.vector_load_idx %arg25[%parallel_loop3A_49, %parallel_loop3A_308] : memref<64x128xf32, #tpu.memory_space<vmem>>[vector<16xi32>, vector<16xi32>], vector<16xf32>,
        %parallel_loop3A_310 = arith.constant 5 : i32
        %parallel_loop3A_311 = vector.broadcast %parallel_loop3A_310 : i32 to vector<16xi32>
        %parallel_loop3A_312 = arith.addi %parallel_loop3A_65, %parallel_loop3A_311 : vector<16xi32>
        %parallel_loop3A_313 = tpu.vector_load_idx %arg26[%parallel_loop3A_49, %parallel_loop3A_312] : memref<64x128xf32, #tpu.memory_space<vmem>>[vector<16xi32>, vector<16xi32>], vector<16xf32>,
        %parallel_loop3A_314 = arith.constant 5 : i32
        %parallel_loop3A_315 = vector.broadcast %parallel_loop3A_314 : i32 to vector<16xi32>
        %parallel_loop3A_316 = arith.addi %parallel_loop3A_73, %parallel_loop3A_315 : vector<16xi32>
        %parallel_loop3A_317 = tpu.vector_load_idx %arg27[%parallel_loop3A_49, %parallel_loop3A_316] : memref<64x128xf32, #tpu.memory_space<vmem>>[vector<16xi32>, vector<16xi32>], vector<16xf32>,
        %parallel_loop3A_318 = arith.constant 5 : i32
        %parallel_loop3A_319 = vector.broadcast %parallel_loop3A_318 : i32 to vector<16xi32>
        %parallel_loop3A_320 = arith.addi %parallel_loop3A_81, %parallel_loop3A_319 : vector<16xi32>
        %parallel_loop3A_321 = tpu.vector_load_idx %arg28[%parallel_loop3A_49, %parallel_loop3A_320] : memref<64x128xf32, #tpu.memory_space<vmem>>[vector<16xi32>, vector<16xi32>], vector<16xf32>,
        %parallel_loop3A_322 = arith.constant 5 : i32
        %parallel_loop3A_323 = vector.broadcast %parallel_loop3A_322 : i32 to vector<16xi32>
        %parallel_loop3A_324 = arith.addi %parallel_loop3A_86, %parallel_loop3A_323 : vector<16xi32>
        %parallel_loop3A_325 = tpu.vector_load_idx %arg29[%parallel_loop3A_324] : memref<32000xf32, #tpu.memory_space<vmem>>[vector<16xi32>], vector<16xf32>,
        %parallel_loop3A_326 = arith.constant 5 : i32
        %parallel_loop3A_327 = vector.broadcast %parallel_loop3A_326 : i32 to vector<16xi32>
        %parallel_loop3A_328 = arith.addi %parallel_loop3A_91, %parallel_loop3A_327 : vector<16xi32>
        %parallel_loop3A_329 = tpu.vector_load_idx %arg30[%parallel_loop3A_328] : memref<23424xf32, #tpu.memory_space<vmem>>[vector<16xi32>], vector<16xf32>,
        %parallel_loop3A_330 = arith.constant 5 : i32
        %parallel_loop3A_331 = vector.broadcast %parallel_loop3A_330 : i32 to vector<16xi32>
        %parallel_loop3A_332 = arith.addi %parallel_loop3A_96, %parallel_loop3A_331 : vector<16xi32>
        %parallel_loop3A_333 = tpu.vector_load_idx %arg30[%parallel_loop3A_332] : memref<23424xf32, #tpu.memory_space<vmem>>[vector<16xi32>], vector<16xf32>,
        %parallel_loop3A_334 = arith.addf %parallel_loop3A_329, %parallel_loop3A_333 : vector<16xf32>
        %parallel_loop3A_335 = arith.constant 5.000000e-01 : f32
        %parallel_loop3A_336 = vector.broadcast %parallel_loop3A_335 : f32 to vector<16xf32>
        %parallel_loop3A_337 = arith.mulf %parallel_loop3A_336, %parallel_loop3A_334 : vector<16xf32>
        %parallel_loop3A_338 = arith.addf %parallel_loop3A_325, %parallel_loop3A_337 : vector<16xf32>
        %parallel_loop3A_339 = arith.addf %parallel_loop3A_309, %parallel_loop3A_338 : vector<16xf32>
        %parallel_loop3A_340 = arith.subf %parallel_loop3A_339, %parallel_loop3A_313 : vector<16xf32>
        %parallel_loop3A_341 = math.absf %parallel_loop3A_340 : vector<16xf32>
        %parallel_loop3A_342 = arith.addf %parallel_loop3A_301, %parallel_loop3A_341 : vector<16xf32>
        %parallel_loop3A_343 = arith.addf %parallel_loop3A_317, %parallel_loop3A_338 : vector<16xf32>
        %parallel_loop3A_344 = arith.subf %parallel_loop3A_343, %parallel_loop3A_321 : vector<16xf32>
        %parallel_loop3A_345 = math.absf %parallel_loop3A_344 : vector<16xf32>
        %parallel_loop3A_346 = arith.addf %parallel_loop3A_305, %parallel_loop3A_345 : vector<16xf32>
        %parallel_loop3A_347 = arith.constant 6 : i32
        %parallel_loop3A_348 = vector.broadcast %parallel_loop3A_347 : i32 to vector<16xi32>
        %parallel_loop3A_349 = arith.addi %parallel_loop3A_57, %parallel_loop3A_348 : vector<16xi32>
        %parallel_loop3A_350 = tpu.vector_load_idx %arg25[%parallel_loop3A_49, %parallel_loop3A_349] : memref<64x128xf32, #tpu.memory_space<vmem>>[vector<16xi32>, vector<16xi32>], vector<16xf32>,
        %parallel_loop3A_351 = arith.constant 6 : i32
        %parallel_loop3A_352 = vector.broadcast %parallel_loop3A_351 : i32 to vector<16xi32>
        %parallel_loop3A_353 = arith.addi %parallel_loop3A_65, %parallel_loop3A_352 : vector<16xi32>
        %parallel_loop3A_354 = tpu.vector_load_idx %arg26[%parallel_loop3A_49, %parallel_loop3A_353] : memref<64x128xf32, #tpu.memory_space<vmem>>[vector<16xi32>, vector<16xi32>], vector<16xf32>,
        %parallel_loop3A_355 = arith.constant 6 : i32
        %parallel_loop3A_356 = vector.broadcast %parallel_loop3A_355 : i32 to vector<16xi32>
        %parallel_loop3A_357 = arith.addi %parallel_loop3A_73, %parallel_loop3A_356 : vector<16xi32>
        %parallel_loop3A_358 = tpu.vector_load_idx %arg27[%parallel_loop3A_49, %parallel_loop3A_357] : memref<64x128xf32, #tpu.memory_space<vmem>>[vector<16xi32>, vector<16xi32>], vector<16xf32>,
        %parallel_loop3A_359 = arith.constant 6 : i32
        %parallel_loop3A_360 = vector.broadcast %parallel_loop3A_359 : i32 to vector<16xi32>
        %parallel_loop3A_361 = arith.addi %parallel_loop3A_81, %parallel_loop3A_360 : vector<16xi32>
        %parallel_loop3A_362 = tpu.vector_load_idx %arg28[%parallel_loop3A_49, %parallel_loop3A_361] : memref<64x128xf32, #tpu.memory_space<vmem>>[vector<16xi32>, vector<16xi32>], vector<16xf32>,
        %parallel_loop3A_363 = arith.constant 6 : i32
        %parallel_loop3A_364 = vector.broadcast %parallel_loop3A_363 : i32 to vector<16xi32>
        %parallel_loop3A_365 = arith.addi %parallel_loop3A_86, %parallel_loop3A_364 : vector<16xi32>
        %parallel_loop3A_366 = tpu.vector_load_idx %arg29[%parallel_loop3A_365] : memref<32000xf32, #tpu.memory_space<vmem>>[vector<16xi32>], vector<16xf32>,
        %parallel_loop3A_367 = arith.constant 6 : i32
        %parallel_loop3A_368 = vector.broadcast %parallel_loop3A_367 : i32 to vector<16xi32>
        %parallel_loop3A_369 = arith.addi %parallel_loop3A_91, %parallel_loop3A_368 : vector<16xi32>
        %parallel_loop3A_370 = tpu.vector_load_idx %arg30[%parallel_loop3A_369] : memref<23424xf32, #tpu.memory_space<vmem>>[vector<16xi32>], vector<16xf32>,
        %parallel_loop3A_371 = arith.constant 6 : i32
        %parallel_loop3A_372 = vector.broadcast %parallel_loop3A_371 : i32 to vector<16xi32>
        %parallel_loop3A_373 = arith.addi %parallel_loop3A_96, %parallel_loop3A_372 : vector<16xi32>
        %parallel_loop3A_374 = tpu.vector_load_idx %arg30[%parallel_loop3A_373] : memref<23424xf32, #tpu.memory_space<vmem>>[vector<16xi32>], vector<16xf32>,
        %parallel_loop3A_375 = arith.addf %parallel_loop3A_370, %parallel_loop3A_374 : vector<16xf32>
        %parallel_loop3A_376 = arith.constant 5.000000e-01 : f32
        %parallel_loop3A_377 = vector.broadcast %parallel_loop3A_376 : f32 to vector<16xf32>
        %parallel_loop3A_378 = arith.mulf %parallel_loop3A_377, %parallel_loop3A_375 : vector<16xf32>
        %parallel_loop3A_379 = arith.addf %parallel_loop3A_366, %parallel_loop3A_378 : vector<16xf32>
        %parallel_loop3A_380 = arith.addf %parallel_loop3A_350, %parallel_loop3A_379 : vector<16xf32>
        %parallel_loop3A_381 = arith.subf %parallel_loop3A_380, %parallel_loop3A_354 : vector<16xf32>
        %parallel_loop3A_382 = math.absf %parallel_loop3A_381 : vector<16xf32>
        %parallel_loop3A_383 = arith.addf %parallel_loop3A_342, %parallel_loop3A_382 : vector<16xf32>
        %parallel_loop3A_384 = arith.addf %parallel_loop3A_358, %parallel_loop3A_379 : vector<16xf32>
        %parallel_loop3A_385 = arith.subf %parallel_loop3A_384, %parallel_loop3A_362 : vector<16xf32>
        %parallel_loop3A_386 = math.absf %parallel_loop3A_385 : vector<16xf32>
        %parallel_loop3A_387 = arith.addf %parallel_loop3A_346, %parallel_loop3A_386 : vector<16xf32>
        %parallel_loop3A_388 = arith.constant 7 : i32
        %parallel_loop3A_389 = vector.broadcast %parallel_loop3A_388 : i32 to vector<16xi32>
        %parallel_loop3A_390 = arith.addi %parallel_loop3A_57, %parallel_loop3A_389 : vector<16xi32>
        %parallel_loop3A_391 = tpu.vector_load_idx %arg25[%parallel_loop3A_49, %parallel_loop3A_390] : memref<64x128xf32, #tpu.memory_space<vmem>>[vector<16xi32>, vector<16xi32>], vector<16xf32>,
        %parallel_loop3A_392 = arith.constant 7 : i32
        %parallel_loop3A_393 = vector.broadcast %parallel_loop3A_392 : i32 to vector<16xi32>
        %parallel_loop3A_394 = arith.addi %parallel_loop3A_65, %parallel_loop3A_393 : vector<16xi32>
        %parallel_loop3A_395 = tpu.vector_load_idx %arg26[%parallel_loop3A_49, %parallel_loop3A_394] : memref<64x128xf32, #tpu.memory_space<vmem>>[vector<16xi32>, vector<16xi32>], vector<16xf32>,
        %parallel_loop3A_396 = arith.constant 7 : i32
        %parallel_loop3A_397 = vector.broadcast %parallel_loop3A_396 : i32 to vector<16xi32>
        %parallel_loop3A_398 = arith.addi %parallel_loop3A_73, %parallel_loop3A_397 : vector<16xi32>
        %parallel_loop3A_399 = tpu.vector_load_idx %arg27[%parallel_loop3A_49, %parallel_loop3A_398] : memref<64x128xf32, #tpu.memory_space<vmem>>[vector<16xi32>, vector<16xi32>], vector<16xf32>,
        %parallel_loop3A_400 = arith.constant 7 : i32
        %parallel_loop3A_401 = vector.broadcast %parallel_loop3A_400 : i32 to vector<16xi32>
        %parallel_loop3A_402 = arith.addi %parallel_loop3A_81, %parallel_loop3A_401 : vector<16xi32>
        %parallel_loop3A_403 = tpu.vector_load_idx %arg28[%parallel_loop3A_49, %parallel_loop3A_402] : memref<64x128xf32, #tpu.memory_space<vmem>>[vector<16xi32>, vector<16xi32>], vector<16xf32>,
        %parallel_loop3A_404 = arith.constant 7 : i32
        %parallel_loop3A_405 = vector.broadcast %parallel_loop3A_404 : i32 to vector<16xi32>
        %parallel_loop3A_406 = arith.addi %parallel_loop3A_86, %parallel_loop3A_405 : vector<16xi32>
        %parallel_loop3A_407 = tpu.vector_load_idx %arg29[%parallel_loop3A_406] : memref<32000xf32, #tpu.memory_space<vmem>>[vector<16xi32>], vector<16xf32>,
        %parallel_loop3A_408 = arith.constant 7 : i32
        %parallel_loop3A_409 = vector.broadcast %parallel_loop3A_408 : i32 to vector<16xi32>
        %parallel_loop3A_410 = arith.addi %parallel_loop3A_91, %parallel_loop3A_409 : vector<16xi32>
        %parallel_loop3A_411 = tpu.vector_load_idx %arg30[%parallel_loop3A_410] : memref<23424xf32, #tpu.memory_space<vmem>>[vector<16xi32>], vector<16xf32>,
        %parallel_loop3A_412 = arith.constant 7 : i32
        %parallel_loop3A_413 = vector.broadcast %parallel_loop3A_412 : i32 to vector<16xi32>
        %parallel_loop3A_414 = arith.addi %parallel_loop3A_96, %parallel_loop3A_413 : vector<16xi32>
        %parallel_loop3A_415 = tpu.vector_load_idx %arg30[%parallel_loop3A_414] : memref<23424xf32, #tpu.memory_space<vmem>>[vector<16xi32>], vector<16xf32>,
        %parallel_loop3A_416 = arith.addf %parallel_loop3A_411, %parallel_loop3A_415 : vector<16xf32>
        %parallel_loop3A_417 = arith.constant 5.000000e-01 : f32
        %parallel_loop3A_418 = vector.broadcast %parallel_loop3A_417 : f32 to vector<16xf32>
        %parallel_loop3A_419 = arith.mulf %parallel_loop3A_418, %parallel_loop3A_416 : vector<16xf32>
        %parallel_loop3A_420 = arith.addf %parallel_loop3A_407, %parallel_loop3A_419 : vector<16xf32>
        %parallel_loop3A_421 = arith.addf %parallel_loop3A_391, %parallel_loop3A_420 : vector<16xf32>
        %parallel_loop3A_422 = arith.subf %parallel_loop3A_421, %parallel_loop3A_395 : vector<16xf32>
        %parallel_loop3A_423 = math.absf %parallel_loop3A_422 : vector<16xf32>
        %parallel_loop3A_424 = arith.addf %parallel_loop3A_383, %parallel_loop3A_423 : vector<16xf32>
        %parallel_loop3A_425 = arith.addf %parallel_loop3A_399, %parallel_loop3A_420 : vector<16xf32>
        %parallel_loop3A_426 = arith.subf %parallel_loop3A_425, %parallel_loop3A_403 : vector<16xf32>
        %parallel_loop3A_427 = math.absf %parallel_loop3A_426 : vector<16xf32>
        %parallel_loop3A_428 = arith.addf %parallel_loop3A_387, %parallel_loop3A_427 : vector<16xf32>
        %parallel_loop3A_429 = arith.constant 8 : i32
        %parallel_loop3A_430 = vector.broadcast %parallel_loop3A_429 : i32 to vector<16xi32>
        %parallel_loop3A_431 = arith.addi %parallel_loop3A_57, %parallel_loop3A_430 : vector<16xi32>
        %parallel_loop3A_432 = tpu.vector_load_idx %arg25[%parallel_loop3A_49, %parallel_loop3A_431] : memref<64x128xf32, #tpu.memory_space<vmem>>[vector<16xi32>, vector<16xi32>], vector<16xf32>,
        %parallel_loop3A_433 = arith.constant 8 : i32
        %parallel_loop3A_434 = vector.broadcast %parallel_loop3A_433 : i32 to vector<16xi32>
        %parallel_loop3A_435 = arith.addi %parallel_loop3A_65, %parallel_loop3A_434 : vector<16xi32>
        %parallel_loop3A_436 = tpu.vector_load_idx %arg26[%parallel_loop3A_49, %parallel_loop3A_435] : memref<64x128xf32, #tpu.memory_space<vmem>>[vector<16xi32>, vector<16xi32>], vector<16xf32>,
        %parallel_loop3A_437 = arith.constant 8 : i32
        %parallel_loop3A_438 = vector.broadcast %parallel_loop3A_437 : i32 to vector<16xi32>
        %parallel_loop3A_439 = arith.addi %parallel_loop3A_73, %parallel_loop3A_438 : vector<16xi32>
        %parallel_loop3A_440 = tpu.vector_load_idx %arg27[%parallel_loop3A_49, %parallel_loop3A_439] : memref<64x128xf32, #tpu.memory_space<vmem>>[vector<16xi32>, vector<16xi32>], vector<16xf32>,
        %parallel_loop3A_441 = arith.constant 8 : i32
        %parallel_loop3A_442 = vector.broadcast %parallel_loop3A_441 : i32 to vector<16xi32>
        %parallel_loop3A_443 = arith.addi %parallel_loop3A_81, %parallel_loop3A_442 : vector<16xi32>
        %parallel_loop3A_444 = tpu.vector_load_idx %arg28[%parallel_loop3A_49, %parallel_loop3A_443] : memref<64x128xf32, #tpu.memory_space<vmem>>[vector<16xi32>, vector<16xi32>], vector<16xf32>,
        %parallel_loop3A_445 = arith.constant 8 : i32
        %parallel_loop3A_446 = vector.broadcast %parallel_loop3A_445 : i32 to vector<16xi32>
        %parallel_loop3A_447 = arith.addi %parallel_loop3A_86, %parallel_loop3A_446 : vector<16xi32>
        %parallel_loop3A_448 = tpu.vector_load_idx %arg29[%parallel_loop3A_447] : memref<32000xf32, #tpu.memory_space<vmem>>[vector<16xi32>], vector<16xf32>,
        %parallel_loop3A_449 = arith.constant 8 : i32
        %parallel_loop3A_450 = vector.broadcast %parallel_loop3A_449 : i32 to vector<16xi32>
        %parallel_loop3A_451 = arith.addi %parallel_loop3A_91, %parallel_loop3A_450 : vector<16xi32>
        %parallel_loop3A_452 = tpu.vector_load_idx %arg30[%parallel_loop3A_451] : memref<23424xf32, #tpu.memory_space<vmem>>[vector<16xi32>], vector<16xf32>,
        %parallel_loop3A_453 = arith.constant 8 : i32
        %parallel_loop3A_454 = vector.broadcast %parallel_loop3A_453 : i32 to vector<16xi32>
        %parallel_loop3A_455 = arith.addi %parallel_loop3A_96, %parallel_loop3A_454 : vector<16xi32>
        %parallel_loop3A_456 = tpu.vector_load_idx %arg30[%parallel_loop3A_455] : memref<23424xf32, #tpu.memory_space<vmem>>[vector<16xi32>], vector<16xf32>,
        %parallel_loop3A_457 = arith.addf %parallel_loop3A_452, %parallel_loop3A_456 : vector<16xf32>
        %parallel_loop3A_458 = arith.constant 5.000000e-01 : f32
        %parallel_loop3A_459 = vector.broadcast %parallel_loop3A_458 : f32 to vector<16xf32>
        %parallel_loop3A_460 = arith.mulf %parallel_loop3A_459, %parallel_loop3A_457 : vector<16xf32>
        %parallel_loop3A_461 = arith.addf %parallel_loop3A_448, %parallel_loop3A_460 : vector<16xf32>
        %parallel_loop3A_462 = arith.addf %parallel_loop3A_432, %parallel_loop3A_461 : vector<16xf32>
        %parallel_loop3A_463 = arith.subf %parallel_loop3A_462, %parallel_loop3A_436 : vector<16xf32>
        %parallel_loop3A_464 = math.absf %parallel_loop3A_463 : vector<16xf32>
        %parallel_loop3A_465 = arith.addf %parallel_loop3A_424, %parallel_loop3A_464 : vector<16xf32>
        %parallel_loop3A_466 = arith.addf %parallel_loop3A_440, %parallel_loop3A_461 : vector<16xf32>
        %parallel_loop3A_467 = arith.subf %parallel_loop3A_466, %parallel_loop3A_444 : vector<16xf32>
        %parallel_loop3A_468 = math.absf %parallel_loop3A_467 : vector<16xf32>
        %parallel_loop3A_469 = arith.addf %parallel_loop3A_428, %parallel_loop3A_468 : vector<16xf32>
        %parallel_loop3A_470 = arith.constant 9 : i32
        %parallel_loop3A_471 = vector.broadcast %parallel_loop3A_470 : i32 to vector<16xi32>
        %parallel_loop3A_472 = arith.addi %parallel_loop3A_57, %parallel_loop3A_471 : vector<16xi32>
        %parallel_loop3A_473 = tpu.vector_load_idx %arg25[%parallel_loop3A_49, %parallel_loop3A_472] : memref<64x128xf32, #tpu.memory_space<vmem>>[vector<16xi32>, vector<16xi32>], vector<16xf32>,
        %parallel_loop3A_474 = arith.constant 9 : i32
        %parallel_loop3A_475 = vector.broadcast %parallel_loop3A_474 : i32 to vector<16xi32>
        %parallel_loop3A_476 = arith.addi %parallel_loop3A_65, %parallel_loop3A_475 : vector<16xi32>
        %parallel_loop3A_477 = tpu.vector_load_idx %arg26[%parallel_loop3A_49, %parallel_loop3A_476] : memref<64x128xf32, #tpu.memory_space<vmem>>[vector<16xi32>, vector<16xi32>], vector<16xf32>,
        %parallel_loop3A_478 = arith.constant 9 : i32
        %parallel_loop3A_479 = vector.broadcast %parallel_loop3A_478 : i32 to vector<16xi32>
        %parallel_loop3A_480 = arith.addi %parallel_loop3A_73, %parallel_loop3A_479 : vector<16xi32>
        %parallel_loop3A_481 = tpu.vector_load_idx %arg27[%parallel_loop3A_49, %parallel_loop3A_480] : memref<64x128xf32, #tpu.memory_space<vmem>>[vector<16xi32>, vector<16xi32>], vector<16xf32>,
        %parallel_loop3A_482 = arith.constant 9 : i32
        %parallel_loop3A_483 = vector.broadcast %parallel_loop3A_482 : i32 to vector<16xi32>
        %parallel_loop3A_484 = arith.addi %parallel_loop3A_81, %parallel_loop3A_483 : vector<16xi32>
        %parallel_loop3A_485 = tpu.vector_load_idx %arg28[%parallel_loop3A_49, %parallel_loop3A_484] : memref<64x128xf32, #tpu.memory_space<vmem>>[vector<16xi32>, vector<16xi32>], vector<16xf32>,
        %parallel_loop3A_486 = arith.constant 9 : i32
        %parallel_loop3A_487 = vector.broadcast %parallel_loop3A_486 : i32 to vector<16xi32>
        %parallel_loop3A_488 = arith.addi %parallel_loop3A_86, %parallel_loop3A_487 : vector<16xi32>
        %parallel_loop3A_489 = tpu.vector_load_idx %arg29[%parallel_loop3A_488] : memref<32000xf32, #tpu.memory_space<vmem>>[vector<16xi32>], vector<16xf32>,
        %parallel_loop3A_490 = arith.constant 9 : i32
        %parallel_loop3A_491 = vector.broadcast %parallel_loop3A_490 : i32 to vector<16xi32>
        %parallel_loop3A_492 = arith.addi %parallel_loop3A_91, %parallel_loop3A_491 : vector<16xi32>
        %parallel_loop3A_493 = tpu.vector_load_idx %arg30[%parallel_loop3A_492] : memref<23424xf32, #tpu.memory_space<vmem>>[vector<16xi32>], vector<16xf32>,
        %parallel_loop3A_494 = arith.constant 9 : i32
        %parallel_loop3A_495 = vector.broadcast %parallel_loop3A_494 : i32 to vector<16xi32>
        %parallel_loop3A_496 = arith.addi %parallel_loop3A_96, %parallel_loop3A_495 : vector<16xi32>
        %parallel_loop3A_497 = tpu.vector_load_idx %arg30[%parallel_loop3A_496] : memref<23424xf32, #tpu.memory_space<vmem>>[vector<16xi32>], vector<16xf32>,
        %parallel_loop3A_498 = arith.addf %parallel_loop3A_493, %parallel_loop3A_497 : vector<16xf32>
        %parallel_loop3A_499 = arith.constant 5.000000e-01 : f32
        %parallel_loop3A_500 = vector.broadcast %parallel_loop3A_499 : f32 to vector<16xf32>
        %parallel_loop3A_501 = arith.mulf %parallel_loop3A_500, %parallel_loop3A_498 : vector<16xf32>
        %parallel_loop3A_502 = arith.addf %parallel_loop3A_489, %parallel_loop3A_501 : vector<16xf32>
        %parallel_loop3A_503 = arith.addf %parallel_loop3A_473, %parallel_loop3A_502 : vector<16xf32>
        %parallel_loop3A_504 = arith.subf %parallel_loop3A_503, %parallel_loop3A_477 : vector<16xf32>
        %parallel_loop3A_505 = math.absf %parallel_loop3A_504 : vector<16xf32>
        %parallel_loop3A_506 = arith.addf %parallel_loop3A_465, %parallel_loop3A_505 : vector<16xf32>
        %parallel_loop3A_507 = arith.addf %parallel_loop3A_481, %parallel_loop3A_502 : vector<16xf32>
        %parallel_loop3A_508 = arith.subf %parallel_loop3A_507, %parallel_loop3A_485 : vector<16xf32>
        %parallel_loop3A_509 = math.absf %parallel_loop3A_508 : vector<16xf32>
        %parallel_loop3A_510 = arith.addf %parallel_loop3A_469, %parallel_loop3A_509 : vector<16xf32>
        %parallel_loop3A_511 = arith.constant 10 : i32
        %parallel_loop3A_512 = vector.broadcast %parallel_loop3A_511 : i32 to vector<16xi32>
        %parallel_loop3A_513 = arith.addi %parallel_loop3A_57, %parallel_loop3A_512 : vector<16xi32>
        %parallel_loop3A_514 = tpu.vector_load_idx %arg25[%parallel_loop3A_49, %parallel_loop3A_513] : memref<64x128xf32, #tpu.memory_space<vmem>>[vector<16xi32>, vector<16xi32>], vector<16xf32>,
        %parallel_loop3A_515 = arith.constant 10 : i32
        %parallel_loop3A_516 = vector.broadcast %parallel_loop3A_515 : i32 to vector<16xi32>
        %parallel_loop3A_517 = arith.addi %parallel_loop3A_65, %parallel_loop3A_516 : vector<16xi32>
        %parallel_loop3A_518 = tpu.vector_load_idx %arg26[%parallel_loop3A_49, %parallel_loop3A_517] : memref<64x128xf32, #tpu.memory_space<vmem>>[vector<16xi32>, vector<16xi32>], vector<16xf32>,
        %parallel_loop3A_519 = arith.constant 10 : i32
        %parallel_loop3A_520 = vector.broadcast %parallel_loop3A_519 : i32 to vector<16xi32>
        %parallel_loop3A_521 = arith.addi %parallel_loop3A_73, %parallel_loop3A_520 : vector<16xi32>
        %parallel_loop3A_522 = tpu.vector_load_idx %arg27[%parallel_loop3A_49, %parallel_loop3A_521] : memref<64x128xf32, #tpu.memory_space<vmem>>[vector<16xi32>, vector<16xi32>], vector<16xf32>,
        %parallel_loop3A_523 = arith.constant 10 : i32
        %parallel_loop3A_524 = vector.broadcast %parallel_loop3A_523 : i32 to vector<16xi32>
        %parallel_loop3A_525 = arith.addi %parallel_loop3A_81, %parallel_loop3A_524 : vector<16xi32>
        %parallel_loop3A_526 = tpu.vector_load_idx %arg28[%parallel_loop3A_49, %parallel_loop3A_525] : memref<64x128xf32, #tpu.memory_space<vmem>>[vector<16xi32>, vector<16xi32>], vector<16xf32>,
        %parallel_loop3A_527 = arith.constant 10 : i32
        %parallel_loop3A_528 = vector.broadcast %parallel_loop3A_527 : i32 to vector<16xi32>
        %parallel_loop3A_529 = arith.addi %parallel_loop3A_86, %parallel_loop3A_528 : vector<16xi32>
        %parallel_loop3A_530 = tpu.vector_load_idx %arg29[%parallel_loop3A_529] : memref<32000xf32, #tpu.memory_space<vmem>>[vector<16xi32>], vector<16xf32>,
        %parallel_loop3A_531 = arith.constant 10 : i32
        %parallel_loop3A_532 = vector.broadcast %parallel_loop3A_531 : i32 to vector<16xi32>
        %parallel_loop3A_533 = arith.addi %parallel_loop3A_91, %parallel_loop3A_532 : vector<16xi32>
        %parallel_loop3A_534 = tpu.vector_load_idx %arg30[%parallel_loop3A_533] : memref<23424xf32, #tpu.memory_space<vmem>>[vector<16xi32>], vector<16xf32>,
        %parallel_loop3A_535 = arith.constant 10 : i32
        %parallel_loop3A_536 = vector.broadcast %parallel_loop3A_535 : i32 to vector<16xi32>
        %parallel_loop3A_537 = arith.addi %parallel_loop3A_96, %parallel_loop3A_536 : vector<16xi32>
        %parallel_loop3A_538 = tpu.vector_load_idx %arg30[%parallel_loop3A_537] : memref<23424xf32, #tpu.memory_space<vmem>>[vector<16xi32>], vector<16xf32>,
        %parallel_loop3A_539 = arith.addf %parallel_loop3A_534, %parallel_loop3A_538 : vector<16xf32>
        %parallel_loop3A_540 = arith.constant 5.000000e-01 : f32
        %parallel_loop3A_541 = vector.broadcast %parallel_loop3A_540 : f32 to vector<16xf32>
        %parallel_loop3A_542 = arith.mulf %parallel_loop3A_541, %parallel_loop3A_539 : vector<16xf32>
        %parallel_loop3A_543 = arith.addf %parallel_loop3A_530, %parallel_loop3A_542 : vector<16xf32>
        %parallel_loop3A_544 = arith.addf %parallel_loop3A_514, %parallel_loop3A_543 : vector<16xf32>
        %parallel_loop3A_545 = arith.subf %parallel_loop3A_544, %parallel_loop3A_518 : vector<16xf32>
        %parallel_loop3A_546 = math.absf %parallel_loop3A_545 : vector<16xf32>
        %parallel_loop3A_547 = arith.addf %parallel_loop3A_506, %parallel_loop3A_546 : vector<16xf32>
        %parallel_loop3A_548 = arith.addf %parallel_loop3A_522, %parallel_loop3A_543 : vector<16xf32>
        %parallel_loop3A_549 = arith.subf %parallel_loop3A_548, %parallel_loop3A_526 : vector<16xf32>
        %parallel_loop3A_550 = math.absf %parallel_loop3A_549 : vector<16xf32>
        %parallel_loop3A_551 = arith.addf %parallel_loop3A_510, %parallel_loop3A_550 : vector<16xf32>
        %parallel_loop3A_552 = arith.constant 11 : i32
        %parallel_loop3A_553 = vector.broadcast %parallel_loop3A_552 : i32 to vector<16xi32>
        %parallel_loop3A_554 = arith.addi %parallel_loop3A_57, %parallel_loop3A_553 : vector<16xi32>
        %parallel_loop3A_555 = tpu.vector_load_idx %arg25[%parallel_loop3A_49, %parallel_loop3A_554] : memref<64x128xf32, #tpu.memory_space<vmem>>[vector<16xi32>, vector<16xi32>], vector<16xf32>,
        %parallel_loop3A_556 = arith.constant 11 : i32
        %parallel_loop3A_557 = vector.broadcast %parallel_loop3A_556 : i32 to vector<16xi32>
        %parallel_loop3A_558 = arith.addi %parallel_loop3A_65, %parallel_loop3A_557 : vector<16xi32>
        %parallel_loop3A_559 = tpu.vector_load_idx %arg26[%parallel_loop3A_49, %parallel_loop3A_558] : memref<64x128xf32, #tpu.memory_space<vmem>>[vector<16xi32>, vector<16xi32>], vector<16xf32>,
        %parallel_loop3A_560 = arith.constant 11 : i32
        %parallel_loop3A_561 = vector.broadcast %parallel_loop3A_560 : i32 to vector<16xi32>
        %parallel_loop3A_562 = arith.addi %parallel_loop3A_73, %parallel_loop3A_561 : vector<16xi32>
        %parallel_loop3A_563 = tpu.vector_load_idx %arg27[%parallel_loop3A_49, %parallel_loop3A_562] : memref<64x128xf32, #tpu.memory_space<vmem>>[vector<16xi32>, vector<16xi32>], vector<16xf32>,
        %parallel_loop3A_564 = arith.constant 11 : i32
        %parallel_loop3A_565 = vector.broadcast %parallel_loop3A_564 : i32 to vector<16xi32>
        %parallel_loop3A_566 = arith.addi %parallel_loop3A_81, %parallel_loop3A_565 : vector<16xi32>
        %parallel_loop3A_567 = tpu.vector_load_idx %arg28[%parallel_loop3A_49, %parallel_loop3A_566] : memref<64x128xf32, #tpu.memory_space<vmem>>[vector<16xi32>, vector<16xi32>], vector<16xf32>,
        %parallel_loop3A_568 = arith.constant 11 : i32
        %parallel_loop3A_569 = vector.broadcast %parallel_loop3A_568 : i32 to vector<16xi32>
        %parallel_loop3A_570 = arith.addi %parallel_loop3A_86, %parallel_loop3A_569 : vector<16xi32>
        %parallel_loop3A_571 = tpu.vector_load_idx %arg29[%parallel_loop3A_570] : memref<32000xf32, #tpu.memory_space<vmem>>[vector<16xi32>], vector<16xf32>,
        %parallel_loop3A_572 = arith.constant 11 : i32
        %parallel_loop3A_573 = vector.broadcast %parallel_loop3A_572 : i32 to vector<16xi32>
        %parallel_loop3A_574 = arith.addi %parallel_loop3A_91, %parallel_loop3A_573 : vector<16xi32>
        %parallel_loop3A_575 = tpu.vector_load_idx %arg30[%parallel_loop3A_574] : memref<23424xf32, #tpu.memory_space<vmem>>[vector<16xi32>], vector<16xf32>,
        %parallel_loop3A_576 = arith.constant 11 : i32
        %parallel_loop3A_577 = vector.broadcast %parallel_loop3A_576 : i32 to vector<16xi32>
        %parallel_loop3A_578 = arith.addi %parallel_loop3A_96, %parallel_loop3A_577 : vector<16xi32>
        %parallel_loop3A_579 = tpu.vector_load_idx %arg30[%parallel_loop3A_578] : memref<23424xf32, #tpu.memory_space<vmem>>[vector<16xi32>], vector<16xf32>,
        %parallel_loop3A_580 = arith.addf %parallel_loop3A_575, %parallel_loop3A_579 : vector<16xf32>
        %parallel_loop3A_581 = arith.constant 5.000000e-01 : f32
        %parallel_loop3A_582 = vector.broadcast %parallel_loop3A_581 : f32 to vector<16xf32>
        %parallel_loop3A_583 = arith.mulf %parallel_loop3A_582, %parallel_loop3A_580 : vector<16xf32>
        %parallel_loop3A_584 = arith.addf %parallel_loop3A_571, %parallel_loop3A_583 : vector<16xf32>
        %parallel_loop3A_585 = arith.addf %parallel_loop3A_555, %parallel_loop3A_584 : vector<16xf32>
        %parallel_loop3A_586 = arith.subf %parallel_loop3A_585, %parallel_loop3A_559 : vector<16xf32>
        %parallel_loop3A_587 = math.absf %parallel_loop3A_586 : vector<16xf32>
        %parallel_loop3A_588 = arith.addf %parallel_loop3A_547, %parallel_loop3A_587 : vector<16xf32>
        %parallel_loop3A_589 = arith.addf %parallel_loop3A_563, %parallel_loop3A_584 : vector<16xf32>
        %parallel_loop3A_590 = arith.subf %parallel_loop3A_589, %parallel_loop3A_567 : vector<16xf32>
        %parallel_loop3A_591 = math.absf %parallel_loop3A_590 : vector<16xf32>
        %parallel_loop3A_592 = arith.addf %parallel_loop3A_551, %parallel_loop3A_591 : vector<16xf32>
        %parallel_loop3A_593 = arith.constant 12 : i32
        %parallel_loop3A_594 = vector.broadcast %parallel_loop3A_593 : i32 to vector<16xi32>
        %parallel_loop3A_595 = arith.addi %parallel_loop3A_57, %parallel_loop3A_594 : vector<16xi32>
        %parallel_loop3A_596 = tpu.vector_load_idx %arg25[%parallel_loop3A_49, %parallel_loop3A_595] : memref<64x128xf32, #tpu.memory_space<vmem>>[vector<16xi32>, vector<16xi32>], vector<16xf32>,
        %parallel_loop3A_597 = arith.constant 12 : i32
        %parallel_loop3A_598 = vector.broadcast %parallel_loop3A_597 : i32 to vector<16xi32>
        %parallel_loop3A_599 = arith.addi %parallel_loop3A_65, %parallel_loop3A_598 : vector<16xi32>
        %parallel_loop3A_600 = tpu.vector_load_idx %arg26[%parallel_loop3A_49, %parallel_loop3A_599] : memref<64x128xf32, #tpu.memory_space<vmem>>[vector<16xi32>, vector<16xi32>], vector<16xf32>,
        %parallel_loop3A_601 = arith.constant 12 : i32
        %parallel_loop3A_602 = vector.broadcast %parallel_loop3A_601 : i32 to vector<16xi32>
        %parallel_loop3A_603 = arith.addi %parallel_loop3A_73, %parallel_loop3A_602 : vector<16xi32>
        %parallel_loop3A_604 = tpu.vector_load_idx %arg27[%parallel_loop3A_49, %parallel_loop3A_603] : memref<64x128xf32, #tpu.memory_space<vmem>>[vector<16xi32>, vector<16xi32>], vector<16xf32>,
        %parallel_loop3A_605 = arith.constant 12 : i32
        %parallel_loop3A_606 = vector.broadcast %parallel_loop3A_605 : i32 to vector<16xi32>
        %parallel_loop3A_607 = arith.addi %parallel_loop3A_81, %parallel_loop3A_606 : vector<16xi32>
        %parallel_loop3A_608 = tpu.vector_load_idx %arg28[%parallel_loop3A_49, %parallel_loop3A_607] : memref<64x128xf32, #tpu.memory_space<vmem>>[vector<16xi32>, vector<16xi32>], vector<16xf32>,
        %parallel_loop3A_609 = arith.constant 12 : i32
        %parallel_loop3A_610 = vector.broadcast %parallel_loop3A_609 : i32 to vector<16xi32>
        %parallel_loop3A_611 = arith.addi %parallel_loop3A_86, %parallel_loop3A_610 : vector<16xi32>
        %parallel_loop3A_612 = tpu.vector_load_idx %arg29[%parallel_loop3A_611] : memref<32000xf32, #tpu.memory_space<vmem>>[vector<16xi32>], vector<16xf32>,
        %parallel_loop3A_613 = arith.constant 12 : i32
        %parallel_loop3A_614 = vector.broadcast %parallel_loop3A_613 : i32 to vector<16xi32>
        %parallel_loop3A_615 = arith.addi %parallel_loop3A_91, %parallel_loop3A_614 : vector<16xi32>
        %parallel_loop3A_616 = tpu.vector_load_idx %arg30[%parallel_loop3A_615] : memref<23424xf32, #tpu.memory_space<vmem>>[vector<16xi32>], vector<16xf32>,
        %parallel_loop3A_617 = arith.constant 12 : i32
        %parallel_loop3A_618 = vector.broadcast %parallel_loop3A_617 : i32 to vector<16xi32>
        %parallel_loop3A_619 = arith.addi %parallel_loop3A_96, %parallel_loop3A_618 : vector<16xi32>
        %parallel_loop3A_620 = tpu.vector_load_idx %arg30[%parallel_loop3A_619] : memref<23424xf32, #tpu.memory_space<vmem>>[vector<16xi32>], vector<16xf32>,
        %parallel_loop3A_621 = arith.addf %parallel_loop3A_616, %parallel_loop3A_620 : vector<16xf32>
        %parallel_loop3A_622 = arith.constant 5.000000e-01 : f32
        %parallel_loop3A_623 = vector.broadcast %parallel_loop3A_622 : f32 to vector<16xf32>
        %parallel_loop3A_624 = arith.mulf %parallel_loop3A_623, %parallel_loop3A_621 : vector<16xf32>
        %parallel_loop3A_625 = arith.addf %parallel_loop3A_612, %parallel_loop3A_624 : vector<16xf32>
        %parallel_loop3A_626 = arith.addf %parallel_loop3A_596, %parallel_loop3A_625 : vector<16xf32>
        %parallel_loop3A_627 = arith.subf %parallel_loop3A_626, %parallel_loop3A_600 : vector<16xf32>
        %parallel_loop3A_628 = math.absf %parallel_loop3A_627 : vector<16xf32>
        %parallel_loop3A_629 = arith.addf %parallel_loop3A_588, %parallel_loop3A_628 : vector<16xf32>
        %parallel_loop3A_630 = arith.addf %parallel_loop3A_604, %parallel_loop3A_625 : vector<16xf32>
        %parallel_loop3A_631 = arith.subf %parallel_loop3A_630, %parallel_loop3A_608 : vector<16xf32>
        %parallel_loop3A_632 = math.absf %parallel_loop3A_631 : vector<16xf32>
        %parallel_loop3A_633 = arith.addf %parallel_loop3A_592, %parallel_loop3A_632 : vector<16xf32>
        %parallel_loop3A_634 = arith.constant 13 : i32
        %parallel_loop3A_635 = vector.broadcast %parallel_loop3A_634 : i32 to vector<16xi32>
        %parallel_loop3A_636 = arith.addi %parallel_loop3A_57, %parallel_loop3A_635 : vector<16xi32>
        %parallel_loop3A_637 = tpu.vector_load_idx %arg25[%parallel_loop3A_49, %parallel_loop3A_636] : memref<64x128xf32, #tpu.memory_space<vmem>>[vector<16xi32>, vector<16xi32>], vector<16xf32>,
        %parallel_loop3A_638 = arith.constant 13 : i32
        %parallel_loop3A_639 = vector.broadcast %parallel_loop3A_638 : i32 to vector<16xi32>
        %parallel_loop3A_640 = arith.addi %parallel_loop3A_65, %parallel_loop3A_639 : vector<16xi32>
        %parallel_loop3A_641 = tpu.vector_load_idx %arg26[%parallel_loop3A_49, %parallel_loop3A_640] : memref<64x128xf32, #tpu.memory_space<vmem>>[vector<16xi32>, vector<16xi32>], vector<16xf32>,
        %parallel_loop3A_642 = arith.constant 13 : i32
        %parallel_loop3A_643 = vector.broadcast %parallel_loop3A_642 : i32 to vector<16xi32>
        %parallel_loop3A_644 = arith.addi %parallel_loop3A_73, %parallel_loop3A_643 : vector<16xi32>
        %parallel_loop3A_645 = tpu.vector_load_idx %arg27[%parallel_loop3A_49, %parallel_loop3A_644] : memref<64x128xf32, #tpu.memory_space<vmem>>[vector<16xi32>, vector<16xi32>], vector<16xf32>,
        %parallel_loop3A_646 = arith.constant 13 : i32
        %parallel_loop3A_647 = vector.broadcast %parallel_loop3A_646 : i32 to vector<16xi32>
        %parallel_loop3A_648 = arith.addi %parallel_loop3A_81, %parallel_loop3A_647 : vector<16xi32>
        %parallel_loop3A_649 = tpu.vector_load_idx %arg28[%parallel_loop3A_49, %parallel_loop3A_648] : memref<64x128xf32, #tpu.memory_space<vmem>>[vector<16xi32>, vector<16xi32>], vector<16xf32>,
        %parallel_loop3A_650 = arith.constant 13 : i32
        %parallel_loop3A_651 = vector.broadcast %parallel_loop3A_650 : i32 to vector<16xi32>
        %parallel_loop3A_652 = arith.addi %parallel_loop3A_86, %parallel_loop3A_651 : vector<16xi32>
        %parallel_loop3A_653 = tpu.vector_load_idx %arg29[%parallel_loop3A_652] : memref<32000xf32, #tpu.memory_space<vmem>>[vector<16xi32>], vector<16xf32>,
        %parallel_loop3A_654 = arith.constant 13 : i32
        %parallel_loop3A_655 = vector.broadcast %parallel_loop3A_654 : i32 to vector<16xi32>
        %parallel_loop3A_656 = arith.addi %parallel_loop3A_91, %parallel_loop3A_655 : vector<16xi32>
        %parallel_loop3A_657 = tpu.vector_load_idx %arg30[%parallel_loop3A_656] : memref<23424xf32, #tpu.memory_space<vmem>>[vector<16xi32>], vector<16xf32>,
        %parallel_loop3A_658 = arith.constant 13 : i32
        %parallel_loop3A_659 = vector.broadcast %parallel_loop3A_658 : i32 to vector<16xi32>
        %parallel_loop3A_660 = arith.addi %parallel_loop3A_96, %parallel_loop3A_659 : vector<16xi32>
        %parallel_loop3A_661 = tpu.vector_load_idx %arg30[%parallel_loop3A_660] : memref<23424xf32, #tpu.memory_space<vmem>>[vector<16xi32>], vector<16xf32>,
        %parallel_loop3A_662 = arith.addf %parallel_loop3A_657, %parallel_loop3A_661 : vector<16xf32>
        %parallel_loop3A_663 = arith.constant 5.000000e-01 : f32
        %parallel_loop3A_664 = vector.broadcast %parallel_loop3A_663 : f32 to vector<16xf32>
        %parallel_loop3A_665 = arith.mulf %parallel_loop3A_664, %parallel_loop3A_662 : vector<16xf32>
        %parallel_loop3A_666 = arith.addf %parallel_loop3A_653, %parallel_loop3A_665 : vector<16xf32>
        %parallel_loop3A_667 = arith.addf %parallel_loop3A_637, %parallel_loop3A_666 : vector<16xf32>
        %parallel_loop3A_668 = arith.subf %parallel_loop3A_667, %parallel_loop3A_641 : vector<16xf32>
        %parallel_loop3A_669 = math.absf %parallel_loop3A_668 : vector<16xf32>
        %parallel_loop3A_670 = arith.addf %parallel_loop3A_629, %parallel_loop3A_669 : vector<16xf32>
        %parallel_loop3A_671 = arith.addf %parallel_loop3A_645, %parallel_loop3A_666 : vector<16xf32>
        %parallel_loop3A_672 = arith.subf %parallel_loop3A_671, %parallel_loop3A_649 : vector<16xf32>
        %parallel_loop3A_673 = math.absf %parallel_loop3A_672 : vector<16xf32>
        %parallel_loop3A_674 = arith.addf %parallel_loop3A_633, %parallel_loop3A_673 : vector<16xf32>
        %parallel_loop3A_675 = arith.constant 14 : i32
        %parallel_loop3A_676 = vector.broadcast %parallel_loop3A_675 : i32 to vector<16xi32>
        %parallel_loop3A_677 = arith.addi %parallel_loop3A_57, %parallel_loop3A_676 : vector<16xi32>
        %parallel_loop3A_678 = tpu.vector_load_idx %arg25[%parallel_loop3A_49, %parallel_loop3A_677] : memref<64x128xf32, #tpu.memory_space<vmem>>[vector<16xi32>, vector<16xi32>], vector<16xf32>,
        %parallel_loop3A_679 = arith.constant 14 : i32
        %parallel_loop3A_680 = vector.broadcast %parallel_loop3A_679 : i32 to vector<16xi32>
        %parallel_loop3A_681 = arith.addi %parallel_loop3A_65, %parallel_loop3A_680 : vector<16xi32>
        %parallel_loop3A_682 = tpu.vector_load_idx %arg26[%parallel_loop3A_49, %parallel_loop3A_681] : memref<64x128xf32, #tpu.memory_space<vmem>>[vector<16xi32>, vector<16xi32>], vector<16xf32>,
        %parallel_loop3A_683 = arith.constant 14 : i32
        %parallel_loop3A_684 = vector.broadcast %parallel_loop3A_683 : i32 to vector<16xi32>
        %parallel_loop3A_685 = arith.addi %parallel_loop3A_73, %parallel_loop3A_684 : vector<16xi32>
        %parallel_loop3A_686 = tpu.vector_load_idx %arg27[%parallel_loop3A_49, %parallel_loop3A_685] : memref<64x128xf32, #tpu.memory_space<vmem>>[vector<16xi32>, vector<16xi32>], vector<16xf32>,
        %parallel_loop3A_687 = arith.constant 14 : i32
        %parallel_loop3A_688 = vector.broadcast %parallel_loop3A_687 : i32 to vector<16xi32>
        %parallel_loop3A_689 = arith.addi %parallel_loop3A_81, %parallel_loop3A_688 : vector<16xi32>
        %parallel_loop3A_690 = tpu.vector_load_idx %arg28[%parallel_loop3A_49, %parallel_loop3A_689] : memref<64x128xf32, #tpu.memory_space<vmem>>[vector<16xi32>, vector<16xi32>], vector<16xf32>,
        %parallel_loop3A_691 = arith.constant 14 : i32
        %parallel_loop3A_692 = vector.broadcast %parallel_loop3A_691 : i32 to vector<16xi32>
        %parallel_loop3A_693 = arith.addi %parallel_loop3A_86, %parallel_loop3A_692 : vector<16xi32>
        %parallel_loop3A_694 = tpu.vector_load_idx %arg29[%parallel_loop3A_693] : memref<32000xf32, #tpu.memory_space<vmem>>[vector<16xi32>], vector<16xf32>,
        %parallel_loop3A_695 = arith.constant 14 : i32
        %parallel_loop3A_696 = vector.broadcast %parallel_loop3A_695 : i32 to vector<16xi32>
        %parallel_loop3A_697 = arith.addi %parallel_loop3A_91, %parallel_loop3A_696 : vector<16xi32>
        %parallel_loop3A_698 = tpu.vector_load_idx %arg30[%parallel_loop3A_697] : memref<23424xf32, #tpu.memory_space<vmem>>[vector<16xi32>], vector<16xf32>,
        %parallel_loop3A_699 = arith.constant 14 : i32
        %parallel_loop3A_700 = vector.broadcast %parallel_loop3A_699 : i32 to vector<16xi32>
        %parallel_loop3A_701 = arith.addi %parallel_loop3A_96, %parallel_loop3A_700 : vector<16xi32>
        %parallel_loop3A_702 = tpu.vector_load_idx %arg30[%parallel_loop3A_701] : memref<23424xf32, #tpu.memory_space<vmem>>[vector<16xi32>], vector<16xf32>,
        %parallel_loop3A_703 = arith.addf %parallel_loop3A_698, %parallel_loop3A_702 : vector<16xf32>
        %parallel_loop3A_704 = arith.constant 5.000000e-01 : f32
        %parallel_loop3A_705 = vector.broadcast %parallel_loop3A_704 : f32 to vector<16xf32>
        %parallel_loop3A_706 = arith.mulf %parallel_loop3A_705, %parallel_loop3A_703 : vector<16xf32>
        %parallel_loop3A_707 = arith.addf %parallel_loop3A_694, %parallel_loop3A_706 : vector<16xf32>
        %parallel_loop3A_708 = arith.addf %parallel_loop3A_678, %parallel_loop3A_707 : vector<16xf32>
        %parallel_loop3A_709 = arith.subf %parallel_loop3A_708, %parallel_loop3A_682 : vector<16xf32>
        %parallel_loop3A_710 = math.absf %parallel_loop3A_709 : vector<16xf32>
        %parallel_loop3A_711 = arith.addf %parallel_loop3A_670, %parallel_loop3A_710 : vector<16xf32>
        %parallel_loop3A_712 = arith.addf %parallel_loop3A_686, %parallel_loop3A_707 : vector<16xf32>
        %parallel_loop3A_713 = arith.subf %parallel_loop3A_712, %parallel_loop3A_690 : vector<16xf32>
        %parallel_loop3A_714 = math.absf %parallel_loop3A_713 : vector<16xf32>
        %parallel_loop3A_715 = arith.addf %parallel_loop3A_674, %parallel_loop3A_714 : vector<16xf32>
        %parallel_loop3A_716 = arith.constant 15 : i32
        %parallel_loop3A_717 = vector.broadcast %parallel_loop3A_716 : i32 to vector<16xi32>
        %parallel_loop3A_718 = arith.addi %parallel_loop3A_57, %parallel_loop3A_717 : vector<16xi32>
        %parallel_loop3A_719 = tpu.vector_load_idx %arg25[%parallel_loop3A_49, %parallel_loop3A_718] : memref<64x128xf32, #tpu.memory_space<vmem>>[vector<16xi32>, vector<16xi32>], vector<16xf32>,
        %parallel_loop3A_720 = arith.constant 15 : i32
        %parallel_loop3A_721 = vector.broadcast %parallel_loop3A_720 : i32 to vector<16xi32>
        %parallel_loop3A_722 = arith.addi %parallel_loop3A_65, %parallel_loop3A_721 : vector<16xi32>
        %parallel_loop3A_723 = tpu.vector_load_idx %arg26[%parallel_loop3A_49, %parallel_loop3A_722] : memref<64x128xf32, #tpu.memory_space<vmem>>[vector<16xi32>, vector<16xi32>], vector<16xf32>,
        %parallel_loop3A_724 = arith.constant 15 : i32
        %parallel_loop3A_725 = vector.broadcast %parallel_loop3A_724 : i32 to vector<16xi32>
        %parallel_loop3A_726 = arith.addi %parallel_loop3A_73, %parallel_loop3A_725 : vector<16xi32>
        %parallel_loop3A_727 = tpu.vector_load_idx %arg27[%parallel_loop3A_49, %parallel_loop3A_726] : memref<64x128xf32, #tpu.memory_space<vmem>>[vector<16xi32>, vector<16xi32>], vector<16xf32>,
        %parallel_loop3A_728 = arith.constant 15 : i32
        %parallel_loop3A_729 = vector.broadcast %parallel_loop3A_728 : i32 to vector<16xi32>
        %parallel_loop3A_730 = arith.addi %parallel_loop3A_81, %parallel_loop3A_729 : vector<16xi32>
        %parallel_loop3A_731 = tpu.vector_load_idx %arg28[%parallel_loop3A_49, %parallel_loop3A_730] : memref<64x128xf32, #tpu.memory_space<vmem>>[vector<16xi32>, vector<16xi32>], vector<16xf32>,
        %parallel_loop3A_732 = arith.constant 15 : i32
        %parallel_loop3A_733 = vector.broadcast %parallel_loop3A_732 : i32 to vector<16xi32>
        %parallel_loop3A_734 = arith.addi %parallel_loop3A_86, %parallel_loop3A_733 : vector<16xi32>
        %parallel_loop3A_735 = tpu.vector_load_idx %arg29[%parallel_loop3A_734] : memref<32000xf32, #tpu.memory_space<vmem>>[vector<16xi32>], vector<16xf32>,
        %parallel_loop3A_736 = arith.constant 15 : i32
        %parallel_loop3A_737 = vector.broadcast %parallel_loop3A_736 : i32 to vector<16xi32>
        %parallel_loop3A_738 = arith.addi %parallel_loop3A_91, %parallel_loop3A_737 : vector<16xi32>
        %parallel_loop3A_739 = tpu.vector_load_idx %arg30[%parallel_loop3A_738] : memref<23424xf32, #tpu.memory_space<vmem>>[vector<16xi32>], vector<16xf32>,
        %parallel_loop3A_740 = arith.constant 15 : i32
        %parallel_loop3A_741 = vector.broadcast %parallel_loop3A_740 : i32 to vector<16xi32>
        %parallel_loop3A_742 = arith.addi %parallel_loop3A_96, %parallel_loop3A_741 : vector<16xi32>
        %parallel_loop3A_743 = tpu.vector_load_idx %arg30[%parallel_loop3A_742] : memref<23424xf32, #tpu.memory_space<vmem>>[vector<16xi32>], vector<16xf32>,
        %parallel_loop3A_744 = arith.addf %parallel_loop3A_739, %parallel_loop3A_743 : vector<16xf32>
        %parallel_loop3A_745 = arith.constant 5.000000e-01 : f32
        %parallel_loop3A_746 = vector.broadcast %parallel_loop3A_745 : f32 to vector<16xf32>
        %parallel_loop3A_747 = arith.mulf %parallel_loop3A_746, %parallel_loop3A_744 : vector<16xf32>
        %parallel_loop3A_748 = arith.addf %parallel_loop3A_735, %parallel_loop3A_747 : vector<16xf32>
        %parallel_loop3A_749 = arith.addf %parallel_loop3A_719, %parallel_loop3A_748 : vector<16xf32>
        %parallel_loop3A_750 = arith.subf %parallel_loop3A_749, %parallel_loop3A_723 : vector<16xf32>
        %parallel_loop3A_751 = math.absf %parallel_loop3A_750 : vector<16xf32>
        %parallel_loop3A_752 = arith.addf %parallel_loop3A_711, %parallel_loop3A_751 : vector<16xf32>
        %parallel_loop3A_753 = arith.addf %parallel_loop3A_727, %parallel_loop3A_748 : vector<16xf32>
        %parallel_loop3A_754 = arith.subf %parallel_loop3A_753, %parallel_loop3A_731 : vector<16xf32>
        %parallel_loop3A_755 = math.absf %parallel_loop3A_754 : vector<16xf32>
        %parallel_loop3A_756 = arith.addf %parallel_loop3A_715, %parallel_loop3A_755 : vector<16xf32>
        %parallel_loop3A_757 = arith.constant 16 : i32
        %parallel_loop3A_758 = vector.broadcast %parallel_loop3A_757 : i32 to vector<16xi32>
        %parallel_loop3A_759 = arith.addi %parallel_loop3A_57, %parallel_loop3A_758 : vector<16xi32>
        %parallel_loop3A_760 = tpu.vector_load_idx %arg25[%parallel_loop3A_49, %parallel_loop3A_759] : memref<64x128xf32, #tpu.memory_space<vmem>>[vector<16xi32>, vector<16xi32>], vector<16xf32>,
        %parallel_loop3A_761 = arith.constant 16 : i32
        %parallel_loop3A_762 = vector.broadcast %parallel_loop3A_761 : i32 to vector<16xi32>
        %parallel_loop3A_763 = arith.addi %parallel_loop3A_65, %parallel_loop3A_762 : vector<16xi32>
        %parallel_loop3A_764 = tpu.vector_load_idx %arg26[%parallel_loop3A_49, %parallel_loop3A_763] : memref<64x128xf32, #tpu.memory_space<vmem>>[vector<16xi32>, vector<16xi32>], vector<16xf32>,
        %parallel_loop3A_765 = arith.constant 16 : i32
        %parallel_loop3A_766 = vector.broadcast %parallel_loop3A_765 : i32 to vector<16xi32>
        %parallel_loop3A_767 = arith.addi %parallel_loop3A_73, %parallel_loop3A_766 : vector<16xi32>
        %parallel_loop3A_768 = tpu.vector_load_idx %arg27[%parallel_loop3A_49, %parallel_loop3A_767] : memref<64x128xf32, #tpu.memory_space<vmem>>[vector<16xi32>, vector<16xi32>], vector<16xf32>,
        %parallel_loop3A_769 = arith.constant 16 : i32
        %parallel_loop3A_770 = vector.broadcast %parallel_loop3A_769 : i32 to vector<16xi32>
        %parallel_loop3A_771 = arith.addi %parallel_loop3A_81, %parallel_loop3A_770 : vector<16xi32>
        %parallel_loop3A_772 = tpu.vector_load_idx %arg28[%parallel_loop3A_49, %parallel_loop3A_771] : memref<64x128xf32, #tpu.memory_space<vmem>>[vector<16xi32>, vector<16xi32>], vector<16xf32>,
        %parallel_loop3A_773 = arith.constant 16 : i32
        %parallel_loop3A_774 = vector.broadcast %parallel_loop3A_773 : i32 to vector<16xi32>
        %parallel_loop3A_775 = arith.addi %parallel_loop3A_86, %parallel_loop3A_774 : vector<16xi32>
        %parallel_loop3A_776 = tpu.vector_load_idx %arg29[%parallel_loop3A_775] : memref<32000xf32, #tpu.memory_space<vmem>>[vector<16xi32>], vector<16xf32>,
        %parallel_loop3A_777 = arith.constant 16 : i32
        %parallel_loop3A_778 = vector.broadcast %parallel_loop3A_777 : i32 to vector<16xi32>
        %parallel_loop3A_779 = arith.addi %parallel_loop3A_91, %parallel_loop3A_778 : vector<16xi32>
        %parallel_loop3A_780 = tpu.vector_load_idx %arg30[%parallel_loop3A_779] : memref<23424xf32, #tpu.memory_space<vmem>>[vector<16xi32>], vector<16xf32>,
        %parallel_loop3A_781 = arith.constant 16 : i32
        %parallel_loop3A_782 = vector.broadcast %parallel_loop3A_781 : i32 to vector<16xi32>
        %parallel_loop3A_783 = arith.addi %parallel_loop3A_96, %parallel_loop3A_782 : vector<16xi32>
        %parallel_loop3A_784 = tpu.vector_load_idx %arg30[%parallel_loop3A_783] : memref<23424xf32, #tpu.memory_space<vmem>>[vector<16xi32>], vector<16xf32>,
        %parallel_loop3A_785 = arith.addf %parallel_loop3A_780, %parallel_loop3A_784 : vector<16xf32>
        %parallel_loop3A_786 = arith.constant 5.000000e-01 : f32
        %parallel_loop3A_787 = vector.broadcast %parallel_loop3A_786 : f32 to vector<16xf32>
        %parallel_loop3A_788 = arith.mulf %parallel_loop3A_787, %parallel_loop3A_785 : vector<16xf32>
        %parallel_loop3A_789 = arith.addf %parallel_loop3A_776, %parallel_loop3A_788 : vector<16xf32>
        %parallel_loop3A_790 = arith.addf %parallel_loop3A_760, %parallel_loop3A_789 : vector<16xf32>
        %parallel_loop3A_791 = arith.subf %parallel_loop3A_790, %parallel_loop3A_764 : vector<16xf32>
        %parallel_loop3A_792 = math.absf %parallel_loop3A_791 : vector<16xf32>
        %parallel_loop3A_793 = arith.addf %parallel_loop3A_752, %parallel_loop3A_792 : vector<16xf32>
        %parallel_loop3A_794 = arith.addf %parallel_loop3A_768, %parallel_loop3A_789 : vector<16xf32>
        %parallel_loop3A_795 = arith.subf %parallel_loop3A_794, %parallel_loop3A_772 : vector<16xf32>
        %parallel_loop3A_796 = math.absf %parallel_loop3A_795 : vector<16xf32>
        %parallel_loop3A_797 = arith.addf %parallel_loop3A_756, %parallel_loop3A_796 : vector<16xf32>
        %parallel_loop3A_798 = arith.constant 17 : i32
        %parallel_loop3A_799 = vector.broadcast %parallel_loop3A_798 : i32 to vector<16xi32>
        %parallel_loop3A_800 = arith.addi %parallel_loop3A_57, %parallel_loop3A_799 : vector<16xi32>
        %parallel_loop3A_801 = tpu.vector_load_idx %arg25[%parallel_loop3A_49, %parallel_loop3A_800] : memref<64x128xf32, #tpu.memory_space<vmem>>[vector<16xi32>, vector<16xi32>], vector<16xf32>,
        %parallel_loop3A_802 = arith.constant 17 : i32
        %parallel_loop3A_803 = vector.broadcast %parallel_loop3A_802 : i32 to vector<16xi32>
        %parallel_loop3A_804 = arith.addi %parallel_loop3A_65, %parallel_loop3A_803 : vector<16xi32>
        %parallel_loop3A_805 = tpu.vector_load_idx %arg26[%parallel_loop3A_49, %parallel_loop3A_804] : memref<64x128xf32, #tpu.memory_space<vmem>>[vector<16xi32>, vector<16xi32>], vector<16xf32>,
        %parallel_loop3A_806 = arith.constant 17 : i32
        %parallel_loop3A_807 = vector.broadcast %parallel_loop3A_806 : i32 to vector<16xi32>
        %parallel_loop3A_808 = arith.addi %parallel_loop3A_73, %parallel_loop3A_807 : vector<16xi32>
        %parallel_loop3A_809 = tpu.vector_load_idx %arg27[%parallel_loop3A_49, %parallel_loop3A_808] : memref<64x128xf32, #tpu.memory_space<vmem>>[vector<16xi32>, vector<16xi32>], vector<16xf32>,
        %parallel_loop3A_810 = arith.constant 17 : i32
        %parallel_loop3A_811 = vector.broadcast %parallel_loop3A_810 : i32 to vector<16xi32>
        %parallel_loop3A_812 = arith.addi %parallel_loop3A_81, %parallel_loop3A_811 : vector<16xi32>
        %parallel_loop3A_813 = tpu.vector_load_idx %arg28[%parallel_loop3A_49, %parallel_loop3A_812] : memref<64x128xf32, #tpu.memory_space<vmem>>[vector<16xi32>, vector<16xi32>], vector<16xf32>,
        %parallel_loop3A_814 = arith.constant 17 : i32
        %parallel_loop3A_815 = vector.broadcast %parallel_loop3A_814 : i32 to vector<16xi32>
        %parallel_loop3A_816 = arith.addi %parallel_loop3A_86, %parallel_loop3A_815 : vector<16xi32>
        %parallel_loop3A_817 = tpu.vector_load_idx %arg29[%parallel_loop3A_816] : memref<32000xf32, #tpu.memory_space<vmem>>[vector<16xi32>], vector<16xf32>,
        %parallel_loop3A_818 = arith.constant 17 : i32
        %parallel_loop3A_819 = vector.broadcast %parallel_loop3A_818 : i32 to vector<16xi32>
        %parallel_loop3A_820 = arith.addi %parallel_loop3A_91, %parallel_loop3A_819 : vector<16xi32>
        %parallel_loop3A_821 = tpu.vector_load_idx %arg30[%parallel_loop3A_820] : memref<23424xf32, #tpu.memory_space<vmem>>[vector<16xi32>], vector<16xf32>,
        %parallel_loop3A_822 = arith.constant 17 : i32
        %parallel_loop3A_823 = vector.broadcast %parallel_loop3A_822 : i32 to vector<16xi32>
        %parallel_loop3A_824 = arith.addi %parallel_loop3A_96, %parallel_loop3A_823 : vector<16xi32>
        %parallel_loop3A_825 = tpu.vector_load_idx %arg30[%parallel_loop3A_824] : memref<23424xf32, #tpu.memory_space<vmem>>[vector<16xi32>], vector<16xf32>,
        %parallel_loop3A_826 = arith.addf %parallel_loop3A_821, %parallel_loop3A_825 : vector<16xf32>
        %parallel_loop3A_827 = arith.constant 5.000000e-01 : f32
        %parallel_loop3A_828 = vector.broadcast %parallel_loop3A_827 : f32 to vector<16xf32>
        %parallel_loop3A_829 = arith.mulf %parallel_loop3A_828, %parallel_loop3A_826 : vector<16xf32>
        %parallel_loop3A_830 = arith.addf %parallel_loop3A_817, %parallel_loop3A_829 : vector<16xf32>
        %parallel_loop3A_831 = arith.addf %parallel_loop3A_801, %parallel_loop3A_830 : vector<16xf32>
        %parallel_loop3A_832 = arith.subf %parallel_loop3A_831, %parallel_loop3A_805 : vector<16xf32>
        %parallel_loop3A_833 = math.absf %parallel_loop3A_832 : vector<16xf32>
        %parallel_loop3A_834 = arith.addf %parallel_loop3A_793, %parallel_loop3A_833 : vector<16xf32>
        %parallel_loop3A_835 = arith.addf %parallel_loop3A_809, %parallel_loop3A_830 : vector<16xf32>
        %parallel_loop3A_836 = arith.subf %parallel_loop3A_835, %parallel_loop3A_813 : vector<16xf32>
        %parallel_loop3A_837 = math.absf %parallel_loop3A_836 : vector<16xf32>
        %parallel_loop3A_838 = arith.addf %parallel_loop3A_797, %parallel_loop3A_837 : vector<16xf32>
        %parallel_loop3A_839 = arith.constant 18 : i32
        %parallel_loop3A_840 = vector.broadcast %parallel_loop3A_839 : i32 to vector<16xi32>
        %parallel_loop3A_841 = arith.addi %parallel_loop3A_57, %parallel_loop3A_840 : vector<16xi32>
        %parallel_loop3A_842 = tpu.vector_load_idx %arg25[%parallel_loop3A_49, %parallel_loop3A_841] : memref<64x128xf32, #tpu.memory_space<vmem>>[vector<16xi32>, vector<16xi32>], vector<16xf32>,
        %parallel_loop3A_843 = arith.constant 18 : i32
        %parallel_loop3A_844 = vector.broadcast %parallel_loop3A_843 : i32 to vector<16xi32>
        %parallel_loop3A_845 = arith.addi %parallel_loop3A_65, %parallel_loop3A_844 : vector<16xi32>
        %parallel_loop3A_846 = tpu.vector_load_idx %arg26[%parallel_loop3A_49, %parallel_loop3A_845] : memref<64x128xf32, #tpu.memory_space<vmem>>[vector<16xi32>, vector<16xi32>], vector<16xf32>,
        %parallel_loop3A_847 = arith.constant 18 : i32
        %parallel_loop3A_848 = vector.broadcast %parallel_loop3A_847 : i32 to vector<16xi32>
        %parallel_loop3A_849 = arith.addi %parallel_loop3A_73, %parallel_loop3A_848 : vector<16xi32>
        %parallel_loop3A_850 = tpu.vector_load_idx %arg27[%parallel_loop3A_49, %parallel_loop3A_849] : memref<64x128xf32, #tpu.memory_space<vmem>>[vector<16xi32>, vector<16xi32>], vector<16xf32>,
        %parallel_loop3A_851 = arith.constant 18 : i32
        %parallel_loop3A_852 = vector.broadcast %parallel_loop3A_851 : i32 to vector<16xi32>
        %parallel_loop3A_853 = arith.addi %parallel_loop3A_81, %parallel_loop3A_852 : vector<16xi32>
        %parallel_loop3A_854 = tpu.vector_load_idx %arg28[%parallel_loop3A_49, %parallel_loop3A_853] : memref<64x128xf32, #tpu.memory_space<vmem>>[vector<16xi32>, vector<16xi32>], vector<16xf32>,
        %parallel_loop3A_855 = arith.constant 18 : i32
        %parallel_loop3A_856 = vector.broadcast %parallel_loop3A_855 : i32 to vector<16xi32>
        %parallel_loop3A_857 = arith.addi %parallel_loop3A_86, %parallel_loop3A_856 : vector<16xi32>
        %parallel_loop3A_858 = tpu.vector_load_idx %arg29[%parallel_loop3A_857] : memref<32000xf32, #tpu.memory_space<vmem>>[vector<16xi32>], vector<16xf32>,
        %parallel_loop3A_859 = arith.constant 18 : i32
        %parallel_loop3A_860 = vector.broadcast %parallel_loop3A_859 : i32 to vector<16xi32>
        %parallel_loop3A_861 = arith.addi %parallel_loop3A_91, %parallel_loop3A_860 : vector<16xi32>
        %parallel_loop3A_862 = tpu.vector_load_idx %arg30[%parallel_loop3A_861] : memref<23424xf32, #tpu.memory_space<vmem>>[vector<16xi32>], vector<16xf32>,
        %parallel_loop3A_863 = arith.constant 18 : i32
        %parallel_loop3A_864 = vector.broadcast %parallel_loop3A_863 : i32 to vector<16xi32>
        %parallel_loop3A_865 = arith.addi %parallel_loop3A_96, %parallel_loop3A_864 : vector<16xi32>
        %parallel_loop3A_866 = tpu.vector_load_idx %arg30[%parallel_loop3A_865] : memref<23424xf32, #tpu.memory_space<vmem>>[vector<16xi32>], vector<16xf32>,
        %parallel_loop3A_867 = arith.addf %parallel_loop3A_862, %parallel_loop3A_866 : vector<16xf32>
        %parallel_loop3A_868 = arith.constant 5.000000e-01 : f32
        %parallel_loop3A_869 = vector.broadcast %parallel_loop3A_868 : f32 to vector<16xf32>
        %parallel_loop3A_870 = arith.mulf %parallel_loop3A_869, %parallel_loop3A_867 : vector<16xf32>
        %parallel_loop3A_871 = arith.addf %parallel_loop3A_858, %parallel_loop3A_870 : vector<16xf32>
        %parallel_loop3A_872 = arith.addf %parallel_loop3A_842, %parallel_loop3A_871 : vector<16xf32>
        %parallel_loop3A_873 = arith.subf %parallel_loop3A_872, %parallel_loop3A_846 : vector<16xf32>
        %parallel_loop3A_874 = math.absf %parallel_loop3A_873 : vector<16xf32>
        %parallel_loop3A_875 = arith.addf %parallel_loop3A_834, %parallel_loop3A_874 : vector<16xf32>
        %parallel_loop3A_876 = arith.addf %parallel_loop3A_850, %parallel_loop3A_871 : vector<16xf32>
        %parallel_loop3A_877 = arith.subf %parallel_loop3A_876, %parallel_loop3A_854 : vector<16xf32>
        %parallel_loop3A_878 = math.absf %parallel_loop3A_877 : vector<16xf32>
        %parallel_loop3A_879 = arith.addf %parallel_loop3A_838, %parallel_loop3A_878 : vector<16xf32>
        %parallel_loop3A_880 = arith.constant 19 : i32
        %parallel_loop3A_881 = vector.broadcast %parallel_loop3A_880 : i32 to vector<16xi32>
        %parallel_loop3A_882 = arith.addi %parallel_loop3A_57, %parallel_loop3A_881 : vector<16xi32>
        %parallel_loop3A_883 = tpu.vector_load_idx %arg25[%parallel_loop3A_49, %parallel_loop3A_882] : memref<64x128xf32, #tpu.memory_space<vmem>>[vector<16xi32>, vector<16xi32>], vector<16xf32>,
        %parallel_loop3A_884 = arith.constant 19 : i32
        %parallel_loop3A_885 = vector.broadcast %parallel_loop3A_884 : i32 to vector<16xi32>
        %parallel_loop3A_886 = arith.addi %parallel_loop3A_65, %parallel_loop3A_885 : vector<16xi32>
        %parallel_loop3A_887 = tpu.vector_load_idx %arg26[%parallel_loop3A_49, %parallel_loop3A_886] : memref<64x128xf32, #tpu.memory_space<vmem>>[vector<16xi32>, vector<16xi32>], vector<16xf32>,
        %parallel_loop3A_888 = arith.constant 19 : i32
        %parallel_loop3A_889 = vector.broadcast %parallel_loop3A_888 : i32 to vector<16xi32>
        %parallel_loop3A_890 = arith.addi %parallel_loop3A_73, %parallel_loop3A_889 : vector<16xi32>
        %parallel_loop3A_891 = tpu.vector_load_idx %arg27[%parallel_loop3A_49, %parallel_loop3A_890] : memref<64x128xf32, #tpu.memory_space<vmem>>[vector<16xi32>, vector<16xi32>], vector<16xf32>,
        %parallel_loop3A_892 = arith.constant 19 : i32
        %parallel_loop3A_893 = vector.broadcast %parallel_loop3A_892 : i32 to vector<16xi32>
        %parallel_loop3A_894 = arith.addi %parallel_loop3A_81, %parallel_loop3A_893 : vector<16xi32>
        %parallel_loop3A_895 = tpu.vector_load_idx %arg28[%parallel_loop3A_49, %parallel_loop3A_894] : memref<64x128xf32, #tpu.memory_space<vmem>>[vector<16xi32>, vector<16xi32>], vector<16xf32>,
        %parallel_loop3A_896 = arith.constant 19 : i32
        %parallel_loop3A_897 = vector.broadcast %parallel_loop3A_896 : i32 to vector<16xi32>
        %parallel_loop3A_898 = arith.addi %parallel_loop3A_86, %parallel_loop3A_897 : vector<16xi32>
        %parallel_loop3A_899 = tpu.vector_load_idx %arg29[%parallel_loop3A_898] : memref<32000xf32, #tpu.memory_space<vmem>>[vector<16xi32>], vector<16xf32>,
        %parallel_loop3A_900 = arith.constant 19 : i32
        %parallel_loop3A_901 = vector.broadcast %parallel_loop3A_900 : i32 to vector<16xi32>
        %parallel_loop3A_902 = arith.addi %parallel_loop3A_91, %parallel_loop3A_901 : vector<16xi32>
        %parallel_loop3A_903 = tpu.vector_load_idx %arg30[%parallel_loop3A_902] : memref<23424xf32, #tpu.memory_space<vmem>>[vector<16xi32>], vector<16xf32>,
        %parallel_loop3A_904 = arith.constant 19 : i32
        %parallel_loop3A_905 = vector.broadcast %parallel_loop3A_904 : i32 to vector<16xi32>
        %parallel_loop3A_906 = arith.addi %parallel_loop3A_96, %parallel_loop3A_905 : vector<16xi32>
        %parallel_loop3A_907 = tpu.vector_load_idx %arg30[%parallel_loop3A_906] : memref<23424xf32, #tpu.memory_space<vmem>>[vector<16xi32>], vector<16xf32>,
        %parallel_loop3A_908 = arith.addf %parallel_loop3A_903, %parallel_loop3A_907 : vector<16xf32>
        %parallel_loop3A_909 = arith.constant 5.000000e-01 : f32
        %parallel_loop3A_910 = vector.broadcast %parallel_loop3A_909 : f32 to vector<16xf32>
        %parallel_loop3A_911 = arith.mulf %parallel_loop3A_910, %parallel_loop3A_908 : vector<16xf32>
        %parallel_loop3A_912 = arith.addf %parallel_loop3A_899, %parallel_loop3A_911 : vector<16xf32>
        %parallel_loop3A_913 = arith.addf %parallel_loop3A_883, %parallel_loop3A_912 : vector<16xf32>
        %parallel_loop3A_914 = arith.subf %parallel_loop3A_913, %parallel_loop3A_887 : vector<16xf32>
        %parallel_loop3A_915 = math.absf %parallel_loop3A_914 : vector<16xf32>
        %parallel_loop3A_916 = arith.addf %parallel_loop3A_875, %parallel_loop3A_915 : vector<16xf32>
        %parallel_loop3A_917 = arith.addf %parallel_loop3A_891, %parallel_loop3A_912 : vector<16xf32>
        %parallel_loop3A_918 = arith.subf %parallel_loop3A_917, %parallel_loop3A_895 : vector<16xf32>
        %parallel_loop3A_919 = math.absf %parallel_loop3A_918 : vector<16xf32>
        %parallel_loop3A_920 = arith.addf %parallel_loop3A_879, %parallel_loop3A_919 : vector<16xf32>
        %parallel_loop3A_921 = arith.constant 20 : i32
        %parallel_loop3A_922 = vector.broadcast %parallel_loop3A_921 : i32 to vector<16xi32>
        %parallel_loop3A_923 = arith.addi %parallel_loop3A_57, %parallel_loop3A_922 : vector<16xi32>
        %parallel_loop3A_924 = tpu.vector_load_idx %arg25[%parallel_loop3A_49, %parallel_loop3A_923] : memref<64x128xf32, #tpu.memory_space<vmem>>[vector<16xi32>, vector<16xi32>], vector<16xf32>,
        %parallel_loop3A_925 = arith.constant 20 : i32
        %parallel_loop3A_926 = vector.broadcast %parallel_loop3A_925 : i32 to vector<16xi32>
        %parallel_loop3A_927 = arith.addi %parallel_loop3A_65, %parallel_loop3A_926 : vector<16xi32>
        %parallel_loop3A_928 = tpu.vector_load_idx %arg26[%parallel_loop3A_49, %parallel_loop3A_927] : memref<64x128xf32, #tpu.memory_space<vmem>>[vector<16xi32>, vector<16xi32>], vector<16xf32>,
        %parallel_loop3A_929 = arith.constant 20 : i32
        %parallel_loop3A_930 = vector.broadcast %parallel_loop3A_929 : i32 to vector<16xi32>
        %parallel_loop3A_931 = arith.addi %parallel_loop3A_73, %parallel_loop3A_930 : vector<16xi32>
        %parallel_loop3A_932 = tpu.vector_load_idx %arg27[%parallel_loop3A_49, %parallel_loop3A_931] : memref<64x128xf32, #tpu.memory_space<vmem>>[vector<16xi32>, vector<16xi32>], vector<16xf32>,
        %parallel_loop3A_933 = arith.constant 20 : i32
        %parallel_loop3A_934 = vector.broadcast %parallel_loop3A_933 : i32 to vector<16xi32>
        %parallel_loop3A_935 = arith.addi %parallel_loop3A_81, %parallel_loop3A_934 : vector<16xi32>
        %parallel_loop3A_936 = tpu.vector_load_idx %arg28[%parallel_loop3A_49, %parallel_loop3A_935] : memref<64x128xf32, #tpu.memory_space<vmem>>[vector<16xi32>, vector<16xi32>], vector<16xf32>,
        %parallel_loop3A_937 = arith.constant 20 : i32
        %parallel_loop3A_938 = vector.broadcast %parallel_loop3A_937 : i32 to vector<16xi32>
        %parallel_loop3A_939 = arith.addi %parallel_loop3A_86, %parallel_loop3A_938 : vector<16xi32>
        %parallel_loop3A_940 = tpu.vector_load_idx %arg29[%parallel_loop3A_939] : memref<32000xf32, #tpu.memory_space<vmem>>[vector<16xi32>], vector<16xf32>,
        %parallel_loop3A_941 = arith.constant 20 : i32
        %parallel_loop3A_942 = vector.broadcast %parallel_loop3A_941 : i32 to vector<16xi32>
        %parallel_loop3A_943 = arith.addi %parallel_loop3A_91, %parallel_loop3A_942 : vector<16xi32>
        %parallel_loop3A_944 = tpu.vector_load_idx %arg30[%parallel_loop3A_943] : memref<23424xf32, #tpu.memory_space<vmem>>[vector<16xi32>], vector<16xf32>,
        %parallel_loop3A_945 = arith.constant 20 : i32
        %parallel_loop3A_946 = vector.broadcast %parallel_loop3A_945 : i32 to vector<16xi32>
        %parallel_loop3A_947 = arith.addi %parallel_loop3A_96, %parallel_loop3A_946 : vector<16xi32>
        %parallel_loop3A_948 = tpu.vector_load_idx %arg30[%parallel_loop3A_947] : memref<23424xf32, #tpu.memory_space<vmem>>[vector<16xi32>], vector<16xf32>,
        %parallel_loop3A_949 = arith.addf %parallel_loop3A_944, %parallel_loop3A_948 : vector<16xf32>
        %parallel_loop3A_950 = arith.constant 5.000000e-01 : f32
        %parallel_loop3A_951 = vector.broadcast %parallel_loop3A_950 : f32 to vector<16xf32>
        %parallel_loop3A_952 = arith.mulf %parallel_loop3A_951, %parallel_loop3A_949 : vector<16xf32>
        %parallel_loop3A_953 = arith.addf %parallel_loop3A_940, %parallel_loop3A_952 : vector<16xf32>
        %parallel_loop3A_954 = arith.addf %parallel_loop3A_924, %parallel_loop3A_953 : vector<16xf32>
        %parallel_loop3A_955 = arith.subf %parallel_loop3A_954, %parallel_loop3A_928 : vector<16xf32>
        %parallel_loop3A_956 = math.absf %parallel_loop3A_955 : vector<16xf32>
        %parallel_loop3A_957 = arith.addf %parallel_loop3A_916, %parallel_loop3A_956 : vector<16xf32>
        %parallel_loop3A_958 = arith.addf %parallel_loop3A_932, %parallel_loop3A_953 : vector<16xf32>
        %parallel_loop3A_959 = arith.subf %parallel_loop3A_958, %parallel_loop3A_936 : vector<16xf32>
        %parallel_loop3A_960 = math.absf %parallel_loop3A_959 : vector<16xf32>
        %parallel_loop3A_961 = arith.addf %parallel_loop3A_920, %parallel_loop3A_960 : vector<16xf32>
        %parallel_loop3A_962 = arith.constant 21 : i32
        %parallel_loop3A_963 = vector.broadcast %parallel_loop3A_962 : i32 to vector<16xi32>
        %parallel_loop3A_964 = arith.addi %parallel_loop3A_57, %parallel_loop3A_963 : vector<16xi32>
        %parallel_loop3A_965 = tpu.vector_load_idx %arg25[%parallel_loop3A_49, %parallel_loop3A_964] : memref<64x128xf32, #tpu.memory_space<vmem>>[vector<16xi32>, vector<16xi32>], vector<16xf32>,
        %parallel_loop3A_966 = arith.constant 21 : i32
        %parallel_loop3A_967 = vector.broadcast %parallel_loop3A_966 : i32 to vector<16xi32>
        %parallel_loop3A_968 = arith.addi %parallel_loop3A_65, %parallel_loop3A_967 : vector<16xi32>
        %parallel_loop3A_969 = tpu.vector_load_idx %arg26[%parallel_loop3A_49, %parallel_loop3A_968] : memref<64x128xf32, #tpu.memory_space<vmem>>[vector<16xi32>, vector<16xi32>], vector<16xf32>,
        %parallel_loop3A_970 = arith.constant 21 : i32
        %parallel_loop3A_971 = vector.broadcast %parallel_loop3A_970 : i32 to vector<16xi32>
        %parallel_loop3A_972 = arith.addi %parallel_loop3A_73, %parallel_loop3A_971 : vector<16xi32>
        %parallel_loop3A_973 = tpu.vector_load_idx %arg27[%parallel_loop3A_49, %parallel_loop3A_972] : memref<64x128xf32, #tpu.memory_space<vmem>>[vector<16xi32>, vector<16xi32>], vector<16xf32>,
        %parallel_loop3A_974 = arith.constant 21 : i32
        %parallel_loop3A_975 = vector.broadcast %parallel_loop3A_974 : i32 to vector<16xi32>
        %parallel_loop3A_976 = arith.addi %parallel_loop3A_81, %parallel_loop3A_975 : vector<16xi32>
        %parallel_loop3A_977 = tpu.vector_load_idx %arg28[%parallel_loop3A_49, %parallel_loop3A_976] : memref<64x128xf32, #tpu.memory_space<vmem>>[vector<16xi32>, vector<16xi32>], vector<16xf32>,
        %parallel_loop3A_978 = arith.constant 21 : i32
        %parallel_loop3A_979 = vector.broadcast %parallel_loop3A_978 : i32 to vector<16xi32>
        %parallel_loop3A_980 = arith.addi %parallel_loop3A_86, %parallel_loop3A_979 : vector<16xi32>
        %parallel_loop3A_981 = tpu.vector_load_idx %arg29[%parallel_loop3A_980] : memref<32000xf32, #tpu.memory_space<vmem>>[vector<16xi32>], vector<16xf32>,
        %parallel_loop3A_982 = arith.constant 21 : i32
        %parallel_loop3A_983 = vector.broadcast %parallel_loop3A_982 : i32 to vector<16xi32>
        %parallel_loop3A_984 = arith.addi %parallel_loop3A_91, %parallel_loop3A_983 : vector<16xi32>
        %parallel_loop3A_985 = tpu.vector_load_idx %arg30[%parallel_loop3A_984] : memref<23424xf32, #tpu.memory_space<vmem>>[vector<16xi32>], vector<16xf32>,
        %parallel_loop3A_986 = arith.constant 21 : i32
        %parallel_loop3A_987 = vector.broadcast %parallel_loop3A_986 : i32 to vector<16xi32>
        %parallel_loop3A_988 = arith.addi %parallel_loop3A_96, %parallel_loop3A_987 : vector<16xi32>
        %parallel_loop3A_989 = tpu.vector_load_idx %arg30[%parallel_loop3A_988] : memref<23424xf32, #tpu.memory_space<vmem>>[vector<16xi32>], vector<16xf32>,
        %parallel_loop3A_990 = arith.addf %parallel_loop3A_985, %parallel_loop3A_989 : vector<16xf32>
        %parallel_loop3A_991 = arith.constant 5.000000e-01 : f32
        %parallel_loop3A_992 = vector.broadcast %parallel_loop3A_991 : f32 to vector<16xf32>
        %parallel_loop3A_993 = arith.mulf %parallel_loop3A_992, %parallel_loop3A_990 : vector<16xf32>
        %parallel_loop3A_994 = arith.addf %parallel_loop3A_981, %parallel_loop3A_993 : vector<16xf32>
        %parallel_loop3A_995 = arith.addf %parallel_loop3A_965, %parallel_loop3A_994 : vector<16xf32>
        %parallel_loop3A_996 = arith.subf %parallel_loop3A_995, %parallel_loop3A_969 : vector<16xf32>
        %parallel_loop3A_997 = math.absf %parallel_loop3A_996 : vector<16xf32>
        %parallel_loop3A_998 = arith.addf %parallel_loop3A_957, %parallel_loop3A_997 : vector<16xf32>
        %parallel_loop3A_999 = arith.addf %parallel_loop3A_973, %parallel_loop3A_994 : vector<16xf32>
        %parallel_loop3A_1000 = arith.subf %parallel_loop3A_999, %parallel_loop3A_977 : vector<16xf32>
        %parallel_loop3A_1001 = math.absf %parallel_loop3A_1000 : vector<16xf32>
        %parallel_loop3A_1002 = arith.addf %parallel_loop3A_961, %parallel_loop3A_1001 : vector<16xf32>
        %parallel_loop3A_1003 = arith.constant 22 : i32
        %parallel_loop3A_1004 = vector.broadcast %parallel_loop3A_1003 : i32 to vector<16xi32>
        %parallel_loop3A_1005 = arith.addi %parallel_loop3A_57, %parallel_loop3A_1004 : vector<16xi32>
        %parallel_loop3A_1006 = tpu.vector_load_idx %arg25[%parallel_loop3A_49, %parallel_loop3A_1005] : memref<64x128xf32, #tpu.memory_space<vmem>>[vector<16xi32>, vector<16xi32>], vector<16xf32>,
        %parallel_loop3A_1007 = arith.constant 22 : i32
        %parallel_loop3A_1008 = vector.broadcast %parallel_loop3A_1007 : i32 to vector<16xi32>
        %parallel_loop3A_1009 = arith.addi %parallel_loop3A_65, %parallel_loop3A_1008 : vector<16xi32>
        %parallel_loop3A_1010 = tpu.vector_load_idx %arg26[%parallel_loop3A_49, %parallel_loop3A_1009] : memref<64x128xf32, #tpu.memory_space<vmem>>[vector<16xi32>, vector<16xi32>], vector<16xf32>,
        %parallel_loop3A_1011 = arith.constant 22 : i32
        %parallel_loop3A_1012 = vector.broadcast %parallel_loop3A_1011 : i32 to vector<16xi32>
        %parallel_loop3A_1013 = arith.addi %parallel_loop3A_73, %parallel_loop3A_1012 : vector<16xi32>
        %parallel_loop3A_1014 = tpu.vector_load_idx %arg27[%parallel_loop3A_49, %parallel_loop3A_1013] : memref<64x128xf32, #tpu.memory_space<vmem>>[vector<16xi32>, vector<16xi32>], vector<16xf32>,
        %parallel_loop3A_1015 = arith.constant 22 : i32
        %parallel_loop3A_1016 = vector.broadcast %parallel_loop3A_1015 : i32 to vector<16xi32>
        %parallel_loop3A_1017 = arith.addi %parallel_loop3A_81, %parallel_loop3A_1016 : vector<16xi32>
        %parallel_loop3A_1018 = tpu.vector_load_idx %arg28[%parallel_loop3A_49, %parallel_loop3A_1017] : memref<64x128xf32, #tpu.memory_space<vmem>>[vector<16xi32>, vector<16xi32>], vector<16xf32>,
        %parallel_loop3A_1019 = arith.constant 22 : i32
        %parallel_loop3A_1020 = vector.broadcast %parallel_loop3A_1019 : i32 to vector<16xi32>
        %parallel_loop3A_1021 = arith.addi %parallel_loop3A_86, %parallel_loop3A_1020 : vector<16xi32>
        %parallel_loop3A_1022 = tpu.vector_load_idx %arg29[%parallel_loop3A_1021] : memref<32000xf32, #tpu.memory_space<vmem>>[vector<16xi32>], vector<16xf32>,
        %parallel_loop3A_1023 = arith.constant 22 : i32
        %parallel_loop3A_1024 = vector.broadcast %parallel_loop3A_1023 : i32 to vector<16xi32>
        %parallel_loop3A_1025 = arith.addi %parallel_loop3A_91, %parallel_loop3A_1024 : vector<16xi32>
        %parallel_loop3A_1026 = tpu.vector_load_idx %arg30[%parallel_loop3A_1025] : memref<23424xf32, #tpu.memory_space<vmem>>[vector<16xi32>], vector<16xf32>,
        %parallel_loop3A_1027 = arith.constant 22 : i32
        %parallel_loop3A_1028 = vector.broadcast %parallel_loop3A_1027 : i32 to vector<16xi32>
        %parallel_loop3A_1029 = arith.addi %parallel_loop3A_96, %parallel_loop3A_1028 : vector<16xi32>
        %parallel_loop3A_1030 = tpu.vector_load_idx %arg30[%parallel_loop3A_1029] : memref<23424xf32, #tpu.memory_space<vmem>>[vector<16xi32>], vector<16xf32>,
        %parallel_loop3A_1031 = arith.addf %parallel_loop3A_1026, %parallel_loop3A_1030 : vector<16xf32>
        %parallel_loop3A_1032 = arith.constant 5.000000e-01 : f32
        %parallel_loop3A_1033 = vector.broadcast %parallel_loop3A_1032 : f32 to vector<16xf32>
        %parallel_loop3A_1034 = arith.mulf %parallel_loop3A_1033, %parallel_loop3A_1031 : vector<16xf32>
        %parallel_loop3A_1035 = arith.addf %parallel_loop3A_1022, %parallel_loop3A_1034 : vector<16xf32>
        %parallel_loop3A_1036 = arith.addf %parallel_loop3A_1006, %parallel_loop3A_1035 : vector<16xf32>
        %parallel_loop3A_1037 = arith.subf %parallel_loop3A_1036, %parallel_loop3A_1010 : vector<16xf32>
        %parallel_loop3A_1038 = math.absf %parallel_loop3A_1037 : vector<16xf32>
        %parallel_loop3A_1039 = arith.addf %parallel_loop3A_998, %parallel_loop3A_1038 : vector<16xf32>
        %parallel_loop3A_1040 = arith.addf %parallel_loop3A_1014, %parallel_loop3A_1035 : vector<16xf32>
        %parallel_loop3A_1041 = arith.subf %parallel_loop3A_1040, %parallel_loop3A_1018 : vector<16xf32>
        %parallel_loop3A_1042 = math.absf %parallel_loop3A_1041 : vector<16xf32>
        %parallel_loop3A_1043 = arith.addf %parallel_loop3A_1002, %parallel_loop3A_1042 : vector<16xf32>
        %parallel_loop3A_1044 = arith.constant 23 : i32
        %parallel_loop3A_1045 = vector.broadcast %parallel_loop3A_1044 : i32 to vector<16xi32>
        %parallel_loop3A_1046 = arith.addi %parallel_loop3A_57, %parallel_loop3A_1045 : vector<16xi32>
        %parallel_loop3A_1047 = tpu.vector_load_idx %arg25[%parallel_loop3A_49, %parallel_loop3A_1046] : memref<64x128xf32, #tpu.memory_space<vmem>>[vector<16xi32>, vector<16xi32>], vector<16xf32>,
        %parallel_loop3A_1048 = arith.constant 23 : i32
        %parallel_loop3A_1049 = vector.broadcast %parallel_loop3A_1048 : i32 to vector<16xi32>
        %parallel_loop3A_1050 = arith.addi %parallel_loop3A_65, %parallel_loop3A_1049 : vector<16xi32>
        %parallel_loop3A_1051 = tpu.vector_load_idx %arg26[%parallel_loop3A_49, %parallel_loop3A_1050] : memref<64x128xf32, #tpu.memory_space<vmem>>[vector<16xi32>, vector<16xi32>], vector<16xf32>,
        %parallel_loop3A_1052 = arith.constant 23 : i32
        %parallel_loop3A_1053 = vector.broadcast %parallel_loop3A_1052 : i32 to vector<16xi32>
        %parallel_loop3A_1054 = arith.addi %parallel_loop3A_73, %parallel_loop3A_1053 : vector<16xi32>
        %parallel_loop3A_1055 = tpu.vector_load_idx %arg27[%parallel_loop3A_49, %parallel_loop3A_1054] : memref<64x128xf32, #tpu.memory_space<vmem>>[vector<16xi32>, vector<16xi32>], vector<16xf32>,
        %parallel_loop3A_1056 = arith.constant 23 : i32
        %parallel_loop3A_1057 = vector.broadcast %parallel_loop3A_1056 : i32 to vector<16xi32>
        %parallel_loop3A_1058 = arith.addi %parallel_loop3A_81, %parallel_loop3A_1057 : vector<16xi32>
        %parallel_loop3A_1059 = tpu.vector_load_idx %arg28[%parallel_loop3A_49, %parallel_loop3A_1058] : memref<64x128xf32, #tpu.memory_space<vmem>>[vector<16xi32>, vector<16xi32>], vector<16xf32>,
        %parallel_loop3A_1060 = arith.constant 23 : i32
        %parallel_loop3A_1061 = vector.broadcast %parallel_loop3A_1060 : i32 to vector<16xi32>
        %parallel_loop3A_1062 = arith.addi %parallel_loop3A_86, %parallel_loop3A_1061 : vector<16xi32>
        %parallel_loop3A_1063 = tpu.vector_load_idx %arg29[%parallel_loop3A_1062] : memref<32000xf32, #tpu.memory_space<vmem>>[vector<16xi32>], vector<16xf32>,
        %parallel_loop3A_1064 = arith.constant 23 : i32
        %parallel_loop3A_1065 = vector.broadcast %parallel_loop3A_1064 : i32 to vector<16xi32>
        %parallel_loop3A_1066 = arith.addi %parallel_loop3A_91, %parallel_loop3A_1065 : vector<16xi32>
        %parallel_loop3A_1067 = tpu.vector_load_idx %arg30[%parallel_loop3A_1066] : memref<23424xf32, #tpu.memory_space<vmem>>[vector<16xi32>], vector<16xf32>,
        %parallel_loop3A_1068 = arith.constant 23 : i32
        %parallel_loop3A_1069 = vector.broadcast %parallel_loop3A_1068 : i32 to vector<16xi32>
        %parallel_loop3A_1070 = arith.addi %parallel_loop3A_96, %parallel_loop3A_1069 : vector<16xi32>
        %parallel_loop3A_1071 = tpu.vector_load_idx %arg30[%parallel_loop3A_1070] : memref<23424xf32, #tpu.memory_space<vmem>>[vector<16xi32>], vector<16xf32>,
        %parallel_loop3A_1072 = arith.addf %parallel_loop3A_1067, %parallel_loop3A_1071 : vector<16xf32>
        %parallel_loop3A_1073 = arith.constant 5.000000e-01 : f32
        %parallel_loop3A_1074 = vector.broadcast %parallel_loop3A_1073 : f32 to vector<16xf32>
        %parallel_loop3A_1075 = arith.mulf %parallel_loop3A_1074, %parallel_loop3A_1072 : vector<16xf32>
        %parallel_loop3A_1076 = arith.addf %parallel_loop3A_1063, %parallel_loop3A_1075 : vector<16xf32>
        %parallel_loop3A_1077 = arith.addf %parallel_loop3A_1047, %parallel_loop3A_1076 : vector<16xf32>
        %parallel_loop3A_1078 = arith.subf %parallel_loop3A_1077, %parallel_loop3A_1051 : vector<16xf32>
        %parallel_loop3A_1079 = math.absf %parallel_loop3A_1078 : vector<16xf32>
        %parallel_loop3A_1080 = arith.addf %parallel_loop3A_1039, %parallel_loop3A_1079 : vector<16xf32>
        %parallel_loop3A_1081 = arith.addf %parallel_loop3A_1055, %parallel_loop3A_1076 : vector<16xf32>
        %parallel_loop3A_1082 = arith.subf %parallel_loop3A_1081, %parallel_loop3A_1059 : vector<16xf32>
        %parallel_loop3A_1083 = math.absf %parallel_loop3A_1082 : vector<16xf32>
        %parallel_loop3A_1084 = arith.addf %parallel_loop3A_1043, %parallel_loop3A_1083 : vector<16xf32>
        %parallel_loop3A_1085 = arith.constant 24 : i32
        %parallel_loop3A_1086 = vector.broadcast %parallel_loop3A_1085 : i32 to vector<16xi32>
        %parallel_loop3A_1087 = arith.addi %parallel_loop3A_57, %parallel_loop3A_1086 : vector<16xi32>
        %parallel_loop3A_1088 = tpu.vector_load_idx %arg25[%parallel_loop3A_49, %parallel_loop3A_1087] : memref<64x128xf32, #tpu.memory_space<vmem>>[vector<16xi32>, vector<16xi32>], vector<16xf32>,
        %parallel_loop3A_1089 = arith.constant 24 : i32
        %parallel_loop3A_1090 = vector.broadcast %parallel_loop3A_1089 : i32 to vector<16xi32>
        %parallel_loop3A_1091 = arith.addi %parallel_loop3A_65, %parallel_loop3A_1090 : vector<16xi32>
        %parallel_loop3A_1092 = tpu.vector_load_idx %arg26[%parallel_loop3A_49, %parallel_loop3A_1091] : memref<64x128xf32, #tpu.memory_space<vmem>>[vector<16xi32>, vector<16xi32>], vector<16xf32>,
        %parallel_loop3A_1093 = arith.constant 24 : i32
        %parallel_loop3A_1094 = vector.broadcast %parallel_loop3A_1093 : i32 to vector<16xi32>
        %parallel_loop3A_1095 = arith.addi %parallel_loop3A_73, %parallel_loop3A_1094 : vector<16xi32>
        %parallel_loop3A_1096 = tpu.vector_load_idx %arg27[%parallel_loop3A_49, %parallel_loop3A_1095] : memref<64x128xf32, #tpu.memory_space<vmem>>[vector<16xi32>, vector<16xi32>], vector<16xf32>,
        %parallel_loop3A_1097 = arith.constant 24 : i32
        %parallel_loop3A_1098 = vector.broadcast %parallel_loop3A_1097 : i32 to vector<16xi32>
        %parallel_loop3A_1099 = arith.addi %parallel_loop3A_81, %parallel_loop3A_1098 : vector<16xi32>
        %parallel_loop3A_1100 = tpu.vector_load_idx %arg28[%parallel_loop3A_49, %parallel_loop3A_1099] : memref<64x128xf32, #tpu.memory_space<vmem>>[vector<16xi32>, vector<16xi32>], vector<16xf32>,
        %parallel_loop3A_1101 = arith.constant 24 : i32
        %parallel_loop3A_1102 = vector.broadcast %parallel_loop3A_1101 : i32 to vector<16xi32>
        %parallel_loop3A_1103 = arith.addi %parallel_loop3A_86, %parallel_loop3A_1102 : vector<16xi32>
        %parallel_loop3A_1104 = tpu.vector_load_idx %arg29[%parallel_loop3A_1103] : memref<32000xf32, #tpu.memory_space<vmem>>[vector<16xi32>], vector<16xf32>,
        %parallel_loop3A_1105 = arith.constant 24 : i32
        %parallel_loop3A_1106 = vector.broadcast %parallel_loop3A_1105 : i32 to vector<16xi32>
        %parallel_loop3A_1107 = arith.addi %parallel_loop3A_91, %parallel_loop3A_1106 : vector<16xi32>
        %parallel_loop3A_1108 = tpu.vector_load_idx %arg30[%parallel_loop3A_1107] : memref<23424xf32, #tpu.memory_space<vmem>>[vector<16xi32>], vector<16xf32>,
        %parallel_loop3A_1109 = arith.constant 24 : i32
        %parallel_loop3A_1110 = vector.broadcast %parallel_loop3A_1109 : i32 to vector<16xi32>
        %parallel_loop3A_1111 = arith.addi %parallel_loop3A_96, %parallel_loop3A_1110 : vector<16xi32>
        %parallel_loop3A_1112 = tpu.vector_load_idx %arg30[%parallel_loop3A_1111] : memref<23424xf32, #tpu.memory_space<vmem>>[vector<16xi32>], vector<16xf32>,
        %parallel_loop3A_1113 = arith.addf %parallel_loop3A_1108, %parallel_loop3A_1112 : vector<16xf32>
        %parallel_loop3A_1114 = arith.constant 5.000000e-01 : f32
        %parallel_loop3A_1115 = vector.broadcast %parallel_loop3A_1114 : f32 to vector<16xf32>
        %parallel_loop3A_1116 = arith.mulf %parallel_loop3A_1115, %parallel_loop3A_1113 : vector<16xf32>
        %parallel_loop3A_1117 = arith.addf %parallel_loop3A_1104, %parallel_loop3A_1116 : vector<16xf32>
        %parallel_loop3A_1118 = arith.addf %parallel_loop3A_1088, %parallel_loop3A_1117 : vector<16xf32>
        %parallel_loop3A_1119 = arith.subf %parallel_loop3A_1118, %parallel_loop3A_1092 : vector<16xf32>
        %parallel_loop3A_1120 = math.absf %parallel_loop3A_1119 : vector<16xf32>
        %parallel_loop3A_1121 = arith.addf %parallel_loop3A_1080, %parallel_loop3A_1120 : vector<16xf32>
        %parallel_loop3A_1122 = arith.addf %parallel_loop3A_1096, %parallel_loop3A_1117 : vector<16xf32>
        %parallel_loop3A_1123 = arith.subf %parallel_loop3A_1122, %parallel_loop3A_1100 : vector<16xf32>
        %parallel_loop3A_1124 = math.absf %parallel_loop3A_1123 : vector<16xf32>
        %parallel_loop3A_1125 = arith.addf %parallel_loop3A_1084, %parallel_loop3A_1124 : vector<16xf32>
        %parallel_loop3A_1126 = arith.constant 25 : i32
        %parallel_loop3A_1127 = vector.broadcast %parallel_loop3A_1126 : i32 to vector<16xi32>
        %parallel_loop3A_1128 = arith.addi %parallel_loop3A_57, %parallel_loop3A_1127 : vector<16xi32>
        %parallel_loop3A_1129 = tpu.vector_load_idx %arg25[%parallel_loop3A_49, %parallel_loop3A_1128] : memref<64x128xf32, #tpu.memory_space<vmem>>[vector<16xi32>, vector<16xi32>], vector<16xf32>,
        %parallel_loop3A_1130 = arith.constant 25 : i32
        %parallel_loop3A_1131 = vector.broadcast %parallel_loop3A_1130 : i32 to vector<16xi32>
        %parallel_loop3A_1132 = arith.addi %parallel_loop3A_65, %parallel_loop3A_1131 : vector<16xi32>
        %parallel_loop3A_1133 = tpu.vector_load_idx %arg26[%parallel_loop3A_49, %parallel_loop3A_1132] : memref<64x128xf32, #tpu.memory_space<vmem>>[vector<16xi32>, vector<16xi32>], vector<16xf32>,
        %parallel_loop3A_1134 = arith.constant 25 : i32
        %parallel_loop3A_1135 = vector.broadcast %parallel_loop3A_1134 : i32 to vector<16xi32>
        %parallel_loop3A_1136 = arith.addi %parallel_loop3A_73, %parallel_loop3A_1135 : vector<16xi32>
        %parallel_loop3A_1137 = tpu.vector_load_idx %arg27[%parallel_loop3A_49, %parallel_loop3A_1136] : memref<64x128xf32, #tpu.memory_space<vmem>>[vector<16xi32>, vector<16xi32>], vector<16xf32>,
        %parallel_loop3A_1138 = arith.constant 25 : i32
        %parallel_loop3A_1139 = vector.broadcast %parallel_loop3A_1138 : i32 to vector<16xi32>
        %parallel_loop3A_1140 = arith.addi %parallel_loop3A_81, %parallel_loop3A_1139 : vector<16xi32>
        %parallel_loop3A_1141 = tpu.vector_load_idx %arg28[%parallel_loop3A_49, %parallel_loop3A_1140] : memref<64x128xf32, #tpu.memory_space<vmem>>[vector<16xi32>, vector<16xi32>], vector<16xf32>,
        %parallel_loop3A_1142 = arith.constant 25 : i32
        %parallel_loop3A_1143 = vector.broadcast %parallel_loop3A_1142 : i32 to vector<16xi32>
        %parallel_loop3A_1144 = arith.addi %parallel_loop3A_86, %parallel_loop3A_1143 : vector<16xi32>
        %parallel_loop3A_1145 = tpu.vector_load_idx %arg29[%parallel_loop3A_1144] : memref<32000xf32, #tpu.memory_space<vmem>>[vector<16xi32>], vector<16xf32>,
        %parallel_loop3A_1146 = arith.constant 25 : i32
        %parallel_loop3A_1147 = vector.broadcast %parallel_loop3A_1146 : i32 to vector<16xi32>
        %parallel_loop3A_1148 = arith.addi %parallel_loop3A_91, %parallel_loop3A_1147 : vector<16xi32>
        %parallel_loop3A_1149 = tpu.vector_load_idx %arg30[%parallel_loop3A_1148] : memref<23424xf32, #tpu.memory_space<vmem>>[vector<16xi32>], vector<16xf32>,
        %parallel_loop3A_1150 = arith.constant 25 : i32
        %parallel_loop3A_1151 = vector.broadcast %parallel_loop3A_1150 : i32 to vector<16xi32>
        %parallel_loop3A_1152 = arith.addi %parallel_loop3A_96, %parallel_loop3A_1151 : vector<16xi32>
        %parallel_loop3A_1153 = tpu.vector_load_idx %arg30[%parallel_loop3A_1152] : memref<23424xf32, #tpu.memory_space<vmem>>[vector<16xi32>], vector<16xf32>,
        %parallel_loop3A_1154 = arith.addf %parallel_loop3A_1149, %parallel_loop3A_1153 : vector<16xf32>
        %parallel_loop3A_1155 = arith.constant 5.000000e-01 : f32
        %parallel_loop3A_1156 = vector.broadcast %parallel_loop3A_1155 : f32 to vector<16xf32>
        %parallel_loop3A_1157 = arith.mulf %parallel_loop3A_1156, %parallel_loop3A_1154 : vector<16xf32>
        %parallel_loop3A_1158 = arith.addf %parallel_loop3A_1145, %parallel_loop3A_1157 : vector<16xf32>
        %parallel_loop3A_1159 = arith.addf %parallel_loop3A_1129, %parallel_loop3A_1158 : vector<16xf32>
        %parallel_loop3A_1160 = arith.subf %parallel_loop3A_1159, %parallel_loop3A_1133 : vector<16xf32>
        %parallel_loop3A_1161 = math.absf %parallel_loop3A_1160 : vector<16xf32>
        %parallel_loop3A_1162 = arith.addf %parallel_loop3A_1121, %parallel_loop3A_1161 : vector<16xf32>
        %parallel_loop3A_1163 = arith.addf %parallel_loop3A_1137, %parallel_loop3A_1158 : vector<16xf32>
        %parallel_loop3A_1164 = arith.subf %parallel_loop3A_1163, %parallel_loop3A_1141 : vector<16xf32>
        %parallel_loop3A_1165 = math.absf %parallel_loop3A_1164 : vector<16xf32>
        %parallel_loop3A_1166 = arith.addf %parallel_loop3A_1125, %parallel_loop3A_1165 : vector<16xf32>
        %parallel_loop3A_1167 = arith.constant 26 : i32
        %parallel_loop3A_1168 = vector.broadcast %parallel_loop3A_1167 : i32 to vector<16xi32>
        %parallel_loop3A_1169 = arith.addi %parallel_loop3A_57, %parallel_loop3A_1168 : vector<16xi32>
        %parallel_loop3A_1170 = tpu.vector_load_idx %arg25[%parallel_loop3A_49, %parallel_loop3A_1169] : memref<64x128xf32, #tpu.memory_space<vmem>>[vector<16xi32>, vector<16xi32>], vector<16xf32>,
        %parallel_loop3A_1171 = arith.constant 26 : i32
        %parallel_loop3A_1172 = vector.broadcast %parallel_loop3A_1171 : i32 to vector<16xi32>
        %parallel_loop3A_1173 = arith.addi %parallel_loop3A_65, %parallel_loop3A_1172 : vector<16xi32>
        %parallel_loop3A_1174 = tpu.vector_load_idx %arg26[%parallel_loop3A_49, %parallel_loop3A_1173] : memref<64x128xf32, #tpu.memory_space<vmem>>[vector<16xi32>, vector<16xi32>], vector<16xf32>,
        %parallel_loop3A_1175 = arith.constant 26 : i32
        %parallel_loop3A_1176 = vector.broadcast %parallel_loop3A_1175 : i32 to vector<16xi32>
        %parallel_loop3A_1177 = arith.addi %parallel_loop3A_73, %parallel_loop3A_1176 : vector<16xi32>
        %parallel_loop3A_1178 = tpu.vector_load_idx %arg27[%parallel_loop3A_49, %parallel_loop3A_1177] : memref<64x128xf32, #tpu.memory_space<vmem>>[vector<16xi32>, vector<16xi32>], vector<16xf32>,
        %parallel_loop3A_1179 = arith.constant 26 : i32
        %parallel_loop3A_1180 = vector.broadcast %parallel_loop3A_1179 : i32 to vector<16xi32>
        %parallel_loop3A_1181 = arith.addi %parallel_loop3A_81, %parallel_loop3A_1180 : vector<16xi32>
        %parallel_loop3A_1182 = tpu.vector_load_idx %arg28[%parallel_loop3A_49, %parallel_loop3A_1181] : memref<64x128xf32, #tpu.memory_space<vmem>>[vector<16xi32>, vector<16xi32>], vector<16xf32>,
        %parallel_loop3A_1183 = arith.constant 26 : i32
        %parallel_loop3A_1184 = vector.broadcast %parallel_loop3A_1183 : i32 to vector<16xi32>
        %parallel_loop3A_1185 = arith.addi %parallel_loop3A_86, %parallel_loop3A_1184 : vector<16xi32>
        %parallel_loop3A_1186 = tpu.vector_load_idx %arg29[%parallel_loop3A_1185] : memref<32000xf32, #tpu.memory_space<vmem>>[vector<16xi32>], vector<16xf32>,
        %parallel_loop3A_1187 = arith.constant 26 : i32
        %parallel_loop3A_1188 = vector.broadcast %parallel_loop3A_1187 : i32 to vector<16xi32>
        %parallel_loop3A_1189 = arith.addi %parallel_loop3A_91, %parallel_loop3A_1188 : vector<16xi32>
        %parallel_loop3A_1190 = tpu.vector_load_idx %arg30[%parallel_loop3A_1189] : memref<23424xf32, #tpu.memory_space<vmem>>[vector<16xi32>], vector<16xf32>,
        %parallel_loop3A_1191 = arith.constant 26 : i32
        %parallel_loop3A_1192 = vector.broadcast %parallel_loop3A_1191 : i32 to vector<16xi32>
        %parallel_loop3A_1193 = arith.addi %parallel_loop3A_96, %parallel_loop3A_1192 : vector<16xi32>
        %parallel_loop3A_1194 = tpu.vector_load_idx %arg30[%parallel_loop3A_1193] : memref<23424xf32, #tpu.memory_space<vmem>>[vector<16xi32>], vector<16xf32>,
        %parallel_loop3A_1195 = arith.addf %parallel_loop3A_1190, %parallel_loop3A_1194 : vector<16xf32>
        %parallel_loop3A_1196 = arith.constant 5.000000e-01 : f32
        %parallel_loop3A_1197 = vector.broadcast %parallel_loop3A_1196 : f32 to vector<16xf32>
        %parallel_loop3A_1198 = arith.mulf %parallel_loop3A_1197, %parallel_loop3A_1195 : vector<16xf32>
        %parallel_loop3A_1199 = arith.addf %parallel_loop3A_1186, %parallel_loop3A_1198 : vector<16xf32>
        %parallel_loop3A_1200 = arith.addf %parallel_loop3A_1170, %parallel_loop3A_1199 : vector<16xf32>
        %parallel_loop3A_1201 = arith.subf %parallel_loop3A_1200, %parallel_loop3A_1174 : vector<16xf32>
        %parallel_loop3A_1202 = math.absf %parallel_loop3A_1201 : vector<16xf32>
        %parallel_loop3A_1203 = arith.addf %parallel_loop3A_1162, %parallel_loop3A_1202 : vector<16xf32>
        %parallel_loop3A_1204 = arith.addf %parallel_loop3A_1178, %parallel_loop3A_1199 : vector<16xf32>
        %parallel_loop3A_1205 = arith.subf %parallel_loop3A_1204, %parallel_loop3A_1182 : vector<16xf32>
        %parallel_loop3A_1206 = math.absf %parallel_loop3A_1205 : vector<16xf32>
        %parallel_loop3A_1207 = arith.addf %parallel_loop3A_1166, %parallel_loop3A_1206 : vector<16xf32>
        %parallel_loop3A_1208 = arith.constant 27 : i32
        %parallel_loop3A_1209 = vector.broadcast %parallel_loop3A_1208 : i32 to vector<16xi32>
        %parallel_loop3A_1210 = arith.addi %parallel_loop3A_57, %parallel_loop3A_1209 : vector<16xi32>
        %parallel_loop3A_1211 = tpu.vector_load_idx %arg25[%parallel_loop3A_49, %parallel_loop3A_1210] : memref<64x128xf32, #tpu.memory_space<vmem>>[vector<16xi32>, vector<16xi32>], vector<16xf32>,
        %parallel_loop3A_1212 = arith.constant 27 : i32
        %parallel_loop3A_1213 = vector.broadcast %parallel_loop3A_1212 : i32 to vector<16xi32>
        %parallel_loop3A_1214 = arith.addi %parallel_loop3A_65, %parallel_loop3A_1213 : vector<16xi32>
        %parallel_loop3A_1215 = tpu.vector_load_idx %arg26[%parallel_loop3A_49, %parallel_loop3A_1214] : memref<64x128xf32, #tpu.memory_space<vmem>>[vector<16xi32>, vector<16xi32>], vector<16xf32>,
        %parallel_loop3A_1216 = arith.constant 27 : i32
        %parallel_loop3A_1217 = vector.broadcast %parallel_loop3A_1216 : i32 to vector<16xi32>
        %parallel_loop3A_1218 = arith.addi %parallel_loop3A_73, %parallel_loop3A_1217 : vector<16xi32>
        %parallel_loop3A_1219 = tpu.vector_load_idx %arg27[%parallel_loop3A_49, %parallel_loop3A_1218] : memref<64x128xf32, #tpu.memory_space<vmem>>[vector<16xi32>, vector<16xi32>], vector<16xf32>,
        %parallel_loop3A_1220 = arith.constant 27 : i32
        %parallel_loop3A_1221 = vector.broadcast %parallel_loop3A_1220 : i32 to vector<16xi32>
        %parallel_loop3A_1222 = arith.addi %parallel_loop3A_81, %parallel_loop3A_1221 : vector<16xi32>
        %parallel_loop3A_1223 = tpu.vector_load_idx %arg28[%parallel_loop3A_49, %parallel_loop3A_1222] : memref<64x128xf32, #tpu.memory_space<vmem>>[vector<16xi32>, vector<16xi32>], vector<16xf32>,
        %parallel_loop3A_1224 = arith.constant 27 : i32
        %parallel_loop3A_1225 = vector.broadcast %parallel_loop3A_1224 : i32 to vector<16xi32>
        %parallel_loop3A_1226 = arith.addi %parallel_loop3A_86, %parallel_loop3A_1225 : vector<16xi32>
        %parallel_loop3A_1227 = tpu.vector_load_idx %arg29[%parallel_loop3A_1226] : memref<32000xf32, #tpu.memory_space<vmem>>[vector<16xi32>], vector<16xf32>,
        %parallel_loop3A_1228 = arith.constant 27 : i32
        %parallel_loop3A_1229 = vector.broadcast %parallel_loop3A_1228 : i32 to vector<16xi32>
        %parallel_loop3A_1230 = arith.addi %parallel_loop3A_91, %parallel_loop3A_1229 : vector<16xi32>
        %parallel_loop3A_1231 = tpu.vector_load_idx %arg30[%parallel_loop3A_1230] : memref<23424xf32, #tpu.memory_space<vmem>>[vector<16xi32>], vector<16xf32>,
        %parallel_loop3A_1232 = arith.constant 27 : i32
        %parallel_loop3A_1233 = vector.broadcast %parallel_loop3A_1232 : i32 to vector<16xi32>
        %parallel_loop3A_1234 = arith.addi %parallel_loop3A_96, %parallel_loop3A_1233 : vector<16xi32>
        %parallel_loop3A_1235 = tpu.vector_load_idx %arg30[%parallel_loop3A_1234] : memref<23424xf32, #tpu.memory_space<vmem>>[vector<16xi32>], vector<16xf32>,
        %parallel_loop3A_1236 = arith.addf %parallel_loop3A_1231, %parallel_loop3A_1235 : vector<16xf32>
        %parallel_loop3A_1237 = arith.constant 5.000000e-01 : f32
        %parallel_loop3A_1238 = vector.broadcast %parallel_loop3A_1237 : f32 to vector<16xf32>
        %parallel_loop3A_1239 = arith.mulf %parallel_loop3A_1238, %parallel_loop3A_1236 : vector<16xf32>
        %parallel_loop3A_1240 = arith.addf %parallel_loop3A_1227, %parallel_loop3A_1239 : vector<16xf32>
        %parallel_loop3A_1241 = arith.addf %parallel_loop3A_1211, %parallel_loop3A_1240 : vector<16xf32>
        %parallel_loop3A_1242 = arith.subf %parallel_loop3A_1241, %parallel_loop3A_1215 : vector<16xf32>
        %parallel_loop3A_1243 = math.absf %parallel_loop3A_1242 : vector<16xf32>
        %parallel_loop3A_1244 = arith.addf %parallel_loop3A_1203, %parallel_loop3A_1243 : vector<16xf32>
        %parallel_loop3A_1245 = arith.addf %parallel_loop3A_1219, %parallel_loop3A_1240 : vector<16xf32>
        %parallel_loop3A_1246 = arith.subf %parallel_loop3A_1245, %parallel_loop3A_1223 : vector<16xf32>
        %parallel_loop3A_1247 = math.absf %parallel_loop3A_1246 : vector<16xf32>
        %parallel_loop3A_1248 = arith.addf %parallel_loop3A_1207, %parallel_loop3A_1247 : vector<16xf32>
        %parallel_loop3A_1249 = arith.constant 28 : i32
        %parallel_loop3A_1250 = vector.broadcast %parallel_loop3A_1249 : i32 to vector<16xi32>
        %parallel_loop3A_1251 = arith.addi %parallel_loop3A_57, %parallel_loop3A_1250 : vector<16xi32>
        %parallel_loop3A_1252 = tpu.vector_load_idx %arg25[%parallel_loop3A_49, %parallel_loop3A_1251] : memref<64x128xf32, #tpu.memory_space<vmem>>[vector<16xi32>, vector<16xi32>], vector<16xf32>,
        %parallel_loop3A_1253 = arith.constant 28 : i32
        %parallel_loop3A_1254 = vector.broadcast %parallel_loop3A_1253 : i32 to vector<16xi32>
        %parallel_loop3A_1255 = arith.addi %parallel_loop3A_65, %parallel_loop3A_1254 : vector<16xi32>
        %parallel_loop3A_1256 = tpu.vector_load_idx %arg26[%parallel_loop3A_49, %parallel_loop3A_1255] : memref<64x128xf32, #tpu.memory_space<vmem>>[vector<16xi32>, vector<16xi32>], vector<16xf32>,
        %parallel_loop3A_1257 = arith.constant 28 : i32
        %parallel_loop3A_1258 = vector.broadcast %parallel_loop3A_1257 : i32 to vector<16xi32>
        %parallel_loop3A_1259 = arith.addi %parallel_loop3A_73, %parallel_loop3A_1258 : vector<16xi32>
        %parallel_loop3A_1260 = tpu.vector_load_idx %arg27[%parallel_loop3A_49, %parallel_loop3A_1259] : memref<64x128xf32, #tpu.memory_space<vmem>>[vector<16xi32>, vector<16xi32>], vector<16xf32>,
        %parallel_loop3A_1261 = arith.constant 28 : i32
        %parallel_loop3A_1262 = vector.broadcast %parallel_loop3A_1261 : i32 to vector<16xi32>
        %parallel_loop3A_1263 = arith.addi %parallel_loop3A_81, %parallel_loop3A_1262 : vector<16xi32>
        %parallel_loop3A_1264 = tpu.vector_load_idx %arg28[%parallel_loop3A_49, %parallel_loop3A_1263] : memref<64x128xf32, #tpu.memory_space<vmem>>[vector<16xi32>, vector<16xi32>], vector<16xf32>,
        %parallel_loop3A_1265 = arith.constant 28 : i32
        %parallel_loop3A_1266 = vector.broadcast %parallel_loop3A_1265 : i32 to vector<16xi32>
        %parallel_loop3A_1267 = arith.addi %parallel_loop3A_86, %parallel_loop3A_1266 : vector<16xi32>
        %parallel_loop3A_1268 = tpu.vector_load_idx %arg29[%parallel_loop3A_1267] : memref<32000xf32, #tpu.memory_space<vmem>>[vector<16xi32>], vector<16xf32>,
        %parallel_loop3A_1269 = arith.constant 28 : i32
        %parallel_loop3A_1270 = vector.broadcast %parallel_loop3A_1269 : i32 to vector<16xi32>
        %parallel_loop3A_1271 = arith.addi %parallel_loop3A_91, %parallel_loop3A_1270 : vector<16xi32>
        %parallel_loop3A_1272 = tpu.vector_load_idx %arg30[%parallel_loop3A_1271] : memref<23424xf32, #tpu.memory_space<vmem>>[vector<16xi32>], vector<16xf32>,
        %parallel_loop3A_1273 = arith.constant 28 : i32
        %parallel_loop3A_1274 = vector.broadcast %parallel_loop3A_1273 : i32 to vector<16xi32>
        %parallel_loop3A_1275 = arith.addi %parallel_loop3A_96, %parallel_loop3A_1274 : vector<16xi32>
        %parallel_loop3A_1276 = tpu.vector_load_idx %arg30[%parallel_loop3A_1275] : memref<23424xf32, #tpu.memory_space<vmem>>[vector<16xi32>], vector<16xf32>,
        %parallel_loop3A_1277 = arith.addf %parallel_loop3A_1272, %parallel_loop3A_1276 : vector<16xf32>
        %parallel_loop3A_1278 = arith.constant 5.000000e-01 : f32
        %parallel_loop3A_1279 = vector.broadcast %parallel_loop3A_1278 : f32 to vector<16xf32>
        %parallel_loop3A_1280 = arith.mulf %parallel_loop3A_1279, %parallel_loop3A_1277 : vector<16xf32>
        %parallel_loop3A_1281 = arith.addf %parallel_loop3A_1268, %parallel_loop3A_1280 : vector<16xf32>
        %parallel_loop3A_1282 = arith.addf %parallel_loop3A_1252, %parallel_loop3A_1281 : vector<16xf32>
        %parallel_loop3A_1283 = arith.subf %parallel_loop3A_1282, %parallel_loop3A_1256 : vector<16xf32>
        %parallel_loop3A_1284 = math.absf %parallel_loop3A_1283 : vector<16xf32>
        %parallel_loop3A_1285 = arith.addf %parallel_loop3A_1244, %parallel_loop3A_1284 : vector<16xf32>
        %parallel_loop3A_1286 = arith.addf %parallel_loop3A_1260, %parallel_loop3A_1281 : vector<16xf32>
        %parallel_loop3A_1287 = arith.subf %parallel_loop3A_1286, %parallel_loop3A_1264 : vector<16xf32>
        %parallel_loop3A_1288 = math.absf %parallel_loop3A_1287 : vector<16xf32>
        %parallel_loop3A_1289 = arith.addf %parallel_loop3A_1248, %parallel_loop3A_1288 : vector<16xf32>
        %parallel_loop3A_1290 = arith.constant 29 : i32
        %parallel_loop3A_1291 = vector.broadcast %parallel_loop3A_1290 : i32 to vector<16xi32>
        %parallel_loop3A_1292 = arith.addi %parallel_loop3A_57, %parallel_loop3A_1291 : vector<16xi32>
        %parallel_loop3A_1293 = tpu.vector_load_idx %arg25[%parallel_loop3A_49, %parallel_loop3A_1292] : memref<64x128xf32, #tpu.memory_space<vmem>>[vector<16xi32>, vector<16xi32>], vector<16xf32>,
        %parallel_loop3A_1294 = arith.constant 29 : i32
        %parallel_loop3A_1295 = vector.broadcast %parallel_loop3A_1294 : i32 to vector<16xi32>
        %parallel_loop3A_1296 = arith.addi %parallel_loop3A_65, %parallel_loop3A_1295 : vector<16xi32>
        %parallel_loop3A_1297 = tpu.vector_load_idx %arg26[%parallel_loop3A_49, %parallel_loop3A_1296] : memref<64x128xf32, #tpu.memory_space<vmem>>[vector<16xi32>, vector<16xi32>], vector<16xf32>,
        %parallel_loop3A_1298 = arith.constant 29 : i32
        %parallel_loop3A_1299 = vector.broadcast %parallel_loop3A_1298 : i32 to vector<16xi32>
        %parallel_loop3A_1300 = arith.addi %parallel_loop3A_73, %parallel_loop3A_1299 : vector<16xi32>
        %parallel_loop3A_1301 = tpu.vector_load_idx %arg27[%parallel_loop3A_49, %parallel_loop3A_1300] : memref<64x128xf32, #tpu.memory_space<vmem>>[vector<16xi32>, vector<16xi32>], vector<16xf32>,
        %parallel_loop3A_1302 = arith.constant 29 : i32
        %parallel_loop3A_1303 = vector.broadcast %parallel_loop3A_1302 : i32 to vector<16xi32>
        %parallel_loop3A_1304 = arith.addi %parallel_loop3A_81, %parallel_loop3A_1303 : vector<16xi32>
        %parallel_loop3A_1305 = tpu.vector_load_idx %arg28[%parallel_loop3A_49, %parallel_loop3A_1304] : memref<64x128xf32, #tpu.memory_space<vmem>>[vector<16xi32>, vector<16xi32>], vector<16xf32>,
        %parallel_loop3A_1306 = arith.constant 29 : i32
        %parallel_loop3A_1307 = vector.broadcast %parallel_loop3A_1306 : i32 to vector<16xi32>
        %parallel_loop3A_1308 = arith.addi %parallel_loop3A_86, %parallel_loop3A_1307 : vector<16xi32>
        %parallel_loop3A_1309 = tpu.vector_load_idx %arg29[%parallel_loop3A_1308] : memref<32000xf32, #tpu.memory_space<vmem>>[vector<16xi32>], vector<16xf32>,
        %parallel_loop3A_1310 = arith.constant 29 : i32
        %parallel_loop3A_1311 = vector.broadcast %parallel_loop3A_1310 : i32 to vector<16xi32>
        %parallel_loop3A_1312 = arith.addi %parallel_loop3A_91, %parallel_loop3A_1311 : vector<16xi32>
        %parallel_loop3A_1313 = tpu.vector_load_idx %arg30[%parallel_loop3A_1312] : memref<23424xf32, #tpu.memory_space<vmem>>[vector<16xi32>], vector<16xf32>,
        %parallel_loop3A_1314 = arith.constant 29 : i32
        %parallel_loop3A_1315 = vector.broadcast %parallel_loop3A_1314 : i32 to vector<16xi32>
        %parallel_loop3A_1316 = arith.addi %parallel_loop3A_96, %parallel_loop3A_1315 : vector<16xi32>
        %parallel_loop3A_1317 = tpu.vector_load_idx %arg30[%parallel_loop3A_1316] : memref<23424xf32, #tpu.memory_space<vmem>>[vector<16xi32>], vector<16xf32>,
        %parallel_loop3A_1318 = arith.addf %parallel_loop3A_1313, %parallel_loop3A_1317 : vector<16xf32>
        %parallel_loop3A_1319 = arith.constant 5.000000e-01 : f32
        %parallel_loop3A_1320 = vector.broadcast %parallel_loop3A_1319 : f32 to vector<16xf32>
        %parallel_loop3A_1321 = arith.mulf %parallel_loop3A_1320, %parallel_loop3A_1318 : vector<16xf32>
        %parallel_loop3A_1322 = arith.addf %parallel_loop3A_1309, %parallel_loop3A_1321 : vector<16xf32>
        %parallel_loop3A_1323 = arith.addf %parallel_loop3A_1293, %parallel_loop3A_1322 : vector<16xf32>
        %parallel_loop3A_1324 = arith.subf %parallel_loop3A_1323, %parallel_loop3A_1297 : vector<16xf32>
        %parallel_loop3A_1325 = math.absf %parallel_loop3A_1324 : vector<16xf32>
        %parallel_loop3A_1326 = arith.addf %parallel_loop3A_1285, %parallel_loop3A_1325 : vector<16xf32>
        %parallel_loop3A_1327 = arith.addf %parallel_loop3A_1301, %parallel_loop3A_1322 : vector<16xf32>
        %parallel_loop3A_1328 = arith.subf %parallel_loop3A_1327, %parallel_loop3A_1305 : vector<16xf32>
        %parallel_loop3A_1329 = math.absf %parallel_loop3A_1328 : vector<16xf32>
        %parallel_loop3A_1330 = arith.addf %parallel_loop3A_1289, %parallel_loop3A_1329 : vector<16xf32>
        %parallel_loop3A_1331 = arith.constant 30 : i32
        %parallel_loop3A_1332 = vector.broadcast %parallel_loop3A_1331 : i32 to vector<16xi32>
        %parallel_loop3A_1333 = arith.addi %parallel_loop3A_57, %parallel_loop3A_1332 : vector<16xi32>
        %parallel_loop3A_1334 = tpu.vector_load_idx %arg25[%parallel_loop3A_49, %parallel_loop3A_1333] : memref<64x128xf32, #tpu.memory_space<vmem>>[vector<16xi32>, vector<16xi32>], vector<16xf32>,
        %parallel_loop3A_1335 = arith.constant 30 : i32
        %parallel_loop3A_1336 = vector.broadcast %parallel_loop3A_1335 : i32 to vector<16xi32>
        %parallel_loop3A_1337 = arith.addi %parallel_loop3A_65, %parallel_loop3A_1336 : vector<16xi32>
        %parallel_loop3A_1338 = tpu.vector_load_idx %arg26[%parallel_loop3A_49, %parallel_loop3A_1337] : memref<64x128xf32, #tpu.memory_space<vmem>>[vector<16xi32>, vector<16xi32>], vector<16xf32>,
        %parallel_loop3A_1339 = arith.constant 30 : i32
        %parallel_loop3A_1340 = vector.broadcast %parallel_loop3A_1339 : i32 to vector<16xi32>
        %parallel_loop3A_1341 = arith.addi %parallel_loop3A_73, %parallel_loop3A_1340 : vector<16xi32>
        %parallel_loop3A_1342 = tpu.vector_load_idx %arg27[%parallel_loop3A_49, %parallel_loop3A_1341] : memref<64x128xf32, #tpu.memory_space<vmem>>[vector<16xi32>, vector<16xi32>], vector<16xf32>,
        %parallel_loop3A_1343 = arith.constant 30 : i32
        %parallel_loop3A_1344 = vector.broadcast %parallel_loop3A_1343 : i32 to vector<16xi32>
        %parallel_loop3A_1345 = arith.addi %parallel_loop3A_81, %parallel_loop3A_1344 : vector<16xi32>
        %parallel_loop3A_1346 = tpu.vector_load_idx %arg28[%parallel_loop3A_49, %parallel_loop3A_1345] : memref<64x128xf32, #tpu.memory_space<vmem>>[vector<16xi32>, vector<16xi32>], vector<16xf32>,
        %parallel_loop3A_1347 = arith.constant 30 : i32
        %parallel_loop3A_1348 = vector.broadcast %parallel_loop3A_1347 : i32 to vector<16xi32>
        %parallel_loop3A_1349 = arith.addi %parallel_loop3A_86, %parallel_loop3A_1348 : vector<16xi32>
        %parallel_loop3A_1350 = tpu.vector_load_idx %arg29[%parallel_loop3A_1349] : memref<32000xf32, #tpu.memory_space<vmem>>[vector<16xi32>], vector<16xf32>,
        %parallel_loop3A_1351 = arith.constant 30 : i32
        %parallel_loop3A_1352 = vector.broadcast %parallel_loop3A_1351 : i32 to vector<16xi32>
        %parallel_loop3A_1353 = arith.addi %parallel_loop3A_91, %parallel_loop3A_1352 : vector<16xi32>
        %parallel_loop3A_1354 = tpu.vector_load_idx %arg30[%parallel_loop3A_1353] : memref<23424xf32, #tpu.memory_space<vmem>>[vector<16xi32>], vector<16xf32>,
        %parallel_loop3A_1355 = arith.constant 30 : i32
        %parallel_loop3A_1356 = vector.broadcast %parallel_loop3A_1355 : i32 to vector<16xi32>
        %parallel_loop3A_1357 = arith.addi %parallel_loop3A_96, %parallel_loop3A_1356 : vector<16xi32>
        %parallel_loop3A_1358 = tpu.vector_load_idx %arg30[%parallel_loop3A_1357] : memref<23424xf32, #tpu.memory_space<vmem>>[vector<16xi32>], vector<16xf32>,
        %parallel_loop3A_1359 = arith.addf %parallel_loop3A_1354, %parallel_loop3A_1358 : vector<16xf32>
        %parallel_loop3A_1360 = arith.constant 5.000000e-01 : f32
        %parallel_loop3A_1361 = vector.broadcast %parallel_loop3A_1360 : f32 to vector<16xf32>
        %parallel_loop3A_1362 = arith.mulf %parallel_loop3A_1361, %parallel_loop3A_1359 : vector<16xf32>
        %parallel_loop3A_1363 = arith.addf %parallel_loop3A_1350, %parallel_loop3A_1362 : vector<16xf32>
        %parallel_loop3A_1364 = arith.addf %parallel_loop3A_1334, %parallel_loop3A_1363 : vector<16xf32>
        %parallel_loop3A_1365 = arith.subf %parallel_loop3A_1364, %parallel_loop3A_1338 : vector<16xf32>
        %parallel_loop3A_1366 = math.absf %parallel_loop3A_1365 : vector<16xf32>
        %parallel_loop3A_1367 = arith.addf %parallel_loop3A_1326, %parallel_loop3A_1366 : vector<16xf32>
        %parallel_loop3A_1368 = arith.addf %parallel_loop3A_1342, %parallel_loop3A_1363 : vector<16xf32>
        %parallel_loop3A_1369 = arith.subf %parallel_loop3A_1368, %parallel_loop3A_1346 : vector<16xf32>
        %parallel_loop3A_1370 = math.absf %parallel_loop3A_1369 : vector<16xf32>
        %parallel_loop3A_1371 = arith.addf %parallel_loop3A_1330, %parallel_loop3A_1370 : vector<16xf32>
        %parallel_loop3A_1372 = arith.constant 31 : i32
        %parallel_loop3A_1373 = vector.broadcast %parallel_loop3A_1372 : i32 to vector<16xi32>
        %parallel_loop3A_1374 = arith.addi %parallel_loop3A_57, %parallel_loop3A_1373 : vector<16xi32>
        %parallel_loop3A_1375 = tpu.vector_load_idx %arg25[%parallel_loop3A_49, %parallel_loop3A_1374] : memref<64x128xf32, #tpu.memory_space<vmem>>[vector<16xi32>, vector<16xi32>], vector<16xf32>,
        %parallel_loop3A_1376 = arith.constant 31 : i32
        %parallel_loop3A_1377 = vector.broadcast %parallel_loop3A_1376 : i32 to vector<16xi32>
        %parallel_loop3A_1378 = arith.addi %parallel_loop3A_65, %parallel_loop3A_1377 : vector<16xi32>
        %parallel_loop3A_1379 = tpu.vector_load_idx %arg26[%parallel_loop3A_49, %parallel_loop3A_1378] : memref<64x128xf32, #tpu.memory_space<vmem>>[vector<16xi32>, vector<16xi32>], vector<16xf32>,
        %parallel_loop3A_1380 = arith.constant 31 : i32
        %parallel_loop3A_1381 = vector.broadcast %parallel_loop3A_1380 : i32 to vector<16xi32>
        %parallel_loop3A_1382 = arith.addi %parallel_loop3A_73, %parallel_loop3A_1381 : vector<16xi32>
        %parallel_loop3A_1383 = tpu.vector_load_idx %arg27[%parallel_loop3A_49, %parallel_loop3A_1382] : memref<64x128xf32, #tpu.memory_space<vmem>>[vector<16xi32>, vector<16xi32>], vector<16xf32>,
        %parallel_loop3A_1384 = arith.constant 31 : i32
        %parallel_loop3A_1385 = vector.broadcast %parallel_loop3A_1384 : i32 to vector<16xi32>
        %parallel_loop3A_1386 = arith.addi %parallel_loop3A_81, %parallel_loop3A_1385 : vector<16xi32>
        %parallel_loop3A_1387 = tpu.vector_load_idx %arg28[%parallel_loop3A_49, %parallel_loop3A_1386] : memref<64x128xf32, #tpu.memory_space<vmem>>[vector<16xi32>, vector<16xi32>], vector<16xf32>,
        %parallel_loop3A_1388 = arith.constant 31 : i32
        %parallel_loop3A_1389 = vector.broadcast %parallel_loop3A_1388 : i32 to vector<16xi32>
        %parallel_loop3A_1390 = arith.addi %parallel_loop3A_86, %parallel_loop3A_1389 : vector<16xi32>
        %parallel_loop3A_1391 = tpu.vector_load_idx %arg29[%parallel_loop3A_1390] : memref<32000xf32, #tpu.memory_space<vmem>>[vector<16xi32>], vector<16xf32>,
        %parallel_loop3A_1392 = arith.constant 31 : i32
        %parallel_loop3A_1393 = vector.broadcast %parallel_loop3A_1392 : i32 to vector<16xi32>
        %parallel_loop3A_1394 = arith.addi %parallel_loop3A_91, %parallel_loop3A_1393 : vector<16xi32>
        %parallel_loop3A_1395 = tpu.vector_load_idx %arg30[%parallel_loop3A_1394] : memref<23424xf32, #tpu.memory_space<vmem>>[vector<16xi32>], vector<16xf32>,
        %parallel_loop3A_1396 = arith.constant 31 : i32
        %parallel_loop3A_1397 = vector.broadcast %parallel_loop3A_1396 : i32 to vector<16xi32>
        %parallel_loop3A_1398 = arith.addi %parallel_loop3A_96, %parallel_loop3A_1397 : vector<16xi32>
        %parallel_loop3A_1399 = tpu.vector_load_idx %arg30[%parallel_loop3A_1398] : memref<23424xf32, #tpu.memory_space<vmem>>[vector<16xi32>], vector<16xf32>,
        %parallel_loop3A_1400 = arith.addf %parallel_loop3A_1395, %parallel_loop3A_1399 : vector<16xf32>
        %parallel_loop3A_1401 = arith.constant 5.000000e-01 : f32
        %parallel_loop3A_1402 = vector.broadcast %parallel_loop3A_1401 : f32 to vector<16xf32>
        %parallel_loop3A_1403 = arith.mulf %parallel_loop3A_1402, %parallel_loop3A_1400 : vector<16xf32>
        %parallel_loop3A_1404 = arith.addf %parallel_loop3A_1391, %parallel_loop3A_1403 : vector<16xf32>
        %parallel_loop3A_1405 = arith.addf %parallel_loop3A_1375, %parallel_loop3A_1404 : vector<16xf32>
        %parallel_loop3A_1406 = arith.subf %parallel_loop3A_1405, %parallel_loop3A_1379 : vector<16xf32>
        %parallel_loop3A_1407 = math.absf %parallel_loop3A_1406 : vector<16xf32>
        %parallel_loop3A_1408 = arith.addf %parallel_loop3A_1367, %parallel_loop3A_1407 : vector<16xf32>
        %parallel_loop3A_1409 = arith.addf %parallel_loop3A_1383, %parallel_loop3A_1404 : vector<16xf32>
        %parallel_loop3A_1410 = arith.subf %parallel_loop3A_1409, %parallel_loop3A_1387 : vector<16xf32>
        %parallel_loop3A_1411 = math.absf %parallel_loop3A_1410 : vector<16xf32>
        %parallel_loop3A_1412 = arith.addf %parallel_loop3A_1371, %parallel_loop3A_1411 : vector<16xf32>
        %parallel_loop3A_1413 = arith.constant 32 : i32
        %parallel_loop3A_1414 = vector.broadcast %parallel_loop3A_1413 : i32 to vector<16xi32>
        %parallel_loop3A_1415 = arith.addi %parallel_loop3A_57, %parallel_loop3A_1414 : vector<16xi32>
        %parallel_loop3A_1416 = tpu.vector_load_idx %arg25[%parallel_loop3A_49, %parallel_loop3A_1415] : memref<64x128xf32, #tpu.memory_space<vmem>>[vector<16xi32>, vector<16xi32>], vector<16xf32>,
        %parallel_loop3A_1417 = arith.constant 32 : i32
        %parallel_loop3A_1418 = vector.broadcast %parallel_loop3A_1417 : i32 to vector<16xi32>
        %parallel_loop3A_1419 = arith.addi %parallel_loop3A_65, %parallel_loop3A_1418 : vector<16xi32>
        %parallel_loop3A_1420 = tpu.vector_load_idx %arg26[%parallel_loop3A_49, %parallel_loop3A_1419] : memref<64x128xf32, #tpu.memory_space<vmem>>[vector<16xi32>, vector<16xi32>], vector<16xf32>,
        %parallel_loop3A_1421 = arith.constant 32 : i32
        %parallel_loop3A_1422 = vector.broadcast %parallel_loop3A_1421 : i32 to vector<16xi32>
        %parallel_loop3A_1423 = arith.addi %parallel_loop3A_73, %parallel_loop3A_1422 : vector<16xi32>
        %parallel_loop3A_1424 = tpu.vector_load_idx %arg27[%parallel_loop3A_49, %parallel_loop3A_1423] : memref<64x128xf32, #tpu.memory_space<vmem>>[vector<16xi32>, vector<16xi32>], vector<16xf32>,
        %parallel_loop3A_1425 = arith.constant 32 : i32
        %parallel_loop3A_1426 = vector.broadcast %parallel_loop3A_1425 : i32 to vector<16xi32>
        %parallel_loop3A_1427 = arith.addi %parallel_loop3A_81, %parallel_loop3A_1426 : vector<16xi32>
        %parallel_loop3A_1428 = tpu.vector_load_idx %arg28[%parallel_loop3A_49, %parallel_loop3A_1427] : memref<64x128xf32, #tpu.memory_space<vmem>>[vector<16xi32>, vector<16xi32>], vector<16xf32>,
        %parallel_loop3A_1429 = arith.constant 32 : i32
        %parallel_loop3A_1430 = vector.broadcast %parallel_loop3A_1429 : i32 to vector<16xi32>
        %parallel_loop3A_1431 = arith.addi %parallel_loop3A_86, %parallel_loop3A_1430 : vector<16xi32>
        %parallel_loop3A_1432 = tpu.vector_load_idx %arg29[%parallel_loop3A_1431] : memref<32000xf32, #tpu.memory_space<vmem>>[vector<16xi32>], vector<16xf32>,
        %parallel_loop3A_1433 = arith.constant 32 : i32
        %parallel_loop3A_1434 = vector.broadcast %parallel_loop3A_1433 : i32 to vector<16xi32>
        %parallel_loop3A_1435 = arith.addi %parallel_loop3A_91, %parallel_loop3A_1434 : vector<16xi32>
        %parallel_loop3A_1436 = tpu.vector_load_idx %arg30[%parallel_loop3A_1435] : memref<23424xf32, #tpu.memory_space<vmem>>[vector<16xi32>], vector<16xf32>,
        %parallel_loop3A_1437 = arith.constant 32 : i32
        %parallel_loop3A_1438 = vector.broadcast %parallel_loop3A_1437 : i32 to vector<16xi32>
        %parallel_loop3A_1439 = arith.addi %parallel_loop3A_96, %parallel_loop3A_1438 : vector<16xi32>
        %parallel_loop3A_1440 = tpu.vector_load_idx %arg30[%parallel_loop3A_1439] : memref<23424xf32, #tpu.memory_space<vmem>>[vector<16xi32>], vector<16xf32>,
        %parallel_loop3A_1441 = arith.addf %parallel_loop3A_1436, %parallel_loop3A_1440 : vector<16xf32>
        %parallel_loop3A_1442 = arith.constant 5.000000e-01 : f32
        %parallel_loop3A_1443 = vector.broadcast %parallel_loop3A_1442 : f32 to vector<16xf32>
        %parallel_loop3A_1444 = arith.mulf %parallel_loop3A_1443, %parallel_loop3A_1441 : vector<16xf32>
        %parallel_loop3A_1445 = arith.addf %parallel_loop3A_1432, %parallel_loop3A_1444 : vector<16xf32>
        %parallel_loop3A_1446 = arith.addf %parallel_loop3A_1416, %parallel_loop3A_1445 : vector<16xf32>
        %parallel_loop3A_1447 = arith.subf %parallel_loop3A_1446, %parallel_loop3A_1420 : vector<16xf32>
        %parallel_loop3A_1448 = math.absf %parallel_loop3A_1447 : vector<16xf32>
        %parallel_loop3A_1449 = arith.addf %parallel_loop3A_1408, %parallel_loop3A_1448 : vector<16xf32>
        %parallel_loop3A_1450 = arith.addf %parallel_loop3A_1424, %parallel_loop3A_1445 : vector<16xf32>
        %parallel_loop3A_1451 = arith.subf %parallel_loop3A_1450, %parallel_loop3A_1428 : vector<16xf32>
        %parallel_loop3A_1452 = math.absf %parallel_loop3A_1451 : vector<16xf32>
        %parallel_loop3A_1453 = arith.addf %parallel_loop3A_1412, %parallel_loop3A_1452 : vector<16xf32>
        %parallel_loop3A_1454 = arith.constant 33 : i32
        %parallel_loop3A_1455 = vector.broadcast %parallel_loop3A_1454 : i32 to vector<16xi32>
        %parallel_loop3A_1456 = arith.addi %parallel_loop3A_57, %parallel_loop3A_1455 : vector<16xi32>
        %parallel_loop3A_1457 = tpu.vector_load_idx %arg25[%parallel_loop3A_49, %parallel_loop3A_1456] : memref<64x128xf32, #tpu.memory_space<vmem>>[vector<16xi32>, vector<16xi32>], vector<16xf32>,
        %parallel_loop3A_1458 = arith.constant 33 : i32
        %parallel_loop3A_1459 = vector.broadcast %parallel_loop3A_1458 : i32 to vector<16xi32>
        %parallel_loop3A_1460 = arith.addi %parallel_loop3A_65, %parallel_loop3A_1459 : vector<16xi32>
        %parallel_loop3A_1461 = tpu.vector_load_idx %arg26[%parallel_loop3A_49, %parallel_loop3A_1460] : memref<64x128xf32, #tpu.memory_space<vmem>>[vector<16xi32>, vector<16xi32>], vector<16xf32>,
        %parallel_loop3A_1462 = arith.constant 33 : i32
        %parallel_loop3A_1463 = vector.broadcast %parallel_loop3A_1462 : i32 to vector<16xi32>
        %parallel_loop3A_1464 = arith.addi %parallel_loop3A_73, %parallel_loop3A_1463 : vector<16xi32>
        %parallel_loop3A_1465 = tpu.vector_load_idx %arg27[%parallel_loop3A_49, %parallel_loop3A_1464] : memref<64x128xf32, #tpu.memory_space<vmem>>[vector<16xi32>, vector<16xi32>], vector<16xf32>,
        %parallel_loop3A_1466 = arith.constant 33 : i32
        %parallel_loop3A_1467 = vector.broadcast %parallel_loop3A_1466 : i32 to vector<16xi32>
        %parallel_loop3A_1468 = arith.addi %parallel_loop3A_81, %parallel_loop3A_1467 : vector<16xi32>
        %parallel_loop3A_1469 = tpu.vector_load_idx %arg28[%parallel_loop3A_49, %parallel_loop3A_1468] : memref<64x128xf32, #tpu.memory_space<vmem>>[vector<16xi32>, vector<16xi32>], vector<16xf32>,
        %parallel_loop3A_1470 = arith.constant 33 : i32
        %parallel_loop3A_1471 = vector.broadcast %parallel_loop3A_1470 : i32 to vector<16xi32>
        %parallel_loop3A_1472 = arith.addi %parallel_loop3A_86, %parallel_loop3A_1471 : vector<16xi32>
        %parallel_loop3A_1473 = tpu.vector_load_idx %arg29[%parallel_loop3A_1472] : memref<32000xf32, #tpu.memory_space<vmem>>[vector<16xi32>], vector<16xf32>,
        %parallel_loop3A_1474 = arith.constant 33 : i32
        %parallel_loop3A_1475 = vector.broadcast %parallel_loop3A_1474 : i32 to vector<16xi32>
        %parallel_loop3A_1476 = arith.addi %parallel_loop3A_91, %parallel_loop3A_1475 : vector<16xi32>
        %parallel_loop3A_1477 = tpu.vector_load_idx %arg30[%parallel_loop3A_1476] : memref<23424xf32, #tpu.memory_space<vmem>>[vector<16xi32>], vector<16xf32>,
        %parallel_loop3A_1478 = arith.constant 33 : i32
        %parallel_loop3A_1479 = vector.broadcast %parallel_loop3A_1478 : i32 to vector<16xi32>
        %parallel_loop3A_1480 = arith.addi %parallel_loop3A_96, %parallel_loop3A_1479 : vector<16xi32>
        %parallel_loop3A_1481 = tpu.vector_load_idx %arg30[%parallel_loop3A_1480] : memref<23424xf32, #tpu.memory_space<vmem>>[vector<16xi32>], vector<16xf32>,
        %parallel_loop3A_1482 = arith.addf %parallel_loop3A_1477, %parallel_loop3A_1481 : vector<16xf32>
        %parallel_loop3A_1483 = arith.constant 5.000000e-01 : f32
        %parallel_loop3A_1484 = vector.broadcast %parallel_loop3A_1483 : f32 to vector<16xf32>
        %parallel_loop3A_1485 = arith.mulf %parallel_loop3A_1484, %parallel_loop3A_1482 : vector<16xf32>
        %parallel_loop3A_1486 = arith.addf %parallel_loop3A_1473, %parallel_loop3A_1485 : vector<16xf32>
        %parallel_loop3A_1487 = arith.addf %parallel_loop3A_1457, %parallel_loop3A_1486 : vector<16xf32>
        %parallel_loop3A_1488 = arith.subf %parallel_loop3A_1487, %parallel_loop3A_1461 : vector<16xf32>
        %parallel_loop3A_1489 = math.absf %parallel_loop3A_1488 : vector<16xf32>
        %parallel_loop3A_1490 = arith.addf %parallel_loop3A_1449, %parallel_loop3A_1489 : vector<16xf32>
        %parallel_loop3A_1491 = arith.addf %parallel_loop3A_1465, %parallel_loop3A_1486 : vector<16xf32>
        %parallel_loop3A_1492 = arith.subf %parallel_loop3A_1491, %parallel_loop3A_1469 : vector<16xf32>
        %parallel_loop3A_1493 = math.absf %parallel_loop3A_1492 : vector<16xf32>
        %parallel_loop3A_1494 = arith.addf %parallel_loop3A_1453, %parallel_loop3A_1493 : vector<16xf32>
        %parallel_loop3A_1495 = arith.constant 34 : i32
        %parallel_loop3A_1496 = vector.broadcast %parallel_loop3A_1495 : i32 to vector<16xi32>
        %parallel_loop3A_1497 = arith.addi %parallel_loop3A_57, %parallel_loop3A_1496 : vector<16xi32>
        %parallel_loop3A_1498 = tpu.vector_load_idx %arg25[%parallel_loop3A_49, %parallel_loop3A_1497] : memref<64x128xf32, #tpu.memory_space<vmem>>[vector<16xi32>, vector<16xi32>], vector<16xf32>,
        %parallel_loop3A_1499 = arith.constant 34 : i32
        %parallel_loop3A_1500 = vector.broadcast %parallel_loop3A_1499 : i32 to vector<16xi32>
        %parallel_loop3A_1501 = arith.addi %parallel_loop3A_65, %parallel_loop3A_1500 : vector<16xi32>
        %parallel_loop3A_1502 = tpu.vector_load_idx %arg26[%parallel_loop3A_49, %parallel_loop3A_1501] : memref<64x128xf32, #tpu.memory_space<vmem>>[vector<16xi32>, vector<16xi32>], vector<16xf32>,
        %parallel_loop3A_1503 = arith.constant 34 : i32
        %parallel_loop3A_1504 = vector.broadcast %parallel_loop3A_1503 : i32 to vector<16xi32>
        %parallel_loop3A_1505 = arith.addi %parallel_loop3A_73, %parallel_loop3A_1504 : vector<16xi32>
        %parallel_loop3A_1506 = tpu.vector_load_idx %arg27[%parallel_loop3A_49, %parallel_loop3A_1505] : memref<64x128xf32, #tpu.memory_space<vmem>>[vector<16xi32>, vector<16xi32>], vector<16xf32>,
        %parallel_loop3A_1507 = arith.constant 34 : i32
        %parallel_loop3A_1508 = vector.broadcast %parallel_loop3A_1507 : i32 to vector<16xi32>
        %parallel_loop3A_1509 = arith.addi %parallel_loop3A_81, %parallel_loop3A_1508 : vector<16xi32>
        %parallel_loop3A_1510 = tpu.vector_load_idx %arg28[%parallel_loop3A_49, %parallel_loop3A_1509] : memref<64x128xf32, #tpu.memory_space<vmem>>[vector<16xi32>, vector<16xi32>], vector<16xf32>,
        %parallel_loop3A_1511 = arith.constant 34 : i32
        %parallel_loop3A_1512 = vector.broadcast %parallel_loop3A_1511 : i32 to vector<16xi32>
        %parallel_loop3A_1513 = arith.addi %parallel_loop3A_86, %parallel_loop3A_1512 : vector<16xi32>
        %parallel_loop3A_1514 = tpu.vector_load_idx %arg29[%parallel_loop3A_1513] : memref<32000xf32, #tpu.memory_space<vmem>>[vector<16xi32>], vector<16xf32>,
        %parallel_loop3A_1515 = arith.constant 34 : i32
        %parallel_loop3A_1516 = vector.broadcast %parallel_loop3A_1515 : i32 to vector<16xi32>
        %parallel_loop3A_1517 = arith.addi %parallel_loop3A_91, %parallel_loop3A_1516 : vector<16xi32>
        %parallel_loop3A_1518 = tpu.vector_load_idx %arg30[%parallel_loop3A_1517] : memref<23424xf32, #tpu.memory_space<vmem>>[vector<16xi32>], vector<16xf32>,
        %parallel_loop3A_1519 = arith.constant 34 : i32
        %parallel_loop3A_1520 = vector.broadcast %parallel_loop3A_1519 : i32 to vector<16xi32>
        %parallel_loop3A_1521 = arith.addi %parallel_loop3A_96, %parallel_loop3A_1520 : vector<16xi32>
        %parallel_loop3A_1522 = tpu.vector_load_idx %arg30[%parallel_loop3A_1521] : memref<23424xf32, #tpu.memory_space<vmem>>[vector<16xi32>], vector<16xf32>,
        %parallel_loop3A_1523 = arith.addf %parallel_loop3A_1518, %parallel_loop3A_1522 : vector<16xf32>
        %parallel_loop3A_1524 = arith.constant 5.000000e-01 : f32
        %parallel_loop3A_1525 = vector.broadcast %parallel_loop3A_1524 : f32 to vector<16xf32>
        %parallel_loop3A_1526 = arith.mulf %parallel_loop3A_1525, %parallel_loop3A_1523 : vector<16xf32>
        %parallel_loop3A_1527 = arith.addf %parallel_loop3A_1514, %parallel_loop3A_1526 : vector<16xf32>
        %parallel_loop3A_1528 = arith.addf %parallel_loop3A_1498, %parallel_loop3A_1527 : vector<16xf32>
        %parallel_loop3A_1529 = arith.subf %parallel_loop3A_1528, %parallel_loop3A_1502 : vector<16xf32>
        %parallel_loop3A_1530 = math.absf %parallel_loop3A_1529 : vector<16xf32>
        %parallel_loop3A_1531 = arith.addf %parallel_loop3A_1490, %parallel_loop3A_1530 : vector<16xf32>
        %parallel_loop3A_1532 = arith.addf %parallel_loop3A_1506, %parallel_loop3A_1527 : vector<16xf32>
        %parallel_loop3A_1533 = arith.subf %parallel_loop3A_1532, %parallel_loop3A_1510 : vector<16xf32>
        %parallel_loop3A_1534 = math.absf %parallel_loop3A_1533 : vector<16xf32>
        %parallel_loop3A_1535 = arith.addf %parallel_loop3A_1494, %parallel_loop3A_1534 : vector<16xf32>
        %parallel_loop3A_1536 = arith.constant 35 : i32
        %parallel_loop3A_1537 = vector.broadcast %parallel_loop3A_1536 : i32 to vector<16xi32>
        %parallel_loop3A_1538 = arith.addi %parallel_loop3A_57, %parallel_loop3A_1537 : vector<16xi32>
        %parallel_loop3A_1539 = tpu.vector_load_idx %arg25[%parallel_loop3A_49, %parallel_loop3A_1538] : memref<64x128xf32, #tpu.memory_space<vmem>>[vector<16xi32>, vector<16xi32>], vector<16xf32>,
        %parallel_loop3A_1540 = arith.constant 35 : i32
        %parallel_loop3A_1541 = vector.broadcast %parallel_loop3A_1540 : i32 to vector<16xi32>
        %parallel_loop3A_1542 = arith.addi %parallel_loop3A_65, %parallel_loop3A_1541 : vector<16xi32>
        %parallel_loop3A_1543 = tpu.vector_load_idx %arg26[%parallel_loop3A_49, %parallel_loop3A_1542] : memref<64x128xf32, #tpu.memory_space<vmem>>[vector<16xi32>, vector<16xi32>], vector<16xf32>,
        %parallel_loop3A_1544 = arith.constant 35 : i32
        %parallel_loop3A_1545 = vector.broadcast %parallel_loop3A_1544 : i32 to vector<16xi32>
        %parallel_loop3A_1546 = arith.addi %parallel_loop3A_73, %parallel_loop3A_1545 : vector<16xi32>
        %parallel_loop3A_1547 = tpu.vector_load_idx %arg27[%parallel_loop3A_49, %parallel_loop3A_1546] : memref<64x128xf32, #tpu.memory_space<vmem>>[vector<16xi32>, vector<16xi32>], vector<16xf32>,
        %parallel_loop3A_1548 = arith.constant 35 : i32
        %parallel_loop3A_1549 = vector.broadcast %parallel_loop3A_1548 : i32 to vector<16xi32>
        %parallel_loop3A_1550 = arith.addi %parallel_loop3A_81, %parallel_loop3A_1549 : vector<16xi32>
        %parallel_loop3A_1551 = tpu.vector_load_idx %arg28[%parallel_loop3A_49, %parallel_loop3A_1550] : memref<64x128xf32, #tpu.memory_space<vmem>>[vector<16xi32>, vector<16xi32>], vector<16xf32>,
        %parallel_loop3A_1552 = arith.constant 35 : i32
        %parallel_loop3A_1553 = vector.broadcast %parallel_loop3A_1552 : i32 to vector<16xi32>
        %parallel_loop3A_1554 = arith.addi %parallel_loop3A_86, %parallel_loop3A_1553 : vector<16xi32>
        %parallel_loop3A_1555 = tpu.vector_load_idx %arg29[%parallel_loop3A_1554] : memref<32000xf32, #tpu.memory_space<vmem>>[vector<16xi32>], vector<16xf32>,
        %parallel_loop3A_1556 = arith.constant 35 : i32
        %parallel_loop3A_1557 = vector.broadcast %parallel_loop3A_1556 : i32 to vector<16xi32>
        %parallel_loop3A_1558 = arith.addi %parallel_loop3A_91, %parallel_loop3A_1557 : vector<16xi32>
        %parallel_loop3A_1559 = tpu.vector_load_idx %arg30[%parallel_loop3A_1558] : memref<23424xf32, #tpu.memory_space<vmem>>[vector<16xi32>], vector<16xf32>,
        %parallel_loop3A_1560 = arith.constant 35 : i32
        %parallel_loop3A_1561 = vector.broadcast %parallel_loop3A_1560 : i32 to vector<16xi32>
        %parallel_loop3A_1562 = arith.addi %parallel_loop3A_96, %parallel_loop3A_1561 : vector<16xi32>
        %parallel_loop3A_1563 = tpu.vector_load_idx %arg30[%parallel_loop3A_1562] : memref<23424xf32, #tpu.memory_space<vmem>>[vector<16xi32>], vector<16xf32>,
        %parallel_loop3A_1564 = arith.addf %parallel_loop3A_1559, %parallel_loop3A_1563 : vector<16xf32>
        %parallel_loop3A_1565 = arith.constant 5.000000e-01 : f32
        %parallel_loop3A_1566 = vector.broadcast %parallel_loop3A_1565 : f32 to vector<16xf32>
        %parallel_loop3A_1567 = arith.mulf %parallel_loop3A_1566, %parallel_loop3A_1564 : vector<16xf32>
        %parallel_loop3A_1568 = arith.addf %parallel_loop3A_1555, %parallel_loop3A_1567 : vector<16xf32>
        %parallel_loop3A_1569 = arith.addf %parallel_loop3A_1539, %parallel_loop3A_1568 : vector<16xf32>
        %parallel_loop3A_1570 = arith.subf %parallel_loop3A_1569, %parallel_loop3A_1543 : vector<16xf32>
        %parallel_loop3A_1571 = math.absf %parallel_loop3A_1570 : vector<16xf32>
        %parallel_loop3A_1572 = arith.addf %parallel_loop3A_1531, %parallel_loop3A_1571 : vector<16xf32>
        %parallel_loop3A_1573 = arith.addf %parallel_loop3A_1547, %parallel_loop3A_1568 : vector<16xf32>
        %parallel_loop3A_1574 = arith.subf %parallel_loop3A_1573, %parallel_loop3A_1551 : vector<16xf32>
        %parallel_loop3A_1575 = math.absf %parallel_loop3A_1574 : vector<16xf32>
        %parallel_loop3A_1576 = arith.addf %parallel_loop3A_1535, %parallel_loop3A_1575 : vector<16xf32>
        %parallel_loop3A_1577 = arith.constant 36 : i32
        %parallel_loop3A_1578 = vector.broadcast %parallel_loop3A_1577 : i32 to vector<16xi32>
        %parallel_loop3A_1579 = arith.addi %parallel_loop3A_57, %parallel_loop3A_1578 : vector<16xi32>
        %parallel_loop3A_1580 = tpu.vector_load_idx %arg25[%parallel_loop3A_49, %parallel_loop3A_1579] : memref<64x128xf32, #tpu.memory_space<vmem>>[vector<16xi32>, vector<16xi32>], vector<16xf32>,
        %parallel_loop3A_1581 = arith.constant 36 : i32
        %parallel_loop3A_1582 = vector.broadcast %parallel_loop3A_1581 : i32 to vector<16xi32>
        %parallel_loop3A_1583 = arith.addi %parallel_loop3A_65, %parallel_loop3A_1582 : vector<16xi32>
        %parallel_loop3A_1584 = tpu.vector_load_idx %arg26[%parallel_loop3A_49, %parallel_loop3A_1583] : memref<64x128xf32, #tpu.memory_space<vmem>>[vector<16xi32>, vector<16xi32>], vector<16xf32>,
        %parallel_loop3A_1585 = arith.constant 36 : i32
        %parallel_loop3A_1586 = vector.broadcast %parallel_loop3A_1585 : i32 to vector<16xi32>
        %parallel_loop3A_1587 = arith.addi %parallel_loop3A_73, %parallel_loop3A_1586 : vector<16xi32>
        %parallel_loop3A_1588 = tpu.vector_load_idx %arg27[%parallel_loop3A_49, %parallel_loop3A_1587] : memref<64x128xf32, #tpu.memory_space<vmem>>[vector<16xi32>, vector<16xi32>], vector<16xf32>,
        %parallel_loop3A_1589 = arith.constant 36 : i32
        %parallel_loop3A_1590 = vector.broadcast %parallel_loop3A_1589 : i32 to vector<16xi32>
        %parallel_loop3A_1591 = arith.addi %parallel_loop3A_81, %parallel_loop3A_1590 : vector<16xi32>
        %parallel_loop3A_1592 = tpu.vector_load_idx %arg28[%parallel_loop3A_49, %parallel_loop3A_1591] : memref<64x128xf32, #tpu.memory_space<vmem>>[vector<16xi32>, vector<16xi32>], vector<16xf32>,
        %parallel_loop3A_1593 = arith.constant 36 : i32
        %parallel_loop3A_1594 = vector.broadcast %parallel_loop3A_1593 : i32 to vector<16xi32>
        %parallel_loop3A_1595 = arith.addi %parallel_loop3A_86, %parallel_loop3A_1594 : vector<16xi32>
        %parallel_loop3A_1596 = tpu.vector_load_idx %arg29[%parallel_loop3A_1595] : memref<32000xf32, #tpu.memory_space<vmem>>[vector<16xi32>], vector<16xf32>,
        %parallel_loop3A_1597 = arith.constant 36 : i32
        %parallel_loop3A_1598 = vector.broadcast %parallel_loop3A_1597 : i32 to vector<16xi32>
        %parallel_loop3A_1599 = arith.addi %parallel_loop3A_91, %parallel_loop3A_1598 : vector<16xi32>
        %parallel_loop3A_1600 = tpu.vector_load_idx %arg30[%parallel_loop3A_1599] : memref<23424xf32, #tpu.memory_space<vmem>>[vector<16xi32>], vector<16xf32>,
        %parallel_loop3A_1601 = arith.constant 36 : i32
        %parallel_loop3A_1602 = vector.broadcast %parallel_loop3A_1601 : i32 to vector<16xi32>
        %parallel_loop3A_1603 = arith.addi %parallel_loop3A_96, %parallel_loop3A_1602 : vector<16xi32>
        %parallel_loop3A_1604 = tpu.vector_load_idx %arg30[%parallel_loop3A_1603] : memref<23424xf32, #tpu.memory_space<vmem>>[vector<16xi32>], vector<16xf32>,
        %parallel_loop3A_1605 = arith.addf %parallel_loop3A_1600, %parallel_loop3A_1604 : vector<16xf32>
        %parallel_loop3A_1606 = arith.constant 5.000000e-01 : f32
        %parallel_loop3A_1607 = vector.broadcast %parallel_loop3A_1606 : f32 to vector<16xf32>
        %parallel_loop3A_1608 = arith.mulf %parallel_loop3A_1607, %parallel_loop3A_1605 : vector<16xf32>
        %parallel_loop3A_1609 = arith.addf %parallel_loop3A_1596, %parallel_loop3A_1608 : vector<16xf32>
        %parallel_loop3A_1610 = arith.addf %parallel_loop3A_1580, %parallel_loop3A_1609 : vector<16xf32>
        %parallel_loop3A_1611 = arith.subf %parallel_loop3A_1610, %parallel_loop3A_1584 : vector<16xf32>
        %parallel_loop3A_1612 = math.absf %parallel_loop3A_1611 : vector<16xf32>
        %parallel_loop3A_1613 = arith.addf %parallel_loop3A_1572, %parallel_loop3A_1612 : vector<16xf32>
        %parallel_loop3A_1614 = arith.addf %parallel_loop3A_1588, %parallel_loop3A_1609 : vector<16xf32>
        %parallel_loop3A_1615 = arith.subf %parallel_loop3A_1614, %parallel_loop3A_1592 : vector<16xf32>
        %parallel_loop3A_1616 = math.absf %parallel_loop3A_1615 : vector<16xf32>
        %parallel_loop3A_1617 = arith.addf %parallel_loop3A_1576, %parallel_loop3A_1616 : vector<16xf32>
        %parallel_loop3A_1618 = arith.constant 37 : i32
        %parallel_loop3A_1619 = vector.broadcast %parallel_loop3A_1618 : i32 to vector<16xi32>
        %parallel_loop3A_1620 = arith.addi %parallel_loop3A_57, %parallel_loop3A_1619 : vector<16xi32>
        %parallel_loop3A_1621 = tpu.vector_load_idx %arg25[%parallel_loop3A_49, %parallel_loop3A_1620] : memref<64x128xf32, #tpu.memory_space<vmem>>[vector<16xi32>, vector<16xi32>], vector<16xf32>,
        %parallel_loop3A_1622 = arith.constant 37 : i32
        %parallel_loop3A_1623 = vector.broadcast %parallel_loop3A_1622 : i32 to vector<16xi32>
        %parallel_loop3A_1624 = arith.addi %parallel_loop3A_65, %parallel_loop3A_1623 : vector<16xi32>
        %parallel_loop3A_1625 = tpu.vector_load_idx %arg26[%parallel_loop3A_49, %parallel_loop3A_1624] : memref<64x128xf32, #tpu.memory_space<vmem>>[vector<16xi32>, vector<16xi32>], vector<16xf32>,
        %parallel_loop3A_1626 = arith.constant 37 : i32
        %parallel_loop3A_1627 = vector.broadcast %parallel_loop3A_1626 : i32 to vector<16xi32>
        %parallel_loop3A_1628 = arith.addi %parallel_loop3A_73, %parallel_loop3A_1627 : vector<16xi32>
        %parallel_loop3A_1629 = tpu.vector_load_idx %arg27[%parallel_loop3A_49, %parallel_loop3A_1628] : memref<64x128xf32, #tpu.memory_space<vmem>>[vector<16xi32>, vector<16xi32>], vector<16xf32>,
        %parallel_loop3A_1630 = arith.constant 37 : i32
        %parallel_loop3A_1631 = vector.broadcast %parallel_loop3A_1630 : i32 to vector<16xi32>
        %parallel_loop3A_1632 = arith.addi %parallel_loop3A_81, %parallel_loop3A_1631 : vector<16xi32>
        %parallel_loop3A_1633 = tpu.vector_load_idx %arg28[%parallel_loop3A_49, %parallel_loop3A_1632] : memref<64x128xf32, #tpu.memory_space<vmem>>[vector<16xi32>, vector<16xi32>], vector<16xf32>,
        %parallel_loop3A_1634 = arith.constant 37 : i32
        %parallel_loop3A_1635 = vector.broadcast %parallel_loop3A_1634 : i32 to vector<16xi32>
        %parallel_loop3A_1636 = arith.addi %parallel_loop3A_86, %parallel_loop3A_1635 : vector<16xi32>
        %parallel_loop3A_1637 = tpu.vector_load_idx %arg29[%parallel_loop3A_1636] : memref<32000xf32, #tpu.memory_space<vmem>>[vector<16xi32>], vector<16xf32>,
        %parallel_loop3A_1638 = arith.constant 37 : i32
        %parallel_loop3A_1639 = vector.broadcast %parallel_loop3A_1638 : i32 to vector<16xi32>
        %parallel_loop3A_1640 = arith.addi %parallel_loop3A_91, %parallel_loop3A_1639 : vector<16xi32>
        %parallel_loop3A_1641 = tpu.vector_load_idx %arg30[%parallel_loop3A_1640] : memref<23424xf32, #tpu.memory_space<vmem>>[vector<16xi32>], vector<16xf32>,
        %parallel_loop3A_1642 = arith.constant 37 : i32
        %parallel_loop3A_1643 = vector.broadcast %parallel_loop3A_1642 : i32 to vector<16xi32>
        %parallel_loop3A_1644 = arith.addi %parallel_loop3A_96, %parallel_loop3A_1643 : vector<16xi32>
        %parallel_loop3A_1645 = tpu.vector_load_idx %arg30[%parallel_loop3A_1644] : memref<23424xf32, #tpu.memory_space<vmem>>[vector<16xi32>], vector<16xf32>,
        %parallel_loop3A_1646 = arith.addf %parallel_loop3A_1641, %parallel_loop3A_1645 : vector<16xf32>
        %parallel_loop3A_1647 = arith.constant 5.000000e-01 : f32
        %parallel_loop3A_1648 = vector.broadcast %parallel_loop3A_1647 : f32 to vector<16xf32>
        %parallel_loop3A_1649 = arith.mulf %parallel_loop3A_1648, %parallel_loop3A_1646 : vector<16xf32>
        %parallel_loop3A_1650 = arith.addf %parallel_loop3A_1637, %parallel_loop3A_1649 : vector<16xf32>
        %parallel_loop3A_1651 = arith.addf %parallel_loop3A_1621, %parallel_loop3A_1650 : vector<16xf32>
        %parallel_loop3A_1652 = arith.subf %parallel_loop3A_1651, %parallel_loop3A_1625 : vector<16xf32>
        %parallel_loop3A_1653 = math.absf %parallel_loop3A_1652 : vector<16xf32>
        %parallel_loop3A_1654 = arith.addf %parallel_loop3A_1613, %parallel_loop3A_1653 : vector<16xf32>
        %parallel_loop3A_1655 = arith.addf %parallel_loop3A_1629, %parallel_loop3A_1650 : vector<16xf32>
        %parallel_loop3A_1656 = arith.subf %parallel_loop3A_1655, %parallel_loop3A_1633 : vector<16xf32>
        %parallel_loop3A_1657 = math.absf %parallel_loop3A_1656 : vector<16xf32>
        %parallel_loop3A_1658 = arith.addf %parallel_loop3A_1617, %parallel_loop3A_1657 : vector<16xf32>
        %parallel_loop3A_1659 = arith.constant 38 : i32
        %parallel_loop3A_1660 = vector.broadcast %parallel_loop3A_1659 : i32 to vector<16xi32>
        %parallel_loop3A_1661 = arith.addi %parallel_loop3A_57, %parallel_loop3A_1660 : vector<16xi32>
        %parallel_loop3A_1662 = tpu.vector_load_idx %arg25[%parallel_loop3A_49, %parallel_loop3A_1661] : memref<64x128xf32, #tpu.memory_space<vmem>>[vector<16xi32>, vector<16xi32>], vector<16xf32>,
        %parallel_loop3A_1663 = arith.constant 38 : i32
        %parallel_loop3A_1664 = vector.broadcast %parallel_loop3A_1663 : i32 to vector<16xi32>
        %parallel_loop3A_1665 = arith.addi %parallel_loop3A_65, %parallel_loop3A_1664 : vector<16xi32>
        %parallel_loop3A_1666 = tpu.vector_load_idx %arg26[%parallel_loop3A_49, %parallel_loop3A_1665] : memref<64x128xf32, #tpu.memory_space<vmem>>[vector<16xi32>, vector<16xi32>], vector<16xf32>,
        %parallel_loop3A_1667 = arith.constant 38 : i32
        %parallel_loop3A_1668 = vector.broadcast %parallel_loop3A_1667 : i32 to vector<16xi32>
        %parallel_loop3A_1669 = arith.addi %parallel_loop3A_73, %parallel_loop3A_1668 : vector<16xi32>
        %parallel_loop3A_1670 = tpu.vector_load_idx %arg27[%parallel_loop3A_49, %parallel_loop3A_1669] : memref<64x128xf32, #tpu.memory_space<vmem>>[vector<16xi32>, vector<16xi32>], vector<16xf32>,
        %parallel_loop3A_1671 = arith.constant 38 : i32
        %parallel_loop3A_1672 = vector.broadcast %parallel_loop3A_1671 : i32 to vector<16xi32>
        %parallel_loop3A_1673 = arith.addi %parallel_loop3A_81, %parallel_loop3A_1672 : vector<16xi32>
        %parallel_loop3A_1674 = tpu.vector_load_idx %arg28[%parallel_loop3A_49, %parallel_loop3A_1673] : memref<64x128xf32, #tpu.memory_space<vmem>>[vector<16xi32>, vector<16xi32>], vector<16xf32>,
        %parallel_loop3A_1675 = arith.constant 38 : i32
        %parallel_loop3A_1676 = vector.broadcast %parallel_loop3A_1675 : i32 to vector<16xi32>
        %parallel_loop3A_1677 = arith.addi %parallel_loop3A_86, %parallel_loop3A_1676 : vector<16xi32>
        %parallel_loop3A_1678 = tpu.vector_load_idx %arg29[%parallel_loop3A_1677] : memref<32000xf32, #tpu.memory_space<vmem>>[vector<16xi32>], vector<16xf32>,
        %parallel_loop3A_1679 = arith.constant 38 : i32
        %parallel_loop3A_1680 = vector.broadcast %parallel_loop3A_1679 : i32 to vector<16xi32>
        %parallel_loop3A_1681 = arith.addi %parallel_loop3A_91, %parallel_loop3A_1680 : vector<16xi32>
        %parallel_loop3A_1682 = tpu.vector_load_idx %arg30[%parallel_loop3A_1681] : memref<23424xf32, #tpu.memory_space<vmem>>[vector<16xi32>], vector<16xf32>,
        %parallel_loop3A_1683 = arith.constant 38 : i32
        %parallel_loop3A_1684 = vector.broadcast %parallel_loop3A_1683 : i32 to vector<16xi32>
        %parallel_loop3A_1685 = arith.addi %parallel_loop3A_96, %parallel_loop3A_1684 : vector<16xi32>
        %parallel_loop3A_1686 = tpu.vector_load_idx %arg30[%parallel_loop3A_1685] : memref<23424xf32, #tpu.memory_space<vmem>>[vector<16xi32>], vector<16xf32>,
        %parallel_loop3A_1687 = arith.addf %parallel_loop3A_1682, %parallel_loop3A_1686 : vector<16xf32>
        %parallel_loop3A_1688 = arith.constant 5.000000e-01 : f32
        %parallel_loop3A_1689 = vector.broadcast %parallel_loop3A_1688 : f32 to vector<16xf32>
        %parallel_loop3A_1690 = arith.mulf %parallel_loop3A_1689, %parallel_loop3A_1687 : vector<16xf32>
        %parallel_loop3A_1691 = arith.addf %parallel_loop3A_1678, %parallel_loop3A_1690 : vector<16xf32>
        %parallel_loop3A_1692 = arith.addf %parallel_loop3A_1662, %parallel_loop3A_1691 : vector<16xf32>
        %parallel_loop3A_1693 = arith.subf %parallel_loop3A_1692, %parallel_loop3A_1666 : vector<16xf32>
        %parallel_loop3A_1694 = math.absf %parallel_loop3A_1693 : vector<16xf32>
        %parallel_loop3A_1695 = arith.addf %parallel_loop3A_1654, %parallel_loop3A_1694 : vector<16xf32>
        %parallel_loop3A_1696 = arith.addf %parallel_loop3A_1670, %parallel_loop3A_1691 : vector<16xf32>
        %parallel_loop3A_1697 = arith.subf %parallel_loop3A_1696, %parallel_loop3A_1674 : vector<16xf32>
        %parallel_loop3A_1698 = math.absf %parallel_loop3A_1697 : vector<16xf32>
        %parallel_loop3A_1699 = arith.addf %parallel_loop3A_1658, %parallel_loop3A_1698 : vector<16xf32>
        %parallel_loop3A_1700 = arith.constant 39 : i32
        %parallel_loop3A_1701 = vector.broadcast %parallel_loop3A_1700 : i32 to vector<16xi32>
        %parallel_loop3A_1702 = arith.addi %parallel_loop3A_57, %parallel_loop3A_1701 : vector<16xi32>
        %parallel_loop3A_1703 = tpu.vector_load_idx %arg25[%parallel_loop3A_49, %parallel_loop3A_1702] : memref<64x128xf32, #tpu.memory_space<vmem>>[vector<16xi32>, vector<16xi32>], vector<16xf32>,
        %parallel_loop3A_1704 = arith.constant 39 : i32
        %parallel_loop3A_1705 = vector.broadcast %parallel_loop3A_1704 : i32 to vector<16xi32>
        %parallel_loop3A_1706 = arith.addi %parallel_loop3A_65, %parallel_loop3A_1705 : vector<16xi32>
        %parallel_loop3A_1707 = tpu.vector_load_idx %arg26[%parallel_loop3A_49, %parallel_loop3A_1706] : memref<64x128xf32, #tpu.memory_space<vmem>>[vector<16xi32>, vector<16xi32>], vector<16xf32>,
        %parallel_loop3A_1708 = arith.constant 39 : i32
        %parallel_loop3A_1709 = vector.broadcast %parallel_loop3A_1708 : i32 to vector<16xi32>
        %parallel_loop3A_1710 = arith.addi %parallel_loop3A_73, %parallel_loop3A_1709 : vector<16xi32>
        %parallel_loop3A_1711 = tpu.vector_load_idx %arg27[%parallel_loop3A_49, %parallel_loop3A_1710] : memref<64x128xf32, #tpu.memory_space<vmem>>[vector<16xi32>, vector<16xi32>], vector<16xf32>,
        %parallel_loop3A_1712 = arith.constant 39 : i32
        %parallel_loop3A_1713 = vector.broadcast %parallel_loop3A_1712 : i32 to vector<16xi32>
        %parallel_loop3A_1714 = arith.addi %parallel_loop3A_81, %parallel_loop3A_1713 : vector<16xi32>
        %parallel_loop3A_1715 = tpu.vector_load_idx %arg28[%parallel_loop3A_49, %parallel_loop3A_1714] : memref<64x128xf32, #tpu.memory_space<vmem>>[vector<16xi32>, vector<16xi32>], vector<16xf32>,
        %parallel_loop3A_1716 = arith.constant 39 : i32
        %parallel_loop3A_1717 = vector.broadcast %parallel_loop3A_1716 : i32 to vector<16xi32>
        %parallel_loop3A_1718 = arith.addi %parallel_loop3A_86, %parallel_loop3A_1717 : vector<16xi32>
        %parallel_loop3A_1719 = tpu.vector_load_idx %arg29[%parallel_loop3A_1718] : memref<32000xf32, #tpu.memory_space<vmem>>[vector<16xi32>], vector<16xf32>,
        %parallel_loop3A_1720 = arith.constant 39 : i32
        %parallel_loop3A_1721 = vector.broadcast %parallel_loop3A_1720 : i32 to vector<16xi32>
        %parallel_loop3A_1722 = arith.addi %parallel_loop3A_91, %parallel_loop3A_1721 : vector<16xi32>
        %parallel_loop3A_1723 = tpu.vector_load_idx %arg30[%parallel_loop3A_1722] : memref<23424xf32, #tpu.memory_space<vmem>>[vector<16xi32>], vector<16xf32>,
        %parallel_loop3A_1724 = arith.constant 39 : i32
        %parallel_loop3A_1725 = vector.broadcast %parallel_loop3A_1724 : i32 to vector<16xi32>
        %parallel_loop3A_1726 = arith.addi %parallel_loop3A_96, %parallel_loop3A_1725 : vector<16xi32>
        %parallel_loop3A_1727 = tpu.vector_load_idx %arg30[%parallel_loop3A_1726] : memref<23424xf32, #tpu.memory_space<vmem>>[vector<16xi32>], vector<16xf32>,
        %parallel_loop3A_1728 = arith.addf %parallel_loop3A_1723, %parallel_loop3A_1727 : vector<16xf32>
        %parallel_loop3A_1729 = arith.constant 5.000000e-01 : f32
        %parallel_loop3A_1730 = vector.broadcast %parallel_loop3A_1729 : f32 to vector<16xf32>
        %parallel_loop3A_1731 = arith.mulf %parallel_loop3A_1730, %parallel_loop3A_1728 : vector<16xf32>
        %parallel_loop3A_1732 = arith.addf %parallel_loop3A_1719, %parallel_loop3A_1731 : vector<16xf32>
        %parallel_loop3A_1733 = arith.addf %parallel_loop3A_1703, %parallel_loop3A_1732 : vector<16xf32>
        %parallel_loop3A_1734 = arith.subf %parallel_loop3A_1733, %parallel_loop3A_1707 : vector<16xf32>
        %parallel_loop3A_1735 = math.absf %parallel_loop3A_1734 : vector<16xf32>
        %parallel_loop3A_1736 = arith.addf %parallel_loop3A_1695, %parallel_loop3A_1735 : vector<16xf32>
        %parallel_loop3A_1737 = arith.addf %parallel_loop3A_1711, %parallel_loop3A_1732 : vector<16xf32>
        %parallel_loop3A_1738 = arith.subf %parallel_loop3A_1737, %parallel_loop3A_1715 : vector<16xf32>
        %parallel_loop3A_1739 = math.absf %parallel_loop3A_1738 : vector<16xf32>
        %parallel_loop3A_1740 = arith.addf %parallel_loop3A_1699, %parallel_loop3A_1739 : vector<16xf32>
        %parallel_loop3A_1741 = arith.constant 40 : i32
        %parallel_loop3A_1742 = vector.broadcast %parallel_loop3A_1741 : i32 to vector<16xi32>
        %parallel_loop3A_1743 = arith.addi %parallel_loop3A_57, %parallel_loop3A_1742 : vector<16xi32>
        %parallel_loop3A_1744 = tpu.vector_load_idx %arg25[%parallel_loop3A_49, %parallel_loop3A_1743] : memref<64x128xf32, #tpu.memory_space<vmem>>[vector<16xi32>, vector<16xi32>], vector<16xf32>,
        %parallel_loop3A_1745 = arith.constant 40 : i32
        %parallel_loop3A_1746 = vector.broadcast %parallel_loop3A_1745 : i32 to vector<16xi32>
        %parallel_loop3A_1747 = arith.addi %parallel_loop3A_65, %parallel_loop3A_1746 : vector<16xi32>
        %parallel_loop3A_1748 = tpu.vector_load_idx %arg26[%parallel_loop3A_49, %parallel_loop3A_1747] : memref<64x128xf32, #tpu.memory_space<vmem>>[vector<16xi32>, vector<16xi32>], vector<16xf32>,
        %parallel_loop3A_1749 = arith.constant 40 : i32
        %parallel_loop3A_1750 = vector.broadcast %parallel_loop3A_1749 : i32 to vector<16xi32>
        %parallel_loop3A_1751 = arith.addi %parallel_loop3A_73, %parallel_loop3A_1750 : vector<16xi32>
        %parallel_loop3A_1752 = tpu.vector_load_idx %arg27[%parallel_loop3A_49, %parallel_loop3A_1751] : memref<64x128xf32, #tpu.memory_space<vmem>>[vector<16xi32>, vector<16xi32>], vector<16xf32>,
        %parallel_loop3A_1753 = arith.constant 40 : i32
        %parallel_loop3A_1754 = vector.broadcast %parallel_loop3A_1753 : i32 to vector<16xi32>
        %parallel_loop3A_1755 = arith.addi %parallel_loop3A_81, %parallel_loop3A_1754 : vector<16xi32>
        %parallel_loop3A_1756 = tpu.vector_load_idx %arg28[%parallel_loop3A_49, %parallel_loop3A_1755] : memref<64x128xf32, #tpu.memory_space<vmem>>[vector<16xi32>, vector<16xi32>], vector<16xf32>,
        %parallel_loop3A_1757 = arith.constant 40 : i32
        %parallel_loop3A_1758 = vector.broadcast %parallel_loop3A_1757 : i32 to vector<16xi32>
        %parallel_loop3A_1759 = arith.addi %parallel_loop3A_86, %parallel_loop3A_1758 : vector<16xi32>
        %parallel_loop3A_1760 = tpu.vector_load_idx %arg29[%parallel_loop3A_1759] : memref<32000xf32, #tpu.memory_space<vmem>>[vector<16xi32>], vector<16xf32>,
        %parallel_loop3A_1761 = arith.constant 40 : i32
        %parallel_loop3A_1762 = vector.broadcast %parallel_loop3A_1761 : i32 to vector<16xi32>
        %parallel_loop3A_1763 = arith.addi %parallel_loop3A_91, %parallel_loop3A_1762 : vector<16xi32>
        %parallel_loop3A_1764 = tpu.vector_load_idx %arg30[%parallel_loop3A_1763] : memref<23424xf32, #tpu.memory_space<vmem>>[vector<16xi32>], vector<16xf32>,
        %parallel_loop3A_1765 = arith.constant 40 : i32
        %parallel_loop3A_1766 = vector.broadcast %parallel_loop3A_1765 : i32 to vector<16xi32>
        %parallel_loop3A_1767 = arith.addi %parallel_loop3A_96, %parallel_loop3A_1766 : vector<16xi32>
        %parallel_loop3A_1768 = tpu.vector_load_idx %arg30[%parallel_loop3A_1767] : memref<23424xf32, #tpu.memory_space<vmem>>[vector<16xi32>], vector<16xf32>,
        %parallel_loop3A_1769 = arith.addf %parallel_loop3A_1764, %parallel_loop3A_1768 : vector<16xf32>
        %parallel_loop3A_1770 = arith.constant 5.000000e-01 : f32
        %parallel_loop3A_1771 = vector.broadcast %parallel_loop3A_1770 : f32 to vector<16xf32>
        %parallel_loop3A_1772 = arith.mulf %parallel_loop3A_1771, %parallel_loop3A_1769 : vector<16xf32>
        %parallel_loop3A_1773 = arith.addf %parallel_loop3A_1760, %parallel_loop3A_1772 : vector<16xf32>
        %parallel_loop3A_1774 = arith.addf %parallel_loop3A_1744, %parallel_loop3A_1773 : vector<16xf32>
        %parallel_loop3A_1775 = arith.subf %parallel_loop3A_1774, %parallel_loop3A_1748 : vector<16xf32>
        %parallel_loop3A_1776 = math.absf %parallel_loop3A_1775 : vector<16xf32>
        %parallel_loop3A_1777 = arith.addf %parallel_loop3A_1736, %parallel_loop3A_1776 : vector<16xf32>
        %parallel_loop3A_1778 = arith.addf %parallel_loop3A_1752, %parallel_loop3A_1773 : vector<16xf32>
        %parallel_loop3A_1779 = arith.subf %parallel_loop3A_1778, %parallel_loop3A_1756 : vector<16xf32>
        %parallel_loop3A_1780 = math.absf %parallel_loop3A_1779 : vector<16xf32>
        %parallel_loop3A_1781 = arith.addf %parallel_loop3A_1740, %parallel_loop3A_1780 : vector<16xf32>
        %parallel_loop3A_1782 = arith.constant 41 : i32
        %parallel_loop3A_1783 = vector.broadcast %parallel_loop3A_1782 : i32 to vector<16xi32>
        %parallel_loop3A_1784 = arith.addi %parallel_loop3A_57, %parallel_loop3A_1783 : vector<16xi32>
        %parallel_loop3A_1785 = tpu.vector_load_idx %arg25[%parallel_loop3A_49, %parallel_loop3A_1784] : memref<64x128xf32, #tpu.memory_space<vmem>>[vector<16xi32>, vector<16xi32>], vector<16xf32>,
        %parallel_loop3A_1786 = arith.constant 41 : i32
        %parallel_loop3A_1787 = vector.broadcast %parallel_loop3A_1786 : i32 to vector<16xi32>
        %parallel_loop3A_1788 = arith.addi %parallel_loop3A_65, %parallel_loop3A_1787 : vector<16xi32>
        %parallel_loop3A_1789 = tpu.vector_load_idx %arg26[%parallel_loop3A_49, %parallel_loop3A_1788] : memref<64x128xf32, #tpu.memory_space<vmem>>[vector<16xi32>, vector<16xi32>], vector<16xf32>,
        %parallel_loop3A_1790 = arith.constant 41 : i32
        %parallel_loop3A_1791 = vector.broadcast %parallel_loop3A_1790 : i32 to vector<16xi32>
        %parallel_loop3A_1792 = arith.addi %parallel_loop3A_73, %parallel_loop3A_1791 : vector<16xi32>
        %parallel_loop3A_1793 = tpu.vector_load_idx %arg27[%parallel_loop3A_49, %parallel_loop3A_1792] : memref<64x128xf32, #tpu.memory_space<vmem>>[vector<16xi32>, vector<16xi32>], vector<16xf32>,
        %parallel_loop3A_1794 = arith.constant 41 : i32
        %parallel_loop3A_1795 = vector.broadcast %parallel_loop3A_1794 : i32 to vector<16xi32>
        %parallel_loop3A_1796 = arith.addi %parallel_loop3A_81, %parallel_loop3A_1795 : vector<16xi32>
        %parallel_loop3A_1797 = tpu.vector_load_idx %arg28[%parallel_loop3A_49, %parallel_loop3A_1796] : memref<64x128xf32, #tpu.memory_space<vmem>>[vector<16xi32>, vector<16xi32>], vector<16xf32>,
        %parallel_loop3A_1798 = arith.constant 41 : i32
        %parallel_loop3A_1799 = vector.broadcast %parallel_loop3A_1798 : i32 to vector<16xi32>
        %parallel_loop3A_1800 = arith.addi %parallel_loop3A_86, %parallel_loop3A_1799 : vector<16xi32>
        %parallel_loop3A_1801 = tpu.vector_load_idx %arg29[%parallel_loop3A_1800] : memref<32000xf32, #tpu.memory_space<vmem>>[vector<16xi32>], vector<16xf32>,
        %parallel_loop3A_1802 = arith.constant 41 : i32
        %parallel_loop3A_1803 = vector.broadcast %parallel_loop3A_1802 : i32 to vector<16xi32>
        %parallel_loop3A_1804 = arith.addi %parallel_loop3A_91, %parallel_loop3A_1803 : vector<16xi32>
        %parallel_loop3A_1805 = tpu.vector_load_idx %arg30[%parallel_loop3A_1804] : memref<23424xf32, #tpu.memory_space<vmem>>[vector<16xi32>], vector<16xf32>,
        %parallel_loop3A_1806 = arith.constant 41 : i32
        %parallel_loop3A_1807 = vector.broadcast %parallel_loop3A_1806 : i32 to vector<16xi32>
        %parallel_loop3A_1808 = arith.addi %parallel_loop3A_96, %parallel_loop3A_1807 : vector<16xi32>
        %parallel_loop3A_1809 = tpu.vector_load_idx %arg30[%parallel_loop3A_1808] : memref<23424xf32, #tpu.memory_space<vmem>>[vector<16xi32>], vector<16xf32>,
        %parallel_loop3A_1810 = arith.addf %parallel_loop3A_1805, %parallel_loop3A_1809 : vector<16xf32>
        %parallel_loop3A_1811 = arith.constant 5.000000e-01 : f32
        %parallel_loop3A_1812 = vector.broadcast %parallel_loop3A_1811 : f32 to vector<16xf32>
        %parallel_loop3A_1813 = arith.mulf %parallel_loop3A_1812, %parallel_loop3A_1810 : vector<16xf32>
        %parallel_loop3A_1814 = arith.addf %parallel_loop3A_1801, %parallel_loop3A_1813 : vector<16xf32>
        %parallel_loop3A_1815 = arith.addf %parallel_loop3A_1785, %parallel_loop3A_1814 : vector<16xf32>
        %parallel_loop3A_1816 = arith.subf %parallel_loop3A_1815, %parallel_loop3A_1789 : vector<16xf32>
        %parallel_loop3A_1817 = math.absf %parallel_loop3A_1816 : vector<16xf32>
        %parallel_loop3A_1818 = arith.addf %parallel_loop3A_1777, %parallel_loop3A_1817 : vector<16xf32>
        %parallel_loop3A_1819 = arith.addf %parallel_loop3A_1793, %parallel_loop3A_1814 : vector<16xf32>
        %parallel_loop3A_1820 = arith.subf %parallel_loop3A_1819, %parallel_loop3A_1797 : vector<16xf32>
        %parallel_loop3A_1821 = math.absf %parallel_loop3A_1820 : vector<16xf32>
        %parallel_loop3A_1822 = arith.addf %parallel_loop3A_1781, %parallel_loop3A_1821 : vector<16xf32>
        %parallel_loop3A_1823 = arith.constant 42 : i32
        %parallel_loop3A_1824 = vector.broadcast %parallel_loop3A_1823 : i32 to vector<16xi32>
        %parallel_loop3A_1825 = arith.addi %parallel_loop3A_57, %parallel_loop3A_1824 : vector<16xi32>
        %parallel_loop3A_1826 = tpu.vector_load_idx %arg25[%parallel_loop3A_49, %parallel_loop3A_1825] : memref<64x128xf32, #tpu.memory_space<vmem>>[vector<16xi32>, vector<16xi32>], vector<16xf32>,
        %parallel_loop3A_1827 = arith.constant 42 : i32
        %parallel_loop3A_1828 = vector.broadcast %parallel_loop3A_1827 : i32 to vector<16xi32>
        %parallel_loop3A_1829 = arith.addi %parallel_loop3A_65, %parallel_loop3A_1828 : vector<16xi32>
        %parallel_loop3A_1830 = tpu.vector_load_idx %arg26[%parallel_loop3A_49, %parallel_loop3A_1829] : memref<64x128xf32, #tpu.memory_space<vmem>>[vector<16xi32>, vector<16xi32>], vector<16xf32>,
        %parallel_loop3A_1831 = arith.constant 42 : i32
        %parallel_loop3A_1832 = vector.broadcast %parallel_loop3A_1831 : i32 to vector<16xi32>
        %parallel_loop3A_1833 = arith.addi %parallel_loop3A_73, %parallel_loop3A_1832 : vector<16xi32>
        %parallel_loop3A_1834 = tpu.vector_load_idx %arg27[%parallel_loop3A_49, %parallel_loop3A_1833] : memref<64x128xf32, #tpu.memory_space<vmem>>[vector<16xi32>, vector<16xi32>], vector<16xf32>,
        %parallel_loop3A_1835 = arith.constant 42 : i32
        %parallel_loop3A_1836 = vector.broadcast %parallel_loop3A_1835 : i32 to vector<16xi32>
        %parallel_loop3A_1837 = arith.addi %parallel_loop3A_81, %parallel_loop3A_1836 : vector<16xi32>
        %parallel_loop3A_1838 = tpu.vector_load_idx %arg28[%parallel_loop3A_49, %parallel_loop3A_1837] : memref<64x128xf32, #tpu.memory_space<vmem>>[vector<16xi32>, vector<16xi32>], vector<16xf32>,
        %parallel_loop3A_1839 = arith.constant 42 : i32
        %parallel_loop3A_1840 = vector.broadcast %parallel_loop3A_1839 : i32 to vector<16xi32>
        %parallel_loop3A_1841 = arith.addi %parallel_loop3A_86, %parallel_loop3A_1840 : vector<16xi32>
        %parallel_loop3A_1842 = tpu.vector_load_idx %arg29[%parallel_loop3A_1841] : memref<32000xf32, #tpu.memory_space<vmem>>[vector<16xi32>], vector<16xf32>,
        %parallel_loop3A_1843 = arith.constant 42 : i32
        %parallel_loop3A_1844 = vector.broadcast %parallel_loop3A_1843 : i32 to vector<16xi32>
        %parallel_loop3A_1845 = arith.addi %parallel_loop3A_91, %parallel_loop3A_1844 : vector<16xi32>
        %parallel_loop3A_1846 = tpu.vector_load_idx %arg30[%parallel_loop3A_1845] : memref<23424xf32, #tpu.memory_space<vmem>>[vector<16xi32>], vector<16xf32>,
        %parallel_loop3A_1847 = arith.constant 42 : i32
        %parallel_loop3A_1848 = vector.broadcast %parallel_loop3A_1847 : i32 to vector<16xi32>
        %parallel_loop3A_1849 = arith.addi %parallel_loop3A_96, %parallel_loop3A_1848 : vector<16xi32>
        %parallel_loop3A_1850 = tpu.vector_load_idx %arg30[%parallel_loop3A_1849] : memref<23424xf32, #tpu.memory_space<vmem>>[vector<16xi32>], vector<16xf32>,
        %parallel_loop3A_1851 = arith.addf %parallel_loop3A_1846, %parallel_loop3A_1850 : vector<16xf32>
        %parallel_loop3A_1852 = arith.constant 5.000000e-01 : f32
        %parallel_loop3A_1853 = vector.broadcast %parallel_loop3A_1852 : f32 to vector<16xf32>
        %parallel_loop3A_1854 = arith.mulf %parallel_loop3A_1853, %parallel_loop3A_1851 : vector<16xf32>
        %parallel_loop3A_1855 = arith.addf %parallel_loop3A_1842, %parallel_loop3A_1854 : vector<16xf32>
        %parallel_loop3A_1856 = arith.addf %parallel_loop3A_1826, %parallel_loop3A_1855 : vector<16xf32>
        %parallel_loop3A_1857 = arith.subf %parallel_loop3A_1856, %parallel_loop3A_1830 : vector<16xf32>
        %parallel_loop3A_1858 = math.absf %parallel_loop3A_1857 : vector<16xf32>
        %parallel_loop3A_1859 = arith.addf %parallel_loop3A_1818, %parallel_loop3A_1858 : vector<16xf32>
        %parallel_loop3A_1860 = arith.addf %parallel_loop3A_1834, %parallel_loop3A_1855 : vector<16xf32>
        %parallel_loop3A_1861 = arith.subf %parallel_loop3A_1860, %parallel_loop3A_1838 : vector<16xf32>
        %parallel_loop3A_1862 = math.absf %parallel_loop3A_1861 : vector<16xf32>
        %parallel_loop3A_1863 = arith.addf %parallel_loop3A_1822, %parallel_loop3A_1862 : vector<16xf32>
        %parallel_loop3A_1864 = arith.constant 43 : i32
        %parallel_loop3A_1865 = vector.broadcast %parallel_loop3A_1864 : i32 to vector<16xi32>
        %parallel_loop3A_1866 = arith.addi %parallel_loop3A_57, %parallel_loop3A_1865 : vector<16xi32>
        %parallel_loop3A_1867 = tpu.vector_load_idx %arg25[%parallel_loop3A_49, %parallel_loop3A_1866] : memref<64x128xf32, #tpu.memory_space<vmem>>[vector<16xi32>, vector<16xi32>], vector<16xf32>,
        %parallel_loop3A_1868 = arith.constant 43 : i32
        %parallel_loop3A_1869 = vector.broadcast %parallel_loop3A_1868 : i32 to vector<16xi32>
        %parallel_loop3A_1870 = arith.addi %parallel_loop3A_65, %parallel_loop3A_1869 : vector<16xi32>
        %parallel_loop3A_1871 = tpu.vector_load_idx %arg26[%parallel_loop3A_49, %parallel_loop3A_1870] : memref<64x128xf32, #tpu.memory_space<vmem>>[vector<16xi32>, vector<16xi32>], vector<16xf32>,
        %parallel_loop3A_1872 = arith.constant 43 : i32
        %parallel_loop3A_1873 = vector.broadcast %parallel_loop3A_1872 : i32 to vector<16xi32>
        %parallel_loop3A_1874 = arith.addi %parallel_loop3A_73, %parallel_loop3A_1873 : vector<16xi32>
        %parallel_loop3A_1875 = tpu.vector_load_idx %arg27[%parallel_loop3A_49, %parallel_loop3A_1874] : memref<64x128xf32, #tpu.memory_space<vmem>>[vector<16xi32>, vector<16xi32>], vector<16xf32>,
        %parallel_loop3A_1876 = arith.constant 43 : i32
        %parallel_loop3A_1877 = vector.broadcast %parallel_loop3A_1876 : i32 to vector<16xi32>
        %parallel_loop3A_1878 = arith.addi %parallel_loop3A_81, %parallel_loop3A_1877 : vector<16xi32>
        %parallel_loop3A_1879 = tpu.vector_load_idx %arg28[%parallel_loop3A_49, %parallel_loop3A_1878] : memref<64x128xf32, #tpu.memory_space<vmem>>[vector<16xi32>, vector<16xi32>], vector<16xf32>,
        %parallel_loop3A_1880 = arith.constant 43 : i32
        %parallel_loop3A_1881 = vector.broadcast %parallel_loop3A_1880 : i32 to vector<16xi32>
        %parallel_loop3A_1882 = arith.addi %parallel_loop3A_86, %parallel_loop3A_1881 : vector<16xi32>
        %parallel_loop3A_1883 = tpu.vector_load_idx %arg29[%parallel_loop3A_1882] : memref<32000xf32, #tpu.memory_space<vmem>>[vector<16xi32>], vector<16xf32>,
        %parallel_loop3A_1884 = arith.constant 43 : i32
        %parallel_loop3A_1885 = vector.broadcast %parallel_loop3A_1884 : i32 to vector<16xi32>
        %parallel_loop3A_1886 = arith.addi %parallel_loop3A_91, %parallel_loop3A_1885 : vector<16xi32>
        %parallel_loop3A_1887 = tpu.vector_load_idx %arg30[%parallel_loop3A_1886] : memref<23424xf32, #tpu.memory_space<vmem>>[vector<16xi32>], vector<16xf32>,
        %parallel_loop3A_1888 = arith.constant 43 : i32
        %parallel_loop3A_1889 = vector.broadcast %parallel_loop3A_1888 : i32 to vector<16xi32>
        %parallel_loop3A_1890 = arith.addi %parallel_loop3A_96, %parallel_loop3A_1889 : vector<16xi32>
        %parallel_loop3A_1891 = tpu.vector_load_idx %arg30[%parallel_loop3A_1890] : memref<23424xf32, #tpu.memory_space<vmem>>[vector<16xi32>], vector<16xf32>,
        %parallel_loop3A_1892 = arith.addf %parallel_loop3A_1887, %parallel_loop3A_1891 : vector<16xf32>
        %parallel_loop3A_1893 = arith.constant 5.000000e-01 : f32
        %parallel_loop3A_1894 = vector.broadcast %parallel_loop3A_1893 : f32 to vector<16xf32>
        %parallel_loop3A_1895 = arith.mulf %parallel_loop3A_1894, %parallel_loop3A_1892 : vector<16xf32>
        %parallel_loop3A_1896 = arith.addf %parallel_loop3A_1883, %parallel_loop3A_1895 : vector<16xf32>
        %parallel_loop3A_1897 = arith.addf %parallel_loop3A_1867, %parallel_loop3A_1896 : vector<16xf32>
        %parallel_loop3A_1898 = arith.subf %parallel_loop3A_1897, %parallel_loop3A_1871 : vector<16xf32>
        %parallel_loop3A_1899 = math.absf %parallel_loop3A_1898 : vector<16xf32>
        %parallel_loop3A_1900 = arith.addf %parallel_loop3A_1859, %parallel_loop3A_1899 : vector<16xf32>
        %parallel_loop3A_1901 = arith.addf %parallel_loop3A_1875, %parallel_loop3A_1896 : vector<16xf32>
        %parallel_loop3A_1902 = arith.subf %parallel_loop3A_1901, %parallel_loop3A_1879 : vector<16xf32>
        %parallel_loop3A_1903 = math.absf %parallel_loop3A_1902 : vector<16xf32>
        %parallel_loop3A_1904 = arith.addf %parallel_loop3A_1863, %parallel_loop3A_1903 : vector<16xf32>
        %parallel_loop3A_1905 = arith.constant 44 : i32
        %parallel_loop3A_1906 = vector.broadcast %parallel_loop3A_1905 : i32 to vector<16xi32>
        %parallel_loop3A_1907 = arith.addi %parallel_loop3A_57, %parallel_loop3A_1906 : vector<16xi32>
        %parallel_loop3A_1908 = tpu.vector_load_idx %arg25[%parallel_loop3A_49, %parallel_loop3A_1907] : memref<64x128xf32, #tpu.memory_space<vmem>>[vector<16xi32>, vector<16xi32>], vector<16xf32>,
        %parallel_loop3A_1909 = arith.constant 44 : i32
        %parallel_loop3A_1910 = vector.broadcast %parallel_loop3A_1909 : i32 to vector<16xi32>
        %parallel_loop3A_1911 = arith.addi %parallel_loop3A_65, %parallel_loop3A_1910 : vector<16xi32>
        %parallel_loop3A_1912 = tpu.vector_load_idx %arg26[%parallel_loop3A_49, %parallel_loop3A_1911] : memref<64x128xf32, #tpu.memory_space<vmem>>[vector<16xi32>, vector<16xi32>], vector<16xf32>,
        %parallel_loop3A_1913 = arith.constant 44 : i32
        %parallel_loop3A_1914 = vector.broadcast %parallel_loop3A_1913 : i32 to vector<16xi32>
        %parallel_loop3A_1915 = arith.addi %parallel_loop3A_73, %parallel_loop3A_1914 : vector<16xi32>
        %parallel_loop3A_1916 = tpu.vector_load_idx %arg27[%parallel_loop3A_49, %parallel_loop3A_1915] : memref<64x128xf32, #tpu.memory_space<vmem>>[vector<16xi32>, vector<16xi32>], vector<16xf32>,
        %parallel_loop3A_1917 = arith.constant 44 : i32
        %parallel_loop3A_1918 = vector.broadcast %parallel_loop3A_1917 : i32 to vector<16xi32>
        %parallel_loop3A_1919 = arith.addi %parallel_loop3A_81, %parallel_loop3A_1918 : vector<16xi32>
        %parallel_loop3A_1920 = tpu.vector_load_idx %arg28[%parallel_loop3A_49, %parallel_loop3A_1919] : memref<64x128xf32, #tpu.memory_space<vmem>>[vector<16xi32>, vector<16xi32>], vector<16xf32>,
        %parallel_loop3A_1921 = arith.constant 44 : i32
        %parallel_loop3A_1922 = vector.broadcast %parallel_loop3A_1921 : i32 to vector<16xi32>
        %parallel_loop3A_1923 = arith.addi %parallel_loop3A_86, %parallel_loop3A_1922 : vector<16xi32>
        %parallel_loop3A_1924 = tpu.vector_load_idx %arg29[%parallel_loop3A_1923] : memref<32000xf32, #tpu.memory_space<vmem>>[vector<16xi32>], vector<16xf32>,
        %parallel_loop3A_1925 = arith.constant 44 : i32
        %parallel_loop3A_1926 = vector.broadcast %parallel_loop3A_1925 : i32 to vector<16xi32>
        %parallel_loop3A_1927 = arith.addi %parallel_loop3A_91, %parallel_loop3A_1926 : vector<16xi32>
        %parallel_loop3A_1928 = tpu.vector_load_idx %arg30[%parallel_loop3A_1927] : memref<23424xf32, #tpu.memory_space<vmem>>[vector<16xi32>], vector<16xf32>,
        %parallel_loop3A_1929 = arith.constant 44 : i32
        %parallel_loop3A_1930 = vector.broadcast %parallel_loop3A_1929 : i32 to vector<16xi32>
        %parallel_loop3A_1931 = arith.addi %parallel_loop3A_96, %parallel_loop3A_1930 : vector<16xi32>
        %parallel_loop3A_1932 = tpu.vector_load_idx %arg30[%parallel_loop3A_1931] : memref<23424xf32, #tpu.memory_space<vmem>>[vector<16xi32>], vector<16xf32>,
        %parallel_loop3A_1933 = arith.addf %parallel_loop3A_1928, %parallel_loop3A_1932 : vector<16xf32>
        %parallel_loop3A_1934 = arith.constant 5.000000e-01 : f32
        %parallel_loop3A_1935 = vector.broadcast %parallel_loop3A_1934 : f32 to vector<16xf32>
        %parallel_loop3A_1936 = arith.mulf %parallel_loop3A_1935, %parallel_loop3A_1933 : vector<16xf32>
        %parallel_loop3A_1937 = arith.addf %parallel_loop3A_1924, %parallel_loop3A_1936 : vector<16xf32>
        %parallel_loop3A_1938 = arith.addf %parallel_loop3A_1908, %parallel_loop3A_1937 : vector<16xf32>
        %parallel_loop3A_1939 = arith.subf %parallel_loop3A_1938, %parallel_loop3A_1912 : vector<16xf32>
        %parallel_loop3A_1940 = math.absf %parallel_loop3A_1939 : vector<16xf32>
        %parallel_loop3A_1941 = arith.addf %parallel_loop3A_1900, %parallel_loop3A_1940 : vector<16xf32>
        %parallel_loop3A_1942 = arith.addf %parallel_loop3A_1916, %parallel_loop3A_1937 : vector<16xf32>
        %parallel_loop3A_1943 = arith.subf %parallel_loop3A_1942, %parallel_loop3A_1920 : vector<16xf32>
        %parallel_loop3A_1944 = math.absf %parallel_loop3A_1943 : vector<16xf32>
        %parallel_loop3A_1945 = arith.addf %parallel_loop3A_1904, %parallel_loop3A_1944 : vector<16xf32>
        %parallel_loop3A_1946 = arith.constant 45 : i32
        %parallel_loop3A_1947 = vector.broadcast %parallel_loop3A_1946 : i32 to vector<16xi32>
        %parallel_loop3A_1948 = arith.addi %parallel_loop3A_57, %parallel_loop3A_1947 : vector<16xi32>
        %parallel_loop3A_1949 = tpu.vector_load_idx %arg25[%parallel_loop3A_49, %parallel_loop3A_1948] : memref<64x128xf32, #tpu.memory_space<vmem>>[vector<16xi32>, vector<16xi32>], vector<16xf32>,
        %parallel_loop3A_1950 = arith.constant 45 : i32
        %parallel_loop3A_1951 = vector.broadcast %parallel_loop3A_1950 : i32 to vector<16xi32>
        %parallel_loop3A_1952 = arith.addi %parallel_loop3A_65, %parallel_loop3A_1951 : vector<16xi32>
        %parallel_loop3A_1953 = tpu.vector_load_idx %arg26[%parallel_loop3A_49, %parallel_loop3A_1952] : memref<64x128xf32, #tpu.memory_space<vmem>>[vector<16xi32>, vector<16xi32>], vector<16xf32>,
        %parallel_loop3A_1954 = arith.constant 45 : i32
        %parallel_loop3A_1955 = vector.broadcast %parallel_loop3A_1954 : i32 to vector<16xi32>
        %parallel_loop3A_1956 = arith.addi %parallel_loop3A_73, %parallel_loop3A_1955 : vector<16xi32>
        %parallel_loop3A_1957 = tpu.vector_load_idx %arg27[%parallel_loop3A_49, %parallel_loop3A_1956] : memref<64x128xf32, #tpu.memory_space<vmem>>[vector<16xi32>, vector<16xi32>], vector<16xf32>,
        %parallel_loop3A_1958 = arith.constant 45 : i32
        %parallel_loop3A_1959 = vector.broadcast %parallel_loop3A_1958 : i32 to vector<16xi32>
        %parallel_loop3A_1960 = arith.addi %parallel_loop3A_81, %parallel_loop3A_1959 : vector<16xi32>
        %parallel_loop3A_1961 = tpu.vector_load_idx %arg28[%parallel_loop3A_49, %parallel_loop3A_1960] : memref<64x128xf32, #tpu.memory_space<vmem>>[vector<16xi32>, vector<16xi32>], vector<16xf32>,
        %parallel_loop3A_1962 = arith.constant 45 : i32
        %parallel_loop3A_1963 = vector.broadcast %parallel_loop3A_1962 : i32 to vector<16xi32>
        %parallel_loop3A_1964 = arith.addi %parallel_loop3A_86, %parallel_loop3A_1963 : vector<16xi32>
        %parallel_loop3A_1965 = tpu.vector_load_idx %arg29[%parallel_loop3A_1964] : memref<32000xf32, #tpu.memory_space<vmem>>[vector<16xi32>], vector<16xf32>,
        %parallel_loop3A_1966 = arith.constant 45 : i32
        %parallel_loop3A_1967 = vector.broadcast %parallel_loop3A_1966 : i32 to vector<16xi32>
        %parallel_loop3A_1968 = arith.addi %parallel_loop3A_91, %parallel_loop3A_1967 : vector<16xi32>
        %parallel_loop3A_1969 = tpu.vector_load_idx %arg30[%parallel_loop3A_1968] : memref<23424xf32, #tpu.memory_space<vmem>>[vector<16xi32>], vector<16xf32>,
        %parallel_loop3A_1970 = arith.constant 45 : i32
        %parallel_loop3A_1971 = vector.broadcast %parallel_loop3A_1970 : i32 to vector<16xi32>
        %parallel_loop3A_1972 = arith.addi %parallel_loop3A_96, %parallel_loop3A_1971 : vector<16xi32>
        %parallel_loop3A_1973 = tpu.vector_load_idx %arg30[%parallel_loop3A_1972] : memref<23424xf32, #tpu.memory_space<vmem>>[vector<16xi32>], vector<16xf32>,
        %parallel_loop3A_1974 = arith.addf %parallel_loop3A_1969, %parallel_loop3A_1973 : vector<16xf32>
        %parallel_loop3A_1975 = arith.constant 5.000000e-01 : f32
        %parallel_loop3A_1976 = vector.broadcast %parallel_loop3A_1975 : f32 to vector<16xf32>
        %parallel_loop3A_1977 = arith.mulf %parallel_loop3A_1976, %parallel_loop3A_1974 : vector<16xf32>
        %parallel_loop3A_1978 = arith.addf %parallel_loop3A_1965, %parallel_loop3A_1977 : vector<16xf32>
        %parallel_loop3A_1979 = arith.addf %parallel_loop3A_1949, %parallel_loop3A_1978 : vector<16xf32>
        %parallel_loop3A_1980 = arith.subf %parallel_loop3A_1979, %parallel_loop3A_1953 : vector<16xf32>
        %parallel_loop3A_1981 = math.absf %parallel_loop3A_1980 : vector<16xf32>
        %parallel_loop3A_1982 = arith.addf %parallel_loop3A_1941, %parallel_loop3A_1981 : vector<16xf32>
        %parallel_loop3A_1983 = arith.addf %parallel_loop3A_1957, %parallel_loop3A_1978 : vector<16xf32>
        %parallel_loop3A_1984 = arith.subf %parallel_loop3A_1983, %parallel_loop3A_1961 : vector<16xf32>
        %parallel_loop3A_1985 = math.absf %parallel_loop3A_1984 : vector<16xf32>
        %parallel_loop3A_1986 = arith.addf %parallel_loop3A_1945, %parallel_loop3A_1985 : vector<16xf32>
        %parallel_loop3A_1987 = arith.constant 46 : i32
        %parallel_loop3A_1988 = vector.broadcast %parallel_loop3A_1987 : i32 to vector<16xi32>
        %parallel_loop3A_1989 = arith.addi %parallel_loop3A_57, %parallel_loop3A_1988 : vector<16xi32>
        %parallel_loop3A_1990 = tpu.vector_load_idx %arg25[%parallel_loop3A_49, %parallel_loop3A_1989] : memref<64x128xf32, #tpu.memory_space<vmem>>[vector<16xi32>, vector<16xi32>], vector<16xf32>,
        %parallel_loop3A_1991 = arith.constant 46 : i32
        %parallel_loop3A_1992 = vector.broadcast %parallel_loop3A_1991 : i32 to vector<16xi32>
        %parallel_loop3A_1993 = arith.addi %parallel_loop3A_65, %parallel_loop3A_1992 : vector<16xi32>
        %parallel_loop3A_1994 = tpu.vector_load_idx %arg26[%parallel_loop3A_49, %parallel_loop3A_1993] : memref<64x128xf32, #tpu.memory_space<vmem>>[vector<16xi32>, vector<16xi32>], vector<16xf32>,
        %parallel_loop3A_1995 = arith.constant 46 : i32
        %parallel_loop3A_1996 = vector.broadcast %parallel_loop3A_1995 : i32 to vector<16xi32>
        %parallel_loop3A_1997 = arith.addi %parallel_loop3A_73, %parallel_loop3A_1996 : vector<16xi32>
        %parallel_loop3A_1998 = tpu.vector_load_idx %arg27[%parallel_loop3A_49, %parallel_loop3A_1997] : memref<64x128xf32, #tpu.memory_space<vmem>>[vector<16xi32>, vector<16xi32>], vector<16xf32>,
        %parallel_loop3A_1999 = arith.constant 46 : i32
        %parallel_loop3A_2000 = vector.broadcast %parallel_loop3A_1999 : i32 to vector<16xi32>
        %parallel_loop3A_2001 = arith.addi %parallel_loop3A_81, %parallel_loop3A_2000 : vector<16xi32>
        %parallel_loop3A_2002 = tpu.vector_load_idx %arg28[%parallel_loop3A_49, %parallel_loop3A_2001] : memref<64x128xf32, #tpu.memory_space<vmem>>[vector<16xi32>, vector<16xi32>], vector<16xf32>,
        %parallel_loop3A_2003 = arith.constant 46 : i32
        %parallel_loop3A_2004 = vector.broadcast %parallel_loop3A_2003 : i32 to vector<16xi32>
        %parallel_loop3A_2005 = arith.addi %parallel_loop3A_86, %parallel_loop3A_2004 : vector<16xi32>
        %parallel_loop3A_2006 = tpu.vector_load_idx %arg29[%parallel_loop3A_2005] : memref<32000xf32, #tpu.memory_space<vmem>>[vector<16xi32>], vector<16xf32>,
        %parallel_loop3A_2007 = arith.constant 46 : i32
        %parallel_loop3A_2008 = vector.broadcast %parallel_loop3A_2007 : i32 to vector<16xi32>
        %parallel_loop3A_2009 = arith.addi %parallel_loop3A_91, %parallel_loop3A_2008 : vector<16xi32>
        %parallel_loop3A_2010 = tpu.vector_load_idx %arg30[%parallel_loop3A_2009] : memref<23424xf32, #tpu.memory_space<vmem>>[vector<16xi32>], vector<16xf32>,
        %parallel_loop3A_2011 = arith.constant 46 : i32
        %parallel_loop3A_2012 = vector.broadcast %parallel_loop3A_2011 : i32 to vector<16xi32>
        %parallel_loop3A_2013 = arith.addi %parallel_loop3A_96, %parallel_loop3A_2012 : vector<16xi32>
        %parallel_loop3A_2014 = tpu.vector_load_idx %arg30[%parallel_loop3A_2013] : memref<23424xf32, #tpu.memory_space<vmem>>[vector<16xi32>], vector<16xf32>,
        %parallel_loop3A_2015 = arith.addf %parallel_loop3A_2010, %parallel_loop3A_2014 : vector<16xf32>
        %parallel_loop3A_2016 = arith.constant 5.000000e-01 : f32
        %parallel_loop3A_2017 = vector.broadcast %parallel_loop3A_2016 : f32 to vector<16xf32>
        %parallel_loop3A_2018 = arith.mulf %parallel_loop3A_2017, %parallel_loop3A_2015 : vector<16xf32>
        %parallel_loop3A_2019 = arith.addf %parallel_loop3A_2006, %parallel_loop3A_2018 : vector<16xf32>
        %parallel_loop3A_2020 = arith.addf %parallel_loop3A_1990, %parallel_loop3A_2019 : vector<16xf32>
        %parallel_loop3A_2021 = arith.subf %parallel_loop3A_2020, %parallel_loop3A_1994 : vector<16xf32>
        %parallel_loop3A_2022 = math.absf %parallel_loop3A_2021 : vector<16xf32>
        %parallel_loop3A_2023 = arith.addf %parallel_loop3A_1982, %parallel_loop3A_2022 : vector<16xf32>
        %parallel_loop3A_2024 = arith.addf %parallel_loop3A_1998, %parallel_loop3A_2019 : vector<16xf32>
        %parallel_loop3A_2025 = arith.subf %parallel_loop3A_2024, %parallel_loop3A_2002 : vector<16xf32>
        %parallel_loop3A_2026 = math.absf %parallel_loop3A_2025 : vector<16xf32>
        %parallel_loop3A_2027 = arith.addf %parallel_loop3A_1986, %parallel_loop3A_2026 : vector<16xf32>
        %parallel_loop3A_2028 = arith.constant 47 : i32
        %parallel_loop3A_2029 = vector.broadcast %parallel_loop3A_2028 : i32 to vector<16xi32>
        %parallel_loop3A_2030 = arith.addi %parallel_loop3A_57, %parallel_loop3A_2029 : vector<16xi32>
        %parallel_loop3A_2031 = tpu.vector_load_idx %arg25[%parallel_loop3A_49, %parallel_loop3A_2030] : memref<64x128xf32, #tpu.memory_space<vmem>>[vector<16xi32>, vector<16xi32>], vector<16xf32>,
        %parallel_loop3A_2032 = arith.constant 47 : i32
        %parallel_loop3A_2033 = vector.broadcast %parallel_loop3A_2032 : i32 to vector<16xi32>
        %parallel_loop3A_2034 = arith.addi %parallel_loop3A_65, %parallel_loop3A_2033 : vector<16xi32>
        %parallel_loop3A_2035 = tpu.vector_load_idx %arg26[%parallel_loop3A_49, %parallel_loop3A_2034] : memref<64x128xf32, #tpu.memory_space<vmem>>[vector<16xi32>, vector<16xi32>], vector<16xf32>,
        %parallel_loop3A_2036 = arith.constant 47 : i32
        %parallel_loop3A_2037 = vector.broadcast %parallel_loop3A_2036 : i32 to vector<16xi32>
        %parallel_loop3A_2038 = arith.addi %parallel_loop3A_73, %parallel_loop3A_2037 : vector<16xi32>
        %parallel_loop3A_2039 = tpu.vector_load_idx %arg27[%parallel_loop3A_49, %parallel_loop3A_2038] : memref<64x128xf32, #tpu.memory_space<vmem>>[vector<16xi32>, vector<16xi32>], vector<16xf32>,
        %parallel_loop3A_2040 = arith.constant 47 : i32
        %parallel_loop3A_2041 = vector.broadcast %parallel_loop3A_2040 : i32 to vector<16xi32>
        %parallel_loop3A_2042 = arith.addi %parallel_loop3A_81, %parallel_loop3A_2041 : vector<16xi32>
        %parallel_loop3A_2043 = tpu.vector_load_idx %arg28[%parallel_loop3A_49, %parallel_loop3A_2042] : memref<64x128xf32, #tpu.memory_space<vmem>>[vector<16xi32>, vector<16xi32>], vector<16xf32>,
        %parallel_loop3A_2044 = arith.constant 47 : i32
        %parallel_loop3A_2045 = vector.broadcast %parallel_loop3A_2044 : i32 to vector<16xi32>
        %parallel_loop3A_2046 = arith.addi %parallel_loop3A_86, %parallel_loop3A_2045 : vector<16xi32>
        %parallel_loop3A_2047 = tpu.vector_load_idx %arg29[%parallel_loop3A_2046] : memref<32000xf32, #tpu.memory_space<vmem>>[vector<16xi32>], vector<16xf32>,
        %parallel_loop3A_2048 = arith.constant 47 : i32
        %parallel_loop3A_2049 = vector.broadcast %parallel_loop3A_2048 : i32 to vector<16xi32>
        %parallel_loop3A_2050 = arith.addi %parallel_loop3A_91, %parallel_loop3A_2049 : vector<16xi32>
        %parallel_loop3A_2051 = tpu.vector_load_idx %arg30[%parallel_loop3A_2050] : memref<23424xf32, #tpu.memory_space<vmem>>[vector<16xi32>], vector<16xf32>,
        %parallel_loop3A_2052 = arith.constant 47 : i32
        %parallel_loop3A_2053 = vector.broadcast %parallel_loop3A_2052 : i32 to vector<16xi32>
        %parallel_loop3A_2054 = arith.addi %parallel_loop3A_96, %parallel_loop3A_2053 : vector<16xi32>
        %parallel_loop3A_2055 = tpu.vector_load_idx %arg30[%parallel_loop3A_2054] : memref<23424xf32, #tpu.memory_space<vmem>>[vector<16xi32>], vector<16xf32>,
        %parallel_loop3A_2056 = arith.addf %parallel_loop3A_2051, %parallel_loop3A_2055 : vector<16xf32>
        %parallel_loop3A_2057 = arith.constant 5.000000e-01 : f32
        %parallel_loop3A_2058 = vector.broadcast %parallel_loop3A_2057 : f32 to vector<16xf32>
        %parallel_loop3A_2059 = arith.mulf %parallel_loop3A_2058, %parallel_loop3A_2056 : vector<16xf32>
        %parallel_loop3A_2060 = arith.addf %parallel_loop3A_2047, %parallel_loop3A_2059 : vector<16xf32>
        %parallel_loop3A_2061 = arith.addf %parallel_loop3A_2031, %parallel_loop3A_2060 : vector<16xf32>
        %parallel_loop3A_2062 = arith.subf %parallel_loop3A_2061, %parallel_loop3A_2035 : vector<16xf32>
        %parallel_loop3A_2063 = math.absf %parallel_loop3A_2062 : vector<16xf32>
        %parallel_loop3A_2064 = arith.addf %parallel_loop3A_2023, %parallel_loop3A_2063 : vector<16xf32>
        %parallel_loop3A_2065 = arith.addf %parallel_loop3A_2039, %parallel_loop3A_2060 : vector<16xf32>
        %parallel_loop3A_2066 = arith.subf %parallel_loop3A_2065, %parallel_loop3A_2043 : vector<16xf32>
        %parallel_loop3A_2067 = math.absf %parallel_loop3A_2066 : vector<16xf32>
        %parallel_loop3A_2068 = arith.addf %parallel_loop3A_2027, %parallel_loop3A_2067 : vector<16xf32>
        %parallel_loop3A_2069 = arith.constant 48 : i32
        %parallel_loop3A_2070 = vector.broadcast %parallel_loop3A_2069 : i32 to vector<16xi32>
        %parallel_loop3A_2071 = arith.addi %parallel_loop3A_57, %parallel_loop3A_2070 : vector<16xi32>
        %parallel_loop3A_2072 = tpu.vector_load_idx %arg25[%parallel_loop3A_49, %parallel_loop3A_2071] : memref<64x128xf32, #tpu.memory_space<vmem>>[vector<16xi32>, vector<16xi32>], vector<16xf32>,
        %parallel_loop3A_2073 = arith.constant 48 : i32
        %parallel_loop3A_2074 = vector.broadcast %parallel_loop3A_2073 : i32 to vector<16xi32>
        %parallel_loop3A_2075 = arith.addi %parallel_loop3A_65, %parallel_loop3A_2074 : vector<16xi32>
        %parallel_loop3A_2076 = tpu.vector_load_idx %arg26[%parallel_loop3A_49, %parallel_loop3A_2075] : memref<64x128xf32, #tpu.memory_space<vmem>>[vector<16xi32>, vector<16xi32>], vector<16xf32>,
        %parallel_loop3A_2077 = arith.constant 48 : i32
        %parallel_loop3A_2078 = vector.broadcast %parallel_loop3A_2077 : i32 to vector<16xi32>
        %parallel_loop3A_2079 = arith.addi %parallel_loop3A_73, %parallel_loop3A_2078 : vector<16xi32>
        %parallel_loop3A_2080 = tpu.vector_load_idx %arg27[%parallel_loop3A_49, %parallel_loop3A_2079] : memref<64x128xf32, #tpu.memory_space<vmem>>[vector<16xi32>, vector<16xi32>], vector<16xf32>,
        %parallel_loop3A_2081 = arith.constant 48 : i32
        %parallel_loop3A_2082 = vector.broadcast %parallel_loop3A_2081 : i32 to vector<16xi32>
        %parallel_loop3A_2083 = arith.addi %parallel_loop3A_81, %parallel_loop3A_2082 : vector<16xi32>
        %parallel_loop3A_2084 = tpu.vector_load_idx %arg28[%parallel_loop3A_49, %parallel_loop3A_2083] : memref<64x128xf32, #tpu.memory_space<vmem>>[vector<16xi32>, vector<16xi32>], vector<16xf32>,
        %parallel_loop3A_2085 = arith.constant 48 : i32
        %parallel_loop3A_2086 = vector.broadcast %parallel_loop3A_2085 : i32 to vector<16xi32>
        %parallel_loop3A_2087 = arith.addi %parallel_loop3A_86, %parallel_loop3A_2086 : vector<16xi32>
        %parallel_loop3A_2088 = tpu.vector_load_idx %arg29[%parallel_loop3A_2087] : memref<32000xf32, #tpu.memory_space<vmem>>[vector<16xi32>], vector<16xf32>,
        %parallel_loop3A_2089 = arith.constant 48 : i32
        %parallel_loop3A_2090 = vector.broadcast %parallel_loop3A_2089 : i32 to vector<16xi32>
        %parallel_loop3A_2091 = arith.addi %parallel_loop3A_91, %parallel_loop3A_2090 : vector<16xi32>
        %parallel_loop3A_2092 = tpu.vector_load_idx %arg30[%parallel_loop3A_2091] : memref<23424xf32, #tpu.memory_space<vmem>>[vector<16xi32>], vector<16xf32>,
        %parallel_loop3A_2093 = arith.constant 48 : i32
        %parallel_loop3A_2094 = vector.broadcast %parallel_loop3A_2093 : i32 to vector<16xi32>
        %parallel_loop3A_2095 = arith.addi %parallel_loop3A_96, %parallel_loop3A_2094 : vector<16xi32>
        %parallel_loop3A_2096 = tpu.vector_load_idx %arg30[%parallel_loop3A_2095] : memref<23424xf32, #tpu.memory_space<vmem>>[vector<16xi32>], vector<16xf32>,
        %parallel_loop3A_2097 = arith.addf %parallel_loop3A_2092, %parallel_loop3A_2096 : vector<16xf32>
        %parallel_loop3A_2098 = arith.constant 5.000000e-01 : f32
        %parallel_loop3A_2099 = vector.broadcast %parallel_loop3A_2098 : f32 to vector<16xf32>
        %parallel_loop3A_2100 = arith.mulf %parallel_loop3A_2099, %parallel_loop3A_2097 : vector<16xf32>
        %parallel_loop3A_2101 = arith.addf %parallel_loop3A_2088, %parallel_loop3A_2100 : vector<16xf32>
        %parallel_loop3A_2102 = arith.addf %parallel_loop3A_2072, %parallel_loop3A_2101 : vector<16xf32>
        %parallel_loop3A_2103 = arith.subf %parallel_loop3A_2102, %parallel_loop3A_2076 : vector<16xf32>
        %parallel_loop3A_2104 = math.absf %parallel_loop3A_2103 : vector<16xf32>
        %parallel_loop3A_2105 = arith.addf %parallel_loop3A_2064, %parallel_loop3A_2104 : vector<16xf32>
        %parallel_loop3A_2106 = arith.addf %parallel_loop3A_2080, %parallel_loop3A_2101 : vector<16xf32>
        %parallel_loop3A_2107 = arith.subf %parallel_loop3A_2106, %parallel_loop3A_2084 : vector<16xf32>
        %parallel_loop3A_2108 = math.absf %parallel_loop3A_2107 : vector<16xf32>
        %parallel_loop3A_2109 = arith.addf %parallel_loop3A_2068, %parallel_loop3A_2108 : vector<16xf32>
        %parallel_loop3A_2110 = arith.constant 49 : i32
        %parallel_loop3A_2111 = vector.broadcast %parallel_loop3A_2110 : i32 to vector<16xi32>
        %parallel_loop3A_2112 = arith.addi %parallel_loop3A_57, %parallel_loop3A_2111 : vector<16xi32>
        %parallel_loop3A_2113 = tpu.vector_load_idx %arg25[%parallel_loop3A_49, %parallel_loop3A_2112] : memref<64x128xf32, #tpu.memory_space<vmem>>[vector<16xi32>, vector<16xi32>], vector<16xf32>,
        %parallel_loop3A_2114 = arith.constant 49 : i32
        %parallel_loop3A_2115 = vector.broadcast %parallel_loop3A_2114 : i32 to vector<16xi32>
        %parallel_loop3A_2116 = arith.addi %parallel_loop3A_65, %parallel_loop3A_2115 : vector<16xi32>
        %parallel_loop3A_2117 = tpu.vector_load_idx %arg26[%parallel_loop3A_49, %parallel_loop3A_2116] : memref<64x128xf32, #tpu.memory_space<vmem>>[vector<16xi32>, vector<16xi32>], vector<16xf32>,
        %parallel_loop3A_2118 = arith.constant 49 : i32
        %parallel_loop3A_2119 = vector.broadcast %parallel_loop3A_2118 : i32 to vector<16xi32>
        %parallel_loop3A_2120 = arith.addi %parallel_loop3A_73, %parallel_loop3A_2119 : vector<16xi32>
        %parallel_loop3A_2121 = tpu.vector_load_idx %arg27[%parallel_loop3A_49, %parallel_loop3A_2120] : memref<64x128xf32, #tpu.memory_space<vmem>>[vector<16xi32>, vector<16xi32>], vector<16xf32>,
        %parallel_loop3A_2122 = arith.constant 49 : i32
        %parallel_loop3A_2123 = vector.broadcast %parallel_loop3A_2122 : i32 to vector<16xi32>
        %parallel_loop3A_2124 = arith.addi %parallel_loop3A_81, %parallel_loop3A_2123 : vector<16xi32>
        %parallel_loop3A_2125 = tpu.vector_load_idx %arg28[%parallel_loop3A_49, %parallel_loop3A_2124] : memref<64x128xf32, #tpu.memory_space<vmem>>[vector<16xi32>, vector<16xi32>], vector<16xf32>,
        %parallel_loop3A_2126 = arith.constant 49 : i32
        %parallel_loop3A_2127 = vector.broadcast %parallel_loop3A_2126 : i32 to vector<16xi32>
        %parallel_loop3A_2128 = arith.addi %parallel_loop3A_86, %parallel_loop3A_2127 : vector<16xi32>
        %parallel_loop3A_2129 = tpu.vector_load_idx %arg29[%parallel_loop3A_2128] : memref<32000xf32, #tpu.memory_space<vmem>>[vector<16xi32>], vector<16xf32>,
        %parallel_loop3A_2130 = arith.constant 49 : i32
        %parallel_loop3A_2131 = vector.broadcast %parallel_loop3A_2130 : i32 to vector<16xi32>
        %parallel_loop3A_2132 = arith.addi %parallel_loop3A_91, %parallel_loop3A_2131 : vector<16xi32>
        %parallel_loop3A_2133 = tpu.vector_load_idx %arg30[%parallel_loop3A_2132] : memref<23424xf32, #tpu.memory_space<vmem>>[vector<16xi32>], vector<16xf32>,
        %parallel_loop3A_2134 = arith.constant 49 : i32
        %parallel_loop3A_2135 = vector.broadcast %parallel_loop3A_2134 : i32 to vector<16xi32>
        %parallel_loop3A_2136 = arith.addi %parallel_loop3A_96, %parallel_loop3A_2135 : vector<16xi32>
        %parallel_loop3A_2137 = tpu.vector_load_idx %arg30[%parallel_loop3A_2136] : memref<23424xf32, #tpu.memory_space<vmem>>[vector<16xi32>], vector<16xf32>,
        %parallel_loop3A_2138 = arith.addf %parallel_loop3A_2133, %parallel_loop3A_2137 : vector<16xf32>
        %parallel_loop3A_2139 = arith.constant 5.000000e-01 : f32
        %parallel_loop3A_2140 = vector.broadcast %parallel_loop3A_2139 : f32 to vector<16xf32>
        %parallel_loop3A_2141 = arith.mulf %parallel_loop3A_2140, %parallel_loop3A_2138 : vector<16xf32>
        %parallel_loop3A_2142 = arith.addf %parallel_loop3A_2129, %parallel_loop3A_2141 : vector<16xf32>
        %parallel_loop3A_2143 = arith.addf %parallel_loop3A_2113, %parallel_loop3A_2142 : vector<16xf32>
        %parallel_loop3A_2144 = arith.subf %parallel_loop3A_2143, %parallel_loop3A_2117 : vector<16xf32>
        %parallel_loop3A_2145 = math.absf %parallel_loop3A_2144 : vector<16xf32>
        %parallel_loop3A_2146 = arith.addf %parallel_loop3A_2105, %parallel_loop3A_2145 : vector<16xf32>
        %parallel_loop3A_2147 = arith.addf %parallel_loop3A_2121, %parallel_loop3A_2142 : vector<16xf32>
        %parallel_loop3A_2148 = arith.subf %parallel_loop3A_2147, %parallel_loop3A_2125 : vector<16xf32>
        %parallel_loop3A_2149 = math.absf %parallel_loop3A_2148 : vector<16xf32>
        %parallel_loop3A_2150 = arith.addf %parallel_loop3A_2109, %parallel_loop3A_2149 : vector<16xf32>
        %parallel_loop3A_2151 = arith.constant 50 : i32
        %parallel_loop3A_2152 = vector.broadcast %parallel_loop3A_2151 : i32 to vector<16xi32>
        %parallel_loop3A_2153 = arith.addi %parallel_loop3A_57, %parallel_loop3A_2152 : vector<16xi32>
        %parallel_loop3A_2154 = tpu.vector_load_idx %arg25[%parallel_loop3A_49, %parallel_loop3A_2153] : memref<64x128xf32, #tpu.memory_space<vmem>>[vector<16xi32>, vector<16xi32>], vector<16xf32>,
        %parallel_loop3A_2155 = arith.constant 50 : i32
        %parallel_loop3A_2156 = vector.broadcast %parallel_loop3A_2155 : i32 to vector<16xi32>
        %parallel_loop3A_2157 = arith.addi %parallel_loop3A_65, %parallel_loop3A_2156 : vector<16xi32>
        %parallel_loop3A_2158 = tpu.vector_load_idx %arg26[%parallel_loop3A_49, %parallel_loop3A_2157] : memref<64x128xf32, #tpu.memory_space<vmem>>[vector<16xi32>, vector<16xi32>], vector<16xf32>,
        %parallel_loop3A_2159 = arith.constant 50 : i32
        %parallel_loop3A_2160 = vector.broadcast %parallel_loop3A_2159 : i32 to vector<16xi32>
        %parallel_loop3A_2161 = arith.addi %parallel_loop3A_73, %parallel_loop3A_2160 : vector<16xi32>
        %parallel_loop3A_2162 = tpu.vector_load_idx %arg27[%parallel_loop3A_49, %parallel_loop3A_2161] : memref<64x128xf32, #tpu.memory_space<vmem>>[vector<16xi32>, vector<16xi32>], vector<16xf32>,
        %parallel_loop3A_2163 = arith.constant 50 : i32
        %parallel_loop3A_2164 = vector.broadcast %parallel_loop3A_2163 : i32 to vector<16xi32>
        %parallel_loop3A_2165 = arith.addi %parallel_loop3A_81, %parallel_loop3A_2164 : vector<16xi32>
        %parallel_loop3A_2166 = tpu.vector_load_idx %arg28[%parallel_loop3A_49, %parallel_loop3A_2165] : memref<64x128xf32, #tpu.memory_space<vmem>>[vector<16xi32>, vector<16xi32>], vector<16xf32>,
        %parallel_loop3A_2167 = arith.constant 50 : i32
        %parallel_loop3A_2168 = vector.broadcast %parallel_loop3A_2167 : i32 to vector<16xi32>
        %parallel_loop3A_2169 = arith.addi %parallel_loop3A_86, %parallel_loop3A_2168 : vector<16xi32>
        %parallel_loop3A_2170 = tpu.vector_load_idx %arg29[%parallel_loop3A_2169] : memref<32000xf32, #tpu.memory_space<vmem>>[vector<16xi32>], vector<16xf32>,
        %parallel_loop3A_2171 = arith.constant 50 : i32
        %parallel_loop3A_2172 = vector.broadcast %parallel_loop3A_2171 : i32 to vector<16xi32>
        %parallel_loop3A_2173 = arith.addi %parallel_loop3A_91, %parallel_loop3A_2172 : vector<16xi32>
        %parallel_loop3A_2174 = tpu.vector_load_idx %arg30[%parallel_loop3A_2173] : memref<23424xf32, #tpu.memory_space<vmem>>[vector<16xi32>], vector<16xf32>,
        %parallel_loop3A_2175 = arith.constant 50 : i32
        %parallel_loop3A_2176 = vector.broadcast %parallel_loop3A_2175 : i32 to vector<16xi32>
        %parallel_loop3A_2177 = arith.addi %parallel_loop3A_96, %parallel_loop3A_2176 : vector<16xi32>
        %parallel_loop3A_2178 = tpu.vector_load_idx %arg30[%parallel_loop3A_2177] : memref<23424xf32, #tpu.memory_space<vmem>>[vector<16xi32>], vector<16xf32>,
        %parallel_loop3A_2179 = arith.addf %parallel_loop3A_2174, %parallel_loop3A_2178 : vector<16xf32>
        %parallel_loop3A_2180 = arith.constant 5.000000e-01 : f32
        %parallel_loop3A_2181 = vector.broadcast %parallel_loop3A_2180 : f32 to vector<16xf32>
        %parallel_loop3A_2182 = arith.mulf %parallel_loop3A_2181, %parallel_loop3A_2179 : vector<16xf32>
        %parallel_loop3A_2183 = arith.addf %parallel_loop3A_2170, %parallel_loop3A_2182 : vector<16xf32>
        %parallel_loop3A_2184 = arith.addf %parallel_loop3A_2154, %parallel_loop3A_2183 : vector<16xf32>
        %parallel_loop3A_2185 = arith.subf %parallel_loop3A_2184, %parallel_loop3A_2158 : vector<16xf32>
        %parallel_loop3A_2186 = math.absf %parallel_loop3A_2185 : vector<16xf32>
        %parallel_loop3A_2187 = arith.addf %parallel_loop3A_2146, %parallel_loop3A_2186 : vector<16xf32>
        %parallel_loop3A_2188 = arith.addf %parallel_loop3A_2162, %parallel_loop3A_2183 : vector<16xf32>
        %parallel_loop3A_2189 = arith.subf %parallel_loop3A_2188, %parallel_loop3A_2166 : vector<16xf32>
        %parallel_loop3A_2190 = math.absf %parallel_loop3A_2189 : vector<16xf32>
        %parallel_loop3A_2191 = arith.addf %parallel_loop3A_2150, %parallel_loop3A_2190 : vector<16xf32>
        %parallel_loop3A_2192 = arith.constant 51 : i32
        %parallel_loop3A_2193 = vector.broadcast %parallel_loop3A_2192 : i32 to vector<16xi32>
        %parallel_loop3A_2194 = arith.addi %parallel_loop3A_57, %parallel_loop3A_2193 : vector<16xi32>
        %parallel_loop3A_2195 = tpu.vector_load_idx %arg25[%parallel_loop3A_49, %parallel_loop3A_2194] : memref<64x128xf32, #tpu.memory_space<vmem>>[vector<16xi32>, vector<16xi32>], vector<16xf32>,
        %parallel_loop3A_2196 = arith.constant 51 : i32
        %parallel_loop3A_2197 = vector.broadcast %parallel_loop3A_2196 : i32 to vector<16xi32>
        %parallel_loop3A_2198 = arith.addi %parallel_loop3A_65, %parallel_loop3A_2197 : vector<16xi32>
        %parallel_loop3A_2199 = tpu.vector_load_idx %arg26[%parallel_loop3A_49, %parallel_loop3A_2198] : memref<64x128xf32, #tpu.memory_space<vmem>>[vector<16xi32>, vector<16xi32>], vector<16xf32>,
        %parallel_loop3A_2200 = arith.constant 51 : i32
        %parallel_loop3A_2201 = vector.broadcast %parallel_loop3A_2200 : i32 to vector<16xi32>
        %parallel_loop3A_2202 = arith.addi %parallel_loop3A_73, %parallel_loop3A_2201 : vector<16xi32>
        %parallel_loop3A_2203 = tpu.vector_load_idx %arg27[%parallel_loop3A_49, %parallel_loop3A_2202] : memref<64x128xf32, #tpu.memory_space<vmem>>[vector<16xi32>, vector<16xi32>], vector<16xf32>,
        %parallel_loop3A_2204 = arith.constant 51 : i32
        %parallel_loop3A_2205 = vector.broadcast %parallel_loop3A_2204 : i32 to vector<16xi32>
        %parallel_loop3A_2206 = arith.addi %parallel_loop3A_81, %parallel_loop3A_2205 : vector<16xi32>
        %parallel_loop3A_2207 = tpu.vector_load_idx %arg28[%parallel_loop3A_49, %parallel_loop3A_2206] : memref<64x128xf32, #tpu.memory_space<vmem>>[vector<16xi32>, vector<16xi32>], vector<16xf32>,
        %parallel_loop3A_2208 = arith.constant 51 : i32
        %parallel_loop3A_2209 = vector.broadcast %parallel_loop3A_2208 : i32 to vector<16xi32>
        %parallel_loop3A_2210 = arith.addi %parallel_loop3A_86, %parallel_loop3A_2209 : vector<16xi32>
        %parallel_loop3A_2211 = tpu.vector_load_idx %arg29[%parallel_loop3A_2210] : memref<32000xf32, #tpu.memory_space<vmem>>[vector<16xi32>], vector<16xf32>,
        %parallel_loop3A_2212 = arith.constant 51 : i32
        %parallel_loop3A_2213 = vector.broadcast %parallel_loop3A_2212 : i32 to vector<16xi32>
        %parallel_loop3A_2214 = arith.addi %parallel_loop3A_91, %parallel_loop3A_2213 : vector<16xi32>
        %parallel_loop3A_2215 = tpu.vector_load_idx %arg30[%parallel_loop3A_2214] : memref<23424xf32, #tpu.memory_space<vmem>>[vector<16xi32>], vector<16xf32>,
        %parallel_loop3A_2216 = arith.constant 51 : i32
        %parallel_loop3A_2217 = vector.broadcast %parallel_loop3A_2216 : i32 to vector<16xi32>
        %parallel_loop3A_2218 = arith.addi %parallel_loop3A_96, %parallel_loop3A_2217 : vector<16xi32>
        %parallel_loop3A_2219 = tpu.vector_load_idx %arg30[%parallel_loop3A_2218] : memref<23424xf32, #tpu.memory_space<vmem>>[vector<16xi32>], vector<16xf32>,
        %parallel_loop3A_2220 = arith.addf %parallel_loop3A_2215, %parallel_loop3A_2219 : vector<16xf32>
        %parallel_loop3A_2221 = arith.constant 5.000000e-01 : f32
        %parallel_loop3A_2222 = vector.broadcast %parallel_loop3A_2221 : f32 to vector<16xf32>
        %parallel_loop3A_2223 = arith.mulf %parallel_loop3A_2222, %parallel_loop3A_2220 : vector<16xf32>
        %parallel_loop3A_2224 = arith.addf %parallel_loop3A_2211, %parallel_loop3A_2223 : vector<16xf32>
        %parallel_loop3A_2225 = arith.addf %parallel_loop3A_2195, %parallel_loop3A_2224 : vector<16xf32>
        %parallel_loop3A_2226 = arith.subf %parallel_loop3A_2225, %parallel_loop3A_2199 : vector<16xf32>
        %parallel_loop3A_2227 = math.absf %parallel_loop3A_2226 : vector<16xf32>
        %parallel_loop3A_2228 = arith.addf %parallel_loop3A_2187, %parallel_loop3A_2227 : vector<16xf32>
        %parallel_loop3A_2229 = arith.addf %parallel_loop3A_2203, %parallel_loop3A_2224 : vector<16xf32>
        %parallel_loop3A_2230 = arith.subf %parallel_loop3A_2229, %parallel_loop3A_2207 : vector<16xf32>
        %parallel_loop3A_2231 = math.absf %parallel_loop3A_2230 : vector<16xf32>
        %parallel_loop3A_2232 = arith.addf %parallel_loop3A_2191, %parallel_loop3A_2231 : vector<16xf32>
        %parallel_loop3A_2233 = arith.constant 52 : i32
        %parallel_loop3A_2234 = vector.broadcast %parallel_loop3A_2233 : i32 to vector<16xi32>
        %parallel_loop3A_2235 = arith.addi %parallel_loop3A_57, %parallel_loop3A_2234 : vector<16xi32>
        %parallel_loop3A_2236 = tpu.vector_load_idx %arg25[%parallel_loop3A_49, %parallel_loop3A_2235] : memref<64x128xf32, #tpu.memory_space<vmem>>[vector<16xi32>, vector<16xi32>], vector<16xf32>,
        %parallel_loop3A_2237 = arith.constant 52 : i32
        %parallel_loop3A_2238 = vector.broadcast %parallel_loop3A_2237 : i32 to vector<16xi32>
        %parallel_loop3A_2239 = arith.addi %parallel_loop3A_65, %parallel_loop3A_2238 : vector<16xi32>
        %parallel_loop3A_2240 = tpu.vector_load_idx %arg26[%parallel_loop3A_49, %parallel_loop3A_2239] : memref<64x128xf32, #tpu.memory_space<vmem>>[vector<16xi32>, vector<16xi32>], vector<16xf32>,
        %parallel_loop3A_2241 = arith.constant 52 : i32
        %parallel_loop3A_2242 = vector.broadcast %parallel_loop3A_2241 : i32 to vector<16xi32>
        %parallel_loop3A_2243 = arith.addi %parallel_loop3A_73, %parallel_loop3A_2242 : vector<16xi32>
        %parallel_loop3A_2244 = tpu.vector_load_idx %arg27[%parallel_loop3A_49, %parallel_loop3A_2243] : memref<64x128xf32, #tpu.memory_space<vmem>>[vector<16xi32>, vector<16xi32>], vector<16xf32>,
        %parallel_loop3A_2245 = arith.constant 52 : i32
        %parallel_loop3A_2246 = vector.broadcast %parallel_loop3A_2245 : i32 to vector<16xi32>
        %parallel_loop3A_2247 = arith.addi %parallel_loop3A_81, %parallel_loop3A_2246 : vector<16xi32>
        %parallel_loop3A_2248 = tpu.vector_load_idx %arg28[%parallel_loop3A_49, %parallel_loop3A_2247] : memref<64x128xf32, #tpu.memory_space<vmem>>[vector<16xi32>, vector<16xi32>], vector<16xf32>,
        %parallel_loop3A_2249 = arith.constant 52 : i32
        %parallel_loop3A_2250 = vector.broadcast %parallel_loop3A_2249 : i32 to vector<16xi32>
        %parallel_loop3A_2251 = arith.addi %parallel_loop3A_86, %parallel_loop3A_2250 : vector<16xi32>
        %parallel_loop3A_2252 = tpu.vector_load_idx %arg29[%parallel_loop3A_2251] : memref<32000xf32, #tpu.memory_space<vmem>>[vector<16xi32>], vector<16xf32>,
        %parallel_loop3A_2253 = arith.constant 52 : i32
        %parallel_loop3A_2254 = vector.broadcast %parallel_loop3A_2253 : i32 to vector<16xi32>
        %parallel_loop3A_2255 = arith.addi %parallel_loop3A_91, %parallel_loop3A_2254 : vector<16xi32>
        %parallel_loop3A_2256 = tpu.vector_load_idx %arg30[%parallel_loop3A_2255] : memref<23424xf32, #tpu.memory_space<vmem>>[vector<16xi32>], vector<16xf32>,
        %parallel_loop3A_2257 = arith.constant 52 : i32
        %parallel_loop3A_2258 = vector.broadcast %parallel_loop3A_2257 : i32 to vector<16xi32>
        %parallel_loop3A_2259 = arith.addi %parallel_loop3A_96, %parallel_loop3A_2258 : vector<16xi32>
        %parallel_loop3A_2260 = tpu.vector_load_idx %arg30[%parallel_loop3A_2259] : memref<23424xf32, #tpu.memory_space<vmem>>[vector<16xi32>], vector<16xf32>,
        %parallel_loop3A_2261 = arith.addf %parallel_loop3A_2256, %parallel_loop3A_2260 : vector<16xf32>
        %parallel_loop3A_2262 = arith.constant 5.000000e-01 : f32
        %parallel_loop3A_2263 = vector.broadcast %parallel_loop3A_2262 : f32 to vector<16xf32>
        %parallel_loop3A_2264 = arith.mulf %parallel_loop3A_2263, %parallel_loop3A_2261 : vector<16xf32>
        %parallel_loop3A_2265 = arith.addf %parallel_loop3A_2252, %parallel_loop3A_2264 : vector<16xf32>
        %parallel_loop3A_2266 = arith.addf %parallel_loop3A_2236, %parallel_loop3A_2265 : vector<16xf32>
        %parallel_loop3A_2267 = arith.subf %parallel_loop3A_2266, %parallel_loop3A_2240 : vector<16xf32>
        %parallel_loop3A_2268 = math.absf %parallel_loop3A_2267 : vector<16xf32>
        %parallel_loop3A_2269 = arith.addf %parallel_loop3A_2228, %parallel_loop3A_2268 : vector<16xf32>
        %parallel_loop3A_2270 = arith.addf %parallel_loop3A_2244, %parallel_loop3A_2265 : vector<16xf32>
        %parallel_loop3A_2271 = arith.subf %parallel_loop3A_2270, %parallel_loop3A_2248 : vector<16xf32>
        %parallel_loop3A_2272 = math.absf %parallel_loop3A_2271 : vector<16xf32>
        %parallel_loop3A_2273 = arith.addf %parallel_loop3A_2232, %parallel_loop3A_2272 : vector<16xf32>
        %parallel_loop3A_2274 = arith.constant 53 : i32
        %parallel_loop3A_2275 = vector.broadcast %parallel_loop3A_2274 : i32 to vector<16xi32>
        %parallel_loop3A_2276 = arith.addi %parallel_loop3A_57, %parallel_loop3A_2275 : vector<16xi32>
        %parallel_loop3A_2277 = tpu.vector_load_idx %arg25[%parallel_loop3A_49, %parallel_loop3A_2276] : memref<64x128xf32, #tpu.memory_space<vmem>>[vector<16xi32>, vector<16xi32>], vector<16xf32>,
        %parallel_loop3A_2278 = arith.constant 53 : i32
        %parallel_loop3A_2279 = vector.broadcast %parallel_loop3A_2278 : i32 to vector<16xi32>
        %parallel_loop3A_2280 = arith.addi %parallel_loop3A_65, %parallel_loop3A_2279 : vector<16xi32>
        %parallel_loop3A_2281 = tpu.vector_load_idx %arg26[%parallel_loop3A_49, %parallel_loop3A_2280] : memref<64x128xf32, #tpu.memory_space<vmem>>[vector<16xi32>, vector<16xi32>], vector<16xf32>,
        %parallel_loop3A_2282 = arith.constant 53 : i32
        %parallel_loop3A_2283 = vector.broadcast %parallel_loop3A_2282 : i32 to vector<16xi32>
        %parallel_loop3A_2284 = arith.addi %parallel_loop3A_73, %parallel_loop3A_2283 : vector<16xi32>
        %parallel_loop3A_2285 = tpu.vector_load_idx %arg27[%parallel_loop3A_49, %parallel_loop3A_2284] : memref<64x128xf32, #tpu.memory_space<vmem>>[vector<16xi32>, vector<16xi32>], vector<16xf32>,
        %parallel_loop3A_2286 = arith.constant 53 : i32
        %parallel_loop3A_2287 = vector.broadcast %parallel_loop3A_2286 : i32 to vector<16xi32>
        %parallel_loop3A_2288 = arith.addi %parallel_loop3A_81, %parallel_loop3A_2287 : vector<16xi32>
        %parallel_loop3A_2289 = tpu.vector_load_idx %arg28[%parallel_loop3A_49, %parallel_loop3A_2288] : memref<64x128xf32, #tpu.memory_space<vmem>>[vector<16xi32>, vector<16xi32>], vector<16xf32>,
        %parallel_loop3A_2290 = arith.constant 53 : i32
        %parallel_loop3A_2291 = vector.broadcast %parallel_loop3A_2290 : i32 to vector<16xi32>
        %parallel_loop3A_2292 = arith.addi %parallel_loop3A_86, %parallel_loop3A_2291 : vector<16xi32>
        %parallel_loop3A_2293 = tpu.vector_load_idx %arg29[%parallel_loop3A_2292] : memref<32000xf32, #tpu.memory_space<vmem>>[vector<16xi32>], vector<16xf32>,
        %parallel_loop3A_2294 = arith.constant 53 : i32
        %parallel_loop3A_2295 = vector.broadcast %parallel_loop3A_2294 : i32 to vector<16xi32>
        %parallel_loop3A_2296 = arith.addi %parallel_loop3A_91, %parallel_loop3A_2295 : vector<16xi32>
        %parallel_loop3A_2297 = tpu.vector_load_idx %arg30[%parallel_loop3A_2296] : memref<23424xf32, #tpu.memory_space<vmem>>[vector<16xi32>], vector<16xf32>,
        %parallel_loop3A_2298 = arith.constant 53 : i32
        %parallel_loop3A_2299 = vector.broadcast %parallel_loop3A_2298 : i32 to vector<16xi32>
        %parallel_loop3A_2300 = arith.addi %parallel_loop3A_96, %parallel_loop3A_2299 : vector<16xi32>
        %parallel_loop3A_2301 = tpu.vector_load_idx %arg30[%parallel_loop3A_2300] : memref<23424xf32, #tpu.memory_space<vmem>>[vector<16xi32>], vector<16xf32>,
        %parallel_loop3A_2302 = arith.addf %parallel_loop3A_2297, %parallel_loop3A_2301 : vector<16xf32>
        %parallel_loop3A_2303 = arith.constant 5.000000e-01 : f32
        %parallel_loop3A_2304 = vector.broadcast %parallel_loop3A_2303 : f32 to vector<16xf32>
        %parallel_loop3A_2305 = arith.mulf %parallel_loop3A_2304, %parallel_loop3A_2302 : vector<16xf32>
        %parallel_loop3A_2306 = arith.addf %parallel_loop3A_2293, %parallel_loop3A_2305 : vector<16xf32>
        %parallel_loop3A_2307 = arith.addf %parallel_loop3A_2277, %parallel_loop3A_2306 : vector<16xf32>
        %parallel_loop3A_2308 = arith.subf %parallel_loop3A_2307, %parallel_loop3A_2281 : vector<16xf32>
        %parallel_loop3A_2309 = math.absf %parallel_loop3A_2308 : vector<16xf32>
        %parallel_loop3A_2310 = arith.addf %parallel_loop3A_2269, %parallel_loop3A_2309 : vector<16xf32>
        %parallel_loop3A_2311 = arith.addf %parallel_loop3A_2285, %parallel_loop3A_2306 : vector<16xf32>
        %parallel_loop3A_2312 = arith.subf %parallel_loop3A_2311, %parallel_loop3A_2289 : vector<16xf32>
        %parallel_loop3A_2313 = math.absf %parallel_loop3A_2312 : vector<16xf32>
        %parallel_loop3A_2314 = arith.addf %parallel_loop3A_2273, %parallel_loop3A_2313 : vector<16xf32>
        %parallel_loop3A_2315 = arith.constant 54 : i32
        %parallel_loop3A_2316 = vector.broadcast %parallel_loop3A_2315 : i32 to vector<16xi32>
        %parallel_loop3A_2317 = arith.addi %parallel_loop3A_57, %parallel_loop3A_2316 : vector<16xi32>
        %parallel_loop3A_2318 = tpu.vector_load_idx %arg25[%parallel_loop3A_49, %parallel_loop3A_2317] : memref<64x128xf32, #tpu.memory_space<vmem>>[vector<16xi32>, vector<16xi32>], vector<16xf32>,
        %parallel_loop3A_2319 = arith.constant 54 : i32
        %parallel_loop3A_2320 = vector.broadcast %parallel_loop3A_2319 : i32 to vector<16xi32>
        %parallel_loop3A_2321 = arith.addi %parallel_loop3A_65, %parallel_loop3A_2320 : vector<16xi32>
        %parallel_loop3A_2322 = tpu.vector_load_idx %arg26[%parallel_loop3A_49, %parallel_loop3A_2321] : memref<64x128xf32, #tpu.memory_space<vmem>>[vector<16xi32>, vector<16xi32>], vector<16xf32>,
        %parallel_loop3A_2323 = arith.constant 54 : i32
        %parallel_loop3A_2324 = vector.broadcast %parallel_loop3A_2323 : i32 to vector<16xi32>
        %parallel_loop3A_2325 = arith.addi %parallel_loop3A_73, %parallel_loop3A_2324 : vector<16xi32>
        %parallel_loop3A_2326 = tpu.vector_load_idx %arg27[%parallel_loop3A_49, %parallel_loop3A_2325] : memref<64x128xf32, #tpu.memory_space<vmem>>[vector<16xi32>, vector<16xi32>], vector<16xf32>,
        %parallel_loop3A_2327 = arith.constant 54 : i32
        %parallel_loop3A_2328 = vector.broadcast %parallel_loop3A_2327 : i32 to vector<16xi32>
        %parallel_loop3A_2329 = arith.addi %parallel_loop3A_81, %parallel_loop3A_2328 : vector<16xi32>
        %parallel_loop3A_2330 = tpu.vector_load_idx %arg28[%parallel_loop3A_49, %parallel_loop3A_2329] : memref<64x128xf32, #tpu.memory_space<vmem>>[vector<16xi32>, vector<16xi32>], vector<16xf32>,
        %parallel_loop3A_2331 = arith.constant 54 : i32
        %parallel_loop3A_2332 = vector.broadcast %parallel_loop3A_2331 : i32 to vector<16xi32>
        %parallel_loop3A_2333 = arith.addi %parallel_loop3A_86, %parallel_loop3A_2332 : vector<16xi32>
        %parallel_loop3A_2334 = tpu.vector_load_idx %arg29[%parallel_loop3A_2333] : memref<32000xf32, #tpu.memory_space<vmem>>[vector<16xi32>], vector<16xf32>,
        %parallel_loop3A_2335 = arith.constant 54 : i32
        %parallel_loop3A_2336 = vector.broadcast %parallel_loop3A_2335 : i32 to vector<16xi32>
        %parallel_loop3A_2337 = arith.addi %parallel_loop3A_91, %parallel_loop3A_2336 : vector<16xi32>
        %parallel_loop3A_2338 = tpu.vector_load_idx %arg30[%parallel_loop3A_2337] : memref<23424xf32, #tpu.memory_space<vmem>>[vector<16xi32>], vector<16xf32>,
        %parallel_loop3A_2339 = arith.constant 54 : i32
        %parallel_loop3A_2340 = vector.broadcast %parallel_loop3A_2339 : i32 to vector<16xi32>
        %parallel_loop3A_2341 = arith.addi %parallel_loop3A_96, %parallel_loop3A_2340 : vector<16xi32>
        %parallel_loop3A_2342 = tpu.vector_load_idx %arg30[%parallel_loop3A_2341] : memref<23424xf32, #tpu.memory_space<vmem>>[vector<16xi32>], vector<16xf32>,
        %parallel_loop3A_2343 = arith.addf %parallel_loop3A_2338, %parallel_loop3A_2342 : vector<16xf32>
        %parallel_loop3A_2344 = arith.constant 5.000000e-01 : f32
        %parallel_loop3A_2345 = vector.broadcast %parallel_loop3A_2344 : f32 to vector<16xf32>
        %parallel_loop3A_2346 = arith.mulf %parallel_loop3A_2345, %parallel_loop3A_2343 : vector<16xf32>
        %parallel_loop3A_2347 = arith.addf %parallel_loop3A_2334, %parallel_loop3A_2346 : vector<16xf32>
        %parallel_loop3A_2348 = arith.addf %parallel_loop3A_2318, %parallel_loop3A_2347 : vector<16xf32>
        %parallel_loop3A_2349 = arith.subf %parallel_loop3A_2348, %parallel_loop3A_2322 : vector<16xf32>
        %parallel_loop3A_2350 = math.absf %parallel_loop3A_2349 : vector<16xf32>
        %parallel_loop3A_2351 = arith.addf %parallel_loop3A_2310, %parallel_loop3A_2350 : vector<16xf32>
        %parallel_loop3A_2352 = arith.addf %parallel_loop3A_2326, %parallel_loop3A_2347 : vector<16xf32>
        %parallel_loop3A_2353 = arith.subf %parallel_loop3A_2352, %parallel_loop3A_2330 : vector<16xf32>
        %parallel_loop3A_2354 = math.absf %parallel_loop3A_2353 : vector<16xf32>
        %parallel_loop3A_2355 = arith.addf %parallel_loop3A_2314, %parallel_loop3A_2354 : vector<16xf32>
        %parallel_loop3A_2356 = arith.constant 55 : i32
        %parallel_loop3A_2357 = vector.broadcast %parallel_loop3A_2356 : i32 to vector<16xi32>
        %parallel_loop3A_2358 = arith.addi %parallel_loop3A_57, %parallel_loop3A_2357 : vector<16xi32>
        %parallel_loop3A_2359 = tpu.vector_load_idx %arg25[%parallel_loop3A_49, %parallel_loop3A_2358] : memref<64x128xf32, #tpu.memory_space<vmem>>[vector<16xi32>, vector<16xi32>], vector<16xf32>,
        %parallel_loop3A_2360 = arith.constant 55 : i32
        %parallel_loop3A_2361 = vector.broadcast %parallel_loop3A_2360 : i32 to vector<16xi32>
        %parallel_loop3A_2362 = arith.addi %parallel_loop3A_65, %parallel_loop3A_2361 : vector<16xi32>
        %parallel_loop3A_2363 = tpu.vector_load_idx %arg26[%parallel_loop3A_49, %parallel_loop3A_2362] : memref<64x128xf32, #tpu.memory_space<vmem>>[vector<16xi32>, vector<16xi32>], vector<16xf32>,
        %parallel_loop3A_2364 = arith.constant 55 : i32
        %parallel_loop3A_2365 = vector.broadcast %parallel_loop3A_2364 : i32 to vector<16xi32>
        %parallel_loop3A_2366 = arith.addi %parallel_loop3A_73, %parallel_loop3A_2365 : vector<16xi32>
        %parallel_loop3A_2367 = tpu.vector_load_idx %arg27[%parallel_loop3A_49, %parallel_loop3A_2366] : memref<64x128xf32, #tpu.memory_space<vmem>>[vector<16xi32>, vector<16xi32>], vector<16xf32>,
        %parallel_loop3A_2368 = arith.constant 55 : i32
        %parallel_loop3A_2369 = vector.broadcast %parallel_loop3A_2368 : i32 to vector<16xi32>
        %parallel_loop3A_2370 = arith.addi %parallel_loop3A_81, %parallel_loop3A_2369 : vector<16xi32>
        %parallel_loop3A_2371 = tpu.vector_load_idx %arg28[%parallel_loop3A_49, %parallel_loop3A_2370] : memref<64x128xf32, #tpu.memory_space<vmem>>[vector<16xi32>, vector<16xi32>], vector<16xf32>,
        %parallel_loop3A_2372 = arith.constant 55 : i32
        %parallel_loop3A_2373 = vector.broadcast %parallel_loop3A_2372 : i32 to vector<16xi32>
        %parallel_loop3A_2374 = arith.addi %parallel_loop3A_86, %parallel_loop3A_2373 : vector<16xi32>
        %parallel_loop3A_2375 = tpu.vector_load_idx %arg29[%parallel_loop3A_2374] : memref<32000xf32, #tpu.memory_space<vmem>>[vector<16xi32>], vector<16xf32>,
        %parallel_loop3A_2376 = arith.constant 55 : i32
        %parallel_loop3A_2377 = vector.broadcast %parallel_loop3A_2376 : i32 to vector<16xi32>
        %parallel_loop3A_2378 = arith.addi %parallel_loop3A_91, %parallel_loop3A_2377 : vector<16xi32>
        %parallel_loop3A_2379 = tpu.vector_load_idx %arg30[%parallel_loop3A_2378] : memref<23424xf32, #tpu.memory_space<vmem>>[vector<16xi32>], vector<16xf32>,
        %parallel_loop3A_2380 = arith.constant 55 : i32
        %parallel_loop3A_2381 = vector.broadcast %parallel_loop3A_2380 : i32 to vector<16xi32>
        %parallel_loop3A_2382 = arith.addi %parallel_loop3A_96, %parallel_loop3A_2381 : vector<16xi32>
        %parallel_loop3A_2383 = tpu.vector_load_idx %arg30[%parallel_loop3A_2382] : memref<23424xf32, #tpu.memory_space<vmem>>[vector<16xi32>], vector<16xf32>,
        %parallel_loop3A_2384 = arith.addf %parallel_loop3A_2379, %parallel_loop3A_2383 : vector<16xf32>
        %parallel_loop3A_2385 = arith.constant 5.000000e-01 : f32
        %parallel_loop3A_2386 = vector.broadcast %parallel_loop3A_2385 : f32 to vector<16xf32>
        %parallel_loop3A_2387 = arith.mulf %parallel_loop3A_2386, %parallel_loop3A_2384 : vector<16xf32>
        %parallel_loop3A_2388 = arith.addf %parallel_loop3A_2375, %parallel_loop3A_2387 : vector<16xf32>
        %parallel_loop3A_2389 = arith.addf %parallel_loop3A_2359, %parallel_loop3A_2388 : vector<16xf32>
        %parallel_loop3A_2390 = arith.subf %parallel_loop3A_2389, %parallel_loop3A_2363 : vector<16xf32>
        %parallel_loop3A_2391 = math.absf %parallel_loop3A_2390 : vector<16xf32>
        %parallel_loop3A_2392 = arith.addf %parallel_loop3A_2351, %parallel_loop3A_2391 : vector<16xf32>
        %parallel_loop3A_2393 = arith.addf %parallel_loop3A_2367, %parallel_loop3A_2388 : vector<16xf32>
        %parallel_loop3A_2394 = arith.subf %parallel_loop3A_2393, %parallel_loop3A_2371 : vector<16xf32>
        %parallel_loop3A_2395 = math.absf %parallel_loop3A_2394 : vector<16xf32>
        %parallel_loop3A_2396 = arith.addf %parallel_loop3A_2355, %parallel_loop3A_2395 : vector<16xf32>
        %parallel_loop3A_2397 = arith.constant 56 : i32
        %parallel_loop3A_2398 = vector.broadcast %parallel_loop3A_2397 : i32 to vector<16xi32>
        %parallel_loop3A_2399 = arith.addi %parallel_loop3A_57, %parallel_loop3A_2398 : vector<16xi32>
        %parallel_loop3A_2400 = tpu.vector_load_idx %arg25[%parallel_loop3A_49, %parallel_loop3A_2399] : memref<64x128xf32, #tpu.memory_space<vmem>>[vector<16xi32>, vector<16xi32>], vector<16xf32>,
        %parallel_loop3A_2401 = arith.constant 56 : i32
        %parallel_loop3A_2402 = vector.broadcast %parallel_loop3A_2401 : i32 to vector<16xi32>
        %parallel_loop3A_2403 = arith.addi %parallel_loop3A_65, %parallel_loop3A_2402 : vector<16xi32>
        %parallel_loop3A_2404 = tpu.vector_load_idx %arg26[%parallel_loop3A_49, %parallel_loop3A_2403] : memref<64x128xf32, #tpu.memory_space<vmem>>[vector<16xi32>, vector<16xi32>], vector<16xf32>,
        %parallel_loop3A_2405 = arith.constant 56 : i32
        %parallel_loop3A_2406 = vector.broadcast %parallel_loop3A_2405 : i32 to vector<16xi32>
        %parallel_loop3A_2407 = arith.addi %parallel_loop3A_73, %parallel_loop3A_2406 : vector<16xi32>
        %parallel_loop3A_2408 = tpu.vector_load_idx %arg27[%parallel_loop3A_49, %parallel_loop3A_2407] : memref<64x128xf32, #tpu.memory_space<vmem>>[vector<16xi32>, vector<16xi32>], vector<16xf32>,
        %parallel_loop3A_2409 = arith.constant 56 : i32
        %parallel_loop3A_2410 = vector.broadcast %parallel_loop3A_2409 : i32 to vector<16xi32>
        %parallel_loop3A_2411 = arith.addi %parallel_loop3A_81, %parallel_loop3A_2410 : vector<16xi32>
        %parallel_loop3A_2412 = tpu.vector_load_idx %arg28[%parallel_loop3A_49, %parallel_loop3A_2411] : memref<64x128xf32, #tpu.memory_space<vmem>>[vector<16xi32>, vector<16xi32>], vector<16xf32>,
        %parallel_loop3A_2413 = arith.constant 56 : i32
        %parallel_loop3A_2414 = vector.broadcast %parallel_loop3A_2413 : i32 to vector<16xi32>
        %parallel_loop3A_2415 = arith.addi %parallel_loop3A_86, %parallel_loop3A_2414 : vector<16xi32>
        %parallel_loop3A_2416 = tpu.vector_load_idx %arg29[%parallel_loop3A_2415] : memref<32000xf32, #tpu.memory_space<vmem>>[vector<16xi32>], vector<16xf32>,
        %parallel_loop3A_2417 = arith.constant 56 : i32
        %parallel_loop3A_2418 = vector.broadcast %parallel_loop3A_2417 : i32 to vector<16xi32>
        %parallel_loop3A_2419 = arith.addi %parallel_loop3A_91, %parallel_loop3A_2418 : vector<16xi32>
        %parallel_loop3A_2420 = tpu.vector_load_idx %arg30[%parallel_loop3A_2419] : memref<23424xf32, #tpu.memory_space<vmem>>[vector<16xi32>], vector<16xf32>,
        %parallel_loop3A_2421 = arith.constant 56 : i32
        %parallel_loop3A_2422 = vector.broadcast %parallel_loop3A_2421 : i32 to vector<16xi32>
        %parallel_loop3A_2423 = arith.addi %parallel_loop3A_96, %parallel_loop3A_2422 : vector<16xi32>
        %parallel_loop3A_2424 = tpu.vector_load_idx %arg30[%parallel_loop3A_2423] : memref<23424xf32, #tpu.memory_space<vmem>>[vector<16xi32>], vector<16xf32>,
        %parallel_loop3A_2425 = arith.addf %parallel_loop3A_2420, %parallel_loop3A_2424 : vector<16xf32>
        %parallel_loop3A_2426 = arith.constant 5.000000e-01 : f32
        %parallel_loop3A_2427 = vector.broadcast %parallel_loop3A_2426 : f32 to vector<16xf32>
        %parallel_loop3A_2428 = arith.mulf %parallel_loop3A_2427, %parallel_loop3A_2425 : vector<16xf32>
        %parallel_loop3A_2429 = arith.addf %parallel_loop3A_2416, %parallel_loop3A_2428 : vector<16xf32>
        %parallel_loop3A_2430 = arith.addf %parallel_loop3A_2400, %parallel_loop3A_2429 : vector<16xf32>
        %parallel_loop3A_2431 = arith.subf %parallel_loop3A_2430, %parallel_loop3A_2404 : vector<16xf32>
        %parallel_loop3A_2432 = math.absf %parallel_loop3A_2431 : vector<16xf32>
        %parallel_loop3A_2433 = arith.addf %parallel_loop3A_2392, %parallel_loop3A_2432 : vector<16xf32>
        %parallel_loop3A_2434 = arith.addf %parallel_loop3A_2408, %parallel_loop3A_2429 : vector<16xf32>
        %parallel_loop3A_2435 = arith.subf %parallel_loop3A_2434, %parallel_loop3A_2412 : vector<16xf32>
        %parallel_loop3A_2436 = math.absf %parallel_loop3A_2435 : vector<16xf32>
        %parallel_loop3A_2437 = arith.addf %parallel_loop3A_2396, %parallel_loop3A_2436 : vector<16xf32>
        %parallel_loop3A_2438 = arith.constant 57 : i32
        %parallel_loop3A_2439 = vector.broadcast %parallel_loop3A_2438 : i32 to vector<16xi32>
        %parallel_loop3A_2440 = arith.addi %parallel_loop3A_57, %parallel_loop3A_2439 : vector<16xi32>
        %parallel_loop3A_2441 = tpu.vector_load_idx %arg25[%parallel_loop3A_49, %parallel_loop3A_2440] : memref<64x128xf32, #tpu.memory_space<vmem>>[vector<16xi32>, vector<16xi32>], vector<16xf32>,
        %parallel_loop3A_2442 = arith.constant 57 : i32
        %parallel_loop3A_2443 = vector.broadcast %parallel_loop3A_2442 : i32 to vector<16xi32>
        %parallel_loop3A_2444 = arith.addi %parallel_loop3A_65, %parallel_loop3A_2443 : vector<16xi32>
        %parallel_loop3A_2445 = tpu.vector_load_idx %arg26[%parallel_loop3A_49, %parallel_loop3A_2444] : memref<64x128xf32, #tpu.memory_space<vmem>>[vector<16xi32>, vector<16xi32>], vector<16xf32>,
        %parallel_loop3A_2446 = arith.constant 57 : i32
        %parallel_loop3A_2447 = vector.broadcast %parallel_loop3A_2446 : i32 to vector<16xi32>
        %parallel_loop3A_2448 = arith.addi %parallel_loop3A_73, %parallel_loop3A_2447 : vector<16xi32>
        %parallel_loop3A_2449 = tpu.vector_load_idx %arg27[%parallel_loop3A_49, %parallel_loop3A_2448] : memref<64x128xf32, #tpu.memory_space<vmem>>[vector<16xi32>, vector<16xi32>], vector<16xf32>,
        %parallel_loop3A_2450 = arith.constant 57 : i32
        %parallel_loop3A_2451 = vector.broadcast %parallel_loop3A_2450 : i32 to vector<16xi32>
        %parallel_loop3A_2452 = arith.addi %parallel_loop3A_81, %parallel_loop3A_2451 : vector<16xi32>
        %parallel_loop3A_2453 = tpu.vector_load_idx %arg28[%parallel_loop3A_49, %parallel_loop3A_2452] : memref<64x128xf32, #tpu.memory_space<vmem>>[vector<16xi32>, vector<16xi32>], vector<16xf32>,
        %parallel_loop3A_2454 = arith.constant 57 : i32
        %parallel_loop3A_2455 = vector.broadcast %parallel_loop3A_2454 : i32 to vector<16xi32>
        %parallel_loop3A_2456 = arith.addi %parallel_loop3A_86, %parallel_loop3A_2455 : vector<16xi32>
        %parallel_loop3A_2457 = tpu.vector_load_idx %arg29[%parallel_loop3A_2456] : memref<32000xf32, #tpu.memory_space<vmem>>[vector<16xi32>], vector<16xf32>,
        %parallel_loop3A_2458 = arith.constant 57 : i32
        %parallel_loop3A_2459 = vector.broadcast %parallel_loop3A_2458 : i32 to vector<16xi32>
        %parallel_loop3A_2460 = arith.addi %parallel_loop3A_91, %parallel_loop3A_2459 : vector<16xi32>
        %parallel_loop3A_2461 = tpu.vector_load_idx %arg30[%parallel_loop3A_2460] : memref<23424xf32, #tpu.memory_space<vmem>>[vector<16xi32>], vector<16xf32>,
        %parallel_loop3A_2462 = arith.constant 57 : i32
        %parallel_loop3A_2463 = vector.broadcast %parallel_loop3A_2462 : i32 to vector<16xi32>
        %parallel_loop3A_2464 = arith.addi %parallel_loop3A_96, %parallel_loop3A_2463 : vector<16xi32>
        %parallel_loop3A_2465 = tpu.vector_load_idx %arg30[%parallel_loop3A_2464] : memref<23424xf32, #tpu.memory_space<vmem>>[vector<16xi32>], vector<16xf32>,
        %parallel_loop3A_2466 = arith.addf %parallel_loop3A_2461, %parallel_loop3A_2465 : vector<16xf32>
        %parallel_loop3A_2467 = arith.constant 5.000000e-01 : f32
        %parallel_loop3A_2468 = vector.broadcast %parallel_loop3A_2467 : f32 to vector<16xf32>
        %parallel_loop3A_2469 = arith.mulf %parallel_loop3A_2468, %parallel_loop3A_2466 : vector<16xf32>
        %parallel_loop3A_2470 = arith.addf %parallel_loop3A_2457, %parallel_loop3A_2469 : vector<16xf32>
        %parallel_loop3A_2471 = arith.addf %parallel_loop3A_2441, %parallel_loop3A_2470 : vector<16xf32>
        %parallel_loop3A_2472 = arith.subf %parallel_loop3A_2471, %parallel_loop3A_2445 : vector<16xf32>
        %parallel_loop3A_2473 = math.absf %parallel_loop3A_2472 : vector<16xf32>
        %parallel_loop3A_2474 = arith.addf %parallel_loop3A_2433, %parallel_loop3A_2473 : vector<16xf32>
        %parallel_loop3A_2475 = arith.addf %parallel_loop3A_2449, %parallel_loop3A_2470 : vector<16xf32>
        %parallel_loop3A_2476 = arith.subf %parallel_loop3A_2475, %parallel_loop3A_2453 : vector<16xf32>
        %parallel_loop3A_2477 = math.absf %parallel_loop3A_2476 : vector<16xf32>
        %parallel_loop3A_2478 = arith.addf %parallel_loop3A_2437, %parallel_loop3A_2477 : vector<16xf32>
        %parallel_loop3A_2479 = arith.constant 58 : i32
        %parallel_loop3A_2480 = vector.broadcast %parallel_loop3A_2479 : i32 to vector<16xi32>
        %parallel_loop3A_2481 = arith.addi %parallel_loop3A_57, %parallel_loop3A_2480 : vector<16xi32>
        %parallel_loop3A_2482 = tpu.vector_load_idx %arg25[%parallel_loop3A_49, %parallel_loop3A_2481] : memref<64x128xf32, #tpu.memory_space<vmem>>[vector<16xi32>, vector<16xi32>], vector<16xf32>,
        %parallel_loop3A_2483 = arith.constant 58 : i32
        %parallel_loop3A_2484 = vector.broadcast %parallel_loop3A_2483 : i32 to vector<16xi32>
        %parallel_loop3A_2485 = arith.addi %parallel_loop3A_65, %parallel_loop3A_2484 : vector<16xi32>
        %parallel_loop3A_2486 = tpu.vector_load_idx %arg26[%parallel_loop3A_49, %parallel_loop3A_2485] : memref<64x128xf32, #tpu.memory_space<vmem>>[vector<16xi32>, vector<16xi32>], vector<16xf32>,
        %parallel_loop3A_2487 = arith.constant 58 : i32
        %parallel_loop3A_2488 = vector.broadcast %parallel_loop3A_2487 : i32 to vector<16xi32>
        %parallel_loop3A_2489 = arith.addi %parallel_loop3A_73, %parallel_loop3A_2488 : vector<16xi32>
        %parallel_loop3A_2490 = tpu.vector_load_idx %arg27[%parallel_loop3A_49, %parallel_loop3A_2489] : memref<64x128xf32, #tpu.memory_space<vmem>>[vector<16xi32>, vector<16xi32>], vector<16xf32>,
        %parallel_loop3A_2491 = arith.constant 58 : i32
        %parallel_loop3A_2492 = vector.broadcast %parallel_loop3A_2491 : i32 to vector<16xi32>
        %parallel_loop3A_2493 = arith.addi %parallel_loop3A_81, %parallel_loop3A_2492 : vector<16xi32>
        %parallel_loop3A_2494 = tpu.vector_load_idx %arg28[%parallel_loop3A_49, %parallel_loop3A_2493] : memref<64x128xf32, #tpu.memory_space<vmem>>[vector<16xi32>, vector<16xi32>], vector<16xf32>,
        %parallel_loop3A_2495 = arith.constant 58 : i32
        %parallel_loop3A_2496 = vector.broadcast %parallel_loop3A_2495 : i32 to vector<16xi32>
        %parallel_loop3A_2497 = arith.addi %parallel_loop3A_86, %parallel_loop3A_2496 : vector<16xi32>
        %parallel_loop3A_2498 = tpu.vector_load_idx %arg29[%parallel_loop3A_2497] : memref<32000xf32, #tpu.memory_space<vmem>>[vector<16xi32>], vector<16xf32>,
        %parallel_loop3A_2499 = arith.constant 58 : i32
        %parallel_loop3A_2500 = vector.broadcast %parallel_loop3A_2499 : i32 to vector<16xi32>
        %parallel_loop3A_2501 = arith.addi %parallel_loop3A_91, %parallel_loop3A_2500 : vector<16xi32>
        %parallel_loop3A_2502 = tpu.vector_load_idx %arg30[%parallel_loop3A_2501] : memref<23424xf32, #tpu.memory_space<vmem>>[vector<16xi32>], vector<16xf32>,
        %parallel_loop3A_2503 = arith.constant 58 : i32
        %parallel_loop3A_2504 = vector.broadcast %parallel_loop3A_2503 : i32 to vector<16xi32>
        %parallel_loop3A_2505 = arith.addi %parallel_loop3A_96, %parallel_loop3A_2504 : vector<16xi32>
        %parallel_loop3A_2506 = tpu.vector_load_idx %arg30[%parallel_loop3A_2505] : memref<23424xf32, #tpu.memory_space<vmem>>[vector<16xi32>], vector<16xf32>,
        %parallel_loop3A_2507 = arith.addf %parallel_loop3A_2502, %parallel_loop3A_2506 : vector<16xf32>
        %parallel_loop3A_2508 = arith.constant 5.000000e-01 : f32
        %parallel_loop3A_2509 = vector.broadcast %parallel_loop3A_2508 : f32 to vector<16xf32>
        %parallel_loop3A_2510 = arith.mulf %parallel_loop3A_2509, %parallel_loop3A_2507 : vector<16xf32>
        %parallel_loop3A_2511 = arith.addf %parallel_loop3A_2498, %parallel_loop3A_2510 : vector<16xf32>
        %parallel_loop3A_2512 = arith.addf %parallel_loop3A_2482, %parallel_loop3A_2511 : vector<16xf32>
        %parallel_loop3A_2513 = arith.subf %parallel_loop3A_2512, %parallel_loop3A_2486 : vector<16xf32>
        %parallel_loop3A_2514 = math.absf %parallel_loop3A_2513 : vector<16xf32>
        %parallel_loop3A_2515 = arith.addf %parallel_loop3A_2474, %parallel_loop3A_2514 : vector<16xf32>
        %parallel_loop3A_2516 = arith.addf %parallel_loop3A_2490, %parallel_loop3A_2511 : vector<16xf32>
        %parallel_loop3A_2517 = arith.subf %parallel_loop3A_2516, %parallel_loop3A_2494 : vector<16xf32>
        %parallel_loop3A_2518 = math.absf %parallel_loop3A_2517 : vector<16xf32>
        %parallel_loop3A_2519 = arith.addf %parallel_loop3A_2478, %parallel_loop3A_2518 : vector<16xf32>
        %parallel_loop3A_2520 = arith.constant 59 : i32
        %parallel_loop3A_2521 = vector.broadcast %parallel_loop3A_2520 : i32 to vector<16xi32>
        %parallel_loop3A_2522 = arith.addi %parallel_loop3A_57, %parallel_loop3A_2521 : vector<16xi32>
        %parallel_loop3A_2523 = tpu.vector_load_idx %arg25[%parallel_loop3A_49, %parallel_loop3A_2522] : memref<64x128xf32, #tpu.memory_space<vmem>>[vector<16xi32>, vector<16xi32>], vector<16xf32>,
        %parallel_loop3A_2524 = arith.constant 59 : i32
        %parallel_loop3A_2525 = vector.broadcast %parallel_loop3A_2524 : i32 to vector<16xi32>
        %parallel_loop3A_2526 = arith.addi %parallel_loop3A_65, %parallel_loop3A_2525 : vector<16xi32>
        %parallel_loop3A_2527 = tpu.vector_load_idx %arg26[%parallel_loop3A_49, %parallel_loop3A_2526] : memref<64x128xf32, #tpu.memory_space<vmem>>[vector<16xi32>, vector<16xi32>], vector<16xf32>,
        %parallel_loop3A_2528 = arith.constant 59 : i32
        %parallel_loop3A_2529 = vector.broadcast %parallel_loop3A_2528 : i32 to vector<16xi32>
        %parallel_loop3A_2530 = arith.addi %parallel_loop3A_73, %parallel_loop3A_2529 : vector<16xi32>
        %parallel_loop3A_2531 = tpu.vector_load_idx %arg27[%parallel_loop3A_49, %parallel_loop3A_2530] : memref<64x128xf32, #tpu.memory_space<vmem>>[vector<16xi32>, vector<16xi32>], vector<16xf32>,
        %parallel_loop3A_2532 = arith.constant 59 : i32
        %parallel_loop3A_2533 = vector.broadcast %parallel_loop3A_2532 : i32 to vector<16xi32>
        %parallel_loop3A_2534 = arith.addi %parallel_loop3A_81, %parallel_loop3A_2533 : vector<16xi32>
        %parallel_loop3A_2535 = tpu.vector_load_idx %arg28[%parallel_loop3A_49, %parallel_loop3A_2534] : memref<64x128xf32, #tpu.memory_space<vmem>>[vector<16xi32>, vector<16xi32>], vector<16xf32>,
        %parallel_loop3A_2536 = arith.constant 59 : i32
        %parallel_loop3A_2537 = vector.broadcast %parallel_loop3A_2536 : i32 to vector<16xi32>
        %parallel_loop3A_2538 = arith.addi %parallel_loop3A_86, %parallel_loop3A_2537 : vector<16xi32>
        %parallel_loop3A_2539 = tpu.vector_load_idx %arg29[%parallel_loop3A_2538] : memref<32000xf32, #tpu.memory_space<vmem>>[vector<16xi32>], vector<16xf32>,
        %parallel_loop3A_2540 = arith.constant 59 : i32
        %parallel_loop3A_2541 = vector.broadcast %parallel_loop3A_2540 : i32 to vector<16xi32>
        %parallel_loop3A_2542 = arith.addi %parallel_loop3A_91, %parallel_loop3A_2541 : vector<16xi32>
        %parallel_loop3A_2543 = tpu.vector_load_idx %arg30[%parallel_loop3A_2542] : memref<23424xf32, #tpu.memory_space<vmem>>[vector<16xi32>], vector<16xf32>,
        %parallel_loop3A_2544 = arith.constant 59 : i32
        %parallel_loop3A_2545 = vector.broadcast %parallel_loop3A_2544 : i32 to vector<16xi32>
        %parallel_loop3A_2546 = arith.addi %parallel_loop3A_96, %parallel_loop3A_2545 : vector<16xi32>
        %parallel_loop3A_2547 = tpu.vector_load_idx %arg30[%parallel_loop3A_2546] : memref<23424xf32, #tpu.memory_space<vmem>>[vector<16xi32>], vector<16xf32>,
        %parallel_loop3A_2548 = arith.addf %parallel_loop3A_2543, %parallel_loop3A_2547 : vector<16xf32>
        %parallel_loop3A_2549 = arith.constant 5.000000e-01 : f32
        %parallel_loop3A_2550 = vector.broadcast %parallel_loop3A_2549 : f32 to vector<16xf32>
        %parallel_loop3A_2551 = arith.mulf %parallel_loop3A_2550, %parallel_loop3A_2548 : vector<16xf32>
        %parallel_loop3A_2552 = arith.addf %parallel_loop3A_2539, %parallel_loop3A_2551 : vector<16xf32>
        %parallel_loop3A_2553 = arith.addf %parallel_loop3A_2523, %parallel_loop3A_2552 : vector<16xf32>
        %parallel_loop3A_2554 = arith.subf %parallel_loop3A_2553, %parallel_loop3A_2527 : vector<16xf32>
        %parallel_loop3A_2555 = math.absf %parallel_loop3A_2554 : vector<16xf32>
        %parallel_loop3A_2556 = arith.addf %parallel_loop3A_2515, %parallel_loop3A_2555 : vector<16xf32>
        %parallel_loop3A_2557 = arith.addf %parallel_loop3A_2531, %parallel_loop3A_2552 : vector<16xf32>
        %parallel_loop3A_2558 = arith.subf %parallel_loop3A_2557, %parallel_loop3A_2535 : vector<16xf32>
        %parallel_loop3A_2559 = math.absf %parallel_loop3A_2558 : vector<16xf32>
        %parallel_loop3A_2560 = arith.addf %parallel_loop3A_2519, %parallel_loop3A_2559 : vector<16xf32>
        %parallel_loop3A_2561 = arith.constant 60 : i32
        %parallel_loop3A_2562 = vector.broadcast %parallel_loop3A_2561 : i32 to vector<16xi32>
        %parallel_loop3A_2563 = arith.addi %parallel_loop3A_57, %parallel_loop3A_2562 : vector<16xi32>
        %parallel_loop3A_2564 = tpu.vector_load_idx %arg25[%parallel_loop3A_49, %parallel_loop3A_2563] : memref<64x128xf32, #tpu.memory_space<vmem>>[vector<16xi32>, vector<16xi32>], vector<16xf32>,
        %parallel_loop3A_2565 = arith.constant 60 : i32
        %parallel_loop3A_2566 = vector.broadcast %parallel_loop3A_2565 : i32 to vector<16xi32>
        %parallel_loop3A_2567 = arith.addi %parallel_loop3A_65, %parallel_loop3A_2566 : vector<16xi32>
        %parallel_loop3A_2568 = tpu.vector_load_idx %arg26[%parallel_loop3A_49, %parallel_loop3A_2567] : memref<64x128xf32, #tpu.memory_space<vmem>>[vector<16xi32>, vector<16xi32>], vector<16xf32>,
        %parallel_loop3A_2569 = arith.constant 60 : i32
        %parallel_loop3A_2570 = vector.broadcast %parallel_loop3A_2569 : i32 to vector<16xi32>
        %parallel_loop3A_2571 = arith.addi %parallel_loop3A_73, %parallel_loop3A_2570 : vector<16xi32>
        %parallel_loop3A_2572 = tpu.vector_load_idx %arg27[%parallel_loop3A_49, %parallel_loop3A_2571] : memref<64x128xf32, #tpu.memory_space<vmem>>[vector<16xi32>, vector<16xi32>], vector<16xf32>,
        %parallel_loop3A_2573 = arith.constant 60 : i32
        %parallel_loop3A_2574 = vector.broadcast %parallel_loop3A_2573 : i32 to vector<16xi32>
        %parallel_loop3A_2575 = arith.addi %parallel_loop3A_81, %parallel_loop3A_2574 : vector<16xi32>
        %parallel_loop3A_2576 = tpu.vector_load_idx %arg28[%parallel_loop3A_49, %parallel_loop3A_2575] : memref<64x128xf32, #tpu.memory_space<vmem>>[vector<16xi32>, vector<16xi32>], vector<16xf32>,
        %parallel_loop3A_2577 = arith.constant 60 : i32
        %parallel_loop3A_2578 = vector.broadcast %parallel_loop3A_2577 : i32 to vector<16xi32>
        %parallel_loop3A_2579 = arith.addi %parallel_loop3A_86, %parallel_loop3A_2578 : vector<16xi32>
        %parallel_loop3A_2580 = tpu.vector_load_idx %arg29[%parallel_loop3A_2579] : memref<32000xf32, #tpu.memory_space<vmem>>[vector<16xi32>], vector<16xf32>,
        %parallel_loop3A_2581 = arith.constant 60 : i32
        %parallel_loop3A_2582 = vector.broadcast %parallel_loop3A_2581 : i32 to vector<16xi32>
        %parallel_loop3A_2583 = arith.addi %parallel_loop3A_91, %parallel_loop3A_2582 : vector<16xi32>
        %parallel_loop3A_2584 = tpu.vector_load_idx %arg30[%parallel_loop3A_2583] : memref<23424xf32, #tpu.memory_space<vmem>>[vector<16xi32>], vector<16xf32>,
        %parallel_loop3A_2585 = arith.constant 60 : i32
        %parallel_loop3A_2586 = vector.broadcast %parallel_loop3A_2585 : i32 to vector<16xi32>
        %parallel_loop3A_2587 = arith.addi %parallel_loop3A_96, %parallel_loop3A_2586 : vector<16xi32>
        %parallel_loop3A_2588 = tpu.vector_load_idx %arg30[%parallel_loop3A_2587] : memref<23424xf32, #tpu.memory_space<vmem>>[vector<16xi32>], vector<16xf32>,
        %parallel_loop3A_2589 = arith.addf %parallel_loop3A_2584, %parallel_loop3A_2588 : vector<16xf32>
        %parallel_loop3A_2590 = arith.constant 5.000000e-01 : f32
        %parallel_loop3A_2591 = vector.broadcast %parallel_loop3A_2590 : f32 to vector<16xf32>
        %parallel_loop3A_2592 = arith.mulf %parallel_loop3A_2591, %parallel_loop3A_2589 : vector<16xf32>
        %parallel_loop3A_2593 = arith.addf %parallel_loop3A_2580, %parallel_loop3A_2592 : vector<16xf32>
        %parallel_loop3A_2594 = arith.addf %parallel_loop3A_2564, %parallel_loop3A_2593 : vector<16xf32>
        %parallel_loop3A_2595 = arith.subf %parallel_loop3A_2594, %parallel_loop3A_2568 : vector<16xf32>
        %parallel_loop3A_2596 = math.absf %parallel_loop3A_2595 : vector<16xf32>
        %parallel_loop3A_2597 = arith.addf %parallel_loop3A_2556, %parallel_loop3A_2596 : vector<16xf32>
        %parallel_loop3A_2598 = arith.addf %parallel_loop3A_2572, %parallel_loop3A_2593 : vector<16xf32>
        %parallel_loop3A_2599 = arith.subf %parallel_loop3A_2598, %parallel_loop3A_2576 : vector<16xf32>
        %parallel_loop3A_2600 = math.absf %parallel_loop3A_2599 : vector<16xf32>
        %parallel_loop3A_2601 = arith.addf %parallel_loop3A_2560, %parallel_loop3A_2600 : vector<16xf32>
        %parallel_loop3A_2602 = arith.constant 61 : i32
        %parallel_loop3A_2603 = vector.broadcast %parallel_loop3A_2602 : i32 to vector<16xi32>
        %parallel_loop3A_2604 = arith.addi %parallel_loop3A_57, %parallel_loop3A_2603 : vector<16xi32>
        %parallel_loop3A_2605 = tpu.vector_load_idx %arg25[%parallel_loop3A_49, %parallel_loop3A_2604] : memref<64x128xf32, #tpu.memory_space<vmem>>[vector<16xi32>, vector<16xi32>], vector<16xf32>,
        %parallel_loop3A_2606 = arith.constant 61 : i32
        %parallel_loop3A_2607 = vector.broadcast %parallel_loop3A_2606 : i32 to vector<16xi32>
        %parallel_loop3A_2608 = arith.addi %parallel_loop3A_65, %parallel_loop3A_2607 : vector<16xi32>
        %parallel_loop3A_2609 = tpu.vector_load_idx %arg26[%parallel_loop3A_49, %parallel_loop3A_2608] : memref<64x128xf32, #tpu.memory_space<vmem>>[vector<16xi32>, vector<16xi32>], vector<16xf32>,
        %parallel_loop3A_2610 = arith.constant 61 : i32
        %parallel_loop3A_2611 = vector.broadcast %parallel_loop3A_2610 : i32 to vector<16xi32>
        %parallel_loop3A_2612 = arith.addi %parallel_loop3A_73, %parallel_loop3A_2611 : vector<16xi32>
        %parallel_loop3A_2613 = tpu.vector_load_idx %arg27[%parallel_loop3A_49, %parallel_loop3A_2612] : memref<64x128xf32, #tpu.memory_space<vmem>>[vector<16xi32>, vector<16xi32>], vector<16xf32>,
        %parallel_loop3A_2614 = arith.constant 61 : i32
        %parallel_loop3A_2615 = vector.broadcast %parallel_loop3A_2614 : i32 to vector<16xi32>
        %parallel_loop3A_2616 = arith.addi %parallel_loop3A_81, %parallel_loop3A_2615 : vector<16xi32>
        %parallel_loop3A_2617 = tpu.vector_load_idx %arg28[%parallel_loop3A_49, %parallel_loop3A_2616] : memref<64x128xf32, #tpu.memory_space<vmem>>[vector<16xi32>, vector<16xi32>], vector<16xf32>,
        %parallel_loop3A_2618 = arith.constant 61 : i32
        %parallel_loop3A_2619 = vector.broadcast %parallel_loop3A_2618 : i32 to vector<16xi32>
        %parallel_loop3A_2620 = arith.addi %parallel_loop3A_86, %parallel_loop3A_2619 : vector<16xi32>
        %parallel_loop3A_2621 = tpu.vector_load_idx %arg29[%parallel_loop3A_2620] : memref<32000xf32, #tpu.memory_space<vmem>>[vector<16xi32>], vector<16xf32>,
        %parallel_loop3A_2622 = arith.constant 61 : i32
        %parallel_loop3A_2623 = vector.broadcast %parallel_loop3A_2622 : i32 to vector<16xi32>
        %parallel_loop3A_2624 = arith.addi %parallel_loop3A_91, %parallel_loop3A_2623 : vector<16xi32>
        %parallel_loop3A_2625 = tpu.vector_load_idx %arg30[%parallel_loop3A_2624] : memref<23424xf32, #tpu.memory_space<vmem>>[vector<16xi32>], vector<16xf32>,
        %parallel_loop3A_2626 = arith.constant 61 : i32
        %parallel_loop3A_2627 = vector.broadcast %parallel_loop3A_2626 : i32 to vector<16xi32>
        %parallel_loop3A_2628 = arith.addi %parallel_loop3A_96, %parallel_loop3A_2627 : vector<16xi32>
        %parallel_loop3A_2629 = tpu.vector_load_idx %arg30[%parallel_loop3A_2628] : memref<23424xf32, #tpu.memory_space<vmem>>[vector<16xi32>], vector<16xf32>,
        %parallel_loop3A_2630 = arith.addf %parallel_loop3A_2625, %parallel_loop3A_2629 : vector<16xf32>
        %parallel_loop3A_2631 = arith.constant 5.000000e-01 : f32
        %parallel_loop3A_2632 = vector.broadcast %parallel_loop3A_2631 : f32 to vector<16xf32>
        %parallel_loop3A_2633 = arith.mulf %parallel_loop3A_2632, %parallel_loop3A_2630 : vector<16xf32>
        %parallel_loop3A_2634 = arith.addf %parallel_loop3A_2621, %parallel_loop3A_2633 : vector<16xf32>
        %parallel_loop3A_2635 = arith.addf %parallel_loop3A_2605, %parallel_loop3A_2634 : vector<16xf32>
        %parallel_loop3A_2636 = arith.subf %parallel_loop3A_2635, %parallel_loop3A_2609 : vector<16xf32>
        %parallel_loop3A_2637 = math.absf %parallel_loop3A_2636 : vector<16xf32>
        %parallel_loop3A_2638 = arith.addf %parallel_loop3A_2597, %parallel_loop3A_2637 : vector<16xf32>
        %parallel_loop3A_2639 = arith.addf %parallel_loop3A_2613, %parallel_loop3A_2634 : vector<16xf32>
        %parallel_loop3A_2640 = arith.subf %parallel_loop3A_2639, %parallel_loop3A_2617 : vector<16xf32>
        %parallel_loop3A_2641 = math.absf %parallel_loop3A_2640 : vector<16xf32>
        %parallel_loop3A_2642 = arith.addf %parallel_loop3A_2601, %parallel_loop3A_2641 : vector<16xf32>
        %parallel_loop3A_2643 = arith.constant 62 : i32
        %parallel_loop3A_2644 = vector.broadcast %parallel_loop3A_2643 : i32 to vector<16xi32>
        %parallel_loop3A_2645 = arith.addi %parallel_loop3A_57, %parallel_loop3A_2644 : vector<16xi32>
        %parallel_loop3A_2646 = tpu.vector_load_idx %arg25[%parallel_loop3A_49, %parallel_loop3A_2645] : memref<64x128xf32, #tpu.memory_space<vmem>>[vector<16xi32>, vector<16xi32>], vector<16xf32>,
        %parallel_loop3A_2647 = arith.constant 62 : i32
        %parallel_loop3A_2648 = vector.broadcast %parallel_loop3A_2647 : i32 to vector<16xi32>
        %parallel_loop3A_2649 = arith.addi %parallel_loop3A_65, %parallel_loop3A_2648 : vector<16xi32>
        %parallel_loop3A_2650 = tpu.vector_load_idx %arg26[%parallel_loop3A_49, %parallel_loop3A_2649] : memref<64x128xf32, #tpu.memory_space<vmem>>[vector<16xi32>, vector<16xi32>], vector<16xf32>,
        %parallel_loop3A_2651 = arith.constant 62 : i32
        %parallel_loop3A_2652 = vector.broadcast %parallel_loop3A_2651 : i32 to vector<16xi32>
        %parallel_loop3A_2653 = arith.addi %parallel_loop3A_73, %parallel_loop3A_2652 : vector<16xi32>
        %parallel_loop3A_2654 = tpu.vector_load_idx %arg27[%parallel_loop3A_49, %parallel_loop3A_2653] : memref<64x128xf32, #tpu.memory_space<vmem>>[vector<16xi32>, vector<16xi32>], vector<16xf32>,
        %parallel_loop3A_2655 = arith.constant 62 : i32
        %parallel_loop3A_2656 = vector.broadcast %parallel_loop3A_2655 : i32 to vector<16xi32>
        %parallel_loop3A_2657 = arith.addi %parallel_loop3A_81, %parallel_loop3A_2656 : vector<16xi32>
        %parallel_loop3A_2658 = tpu.vector_load_idx %arg28[%parallel_loop3A_49, %parallel_loop3A_2657] : memref<64x128xf32, #tpu.memory_space<vmem>>[vector<16xi32>, vector<16xi32>], vector<16xf32>,
        %parallel_loop3A_2659 = arith.constant 62 : i32
        %parallel_loop3A_2660 = vector.broadcast %parallel_loop3A_2659 : i32 to vector<16xi32>
        %parallel_loop3A_2661 = arith.addi %parallel_loop3A_86, %parallel_loop3A_2660 : vector<16xi32>
        %parallel_loop3A_2662 = tpu.vector_load_idx %arg29[%parallel_loop3A_2661] : memref<32000xf32, #tpu.memory_space<vmem>>[vector<16xi32>], vector<16xf32>,
        %parallel_loop3A_2663 = arith.constant 62 : i32
        %parallel_loop3A_2664 = vector.broadcast %parallel_loop3A_2663 : i32 to vector<16xi32>
        %parallel_loop3A_2665 = arith.addi %parallel_loop3A_91, %parallel_loop3A_2664 : vector<16xi32>
        %parallel_loop3A_2666 = tpu.vector_load_idx %arg30[%parallel_loop3A_2665] : memref<23424xf32, #tpu.memory_space<vmem>>[vector<16xi32>], vector<16xf32>,
        %parallel_loop3A_2667 = arith.constant 62 : i32
        %parallel_loop3A_2668 = vector.broadcast %parallel_loop3A_2667 : i32 to vector<16xi32>
        %parallel_loop3A_2669 = arith.addi %parallel_loop3A_96, %parallel_loop3A_2668 : vector<16xi32>
        %parallel_loop3A_2670 = tpu.vector_load_idx %arg30[%parallel_loop3A_2669] : memref<23424xf32, #tpu.memory_space<vmem>>[vector<16xi32>], vector<16xf32>,
        %parallel_loop3A_2671 = arith.addf %parallel_loop3A_2666, %parallel_loop3A_2670 : vector<16xf32>
        %parallel_loop3A_2672 = arith.constant 5.000000e-01 : f32
        %parallel_loop3A_2673 = vector.broadcast %parallel_loop3A_2672 : f32 to vector<16xf32>
        %parallel_loop3A_2674 = arith.mulf %parallel_loop3A_2673, %parallel_loop3A_2671 : vector<16xf32>
        %parallel_loop3A_2675 = arith.addf %parallel_loop3A_2662, %parallel_loop3A_2674 : vector<16xf32>
        %parallel_loop3A_2676 = arith.addf %parallel_loop3A_2646, %parallel_loop3A_2675 : vector<16xf32>
        %parallel_loop3A_2677 = arith.subf %parallel_loop3A_2676, %parallel_loop3A_2650 : vector<16xf32>
        %parallel_loop3A_2678 = math.absf %parallel_loop3A_2677 : vector<16xf32>
        %parallel_loop3A_2679 = arith.addf %parallel_loop3A_2638, %parallel_loop3A_2678 : vector<16xf32>
        %parallel_loop3A_2680 = arith.addf %parallel_loop3A_2654, %parallel_loop3A_2675 : vector<16xf32>
        %parallel_loop3A_2681 = arith.subf %parallel_loop3A_2680, %parallel_loop3A_2658 : vector<16xf32>
        %parallel_loop3A_2682 = math.absf %parallel_loop3A_2681 : vector<16xf32>
        %parallel_loop3A_2683 = arith.addf %parallel_loop3A_2642, %parallel_loop3A_2682 : vector<16xf32>
        %parallel_loop3A_2684 = arith.constant 63 : i32
        %parallel_loop3A_2685 = vector.broadcast %parallel_loop3A_2684 : i32 to vector<16xi32>
        %parallel_loop3A_2686 = arith.addi %parallel_loop3A_57, %parallel_loop3A_2685 : vector<16xi32>
        %parallel_loop3A_2687 = tpu.vector_load_idx %arg25[%parallel_loop3A_49, %parallel_loop3A_2686] : memref<64x128xf32, #tpu.memory_space<vmem>>[vector<16xi32>, vector<16xi32>], vector<16xf32>,
        %parallel_loop3A_2688 = arith.constant 63 : i32
        %parallel_loop3A_2689 = vector.broadcast %parallel_loop3A_2688 : i32 to vector<16xi32>
        %parallel_loop3A_2690 = arith.addi %parallel_loop3A_65, %parallel_loop3A_2689 : vector<16xi32>
        %parallel_loop3A_2691 = tpu.vector_load_idx %arg26[%parallel_loop3A_49, %parallel_loop3A_2690] : memref<64x128xf32, #tpu.memory_space<vmem>>[vector<16xi32>, vector<16xi32>], vector<16xf32>,
        %parallel_loop3A_2692 = arith.constant 63 : i32
        %parallel_loop3A_2693 = vector.broadcast %parallel_loop3A_2692 : i32 to vector<16xi32>
        %parallel_loop3A_2694 = arith.addi %parallel_loop3A_73, %parallel_loop3A_2693 : vector<16xi32>
        %parallel_loop3A_2695 = tpu.vector_load_idx %arg27[%parallel_loop3A_49, %parallel_loop3A_2694] : memref<64x128xf32, #tpu.memory_space<vmem>>[vector<16xi32>, vector<16xi32>], vector<16xf32>,
        %parallel_loop3A_2696 = arith.constant 63 : i32
        %parallel_loop3A_2697 = vector.broadcast %parallel_loop3A_2696 : i32 to vector<16xi32>
        %parallel_loop3A_2698 = arith.addi %parallel_loop3A_81, %parallel_loop3A_2697 : vector<16xi32>
        %parallel_loop3A_2699 = tpu.vector_load_idx %arg28[%parallel_loop3A_49, %parallel_loop3A_2698] : memref<64x128xf32, #tpu.memory_space<vmem>>[vector<16xi32>, vector<16xi32>], vector<16xf32>,
        %parallel_loop3A_2700 = arith.constant 63 : i32
        %parallel_loop3A_2701 = vector.broadcast %parallel_loop3A_2700 : i32 to vector<16xi32>
        %parallel_loop3A_2702 = arith.addi %parallel_loop3A_86, %parallel_loop3A_2701 : vector<16xi32>
        %parallel_loop3A_2703 = tpu.vector_load_idx %arg29[%parallel_loop3A_2702] : memref<32000xf32, #tpu.memory_space<vmem>>[vector<16xi32>], vector<16xf32>,
        %parallel_loop3A_2704 = arith.constant 63 : i32
        %parallel_loop3A_2705 = vector.broadcast %parallel_loop3A_2704 : i32 to vector<16xi32>
        %parallel_loop3A_2706 = arith.addi %parallel_loop3A_91, %parallel_loop3A_2705 : vector<16xi32>
        %parallel_loop3A_2707 = tpu.vector_load_idx %arg30[%parallel_loop3A_2706] : memref<23424xf32, #tpu.memory_space<vmem>>[vector<16xi32>], vector<16xf32>,
        %parallel_loop3A_2708 = arith.constant 63 : i32
        %parallel_loop3A_2709 = vector.broadcast %parallel_loop3A_2708 : i32 to vector<16xi32>
        %parallel_loop3A_2710 = arith.addi %parallel_loop3A_96, %parallel_loop3A_2709 : vector<16xi32>
        %parallel_loop3A_2711 = tpu.vector_load_idx %arg30[%parallel_loop3A_2710] : memref<23424xf32, #tpu.memory_space<vmem>>[vector<16xi32>], vector<16xf32>,
        %parallel_loop3A_2712 = arith.addf %parallel_loop3A_2707, %parallel_loop3A_2711 : vector<16xf32>
        %parallel_loop3A_2713 = arith.constant 5.000000e-01 : f32
        %parallel_loop3A_2714 = vector.broadcast %parallel_loop3A_2713 : f32 to vector<16xf32>
        %parallel_loop3A_2715 = arith.mulf %parallel_loop3A_2714, %parallel_loop3A_2712 : vector<16xf32>
        %parallel_loop3A_2716 = arith.addf %parallel_loop3A_2703, %parallel_loop3A_2715 : vector<16xf32>
        %parallel_loop3A_2717 = arith.addf %parallel_loop3A_2687, %parallel_loop3A_2716 : vector<16xf32>
        %parallel_loop3A_2718 = arith.subf %parallel_loop3A_2717, %parallel_loop3A_2691 : vector<16xf32>
        %parallel_loop3A_2719 = math.absf %parallel_loop3A_2718 : vector<16xf32>
        %parallel_loop3A_2720 = arith.addf %parallel_loop3A_2679, %parallel_loop3A_2719 : vector<16xf32>
        %parallel_loop3A_2721 = arith.addf %parallel_loop3A_2695, %parallel_loop3A_2716 : vector<16xf32>
        %parallel_loop3A_2722 = arith.subf %parallel_loop3A_2721, %parallel_loop3A_2699 : vector<16xf32>
        %parallel_loop3A_2723 = math.absf %parallel_loop3A_2722 : vector<16xf32>
        %parallel_loop3A_2724 = arith.addf %parallel_loop3A_2683, %parallel_loop3A_2723 : vector<16xf32>
        %parallel_loop3A_2725 = arith.constant 0.000000e+00 : f32
        %parallel_loop3A_2726 = vector.broadcast %parallel_loop3A_2725 : f32 to vector<16xf32>
        %parallel_loop3A_2727 = arith.subf %parallel_loop3A_2726, %parallel_loop3A_2720 : vector<16xf32>
        %parallel_loop3A_2728 = arith.index_cast %parallel_loop3A_44 : i32 to index
        %parallel_loop3A_2729 = tpu.vector_load %arg31[%parallel_loop3A_2728] {strides = array<i32>} : memref<512xf32, #tpu.memory_space<vmem>>, vector<16xf32>,
        tpu.vector_store %arg31[%parallel_loop3A_2728], %parallel_loop3A_2727 {strides = array<i32>} : memref<512xf32, #tpu.memory_space<vmem>>, vector<16xf32>,
        %parallel_loop3A_2730 = arith.constant 0.000000e+00 : f32
        %parallel_loop3A_2731 = vector.broadcast %parallel_loop3A_2730 : f32 to vector<16xf32>
        %parallel_loop3A_2732 = arith.subf %parallel_loop3A_2731, %parallel_loop3A_2724 : vector<16xf32>
        %parallel_loop3A_2733 = arith.index_cast %parallel_loop3A_44 : i32 to index
        %parallel_loop3A_2734 = tpu.vector_load %arg32[%parallel_loop3A_2733] {strides = array<i32>} : memref<512xf32, #tpu.memory_space<vmem>>, vector<16xf32>,
        tpu.vector_store %arg32[%parallel_loop3A_2733], %parallel_loop3A_2732 {strides = array<i32>} : memref<512xf32, #tpu.memory_space<vmem>>, vector<16xf32>,
      } {sc.loop_unroll_factor = 1 : i64, sc.parallel_access}
      %scan3A_40 = arith.constant 0 : i32
      scf.yield %scan3A_40 : i32
    }
    %scan3A_8 = arith.constant 8 : i32
    "tpu.region"() ({
      %run_scoped3A = tpu.sem_alloc : memref<!tpu.dma_semaphore, #tpu.memory_space<semaphore_mem>>
      %dma_start3A = tpu.memref_slice %arg12[%mul3A_2] : memref<16384xf32, #tpu.memory_space<hbm>> -> memref<512xf32, #tpu.memory_space<hbm>>
      %dma_start3A_9 = tpu.memref_slice %arg12[%mul3A_2] : memref<16384xf32, #tpu.memory_space<hbm>> -> memref<512xf32, #tpu.memory_space<hbm>>
      tpu.enqueue_dma source(%arg31 : memref<512xf32, #tpu.memory_space<vmem>>) target(%dma_start3A_9 : memref<512xf32, #tpu.memory_space<hbm>>) target_semaphore(%run_scoped3A : memref<!tpu.dma_semaphore, #tpu.memory_space<semaphore_mem>>)
      %dma_wait3A = tpu.memref_slice %arg12[%mul3A_2] : memref<16384xf32, #tpu.memory_space<hbm>> -> memref<512xf32, #tpu.memory_space<hbm>>
      %dma_wait3A_10 = tpu.memref_slice %arg12[%mul3A_2] : memref<16384xf32, #tpu.memory_space<hbm>> -> memref<512xf32, #tpu.memory_space<hbm>>
      tpu.wait_dma2 semaphore(%run_scoped3A : memref<!tpu.dma_semaphore, #tpu.memory_space<semaphore_mem>>) src(%arg31 : memref<512xf32, #tpu.memory_space<vmem>>) dst(%dma_wait3A_10 : memref<512xf32, #tpu.memory_space<hbm>>)
      tpu.yield
    }) : () -> ()
    "tpu.region"() ({
      %run_scoped3A = tpu.sem_alloc : memref<!tpu.dma_semaphore, #tpu.memory_space<semaphore_mem>>
      %dma_start3A = tpu.memref_slice %arg13[%mul3A_2] : memref<16384xf32, #tpu.memory_space<hbm>> -> memref<512xf32, #tpu.memory_space<hbm>>
      %dma_start3A_9 = tpu.memref_slice %arg13[%mul3A_2] : memref<16384xf32, #tpu.memory_space<hbm>> -> memref<512xf32, #tpu.memory_space<hbm>>
      tpu.enqueue_dma source(%arg32 : memref<512xf32, #tpu.memory_space<vmem>>) target(%dma_start3A_9 : memref<512xf32, #tpu.memory_space<hbm>>) target_semaphore(%run_scoped3A : memref<!tpu.dma_semaphore, #tpu.memory_space<semaphore_mem>>)
      %dma_wait3A = tpu.memref_slice %arg13[%mul3A_2] : memref<16384xf32, #tpu.memory_space<hbm>> -> memref<512xf32, #tpu.memory_space<hbm>>
      %dma_wait3A_10 = tpu.memref_slice %arg13[%mul3A_2] : memref<16384xf32, #tpu.memory_space<hbm>> -> memref<512xf32, #tpu.memory_space<hbm>>
      tpu.wait_dma2 semaphore(%run_scoped3A : memref<!tpu.dma_semaphore, #tpu.memory_space<semaphore_mem>>) src(%arg32 : memref<512xf32, #tpu.memory_space<vmem>>) dst(%dma_wait3A_10 : memref<512xf32, #tpu.memory_space<hbm>>)
      tpu.yield
    }) : () -> ()
    return
  }
}

</mosaic_0001>

<sc_bundles>
// kernel: kernel.3.cloned.1.call-start
scs
__scs_entry_jumppad:
0x0: {  	(pc) =	sbr.rel $0x88, $3  }
0x1: {  	(tag) =	ssettag $0x0;
	lr =	simm.s32 $0x1  }
0x2: {  	[smem:$0x3F97] =	sst lr;
	_ =	strace $0xD0000000  }
0x3: {  	_ = 	snop  }
0x4: {  	_ = 	snop  }
0x5: {  	_ = 	snop  }
0x6: {  	_ = 	snop  }
0x7: {  	_ = 	snop  }
__scs_overlays_trampoline_lowered:
0x8: {  	[smem:$0x3FA6] =	sst s0  }
0x9: {  	[smem:$0x3FA7] =	sst s1  }
0xa: {  	[smem:$0x3FA8] =	sst s2  }
0xb: {  	[smem:$0x3FA9] =	sst s3  }
0xc: {  	[smem:$0x3FAA] =	sst s4  }
0xd: {  	[smem:$0x3FAB] =	sst s5  }
0xe: {  	[smem:$0x3FAC] =	sst s6  }
0xf: {  	[smem:$0x3FAD] =	sst s7  }
0x10: {  	[smem:$0x3FAE] =	sst s8  }
0x11: {  	[smem:$0x3FAF] =	sst s9;
	s0 =	simm.s32 @!p0 $0x0  }
0x12: {  	s1 =	sld [smem:$0x3F95];
	s0 =	simm.s32 @p0 $0x1  }
0x13: {  	[smem:$0x3FB0] =	sst s0;
	s0 =	simm.s32 @!p1 $0x0  }
0x14: {  	s2 =	sld [smem:$0x3F94];
	s0 =	simm.s32 @p1 $0x1  }
0x15: {  	[smem:$0x3FB1] =	sst s0;
	s0 =	simm.s32 @!p2 $0x0  }
0x16: {  	s3 =	sld [smem:$0x3FDB];
	s0 =	simm.s32 @p2 $0x1  }
0x17: {  	s4 =	simm.s32 $0x1BF5;
	[smem:$0x3FB3] =	sst s0  }
0x18: {  	s0 =	sld [smem:$0x3F96];
	_ =	swait.ge [sflag:s4], $0x0  }
0x19: {  	s7 =	sld [smem:$0x3F97]  }
0x1a: {  	s8 =	sadd.s32 $0xFFFFE003, lr  }
0x1b: {  	s9 =	sadd.s32 $0xFFFFFEF7, lr;
	s5 =	simm.s32 $0xFFFFFFFF;
	p2 =	slt.u32 s8, $0xFFFFF086  }
0x1c: {  	p1 =	slt.u32 s9, $0xF7A;
	s5 =	simm.s32 @!p2 $0x0  }
0x1d: {  	s5 =	simm.s32 @p1 $0x1;
	p0 =	seq.s32 s7, s2  }
0x1e: {  	s7 =	smul.u32 @!p0 $0xF7A, s2;
	p2 =	seq.s32 @!p0 s5, $0x0  }
0x1f: {  	s9 =	smul.u32 $0xF7A, s1;
	s8 =	simm.s32 @!p0 $0x1BF5;
	p2 =	por !p2, p0  }
0x20: {  	[sflag:s8] =	ssyncset.s32 @!p0 $0xFFFFF086;
	s6 =	sadd.s32 @!p0 s3, s7;
	s7 =	simm.s32 @!p0 $0x108  }
0x21: {  	s3 =	sadd.s32 s3, s9;
	s6 =	sadd.s32 @!p0 $0x88, s6;
	s7 =	simm.s32 @p2 $0x1082  }
0x22: {  	[simem:s7], [sflag:s8] =	dma.local @!p0 [hbm:s6], $0xF7A  }
0x23: {  	s9 =	sor.u32 $0xD0000000, s2;
	s6 =	simm.s32 $0x108;
	_ =	swait.ge @!p0 [sflag:s8], $0x0  }
0x24: {  	s3 =	sadd.s32 $0x88, s3;
	s6 =	simm.s32 @!p1 $0x1082;
	[sflag:s4] =	ssyncset.s32 $0xFFFFF086  }
0x25: {  	[simem:s6], [sflag:s4] =	dma.local [hbm:s3], $0xF7A  }
0x26: {  	[smem:$0x3F97] =	sst s1;
	(tag) =	ssettag s2;
	_ =	strace s9  }
0x27: {  	s1 =	sld [smem:$0x3FA7]  }
0x28: {  	s2 =	sld [smem:$0x3FA8]  }
0x29: {  	s4 =	sld [smem:$0x3FAA]  }
0x2a: {  	p0 =	seq.s32 s5, $0x0;
	s5 =	sld [smem:$0x3FAB]  }
0x2b: {  	s6 =	sld [smem:$0x3FAC]  }
0x2c: {  	s7 =	sld [smem:$0x3FAD]  }
0x2d: {  	s3 =	simm.s32 $0x108;
	s8 =	sld [smem:$0x3FAE]  }
0x2e: {  	s3 =	simm.s32 @!p0 $0x1082;
	s9 =	sld [smem:$0x3FAF]  }
0x2f: {  	lr =	sadd.s32 s0, s3;
	s0 =	sld [smem:$0x3FA6]  }
0x30: {  	s3 =	sld [smem:$0x3FA9]  }
0x31: {  	[smem:$0x3FB2] =	sst s10  }
0x32: {  	s10 =	sld [smem:$0x3FB0];
	_ =	sdelay $0x3  }
0x33: {  	p0 =	seq.s32 s10, $0x1;
	s10 =	sld [smem:$0x3FB2];
	_ =	sdelay $0x3  }
0x34: {  	[smem:$0x3FB2] =	sst s10  }
0x35: {  	s10 =	sld [smem:$0x3FB1];
	_ =	sdelay $0x3  }
0x36: {  	p1 =	seq.s32 s10, $0x1;
	s10 =	sld [smem:$0x3FB2];
	_ =	sdelay $0x3  }
0x37: {  	[smem:$0x3FB2] =	sst s10  }
0x38: {  	s10 =	sld [smem:$0x3FB3]  }
0x39: {  	_ = 	snop;
	(pc) =	sbr.ind lr, $3  }
0x3a: {  	_ = 	snop  }
0x3b: {  	_ = 	snop  }
0x3c: {  	p2 =	seq.s32 s10, $0x1;
	s10 =	sld [smem:$0x3FB2]  }
0x3d: {  	_ =	shalt  }
0x3e: {  	_ =	shalt  }
0x3f: {  	_ =	shalt  }
0x40: {  	_ =	shalt  }
0x41: {  	_ =	shalt  }
0x42: {  	_ =	shalt  }
0x43: {  	_ =	shalt  }
0x44: {  	_ =	shalt  }
0x45: {  	_ =	shalt  }
0x46: {  	_ =	shalt  }
0x47: {  	_ =	shalt  }
0x48: {  	_ =	shalt  }
0x49: {  	_ =	shalt  }
0x4a: {  	_ =	shalt  }
0x4b: {  	_ =	shalt  }
0x4c: {  	_ =	shalt  }
0x4d: {  	_ =	shalt  }
0x4e: {  	_ =	shalt  }
0x4f: {  	_ =	shalt  }
0x50: {  	_ =	shalt  }
0x51: {  	_ =	shalt  }
0x52: {  	_ =	shalt  }
0x53: {  	_ =	shalt  }
0x54: {  	_ =	shalt  }
0x55: {  	_ =	shalt  }
0x56: {  	_ =	shalt  }
0x57: {  	_ =	shalt  }
0x58: {  	_ =	shalt  }
0x59: {  	_ =	shalt  }
0x5a: {  	_ =	shalt  }
0x5b: {  	_ =	shalt  }
0x5c: {  	_ =	shalt  }
0x5d: {  	_ =	shalt  }
0x5e: {  	_ =	shalt  }
0x5f: {  	_ =	shalt  }
0x60: {  	_ =	shalt  }
0x61: {  	_ =	shalt  }
0x62: {  	_ =	shalt  }
0x63: {  	_ =	shalt  }
0x64: {  	_ =	shalt  }
0x65: {  	_ =	shalt  }
0x66: {  	_ =	shalt  }
0x67: {  	_ =	shalt  }
0x68: {  	_ =	shalt  }
0x69: {  	_ =	shalt  }
0x6a: {  	_ =	shalt  }
0x6b: {  	_ =	shalt  }
0x6c: {  	_ =	shalt  }
0x6d: {  	_ =	shalt  }
0x6e: {  	_ =	shalt  }
0x6f: {  	_ =	shalt  }
0x70: {  	_ =	shalt  }
0x71: {  	_ =	shalt  }
0x72: {  	_ =	shalt  }
0x73: {  	_ =	shalt  }
0x74: {  	_ =	shalt  }
0x75: {  	_ =	shalt  }
0x76: {  	_ =	shalt  }
0x77: {  	_ =	shalt  }
0x78: {  	_ =	shalt  }
0x79: {  	_ =	shalt  }
0x7a: {  	_ =	shalt  }
0x7b: {  	_ =	shalt  }
0x7c: {  	_ =	shalt  }
0x7d: {  	_ =	shalt  }
0x7e: {  	_ =	shalt  }
0x7f: {  	_ =	shalt  }
0x80: {  	_ =	shalt  }
0x81: {  	_ =	shalt  }
0x82: {  	_ =	shalt  }
0x83: {  	_ =	shalt  }
0x84: {  	_ =	shalt  }
0x85: {  	_ =	shalt  }
0x86: {  	_ =	shalt  }
0x87: {  	_ =	shalt  }
.Lfunc_end0:
.L_simem_size_0:
called_computation.2_lowered:
.L_overlay_start_0:
0x88: {  	s2 =	sld [smem:$0x3FD9]  }
0x89: {  	s3 =	sld [smem:$0x3FFE];
	_ =	sdelay $0x1  }
0x8a: {  	s1 =	srdreg.scid  }
0x8b: {  	s0 =	sand.u32 $0x1, s1  }
0x8c: {  	s30 =	sshll.u32 s0, $0xA;
	s2 =	sadd.s32 s3, s2  }
0x8d: {  	s2 =	sadd.s32 s2, s30  }
0x8e: {  	[smem:$0x3FBE] =	sst s2  }
0x8f: {  	_ = 	snop  }
0x90: {  	s2 =	sld [smem:$0x3FC9]  }
0x91: {  	s31 =	sld [smem:$0x3FC8]  }
0x92: {  	s4 =	sld [smem:$0x3FC7]  }
0x93: {  	s5 =	sld [smem:$0x3FC6]  }
0x94: {  	s6 =	sld [smem:$0x3FD0]  }
0x95: {  	s7 =	sld [smem:$0x3FC5]  }
0x96: {  	s8 =	sld [smem:$0x3FC4]  }
0x97: {  	s10 =	simm.s32 $0xB;
	s11 =	simm.s32 $0x10;
	s9 =	sld [smem:$0x3FC3]  }
0x98: {  	[smem:s11], [sflag:s10] =	dma.local [hbm:s6], $0x1  }
0x99: {  	_ =	swait.eq [sflag:s10], $0x1  }
0x9a: {  	[sflag:s10] =	ssyncset.done $0x0  }
0x9b: {  	s16 =	sld [smem:$0x10];
	[sflag:s10] =	ssyncadd.s32 $0xFFFFFFFF  }
0x9c: {  	s17 =	sld [smem:$0x11];
	(tm) =	ssettm $0x1  }
0x9d: {  	s18 =	sld [smem:$0x3FFB];
	_ =	sdelay $0x3  }
0x9e: {  	_ =	strace s18  }
0x9f: {  	s11 =	sld [smem:$0x3FFC];
	_ =	sdelay $0x3  }
0xa0: {  	_ =	strace s11  }
0xa1: {  	s11 =	sld [smem:$0x3FFD];
	_ =	sdelay $0x3  }
0xa2: {  	_ =	strace s11  }
0xa3: {  	_ =	strace $0x8FFFFFFF  }
0xa4: {  	s19 =	sld [smem:$0x3FDB];
	_ =	sdelay $0x1  }
0xa5: {  	s12 =	simm.s32 $_scs_section_size  }
0xa6: {  	s13 =	simm.s32 $_size__tile_overlayer_lowered;
	s14 =	simm.s32 $_tile_overlayer_lowered  }
0xa7: {  	s22 =	simm.s32 $0x1BFF;
	s21 =	sshll.u32 s14, $0x1;
	s11 =	sadd.s32 s12, s19  }
0xa8: {  	s15 =	simm.s32 $0x0;
	s20 =	sshll.u32 s13, $0x1;
	s13 =	sadd.s32 s21, s11  }
0xa9: {  	[timem:s15], [sflag:s22] =	dma.local [hbm:s13], s20  }
0xaa: {  	_ =	swait.ge [sflag:s22], s20  }
0xab: {  	s12 =	ssub.s32 $0x0, s20;
	[sflag:s22] =	ssyncset.done $0x0  }
0xac: {  	[sflag:s22] =	ssyncadd.s32 s12;
	_ =	sdelay $0x1  }
0xad: {  	s23 =	simm.s32 $0x1B8B  }
0xae: {  	_ =	swait.ge [sflag:s23], $0x1  }
0xaf: {  	[sflag:s23] =	ssyncset.done $0x0  }
0xb0: {  	s25 =	simm.s32 $0x1B8E;
	s24 =	sld [smem:$0x3FFE];
	[sflag:s23] =	ssyncadd.s32 $0xFFFFFFFF  }
0xb1: {  	s26 =	simm.s32 $execute0_lowered;
	[smem:$0x3FD2] =	sst s25  }
0xb2: {  	s13 =	sshll.u32 s26, $0x1;
	_ =	strace $0x8000004C;
	[dreg:$0x1] =	wrdreg $0xFFFFFFFF  }
0xb3: {  	s28 =	simm.s32 $_size_execute0_lowered;
	s11 =	sadd.s32 s11, s13;
	[dreg:$0x0] =	wrdreg $0x0  }
0xb4: {  	s13 =	sshll.u32 s28, $0x1;
	[dreg:$0x2] =	wrdreg s11  }
0xb5: {  	[dreg:$0x3] =	wrdreg s13  }
0xb6: {  	[dreg:$0x4] =	wrdreg $0xC0  }
0xb7: {  	_ =	task [dreg:s15], $0x5FFFF  }
0xb8: {  	[dreg:$0x1] =	wrdreg $0xFFFFFFFF  }
0xb9: {  	[dreg:$0x0] =	wrdreg $0x60  }
0xba: {  	[dreg:$0x2] =	wrdreg s2  }
0xbb: {  	[dreg:$0x3] =	wrdreg s31  }
0xbc: {  	[dreg:$0x4] =	wrdreg s8  }
0xbd: {  	[dreg:$0x5] =	wrdreg s9  }
0xbe: {  	[dreg:$0x6] =	wrdreg s4  }
0xbf: {  	[dreg:$0x7] =	wrdreg s5  }
0xc0: {  	[dreg:$0x8] =	wrdreg s7  }
0xc1: {  	[dreg:$0x9] =	wrdreg s24  }
0xc2: {  	[dreg:$0xa] =	wrdreg s16  }
0xc3: {  	[dreg:$0xb] =	wrdreg s17  }
0xc4: {  	[dreg:$0xc] =	wrdreg $0x9  }
0xc5: {  	_ =	task.clear_ibuf [dreg:s15], $0xDFFFF;
	_ =	strace $0x9000004C  }
0xc6: {  	s29 =	simm.s32 $0x9;
	_ =	strace $0x8000004E  }
0xc7: {  	_ =	swait.ge [sflag:s29], $0x1  }
0xc8: {  	[sflag:s29] =	ssyncadd.s32 $0xFFFFFFFF  }
0xc9: {  	_ =	strace $0x9000004E  }
0xca: {  	_ =	sfence  }
0xcb: {  	s30 =	sld [smem:$0x0];
	_ =	sdelay $0x2  }
0xcc: {  	s31 =	sshll.u32 s1, $0xD;
	s1 =	sshrl.u32 s1, $0x2  }
0xcd: {  	s3 =	sand.u32 $0x4000, s31;
	s1 =	sadd.s32 s1, s30  }
0xce: {  	s0 =	sor.u32 s3, s0;
	s1 =	sshll.u32 s1, $0x11  }
0xcf: {  	s0 =	sor.u32 s1, s0  }
0xd0: {  	s0 =	sadd.s32 $0x8F2B, s0  }
0xd1: {  	[sflag:s0] =	ssyncadd.remote.s32 $0x1  }
0xd2: {  	_ =	sfence.sel $0xFFFF  }
0xd3: {  	[dreg:$0x0] =	wrdreg $0xFFFFFFFF;
	(pc) =	sbr.abs _section_cstart, $3  }
0xd4: {  	[dreg:$0x1] =	wrdreg $0xFFFFFFFF  }
0xd5: {  	_ =	task.clear_ibuf [dreg:s15], $0x2FFFF;
	_ =	strace $0x9FFFFFFF  }
0xd6: {  	(tm) =	ssettm $0x7FFFFFFF  }
0xd7: {  	_ =	shalt  }
tec
execute0_lowered:
.L_overlay_start_1:
0x0: {  	(tag) =	ssettag $0x1  }
0x1: {  	s0 =	rddreg [dreg:$0x0]  }
0x2: {  	s1 =	rddreg [dreg:$0x1]  }
0x3: {  	s2 =	rddreg [dreg:$0x2]  }
0x4: {  	s4 =	rddreg [dreg:$0x3]  }
0x5: {  	s5 =	rddreg [dreg:$0x4]  }
0x6: {  	s6 =	rddreg [dreg:$0x5]  }
0x7: {  	s7 =	rddreg [dreg:$0x6]  }
0x8: {  	s8 =	rddreg [dreg:$0x7]  }
0x9: {  	s9 =	rddreg [dreg:$0x8]  }
0xa: {  	s10 =	rddreg [dreg:$0x9];
	s14 =	simm.s32 $0x0;
	s11 =	srdreg.scid  }
0xb: {  	s13 =	stileid.u32;
	[smem:$0x7FF] =	sst s14;
	s3 =	sadd.s32 $0x16E6A00, s8  }
0xc: {  	s12 =	sadd.s32 $0x16E4E00, s8;
	s11 =	sand.u32 $0x1, s11;
	s13 =	sshll.u32 s13, $0x7  }
0xd: {  	s8 =	sadd.s32 $0x16E5E00, s8;
	s18 =	ssub.s32 $0x2, s11;
	s11 =	sshll.u32 s11, $0x6  }
0xe: {  	_ =	strace $0x8000004D;
	[dreg:$0xb] =	wrdreg s12;
	s11 =	sor.u32 s11, s13  }
0xf: {  	[dreg:$0xc] =	wrdreg s8;
	s0 =	sadd.s32 s0, s11  }
0x10: {  	s16 =	simm.s32 $0x2;
	s20 =	sadd.s32 s1, s11;
	[dreg:$0xd] =	wrdreg s0  }
0x11: {  	s17 =	simm.s32 $0x9000;
	s21 =	sadd.s32 s2, s11;
	[dreg:$0xe] =	wrdreg s20  }
0x12: {  	s28 =	simm.s32 $0x7000;
	s22 =	sadd.s32 s4, s11;
	[dreg:$0xf] =	wrdreg s21  }
0x13: {  	s29 =	simm.s32 $0x1;
	s23 =	sadd.s32 s5, s11;
	[dreg:$0x10] =	wrdreg s22  }
0x14: {  	s19 =	sshrl.u32 s18, $0x1;
	s24 =	sadd.s32 s6, s11;
	[dreg:$0x11] =	wrdreg s23  }
0x15: {  	s8 =	ssub.s32 s18, s19;
	s25 =	sadd.s32 s7, s11;
	[dreg:$0x12] =	wrdreg s24  }
0x16: {  	s26 =	sadd.s32 s9, s11;
	s30 =	sadd.s32 s10, s11;
	[dreg:$0x13] =	wrdreg s25  }
0x17: {  	v0 =	vlaneseq.u32;
	s18 =	simm.s32 $0x10D00;
	s19 =	simm.s32 $0x40;
	[dreg:$0x14] =	wrdreg s26  }
0x18: {  	v6 =	vmul.u32 $0x80, v0;
	s1 =	simm.s32 $0x0;
	[dreg:$0x15] =	wrdreg s30;
	s31 =	smax.u32 s8, $0x1  }
0x19: {  	s21 =	simm.s32 $0x1000;
	s23 =	simm.s32 $0x3000;
	s24 =	simm.s32 $0xF00  }
0x1a: {  	[tilespmem:$0x1FFF0] =	vst v6;
	s25 =	simm.s32 $0x5000;
	s26 =	simm.s32 $0xF80;
	[dreg:$0x16] =	wrdreg s31  }
.LBB2_1:
0x1b: {  	[dreg:$0x17] =	wrdreg s1  }
0x1c: {  	s0 =	rddreg [dreg:$0xd]  }
0x1d: {  	[tilespmem:s14], [sflag:$0x2] =	stream.linear.gather [hbm4b:s0+s14], $0x200, $0x38;
	[tilespmem:$0x16C80] =	vst v63  }
0x1e: {  	_ =	swait.ge [sflag:s16], $0x200  }
0x1f: {  	[sflag:s16] =	ssyncset.done $0x0  }
0x20: {  	s2 =	simm.s32 $0x200;
	s9 =	rddreg [dreg:$0xe];
	[sflag:s16] =	ssyncadd.s32 $0xFFFFFE00  }
0x21: {  	[tilespmem:s2], [sflag:$0x2] =	stream.linear.gather [hbm4b:s9+s14], $0x200, $0x38;
	[tilespmem:$0x16C80] =	vst v63  }
0x22: {  	_ =	swait.ge [sflag:s16], $0x200  }
0x23: {  	[sflag:s16] =	ssyncset.done $0x0  }
0x24: {  	s30 =	simm.s32 $0x400;
	s10 =	rddreg [dreg:$0xf];
	[sflag:s16] =	ssyncadd.s32 $0xFFFFFE00  }
0x25: {  	[tilespmem:s30], [sflag:$0x2] =	stream.linear.gather [hbm4b:s10+s14], $0x200, $0x38;
	[tilespmem:$0x16C80] =	vst v63  }
0x26: {  	_ =	swait.ge [sflag:s16], $0x200  }
0x27: {  	[sflag:s16] =	ssyncset.done $0x0  }
0x28: {  	s15 =	simm.s32 $0x600;
	s11 =	rddreg [dreg:$0x10];
	[sflag:s16] =	ssyncadd.s32 $0xFFFFFE00  }
0x29: {  	[tilespmem:s15], [sflag:$0x2] =	stream.linear.gather [hbm4b:s11+s14], $0x200, $0x38;
	[tilespmem:$0x16C80] =	vst v63  }
0x2a: {  	_ =	swait.ge [sflag:s16], $0x200  }
0x2b: {  	[sflag:s16] =	ssyncset.done $0x0  }
0x2c: {  	s4 =	simm.s32 $0x800;
	s12 =	rddreg [dreg:$0x11];
	[sflag:s16] =	ssyncadd.s32 $0xFFFFFE00  }
0x2d: {  	[tilespmem:s4], [sflag:$0x2] =	stream.linear.gather [hbm4b:s12+s14], $0x200, $0x38;
	[tilespmem:$0x16C80] =	vst v63  }
0x2e: {  	_ =	swait.ge [sflag:s16], $0x200  }
0x2f: {  	[sflag:s16] =	ssyncset.done $0x0  }
0x30: {  	s5 =	simm.s32 $0xA00;
	s13 =	rddreg [dreg:$0x12];
	[sflag:s16] =	ssyncadd.s32 $0xFFFFFE00  }
0x31: {  	[tilespmem:s5], [sflag:$0x2] =	stream.linear.gather [hbm4b:s13+s14], $0x200, $0x38;
	[tilespmem:$0x16C80] =	vst v63  }
0x32: {  	_ =	swait.ge [sflag:s16], $0x200  }
0x33: {  	[sflag:s16] =	ssyncset.done $0x0  }
0x34: {  	s6 =	simm.s32 $0xC00;
	s20 =	rddreg [dreg:$0x13];
	[sflag:s16] =	ssyncadd.s32 $0xFFFFFE00  }
0x35: {  	[tilespmem:s6], [sflag:$0x2] =	stream.linear.gather [hbm4b:s20+s14], $0x200, $0x38;
	[tilespmem:$0x16C80] =	vst v63  }
0x36: {  	_ =	swait.ge [sflag:s16], $0x200  }
0x37: {  	[sflag:s16] =	ssyncset.done $0x0  }
0x38: {  	s22 =	rddreg [dreg:$0xb];
	[sflag:s16] =	ssyncadd.s32 $0xFFFFFE00  }
0x39: {  	[tilespmem:s17], [sflag:$0x2] =	stream.linear.gather [hbm4b:s22+s14], $0x7D00, $0x38;
	[tilespmem:$0x16C80] =	vst v63  }
0x3a: {  	_ =	swait.ge [sflag:s16], $0x7D00  }
0x3b: {  	[sflag:s16] =	ssyncset.done $0x0  }
0x3c: {  	s31 =	rddreg [dreg:$0xc];
	[sflag:s16] =	ssyncadd.s32 $0xFFFF8300  }
0x3d: {  	[tilespmem:s18], [sflag:$0x2] =	stream.linear.gather [hbm4b:s31+s14], $0x5B80, $0x38;
	[tilespmem:$0x16C80] =	vst v63  }
0x3e: {  	_ =	swait.ge [sflag:s16], $0x5B80  }
0x3f: {  	s7 =	simm.s32 $0x16880;
	s8 =	simm.s32 $0x16A80;
	[sflag:s16] =	ssyncset.done $0x0  }
0x40: {  	s9 =	simm.s32 $0x0;
	s10 =	simm.s32 $0x0;
	[sflag:s16] =	ssyncadd.s32 $0xFFFFA480  }
.LBB2_2:
0x41: {  	v0 =	vld [tilespmem:s9+$0x0];
	_ =	sdelay $0x4  }
0x42: {  	s0 =	simm.s32 $0xE00;
	v0 =	vshrl.u32 v0, $0x1  }
0x43: {  	[tilespmem:s0+$0x0] =	vst v0  }
0x44: {  	v0 =	vld [tilespmem:s2+$0x0]  }
0x45: {  	s20 =	sadd.s32 $0x10, s9  }
0x46: {  	v1 =	vld [tilespmem:s20+$0x0];
	_ =	sdelay $0x2  }
0x47: {  	s1 =	simm.s32 $0xE80;
	v0 =	vshrl.u32 v0, $0x1  }
0x48: {  	[tilespmem:s1+$0x0] =	vst v0  }
0x49: {  	s22 =	simm.s32 $0xE10;
	v1 =	vshrl.u32 v1, $0x1;
	v0 =	vld [tilespmem:s30+$0x0]  }
0x4a: {  	s12 =	sadd.s32 $0x10, s2;
	[tilespmem:s22+$0x0] =	vst v1  }
0x4b: {  	v1 =	vld [tilespmem:s12+$0x0]  }
0x4c: {  	s22 =	sadd.s32 $0x10, s20  }
0x4d: {  	v2 =	vld [tilespmem:s22+$0x0]  }
0x4e: {  	s11 =	simm.s32 $0xF00;
	v0 =	vshrl.u32 v0, $0x1  }
0x4f: {  	[tilespmem:s11+$0x0] =	vst v0  }
0x50: {  	s13 =	simm.s32 $0xE90;
	v0 =	vshrl.u32 v1, $0x1;
	v3 =	vld [tilespmem:s15+$0x0]  }
0x51: {  	s14 =	sadd.s32 $0x10, s30;
	[tilespmem:s13+$0x0] =	vst v0  }
0x52: {  	s1 =	simm.s32 $0xE20;
	v1 =	vshrl.u32 v2, $0x1;
	v0 =	vld [tilespmem:s14+$0x0]  }
0x53: {  	s0 =	sadd.s32 $0x10, s12;
	[tilespmem:s1+$0x0] =	vst v1  }
0x54: {  	s31 =	smov.u32 s15;
	v2 =	vld [tilespmem:s0+$0x0]  }
0x55: {  	s20 =	simm.s32 $0x20;
	s12 =	simm.s32 $0xF80;
	s22 =	sadd.s32 $0x10, s22;
	v1 =	vshrl.u32 v3, $0x1  }
.LBB2_3:
0x56: {  	v3 =	vld [tilespmem:s22+$0x0];
	s20 =	sadd.s32 $0x10, s20;
	[tilespmem:s12+$0x0] =	vst v1  }
0x57: {  	s11 =	sadd.s32 $0x10, s11;
	p0 =	slt.u32 s20, $0x30;
	v0 =	vshrl.u32 v0, $0x1  }
0x58: {  	s31 =	sadd.s32 $0x10, s31;
	[tilespmem:s11+$0x0] =	vst v0  }
0x59: {  	s13 =	sadd.s32 $0x10, s13;
	v0 =	vshrl.u32 v2, $0x1;
	v1 =	vld [tilespmem:s31+$0x0]  }
.Ltmp0:
0x5a: {  	s14 =	sadd.s32 $0x10, s14;
	[tilespmem:s13+$0x0] =	vst v0;
	(pc) =	sbr.rel @p0 .LBB2_3-.Ltmp0, $4  }
0x5b: {  	s1 =	sadd.s32 $0x10, s1;
	v2 =	vshrl.u32 v3, $0x1;
	v0 =	vld [tilespmem:s14+$0x0]  }
0x5c: {  	s0 =	sadd.s32 $0x10, s0;
	[tilespmem:s1+$0x0] =	vst v2  }
0x5d: {  	v2 =	vld [tilespmem:s0+$0x0]  }
0x5e: {  	s22 =	sadd.s32 $0x10, s22;
	s12 =	sadd.s32 $0x10, s12;
	v1 =	vshrl.u32 v1, $0x1  }
0x5f: {  	_ =	sdelay $0x2  }
0x60: {  	s0 =	sadd.s32 $0x10, s13;
	v2 =	vshrl.u32 v2, $0x1  }
0x61: {  	s1 =	sadd.s32 $0x10, s14;
	[tilespmem:s0+$0x0] =	vst v2  }
0x62: {  	v2 =	vld [tilespmem:s1+$0x0];
	_ =	sdelay $0x3  }
0x63: {  	s13 =	sadd.s32 $0x10, s11;
	v0 =	vshrl.u32 v0, $0x1  }
0x64: {  	[tilespmem:s13+$0x0] =	vst v0;
	s0 =	sadd.s32 $0x10, s13;
	s1 =	sadd.s32 $0x10, s31;
	v52 =	vshrl.u32 v2, $0x1  }
0x65: {  	v53 =	vld [tilespmem:s1+$0x0];
	s14 =	sadd.s32 $0x10, s1;
	[tilespmem:s0+$0x0] =	vst v52  }
0x66: {  	v0 =	vld [tilespmem:s14+$0x0];
	_ =	sdelay $0x3  }
0x67: {  	[tilespmem:s12+$0x0] =	vst v1;
	s20 =	sadd.s32 $0x10, s12;
	v54 =	vshrl.u32 v53, $0x1  }
0x68: {  	s0 =	sadd.s32 $0x10, s20;
	[tilespmem:s20+$0x0] =	vst v54;
	v0 =	vshrl.u32 v0, $0x1  }
0x69: {  	s22 =	simm.s32 $0xE00;
	[tilespmem:s0+$0x0] =	vst v0  }
0x6a: {  	[tilespmem:s21], [sflag:$0x1] =	stream.indirect.gather [hbm4b:s3+s19], $0x80, s22, s19, $0xb8;
	[tilespmem:$0x16C80] =	vst v63  }
0x6b: {  	s31 =	simm.s32 $0xE80  }
0x6c: {  	[tilespmem:s23], [sflag:$0x1] =	stream.indirect.gather [hbm4b:s3+s19], $0x80, s31, s19, $0xb8;
	[tilespmem:$0x16C80] =	vst v63  }
0x6d: {  	_ = 	snop  }
0x6e: {  	[tilespmem:s25], [sflag:$0x1] =	stream.indirect.gather [hbm4b:s3+s19], $0x80, s24, s19, $0xb8;
	[tilespmem:$0x16C80] =	vst v63  }
0x6f: {  	_ = 	snop  }
0x70: {  	[tilespmem:s28], [sflag:$0x1] =	stream.indirect.gather [hbm4b:s3+s19], $0x80, s26, s19, $0xb8;
	[tilespmem:$0x16C80] =	vst v63  }
0x71: {  	_ =	swait.ge [sflag:s29], $0x2000  }
0x72: {  	[sflag:s29] =	ssyncset.done $0x0  }
0x73: {  	[sflag:s29] =	ssyncadd.s32 $0xFFFFE000  }
0x74: {  	_ =	swait.ge [sflag:s29], $0x2000  }
0x75: {  	[sflag:s29] =	ssyncset.done $0x0  }
0x76: {  	[sflag:s29] =	ssyncadd.s32 $0xFFFFE000  }
0x77: {  	_ =	swait.ge [sflag:s29], $0x2000  }
0x78: {  	[sflag:s29] =	ssyncset.done $0x0  }
0x79: {  	[sflag:s29] =	ssyncadd.s32 $0xFFFFE000  }
0x7a: {  	v55 =	vmov s9;
	_ =	swait.ge [sflag:s29], $0x2000  }
0x7b: {  	v56 =	vmov s2;
	[tilespmem:$0x1FF60] =	vst v55  }
0x7c: {  	v57 =	vmov s30;
	[tilespmem:$0x1FF70] =	vst v56  }
0x7d: {  	v58 =	vmov s15;
	[tilespmem:$0x1FF80] =	vst v57  }
0x7e: {  	v59 =	vmov s4;
	[tilespmem:$0x1FF90] =	vst v58  }
0x7f: {  	v60 =	vmov s5;
	[tilespmem:$0x1FFA0] =	vst v59  }
0x80: {  	v61 =	vmov s6;
	[tilespmem:$0x1FFB0] =	vst v60  }
0x81: {  	v62 =	vmov s7;
	[tilespmem:$0x1FFC0] =	vst v61  }
0x82: {  	v63 =	vmov s8;
	[sflag:s29] =	ssyncset.done $0x0;
	[tilespmem:$0x1FFD0] =	vst v62  }
0x83: {  	s11 =	simm.s32 $0x0;
	s12 =	simm.s32 $0x0;
	[tilespmem:$0x1FFE0] =	vst v63;
	[sflag:s29] =	ssyncadd.s32 $0xFFFFE000  }
.LBB2_5:
0x84: {  	v1 =	vld [tilespmem:$0x1FF70]  }
0x85: {  	v5 =	vld [tilespmem:$0x1FFA0]  }
0x86: {  	v2 =	vld [tilespmem:$0x1FF80]  }
0x87: {  	v3 =	vld [tilespmem:$0x1FF90];
	_ =	sdelay $0x1  }
0x88: {  	v0 =	vld [tilespmem:$0x1FF60];
	v4 =	vmov s11  }
0x89: {  	v37 =	vld [tilespmem:$0x1FFC0];
	v4 =	vshll.u32 v4, $0x7  }
0x8a: {  	s13 =	sshra.s32 s12, $0x2;
	v4 =	vor.u32 v6, v4;
	v6 =	vld [tilespmem:$0x1FFB0]  }
0x8b: {  	v1 =	vld.idx.msk [tilespmem:v1+s13+$0x0 ss:$0x1], $0xffff  }
0x8c: {  	v5 =	vld.idx.msk [tilespmem:v5+s13+$0x0 ss:$0x1], $0xffff  }
0x8d: {  	v2 =	vld.idx.msk [tilespmem:v2+s13+$0x0 ss:$0x1], $0xffff  }
0x8e: {  	v3 =	vld.idx.msk [tilespmem:v3+s13+$0x0 ss:$0x1], $0xffff;
	_ =	sdelay $0x1  }
0x8f: {  	v1 =	vshll.u32 v1, $0x6  }
0x90: {  	v14 =	vshll.u32 v5, $0x6;
	v1 =	vand.u32 $0x40, v1  }
0x91: {  	v0 =	vld.idx.msk [tilespmem:v0+s13+$0x0 ss:$0x1], $0xffff;
	v2 =	vshll.u32 v2, $0x6;
	v43 =	vor.u32 $0x2, v14;
	v10 =	vor.u32 v4, v1  }
0x92: {  	v36 =	vshll.u32 v3, $0x6;
	v3 =	vld.idx.msk [tilespmem:v37+s13+$0x0 ss:$0x1], $0xffff;
	v2 =	vand.u32 $0x40, v2;
	v39 =	vor.u32 $0x1, v10  }
0x93: {  	v13 =	vor.u32 v4, v2;
	v8 =	vor.u32 $0x3, v10  }
0x94: {  	v9 =	vor.u32 $0x3, v13  }
0x95: {  	v6 =	vld.idx.msk [tilespmem:v6+s13+$0x0 ss:$0x1], $0xffff;
	v18 =	vor.u32 $0x4, v13  }
0x96: {  	v0 =	vshll.u32 v0, $0x6;
	v23 =	vor.u32 $0x5, v10;
	v55 =	vld.idx.msk [tilespmem:v43+s17+$0x0], $0xffff  }
0x97: {  	v0 =	vand.u32 $0x40, v0;
	v28 =	vor.u32 $0x6, v10;
	v15 =	vshll.u32 v3, $0x6;
	v30 =	vld.idx.msk [tilespmem:v39+s23+$0x0], $0xffff  }
0x98: {  	v12 =	vor.u32 v4, v0;
	v0 =	vand.u32 $0x40, v36;
	v36 =	vor.u32 $0x5, v15;
	v50 =	vld.idx.msk [tilespmem:v8+s23+$0x0], $0xffff  }
0x99: {  	v11 =	vor.u32 v4, v0;
	v8 =	vor.u32 $0x3, v15;
	v43 =	vld.idx.msk [tilespmem:v9+s25+$0x0], $0xffff  }
0x9a: {  	v16 =	vshll.u32 v6, $0x6;
	v42 =	vor.u32 $0x2, v11;
	v58 =	vld.idx.msk [tilespmem:v18+s25+$0x0], $0xffff  }
0x9b: {  	v51 =	vor.u32 $0x4, v16;
	v35 =	vld.idx.msk [tilespmem:v23+s23+$0x0], $0xffff  }
0x9c: {  	v53 =	vor.u32 $0x5, v11;
	v61 =	vld.idx.msk [tilespmem:v28+s23+$0x0], $0xffff  }
0x9d: {  	v9 =	vld.idx.msk [tilespmem:v36+s18+$0x0], $0xffff;
	v36 =	vor.u32 $0x7, v10  }
0x9e: {  	v25 =	vld.idx.msk [tilespmem:v8+s18+$0x0], $0xffff;
	v8 =	vor.u32 $0x4, v14  }
0x9f: {  	v52 =	vor.u32 $0x4, v15;
	v46 =	vld.idx.msk [tilespmem:v42+s28+$0x0], $0xffff  }
0xa0: {  	v54 =	vor.u32 $0x5, v14;
	v18 =	vld.idx.msk [tilespmem:v51+s18+$0x0], $0xffff  }
0xa1: {  	v41 =	vor.u32 $0x1, v16;
	v51 =	vld.idx.msk [tilespmem:v53+s28+$0x0], $0xffff  }
0xa2: {  	v39 =	vor.u32 $0x6, v12;
	[tilespmem:$0x1F7D0] =	vst v61;
	v61 =	vld.idx.msk [tilespmem:v36+s23+$0x0], $0xffff  }
0xa3: {  	v32 =	vor.u32 $0x6, v13;
	v29 =	vld.idx.msk [tilespmem:v8+s17+$0x0], $0xffff  }
0xa4: {  	v8 =	vld.idx.msk [tilespmem:v52+s18+$0x0], $0xffff;
	v52 =	vor.u32 $0x6, v11  }
0xa5: {  	v57 =	vor.u32 $0x6, v16;
	v42 =	vld.idx.msk [tilespmem:v54+s17+$0x0], $0xffff  }
0xa6: {  	v20 =	vld.idx.msk [tilespmem:v41+s18+$0x0], $0xffff;
	[tilespmem:$0x1F7A0] =	vst v35;
	v35 =	vor.u32 $0x7, v12  }
0xa7: {  	v54 =	vld.idx.msk [tilespmem:v39+s21+$0x0], $0xffff;
	v39 =	vor.u32 $0x7, v13  }
0xa8: {  	v40 =	vor.u32 $0x1, v13;
	v41 =	vld.idx.msk [tilespmem:v32+s25+$0x0], $0xffff;
	[tilespmem:$0x1F7B0] =	vst v51  }
0xa9: {  	[tilespmem:$0x1F810] =	vst v61;
	v61 =	vor.u32 $0x8, v13;
	v51 =	vld.idx.msk [tilespmem:v52+s28+$0x0], $0xffff  }
0xaa: {  	v23 =	vld.idx.msk [tilespmem:v57+s18+$0x0], $0xffff  }
0xab: {  	v57 =	vld.idx.msk [tilespmem:v35+s21+$0x0], $0xffff;
	v52 =	vor.u32 $0x7, v11  }
0xac: {  	[tilespmem:$0x1F7C0] =	vst v54;
	v54 =	vld.idx.msk [tilespmem:v39+s25+$0x0], $0xffff;
	v39 =	vor.u32 $0x8, v12  }
0xad: {  	v31 =	vld.idx.msk [tilespmem:v40+s25+$0x0], $0xffff  }
0xae: {  	v40 =	vor.u32 $0x8, v10;
	[tilespmem:$0x1F800] =	vst v51;
	v51 =	vld.idx.msk [tilespmem:v61+s25+$0x0], $0xffff;
	_ =	sdelay $0x1  }
0xaf: {  	[tilespmem:$0x1F7F0] =	vst v57;
	v57 =	vld.idx.msk [tilespmem:v52+s28+$0x0], $0xffff  }
0xb0: {  	[tilespmem:$0x1F7E0] =	vst v41;
	v41 =	vor.u32 $0x8, v11;
	v52 =	vld.idx.msk [tilespmem:v39+s21+$0x0], $0xffff  }
0xb1: {  	[tilespmem:$0x1F820] =	vst v54;
	v39 =	vor.u32 $0x8, v16  }
0xb2: {  	v54 =	vld.idx.msk [tilespmem:v40+s23+$0x0], $0xffff;
	[tilespmem:$0x1F860] =	vst v51;
	v51 =	vor.u32 $0x9, v12;
	_ =	sdelay $0x2  }
0xb3: {  	[tilespmem:$0x1F840] =	vst v52;
	v52 =	vld.idx.msk [tilespmem:v41+s28+$0x0], $0xffff  }
0xb4: {  	v41 =	vor.u32 $0x9, v10;
	v28 =	vld.idx.msk [tilespmem:v39+s18+$0x0], $0xffff  }
0xb5: {  	[tilespmem:$0x1F850] =	vst v54;
	v39 =	vor.u32 $0x9, v11;
	v54 =	vld.idx.msk [tilespmem:v51+s21+$0x0], $0xffff  }
0xb6: {  	v36 =	vor.u32 $0x9, v13;
	_ =	sdelay $0x2  }
0xb7: {  	v61 =	vld.idx.msk [tilespmem:v41+s23+$0x0], $0xffff  }
0xb8: {  	v40 =	vor.u32 $0x9, v14;
	[tilespmem:$0x1F890] =	vst v54;
	v54 =	vld.idx.msk [tilespmem:v39+s28+$0x0], $0xffff  }
0xb9: {  	[tilespmem:$0x1F880] =	vst v52;
	v52 =	vor.u32 $0x9, v15;
	v41 =	vld.idx.msk [tilespmem:v36+s25+$0x0], $0xffff  }
0xba: {  	v36 =	vor.u32 $0xA, v12;
	_ =	sdelay $0x1  }
0xbb: {  	[tilespmem:$0x1F8C0] =	vst v61  }
0xbc: {  	v61 =	vld.idx.msk [tilespmem:v40+s17+$0x0], $0xffff;
	[tilespmem:$0x1F8D0] =	vst v54;
	v54 =	vor.u32 $0xA, v10  }
0xbd: {  	[tilespmem:$0x1F8A0] =	vst v41;
	v40 =	vor.u32 $0xA, v13;
	v41 =	vld.idx.msk [tilespmem:v52+s18+$0x0], $0xffff  }
0xbe: {  	v52 =	vor.u32 $0xA, v14;
	v36 =	vld.idx.msk [tilespmem:v36+s21+$0x0], $0xffff;
	_ =	sdelay $0x2  }
0xbf: {  	v39 =	vld.idx.msk [tilespmem:v54+s23+$0x0], $0xffff  }
0xc0: {  	v54 =	vld.idx.msk [tilespmem:v40+s25+$0x0], $0xffff  }
0xc1: {  	[tilespmem:$0x1F8E0] =	vst v36;
	v36 =	vor.u32 $0xA, v16;
	v40 =	vld.idx.msk [tilespmem:v52+s17+$0x0], $0xffff  }
0xc2: {  	v1 =	vor.u32 $0xB, v12  }
0xc3: {  	v51 =	vor.u32 $0x9, v16;
	_ =	sdelay $0x2  }
0xc4: {  	[tilespmem:$0x1F8B0] =	vst v40;
	v40 =	vld.idx.msk [tilespmem:v36+s18+$0x0], $0xffff;
	v36 =	vor.u32 $0xB, v11  }
0xc5: {  	v1 =	vld.idx.msk [tilespmem:v1+s21+$0x0], $0xffff  }
0xc6: {  	[tilespmem:$0x1F870] =	vst v61;
	v61 =	vld.idx.msk [tilespmem:v51+s18+$0x0], $0xffff;
	v51 =	vor.u32 $0xA, v11  }
0xc7: {  	v52 =	vor.u32 $0xB, v13;
	_ =	sdelay $0x1  }
0xc8: {  	v36 =	vld.idx.msk [tilespmem:v36+s28+$0x0], $0xffff  }
0xc9: {  	[tilespmem:$0x1F950] =	vst v1  }
0xca: {  	v0 =	vor.u32 $0xA, v15;
	[tilespmem:$0x1F8F0] =	vst v39;
	v39 =	vld.idx.msk [tilespmem:v51+s28+$0x0], $0xffff  }
0xcb: {  	v1 =	vor.u32 $0xB, v16;
	[tilespmem:$0x1F900] =	vst v54;
	v54 =	vld.idx.msk [tilespmem:v52+s25+$0x0], $0xffff  }
0xcc: {  	v52 =	vor.u32 $0xC, v12  }
0xcd: {  	[tilespmem:$0x1F980] =	vst v36;
	v36 =	vor.u32 $0xC, v10;
	_ =	sdelay $0x1  }
0xce: {  	[tilespmem:$0x1F920] =	vst v39;
	v39 =	vld.idx.msk [tilespmem:v0+s18+$0x0], $0xffff  }
0xcf: {  	[tilespmem:$0x1F960] =	vst v54;
	v54 =	vld.idx.msk [tilespmem:v1+s18+$0x0], $0xffff  }
0xd0: {  	v0 =	vor.u32 $0xB, v14;
	v52 =	vld.idx.msk [tilespmem:v52+s21+$0x0], $0xffff  }
0xd1: {  	v1 =	vor.u32 $0xC, v11;
	v36 =	vld.idx.msk [tilespmem:v36+s23+$0x0], $0xffff;
	_ =	sdelay $0x2  }
0xd2: {  	v2 =	vor.u32 $0xC, v14  }
0xd3: {  	v0 =	vld.idx.msk [tilespmem:v0+s17+$0x0], $0xffff;
	[tilespmem:$0x1F9C0] =	vst v52;
	v52 =	vor.u32 $0xC, v16  }
0xd4: {  	v1 =	vld.idx.msk [tilespmem:v1+s28+$0x0], $0xffff;
	[tilespmem:$0x1F9D0] =	vst v36;
	v36 =	vor.u32 $0xC, v15;
	_ =	sdelay $0x1  }
0xd5: {  	v5 =	vor.u32 $0x1, v14  }
0xd6: {  	v38 =	vor.u32 $0x1, v12;
	v2 =	vld.idx.msk [tilespmem:v2+s17+$0x0], $0xffff  }
0xd7: {  	[tilespmem:$0x1F910] =	vst v0;
	v0 =	vor.u32 $0xC, v13;
	v52 =	vld.idx.msk [tilespmem:v52+s18+$0x0], $0xffff  }
0xd8: {  	[tilespmem:$0x1FA30] =	vst v1;
	v1 =	vor.u32 $0xD, v10;
	v36 =	vld.idx.msk [tilespmem:v36+s18+$0x0], $0xffff  }
0xd9: {  	v7 =	vor.u32 $0x2, v13  }
0xda: {  	v47 =	vor.u32 $0x4, v12;
	v26 =	vld.idx.msk [tilespmem:v5+s17+$0x0], $0xffff  }
0xdb: {  	v45 =	vld.idx.msk [tilespmem:v38+s21+$0x0], $0xffff;
	[tilespmem:$0x1F990] =	vst v2;
	v2 =	vor.u32 $0xD, v13  }
0xdc: {  	v0 =	vld.idx.msk [tilespmem:v0+s25+$0x0], $0xffff;
	[tilespmem:$0x1F930] =	vst v52;
	v52 =	vor.u32 $0xD, v11  }
0xdd: {  	v1 =	vld.idx.msk [tilespmem:v1+s23+$0x0], $0xffff;
	[tilespmem:$0x1F940] =	vst v36;
	v36 =	vor.u32 $0xD, v14  }
0xde: {  	v17 =	vor.u32 $0x4, v10;
	v38 =	vld.idx.msk [tilespmem:v7+s25+$0x0], $0xffff  }
0xdf: {  	v22 =	vor.u32 $0x5, v12;
	v56 =	vld.idx.msk [tilespmem:v47+s21+$0x0], $0xffff  }
0xe0: {  	v24 =	vor.u32 $0x5, v13;
	v2 =	vld.idx.msk [tilespmem:v2+s25+$0x0], $0xffff  }
0xe1: {  	[tilespmem:$0x1F9F0] =	vst v0;
	v0 =	vor.u32 $0xD, v12;
	v52 =	vld.idx.msk [tilespmem:v52+s28+$0x0], $0xffff  }
0xe2: {  	[tilespmem:$0x1FA40] =	vst v1;
	v1 =	vor.u32 $0xD, v15;
	v36 =	vld.idx.msk [tilespmem:v36+s17+$0x0], $0xffff  }
0xe3: {  	v4 =	vor.u32 $0x1, v11;
	v47 =	vld.idx.msk [tilespmem:v17+s23+$0x0], $0xffff  }
0xe4: {  	v6 =	vor.u32 $0x2, v12;
	v60 =	vld.idx.msk [tilespmem:v22+s21+$0x0], $0xffff  }
0xe5: {  	v59 =	vld.idx.msk [tilespmem:v24+s25+$0x0], $0xffff;
	[tilespmem:$0x1FA50] =	vst v2;
	v2 =	vor.u32 $0xE, v12  }
0xe6: {  	v0 =	vld.idx.msk [tilespmem:v0+s21+$0x0], $0xffff;
	[tilespmem:$0x1FA70] =	vst v52;
	v52 =	vor.u32 $0xE, v10  }
0xe7: {  	v1 =	vld.idx.msk [tilespmem:v1+s18+$0x0], $0xffff;
	[tilespmem:$0x1F9E0] =	vst v36;
	v36 =	vor.u32 $0xE, v13  }
0xe8: {  	v63 =	vor.u32 $0x5, v16;
	v37 =	vld.idx.msk [tilespmem:v4+s28+$0x0], $0xffff  }
0xe9: {  	v3 =	vor.u32 $0x1, v15;
	v34 =	vld.idx.msk [tilespmem:v6+s21+$0x0], $0xffff  }
0xea: {  	v7 =	vor.u32 $0x3, v12;
	v2 =	vld.idx.msk [tilespmem:v2+s21+$0x0], $0xffff  }
0xeb: {  	[tilespmem:$0x1FA20] =	vst v0;
	v0 =	vor.u32 $0xD, v16;
	v52 =	vld.idx.msk [tilespmem:v52+s23+$0x0], $0xffff  }
0xec: {  	[tilespmem:$0x1F9B0] =	vst v1;
	v1 =	vor.u32 $0xE, v14;
	v36 =	vld.idx.msk [tilespmem:v36+s25+$0x0], $0xffff  }
0xed: {  	v4 =	vor.u32 $0x2, v10;
	v17 =	vld.idx.msk [tilespmem:v63+s18+$0x0], $0xffff  }
0xee: {  	v6 =	vor.u32 $0x2, v16;
	v5 =	vld.idx.msk [tilespmem:v3+s18+$0x0], $0xffff  }
0xef: {  	v3 =	vor.u32 $0xF, v12;
	v44 =	vld.idx.msk [tilespmem:v7+s21+$0x0], $0xffff;
	[tilespmem:$0x1FA80] =	vst v2  }
0xf0: {  	v0 =	vld.idx.msk [tilespmem:v0+s18+$0x0], $0xffff;
	[tilespmem:$0x1FAB0] =	vst v52;
	v52 =	vor.u32 $0xE, v15  }
0xf1: {  	v2 =	vor.u32 $0xE, v16;
	[tilespmem:$0x1FAC0] =	vst v36;
	v36 =	vld.idx.msk [tilespmem:v1+s17+$0x0], $0xffff  }
0xf2: {  	v48 =	vld.idx.msk [tilespmem:v4+s23+$0x0], $0xffff;
	v1 =	vor.u32 $0xF, v10  }
0xf3: {  	v7 =	vor.u32 $0x3, v16;
	v21 =	vld.idx.msk [tilespmem:v6+s18+$0x0], $0xffff  }
0xf4: {  	v4 =	vor.u32 $0x2, v15;
	v3 =	vld.idx.msk [tilespmem:v3+s21+$0x0], $0xffff  }
0xf5: {  	[tilespmem:$0x1F9A0] =	vst v0;
	v0 =	vor.u32 $0xE, v11;
	v52 =	vld.idx.msk [tilespmem:v52+s18+$0x0], $0xffff  }
0xf6: {  	[tilespmem:$0x1FA60] =	vst v36;
	v36 =	vld.idx.msk [tilespmem:v2+s18+$0x0], $0xffff  }
0xf7: {  	v2 =	vor.u32 $0xF, v13;
	v1 =	vld.idx.msk [tilespmem:v1+s23+$0x0], $0xffff  }
0xf8: {  	v27 =	vld.idx.msk [tilespmem:v7+s18+$0x0], $0xffff  }
0xf9: {  	v6 =	vor.u32 $0x3, v11;
	v19 =	vld.idx.msk [tilespmem:v4+s18+$0x0], $0xffff  }
0xfa: {  	v0 =	vld.idx.msk [tilespmem:v0+s28+$0x0], $0xffff  }
0xfb: {  	v7 =	vor.u32 $0x4, v11;
	[tilespmem:$0x1FA10] =	vst v52;
	v52 =	vld.idx.msk [tilespmem:v15+s18+$0x0], $0xffff  }
0xfc: {  	[tilespmem:$0x1FB20] =	vst v1;
	v1 =	vld.idx.msk [tilespmem:v2+s25+$0x0], $0xffff  }
0xfd: {  	v4 =	vor.u32 $0x3, v14;
	[tilespmem:$0x1FA00] =	vst v36;
	v36 =	vld.idx.msk [tilespmem:v16+s18+$0x0], $0xffff  }
0xfe: {  	v49 =	vld.idx.msk [tilespmem:v6+s28+$0x0], $0xffff;
	v6 =	vor.u32 $0x10, v12  }
0xff: {  	[tilespmem:$0x1FAF0] =	vst v3;
	v3 =	vadd.f32 v5, v20;
	v5 =	vld.idx.msk [tilespmem:v12+s21+$0x0], $0xffff  }
0x100: {  	v62 =	vld.idx.msk [tilespmem:v7+s28+$0x0], $0xffff;
	[tilespmem:$0x1FAE0] =	vst v0  }
0x101: {  	v0 =	vor.u32 $0xF, v11;
	[tilespmem:$0x1FB00] =	vst v1;
	v1 =	vld.idx.msk [tilespmem:v14+s17+$0x0], $0xffff  }
0x102: {  	v33 =	vld.idx.msk [tilespmem:v4+s17+$0x0], $0xffff;
	v36 =	vadd.f32 v52, v36  }
0x103: {  	v7 =	vor.u32 $0x10, v10;
	v6 =	vld.idx.msk [tilespmem:v6+s21+$0x0], $0xffff  }
0x104: {  	v53 =	vor.u32 $0x6, v14;
	v3 =	vmul.f32 $5.000000000e-01, v3;
	v2 =	vmul.f32 $5.000000000e-01, v36;
	v36 =	vld.idx.msk [tilespmem:v13+s25+$0x0], $0xffff  }
0x105: {  	v63 =	vor.u32 $0x6, v15;
	v4 =	vld.idx.msk [tilespmem:v10+s23+$0x0], $0xffff  }
0x106: {  	v35 =	vor.u32 $0x7, v16;
	v3 =	vadd.f32 v3, v26;
	v0 =	vld.idx.msk [tilespmem:v0+s28+$0x0], $0xffff;
	v1 =	vadd.f32 v2, v1  }
0x107: {  	v51 =	vor.u32 $0xB, v10;
	v2 =	vld.idx.msk [tilespmem:v11+s28+$0x0], $0xffff  }
0x108: {  	v26 =	vor.u32 $0x10, v14;
	v45 =	vadd.f32 v3, v45;
	v7 =	vld.idx.msk [tilespmem:v7+s23+$0x0], $0xffff;
	v5 =	vadd.f32 v1, v5  }
0x109: {  	v32 =	vld.idx.msk [tilespmem:v53+s17+$0x0], $0xffff;
	[tilespmem:$0x1FB40] =	vst v6;
	v6 =	vor.u32 $0x10, v16;
	v1 =	vadd.f32 v1, v36  }
0x10a: {  	v22 =	vld.idx.msk [tilespmem:v63+s18+$0x0], $0xffff;
	v63 =	vor.u32 $0x7, v15;
	v36 =	vsub.f32 v45, v30;
	v4 =	vsub.f32 v5, v4  }
0x10b: {  	v53 =	vor.u32 $0x7, v14;
	v24 =	vld.idx.msk [tilespmem:v35+s18+$0x0], $0xffff;
	v19 =	vadd.f32 v19, v21;
	[tilespmem:$0x1FB30] =	vst v0;
	v0 =	vor.u32 $0xF, v14  }
0x10c: {  	v51 =	vld.idx.msk [tilespmem:v51+s23+$0x0], $0xffff;
	v1 =	vsub.f32 v1, v2;
	v2 =	vand.u32 $0x7FFFFFFF, v36;
	v4 =	vand.u32 $0x7FFFFFFF, v4  }
0x10d: {  	[tilespmem:$0x1FB50] =	vst v7;
	v7 =	vor.u32 $0x10, v15;
	v2 =	vadd.f32 v2, v4;
	v4 =	vld.idx.msk [tilespmem:v26+s17+$0x0], $0xffff  }
0x10e: {  	v5 =	vmul.f32 $5.000000000e-01, v19;
	v19 =	vld.idx.msk [tilespmem:v6+s18+$0x0], $0xffff;
	v6 =	vor.u32 $0x11, v11  }
0x10f: {  	v20 =	vor.u32 $0xF, v16;
	v35 =	vld.idx.msk [tilespmem:v63+s18+$0x0], $0xffff  }
0x110: {  	v63 =	vor.u32 $0x8, v14;
	v0 =	vld.idx.msk [tilespmem:v0+s17+$0x0], $0xffff  }
0x111: {  	v53 =	vld.idx.msk [tilespmem:v53+s17+$0x0], $0xffff;
	[tilespmem:$0x1F830] =	vst v57;
	v57 =	vor.u32 $0x8, v15  }
0x112: {  	[tilespmem:$0x1FB10] =	vst v4;
	v4 =	vld.idx.msk [tilespmem:v7+s18+$0x0], $0xffff;
	v7 =	vor.u32 $0x11, v14  }
0x113: {  	[tilespmem:$0x1F970] =	vst v51;
	v51 =	vor.u32 $0xB, v15;
	v6 =	vld.idx.msk [tilespmem:v6+s28+$0x0], $0xffff  }
0x114: {  	v20 =	vld.idx.msk [tilespmem:v20+s18+$0x0], $0xffff;
	v52 =	vor.u32 $0xF, v15  }
0x115: {  	v63 =	vld.idx.msk [tilespmem:v63+s17+$0x0], $0xffff;
	[tilespmem:$0x1FAD0] =	vst v0;
	v0 =	vor.u32 $0x10, v13  }
0x116: {  	v9 =	vadd.f32 v9, v17;
	v57 =	vld.idx.msk [tilespmem:v57+s18+$0x0], $0xffff;
	v30 =	vor.u32 $0x11, v10  }
0x117: {  	v3 =	vadd.f32 v3, v31;
	v31 =	vor.u32 $0x11, v13;
	v5 =	vadd.f32 v5, v55;
	v7 =	vld.idx.msk [tilespmem:v7+s17+$0x0], $0xffff  }
0x118: {  	v25 =	vadd.f32 v25, v27;
	v8 =	vadd.f32 v8, v18;
	v51 =	vld.idx.msk [tilespmem:v51+s18+$0x0], $0xffff;
	[tilespmem:$0x1FBA0] =	vst v6;
	v6 =	vor.u32 $0x12, v10  }
0x119: {  	v3 =	vsub.f32 v3, v37;
	[tilespmem:$0x1FA90] =	vst v20;
	v20 =	vor.u32 $0x10, v11;
	v52 =	vld.idx.msk [tilespmem:v52+s18+$0x0], $0xffff;
	v36 =	vadd.f32 v5, v34  }
0x11a: {  	v25 =	vmul.f32 $5.000000000e-01, v25;
	v8 =	vmul.f32 $5.000000000e-01, v8;
	v55 =	vor.u32 $0x11, v15;
	v0 =	vld.idx.msk [tilespmem:v0+s25+$0x0], $0xffff  }
0x11b: {  	v3 =	vand.u32 $0x7FFFFFFF, v3;
	v45 =	vor.u32 $0x11, v12;
	v37 =	vsub.f32 v36, v48;
	v48 =	vld.idx.msk [tilespmem:v30+s23+$0x0], $0xffff  }
0x11c: {  	v1 =	vand.u32 $0x7FFFFFFF, v1;
	v5 =	vadd.f32 v5, v38;
	v30 =	vld.idx.msk [tilespmem:v31+s25+$0x0], $0xffff;
	[tilespmem:$0x1FB70] =	vst v7;
	v7 =	vor.u32 $0x12, v13  }
0x11d: {  	v1 =	vadd.f32 v3, v1;
	v34 =	vadd.f32 v25, v33;
	v31 =	vor.u32 $0x12, v12;
	v6 =	vld.idx.msk [tilespmem:v6+s23+$0x0], $0xffff  }
0x11e: {  	[tilespmem:$0x1FAA0] =	vst v52;
	v52 =	vld.idx.msk [tilespmem:v20+s28+$0x0], $0xffff;
	v38 =	vor.u32 $0x12, v14;
	v5 =	vsub.f32 v5, v46;
	v3 =	vand.u32 $0x7FFFFFFF, v37  }
0x11f: {  	v25 =	vadd.f32 v34, v43;
	v43 =	vor.u32 $0x12, v16;
	v2 =	vadd.f32 v3, v2;
	v3 =	vld.idx.msk [tilespmem:v55+s18+$0x0], $0xffff  }
0x120: {  	v8 =	vadd.f32 v8, v29;
	v36 =	vadd.f32 v34, v44;
	v37 =	vor.u32 $0x12, v11;
	[tilespmem:$0x1FB60] =	vst v0;
	v0 =	vld.idx.msk [tilespmem:v45+s21+$0x0], $0xffff  }
0x121: {  	v29 =	vor.u32 $0x13, v10;
	v5 =	vand.u32 $0x7FFFFFFF, v5;
	v45 =	vor.u32 $0x11, v16;
	v7 =	vld.idx.msk [tilespmem:v7+s25+$0x0], $0xffff  }
0x122: {  	v1 =	vadd.f32 v5, v1;
	v5 =	vsub.f32 v36, v50;
	v18 =	vld.idx.msk [tilespmem:v31+s21+$0x0], $0xffff;
	[tilespmem:$0x1FBC0] =	vst v6;
	v6 =	vor.u32 $0x12, v15  }
0x123: {  	v55 =	vadd.f32 v8, v56;
	v56 =	vor.u32 $0x13, v12;
	[tilespmem:$0x1FB90] =	vst v30;
	v30 =	vmul.f32 $5.000000000e-01, v9;
	v9 =	vld.idx.msk [tilespmem:v38+s17+$0x0], $0xffff  }
0x124: {  	v33 =	vadd.f32 v8, v58;
	v50 =	vsub.f32 v25, v49;
	v5 =	vand.u32 $0x7FFFFFFF, v5;
	v8 =	vld.idx.msk [tilespmem:v43+s18+$0x0], $0xffff  }
0x125: {  	v31 =	vor.u32 $0x13, v13;
	v2 =	vadd.f32 v5, v2;
	v5 =	vsub.f32 v55, v47;
	v47 =	vld.idx.msk [tilespmem:v37+s28+$0x0], $0xffff;
	[tilespmem:$0x1FB80] =	vst v0  }
0x126: {  	v34 =	vor.u32 $0x13, v11;
	v20 =	vld.idx.msk [tilespmem:v45+s18+$0x0], $0xffff;
	[tilespmem:$0x1FBD0] =	vst v7;
	v7 =	vand.u32 $0x7FFFFFFF, v50  }
0x127: {  	[tilespmem:$0x1FBB0] =	vst v18;
	v1 =	vadd.f32 v7, v1;
	v7 =	vld.idx.msk [tilespmem:v6+s18+$0x0], $0xffff  }
0x128: {  	v17 =	vld.idx.msk [tilespmem:v56+s21+$0x0], $0xffff  }
0x129: {  	v36 =	vor.u32 $0x13, v16;
	v0 =	vld.idx.msk [tilespmem:v29+s23+$0x0], $0xffff  }
0x12a: {  	v38 =	vor.u32 $0x13, v15;
	v25 =	vld.idx.msk [tilespmem:v31+s25+$0x0], $0xffff  }
0x12b: {  	v21 =	vadd.f32 v30, v42;
	v42 =	vld.idx.msk [tilespmem:v34+s28+$0x0], $0xffff  }
0x12c: {  	v6 =	vor.u32 $0x13, v14;
	v49 =	vld [tilespmem:$0x1F7A0]  }
0x12d: {  	v46 =	vor.u32 $0x14, v10;
	v50 =	vld [tilespmem:$0x1F7B0]  }
0x12e: {  	v55 =	vadd.f32 v35, v24;
	v24 =	vld.idx.msk [tilespmem:v36+s18+$0x0], $0xffff  }
0x12f: {  	v26 =	vld.idx.msk [tilespmem:v38+s18+$0x0], $0xffff  }
0x130: {  	v37 =	vadd.f32 v21, v60;
	v21 =	vadd.f32 v21, v59;
	v59 =	vld [tilespmem:$0x1F7C0]  }
0x131: {  	v22 =	vadd.f32 v22, v23;
	v23 =	vld.idx.msk [tilespmem:v6+s17+$0x0], $0xffff;
	v6 =	vor.u32 $0x14, v13  }
0x132: {  	v18 =	vld.idx.msk [tilespmem:v46+s23+$0x0], $0xffff  }
0x133: {  	v30 =	vld [tilespmem:$0x1F7D0]  }
0x134: {  	v31 =	vld [tilespmem:$0x1F7E0]  }
0x135: {  	v44 =	vor.u32 $0x15, v14;
	v5 =	vand.u32 $0x7FFFFFFF, v5;
	v34 =	vld [tilespmem:$0x1F7F0]  }
0x136: {  	v2 =	vadd.f32 v5, v2;
	v5 =	vsub.f32 v33, v62;
	v6 =	vld.idx.msk [tilespmem:v6+s25+$0x0], $0xffff  }
0x137: {  	v27 =	vmul.f32 $5.000000000e-01, v55;
	v45 =	vor.u32 $0x14, v12;
	v36 =	vld [tilespmem:$0x1F800]  }
0x138: {  	v58 =	vor.u32 $0x14, v14;
	v5 =	vand.u32 $0x7FFFFFFF, v5;
	v56 =	vor.u32 $0x14, v11;
	v38 =	vld [tilespmem:$0x1F810]  }
0x139: {  	v27 =	vadd.f32 v27, v53;
	v53 =	vld [tilespmem:$0x1F830];
	v1 =	vadd.f32 v5, v1;
	v5 =	vmul.f32 $5.000000000e-01, v22  }
0x13a: {  	v61 =	vadd.f32 v41, v61;
	v41 =	vld.idx.msk [tilespmem:v44+s17+$0x0], $0xffff  }
0x13b: {  	v5 =	vadd.f32 v5, v32;
	v32 =	vadd.f32 v57, v28;
	v57 =	vld [tilespmem:$0x1F8C0];
	[tilespmem:$0x1FC30] =	vst v6;
	v6 =	vor.u32 $0x15, v12  }
0x13c: {  	v35 =	vor.u32 $0x15, v13;
	[tilespmem:$0x1FC00] =	vst v25;
	v25 =	vld.idx.msk [tilespmem:v45+s21+$0x0], $0xffff  }
0x13d: {  	[tilespmem:$0x1FBE0] =	vst v17;
	v17 =	vld.idx.msk [tilespmem:v56+s28+$0x0], $0xffff  }
0x13e: {  	v22 =	vsub.f32 v37, v49;
	v49 =	vld.idx.msk [tilespmem:v58+s17+$0x0], $0xffff  }
0x13f: {  	v45 =	vld [tilespmem:$0x1F820]  }
0x140: {  	v62 =	vor.u32 $0x14, v15;
	v6 =	vld.idx.msk [tilespmem:v6+s21+$0x0], $0xffff  }
0x141: {  	v33 =	vor.u32 $0x15, v10;
	[tilespmem:$0x1FBF0] =	vst v0;
	v0 =	vld.idx.msk [tilespmem:v35+s25+$0x0], $0xffff  }
0x142: {  	v21 =	vsub.f32 v21, v50;
	v28 =	vadd.f32 v27, v34;
	v37 =	vor.u32 $0x15, v11;
	v34 =	vld [tilespmem:$0x1F860]  }
0x143: {  	v29 =	vadd.f32 v5, v59;
	v43 =	vmul.f32 $5.000000000e-01, v32;
	v59 =	vld [tilespmem:$0x1F840];
	v22 =	vand.u32 $0x7FFFFFFF, v22  }
0x144: {  	v21 =	vand.u32 $0x7FFFFFFF, v21;
	v28 =	vsub.f32 v28, v38;
	v38 =	vld [tilespmem:$0x1F870];
	v2 =	vadd.f32 v22, v2  }
0x145: {  	v1 =	vadd.f32 v21, v1;
	v21 =	vsub.f32 v29, v30;
	v22 =	vld.idx.msk [tilespmem:v62+s18+$0x0], $0xffff;
	[tilespmem:$0x1FC50] =	vst v6;
	v6 =	vor.u32 $0x15, v16  }
0x146: {  	v50 =	vor.u32 $0x15, v15;
	v46 =	vadd.f32 v43, v63;
	v43 =	vld [tilespmem:$0x1F880]  }
0x147: {  	v55 =	vor.u32 $0x16, v12;
	[tilespmem:$0x1FC40] =	vst v17;
	v21 =	vand.u32 $0x7FFFFFFF, v21;
	v17 =	vld.idx.msk [tilespmem:v33+s23+$0x0], $0xffff  }
0x148: {  	[tilespmem:$0x1FC10] =	vst v25;
	v25 =	vld.idx.msk [tilespmem:v37+s28+$0x0], $0xffff;
	v2 =	vadd.f32 v21, v2  }
0x149: {  	v60 =	vor.u32 $0x14, v16;
	v28 =	vand.u32 $0x7FFFFFFF, v28;
	v33 =	vld [tilespmem:$0x1F850]  }
0x14a: {  	v2 =	vadd.f32 v28, v2;
	v28 =	vadd.f32 v46, v59;
	v59 =	vld.idx.msk [tilespmem:v6+s18+$0x0], $0xffff;
	v6 =	vor.u32 $0x16, v11  }
0x14b: {  	v30 =	vld.idx.msk [tilespmem:v50+s18+$0x0], $0xffff  }
0x14c: {  	v5 =	vadd.f32 v5, v31;
	v63 =	vor.u32 $0x16, v13;
	[tilespmem:$0x1FC60] =	vst v0;
	v0 =	vld.idx.msk [tilespmem:v55+s21+$0x0], $0xffff  }
0x14d: {  	v55 =	vld [tilespmem:$0x1F8B0]  }
0x14e: {  	v27 =	vadd.f32 v27, v45;
	v21 =	vsub.f32 v5, v36;
	v5 =	vld.idx.msk [tilespmem:v60+s18+$0x0], $0xffff  }
0x14f: {  	v6 =	vld.idx.msk [tilespmem:v6+s28+$0x0], $0xffff  }
0x150: {  	v58 =	vor.u32 $0x17, v11;
	v36 =	vadd.f32 v39, v40;
	v27 =	vsub.f32 v27, v53;
	v53 =	vld [tilespmem:$0x1F8A0]  }
0x151: {  	[tilespmem:$0x1FC20] =	vst v18;
	v35 =	vor.u32 $0x16, v14;
	v21 =	vand.u32 $0x7FFFFFFF, v21;
	v18 =	vld.idx.msk [tilespmem:v63+s25+$0x0], $0xffff  }
0x152: {  	v29 =	vmul.f32 $5.000000000e-01, v61;
	v44 =	vmul.f32 $5.000000000e-01, v36;
	v36 =	vld [tilespmem:$0x1F8E0];
	v1 =	vadd.f32 v21, v1  }
0x153: {  	v21 =	vadd.f32 v46, v34;
	v46 =	vld [tilespmem:$0x1F890];
	v28 =	vsub.f32 v28, v33  }
0x154: {  	v39 =	vadd.f32 v29, v38;
	v29 =	vadd.f32 v44, v55;
	v44 =	vld [tilespmem:$0x1F8F0];
	[tilespmem:$0x1FCC0] =	vst v6;
	v6 =	vor.u32 $0x17, v10  }
0x155: {  	v60 =	vor.u32 $0x16, v10;
	[tilespmem:$0x1FC90] =	vst v0;
	v0 =	vld.idx.msk [tilespmem:v58+s28+$0x0], $0xffff;
	v28 =	vand.u32 $0x7FFFFFFF, v28  }
0x156: {  	v40 =	vor.u32 $0x16, v15;
	v2 =	vadd.f32 v28, v2;
	v28 =	vadd.f32 v39, v53;
	v53 =	vld.idx.msk [tilespmem:v35+s17+$0x0], $0xffff  }
0x157: {  	v56 =	vor.u32 $0x17, v13;
	v35 =	vld [tilespmem:$0x1F8D0]  }
0x158: {  	v55 =	vld [tilespmem:$0x1F920]  }
0x159: {  	v6 =	vld.idx.msk [tilespmem:v6+s23+$0x0], $0xffff  }
0x15a: {  	v62 =	vand.u32 $0x7FFFFFFF, v27;
	[tilespmem:$0x1FC80] =	vst v25;
	v25 =	vld.idx.msk [tilespmem:v60+s23+$0x0], $0xffff;
	v21 =	vsub.f32 v21, v43  }
0x15b: {  	v45 =	vor.u32 $0x17, v12;
	v1 =	vadd.f32 v62, v1;
	v34 =	vld.idx.msk [tilespmem:v40+s18+$0x0], $0xffff  }
0x15c: {  	v62 =	vld.idx.msk [tilespmem:v56+s25+$0x0], $0xffff;
	v21 =	vand.u32 $0x7FFFFFFF, v21;
	v28 =	vsub.f32 v28, v35  }
0x15d: {  	[tilespmem:$0x1FC70] =	vst v17;
	v17 =	vor.u32 $0x18, v16;
	v56 =	vld [tilespmem:$0x1F930];
	v1 =	vadd.f32 v21, v1  }
0x15e: {  	v40 =	vadd.f32 v51, v54;
	v51 =	vor.u32 $0x18, v10;
	v60 =	vld [tilespmem:$0x1F950];
	[tilespmem:$0x1FCE0] =	vst v6;
	v6 =	vand.u32 $0x7FFFFFFF, v28  }
0x15f: {  	v1 =	vadd.f32 v6, v1;
	v6 =	vld [tilespmem:$0x1F900]  }
0x160: {  	v43 =	vor.u32 $0x17, v16;
	[tilespmem:$0x1FCB0] =	vst v18;
	v18 =	vld.idx.msk [tilespmem:v45+s21+$0x0], $0xffff  }
0x161: {  	v50 =	vadd.f32 v39, v46;
	v46 =	vmul.f32 $5.000000000e-01, v40;
	v40 =	vld [tilespmem:$0x1F970]  }
0x162: {  	v33 =	vld.idx.msk [tilespmem:v17+s18+$0x0], $0xffff  }
0x163: {  	v39 =	vor.u32 $0x17, v14;
	[tilespmem:$0x1FCF0] =	vst v0;
	v0 =	vld.idx.msk [tilespmem:v51+s23+$0x0], $0xffff  }
0x164: {  	v38 =	vadd.f32 v29, v36;
	v29 =	vadd.f32 v29, v6;
	v6 =	vld [tilespmem:$0x1F910]  }
0x165: {  	v21 =	vsub.f32 v50, v57;
	v32 =	vld.idx.msk [tilespmem:v43+s18+$0x0], $0xffff  }
0x166: {  	v50 =	vor.u32 $0x18, v12;
	v51 =	vld [tilespmem:$0x1F9A0]  }
0x167: {  	[tilespmem:$0x1FCA0] =	vst v25;
	v25 =	vor.u32 $0x19, v16;
	v21 =	vand.u32 $0x7FFFFFFF, v21;
	v35 =	vld [tilespmem:$0x1F960]  }
0x168: {  	v2 =	vadd.f32 v21, v2;
	v57 =	vld.idx.msk [tilespmem:v39+s17+$0x0], $0xffff;
	[tilespmem:$0x1FD10] =	vst v0;
	v0 =	vor.u32 $0x18, v15  }
0x169: {  	v45 =	vor.u32 $0x17, v15;
	v21 =	vsub.f32 v38, v44;
	v28 =	vadd.f32 v46, v6;
	v6 =	vld [tilespmem:$0x1F940]  }
0x16a: {  	v54 =	vor.u32 $0x18, v13;
	v44 =	vld [tilespmem:$0x1F980]  }
0x16b: {  	v21 =	vand.u32 $0x7FFFFFFF, v21;
	v38 =	vld.idx.msk [tilespmem:v50+s21+$0x0], $0xffff  }
0x16c: {  	v21 =	vadd.f32 v21, v2;
	v2 =	vld.idx.msk [tilespmem:v25+s18+$0x0], $0xffff  }
0x16d: {  	v25 =	vor.u32 $0x1A, v11;
	v31 =	vld.idx.msk [tilespmem:v0+s18+$0x0], $0xffff  }
0x16e: {  	v0 =	vor.u32 $0x19, v14;
	v58 =	vadd.f32 v6, v56;
	v6 =	vld.idx.msk [tilespmem:v45+s18+$0x0], $0xffff  }
0x16f: {  	[tilespmem:$0x1FCD0] =	vst v18;
	v18 =	vor.u32 $0x18, v11;
	v45 =	vld.idx.msk [tilespmem:v54+s25+$0x0], $0xffff  }
0x170: {  	v63 =	vor.u32 $0x18, v14;
	v54 =	vld [tilespmem:$0x1F9B0]  }
0x171: {  	v50 =	vld [tilespmem:$0x1F990];
	v61 =	vadd.f32 v28, v60  }
0x172: {  	v25 =	vld.idx.msk [tilespmem:v25+s28+$0x0], $0xffff  }
0x173: {  	v46 =	vor.u32 $0x19, v12;
	v43 =	vsub.f32 v61, v40;
	v40 =	vld.idx.msk [tilespmem:v0+s17+$0x0], $0xffff  }
0x174: {  	v56 =	vld.idx.msk [tilespmem:v18+s28+$0x0], $0xffff  }
0x175: {  	v29 =	vsub.f32 v29, v55;
	v55 =	vadd.f32 v54, v51;
	v51 =	vld.idx.msk [tilespmem:v63+s17+$0x0], $0xffff  }
0x176: {  	v28 =	vadd.f32 v28, v35;
	v63 =	vld [tilespmem:$0x1F9C0]  }
0x177: {  	v39 =	vmul.f32 $5.000000000e-01, v58;
	v58 =	vor.u32 $0x19, v10;
	[tilespmem:$0x1FD20] =	vst v45;
	v45 =	vld [tilespmem:$0x1F9F0]  }
0x178: {  	v28 =	vsub.f32 v28, v44;
	v61 =	vor.u32 $0x19, v13;
	v44 =	vld.idx.msk [tilespmem:v46+s21+$0x0], $0xffff  }
0x179: {  	v29 =	vand.u32 $0x7FFFFFFF, v29;
	v46 =	vld [tilespmem:$0x1FA00]  }
0x17a: {  	v1 =	vadd.f32 v29, v1;
	v60 =	vand.u32 $0x7FFFFFFF, v43;
	v43 =	vld [tilespmem:$0x1F9E0];
	v29 =	vadd.f32 v39, v50  }
0x17b: {  	v50 =	vld [tilespmem:$0x1FA10]  }
0x17c: {  	v27 =	vadd.f32 v29, v63;
	v29 =	vadd.f32 v29, v45;
	v45 =	vld.idx.msk [tilespmem:v58+s23+$0x0], $0xffff  }
0x17d: {  	v58 =	vld.idx.msk [tilespmem:v61+s25+$0x0], $0xffff  }
0x17e: {  	v28 =	vand.u32 $0x7FFFFFFF, v28;
	v61 =	vld [tilespmem:$0x1FA30]  }
0x17f: {  	v1 =	vadd.f32 v28, v1;
	v28 =	vld [tilespmem:$0x1F9D0]  }
0x180: {  	v17 =	vor.u32 $0x19, v11;
	v36 =	vmul.f32 $5.000000000e-01, v55;
	v55 =	vld [tilespmem:$0x1FA20]  }
0x181: {  	v54 =	vadd.f32 v50, v46;
	v46 =	vor.u32 $0x19, v15;
	v50 =	vld [tilespmem:$0x1FA50]  }
0x182: {  	[tilespmem:$0x1FD00] =	vst v38;
	v38 =	vadd.f32 v36, v43;
	v36 =	vld [tilespmem:$0x1FA90]  }
0x183: {  	v63 =	vsub.f32 v29, v61;
	v29 =	vld [tilespmem:$0x1FA40]  }
0x184: {  	[tilespmem:$0x1FD40] =	vst v56;
	v43 =	vld [tilespmem:$0x1FAA0]  }
0x185: {  	v35 =	vsub.f32 v27, v28;
	v27 =	vld.idx.msk [tilespmem:v17+s28+$0x0], $0xffff;
	v17 =	vor.u32 $0x1A, v10;
	[tilespmem:$0x1FD50] =	vst v45  }
0x186: {  	v56 =	vadd.f32 v38, v55;
	[tilespmem:$0x1FD60] =	vst v58;
	v58 =	vor.u32 $0x1A, v13;
	v45 =	vld.idx.msk [tilespmem:v46+s18+$0x0], $0xffff  }
0x187: {  	v21 =	vadd.f32 v60, v21;
	v61 =	vld [tilespmem:$0x1FA70]  }
0x188: {  	v28 =	vand.u32 $0x7FFFFFFF, v35;
	v35 =	vsub.f32 v56, v29;
	v56 =	vmul.f32 $5.000000000e-01, v54;
	v54 =	vld [tilespmem:$0x1FA60]  }
0x189: {  	v21 =	vadd.f32 v28, v21;
	v28 =	vand.u32 $0x7FFFFFFF, v63;
	v63 =	vld [tilespmem:$0x1FA80]  }
0x18a: {  	v17 =	vld.idx.msk [tilespmem:v17+s23+$0x0], $0xffff  }
0x18b: {  	v0 =	vld.idx.msk [tilespmem:v58+s25+$0x0], $0xffff  }
0x18c: {  	v38 =	vadd.f32 v38, v50;
	v58 =	vld [tilespmem:$0x1FAB0]  }
0x18d: {  	v50 =	vor.u32 $0x1A, v15;
	[tilespmem:$0x1FD70] =	vst v27;
	v27 =	vld [tilespmem:$0x1FAD0];
	v55 =	vadd.f32 v56, v54  }
0x18e: {  	v39 =	vor.u32 $0x1A, v16;
	v1 =	vadd.f32 v28, v1;
	v38 =	vsub.f32 v38, v61;
	v61 =	vld [tilespmem:$0x1FAC0]  }
0x18f: {  	v29 =	vand.u32 $0x7FFFFFFF, v35;
	[tilespmem:$0x1FD80] =	vst v17;
	v17 =	vadd.f32 v43, v36;
	v43 =	vld [tilespmem:$0x1FB80];
	v35 =	vadd.f32 v55, v63  }
0x190: {  	v38 =	vand.u32 $0x7FFFFFFF, v38;
	v56 =	vor.u32 $0x1A, v14;
	v54 =	vld [tilespmem:$0x1FAF0]  }
0x191: {  	v38 =	vadd.f32 v38, v1;
	v63 =	vmul.f32 $5.000000000e-01, v17;
	v1 =	vsub.f32 v35, v58;
	v58 =	vld [tilespmem:$0x1FB00]  }
0x192: {  	v46 =	vor.u32 $0x1B, v12;
	v17 =	vld.idx.msk [tilespmem:v50+s18+$0x0], $0xffff  }
0x193: {  	v50 =	vld [tilespmem:$0x1FAE0];
	v36 =	vadd.f32 v63, v27  }
0x194: {  	v4 =	vadd.f32 v4, v19;
	v19 =	vor.u32 $0x1B, v11;
	v21 =	vadd.f32 v29, v21;
	v35 =	vld.idx.msk [tilespmem:v39+s18+$0x0], $0xffff  }
0x195: {  	v28 =	vadd.f32 v55, v61;
	v55 =	vld.idx.msk [tilespmem:v56+s17+$0x0], $0xffff;
	v1 =	vand.u32 $0x7FFFFFFF, v1;
	v56 =	vadd.f32 v36, v54  }
0x196: {  	[tilespmem:$0x1FDA0] =	vst v25;
	v39 =	vadd.f32 v1, v21;
	v21 =	vadd.f32 v36, v58;
	v36 =	vld [tilespmem:$0x1FB20]  }
0x197: {  	v25 =	vor.u32 $0x1B, v10;
	[tilespmem:$0x1FD90] =	vst v0;
	v0 =	vld.idx.msk [tilespmem:v46+s21+$0x0], $0xffff  }
0x198: {  	v63 =	vld [tilespmem:$0x1FB10];
	v28 =	vsub.f32 v28, v50  }
0x199: {  	v18 =	vor.u32 $0x1B, v13;
	v54 =	vld [tilespmem:$0x1FB30]  }
0x19a: {  	v29 =	vor.u32 $0x1B, v14;
	v50 =	vld.idx.msk [tilespmem:v19+s28+$0x0], $0xffff;
	v28 =	vand.u32 $0x7FFFFFFF, v28  }
0x19b: {  	v4 =	vmul.f32 $5.000000000e-01, v4;
	v46 =	vadd.f32 v28, v38;
	v38 =	vsub.f32 v56, v36;
	v56 =	vld [tilespmem:$0x1FB40]  }
0x19c: {  	v61 =	vld.idx.msk [tilespmem:v25+s23+$0x0], $0xffff  }
0x19d: {  	v25 =	vor.u32 $0x1B, v15;
	v4 =	vadd.f32 v4, v63;
	v63 =	vld [tilespmem:$0x1FB50]  }
0x19e: {  	v37 =	vor.u32 $0x16, v16;
	[tilespmem:$0x1FD30] =	vst v44;
	v27 =	vld.idx.msk [tilespmem:v18+s25+$0x0], $0xffff;
	v44 =	vsub.f32 v21, v54  }
0x19f: {  	v28 =	vor.u32 $0x1C, v16;
	v54 =	vld.idx.msk [tilespmem:v29+s17+$0x0], $0xffff  }
0x1a0: {  	v29 =	vor.u32 $0x1C, v13;
	[tilespmem:$0x1FDE0] =	vst v50;
	v50 =	vld [tilespmem:$0x1FB70];
	v44 =	vand.u32 $0x7FFFFFFF, v44;
	v58 =	vadd.f32 v4, v56  }
0x1a1: {  	v3 =	vadd.f32 v3, v20;
	v44 =	vadd.f32 v44, v46;
	v46 =	vld [tilespmem:$0x1FB60]  }
0x1a2: {  	[tilespmem:$0x1FDD0] =	vst v61;
	v36 =	vld.idx.msk [tilespmem:v25+s18+$0x0], $0xffff;
	v25 =	vor.u32 $0x1C, v14;
	v61 =	vand.u32 $0x7FFFFFFF, v38;
	v21 =	vsub.f32 v58, v63  }
0x1a3: {  	v3 =	vmul.f32 $5.000000000e-01, v3;
	v37 =	vld.idx.msk [tilespmem:v37+s18+$0x0], $0xffff;
	v20 =	vadd.f32 v61, v39  }
0x1a4: {  	v19 =	vor.u32 $0x1C, v10;
	[tilespmem:$0x1FDC0] =	vst v27;
	v27 =	vld.idx.msk [tilespmem:v28+s18+$0x0], $0xffff;
	v39 =	vand.u32 $0x7FFFFFFF, v21  }
0x1a5: {  	v3 =	vadd.f32 v3, v50;
	v61 =	vld.idx.msk [tilespmem:v29+s25+$0x0], $0xffff;
	v20 =	vadd.f32 v39, v20;
	v39 =	vor.u32 $0x1D, v10  }
0x1a6: {  	v50 =	vld [tilespmem:$0x1FB90];
	v4 =	vadd.f32 v4, v46  }
0x1a7: {  	v7 =	vadd.f32 v7, v8;
	v18 =	vor.u32 $0x1C, v12;
	v8 =	vadd.f32 v3, v43;
	v43 =	vld.idx.msk [tilespmem:v25+s17+$0x0], $0xffff  }
0x1a8: {  	v4 =	vsub.f32 v4, v52;
	v21 =	vld [tilespmem:$0x1FBA0]  }
0x1a9: {  	v63 =	vld.idx.msk [tilespmem:v19+s23+$0x0], $0xffff;
	v19 =	vor.u32 $0x1C, v15  }
0x1aa: {  	v46 =	vor.u32 $0x1D, v16;
	v4 =	vand.u32 $0x7FFFFFFF, v4;
	v29 =	vld.idx.msk [tilespmem:v39+s23+$0x0], $0xffff  }
0x1ab: {  	v3 =	vadd.f32 v3, v50;
	v4 =	vadd.f32 v4, v44;
	v44 =	vld [tilespmem:$0x1FBB0]  }
0x1ac: {  	v7 =	vmul.f32 $5.000000000e-01, v7;
	v25 =	vor.u32 $0x1D, v13;
	v58 =	vld.idx.msk [tilespmem:v18+s21+$0x0], $0xffff  }
0x1ad: {  	v52 =	vor.u32 $0x1D, v11;
	v3 =	vsub.f32 v3, v21;
	v21 =	vld [tilespmem:$0x1FBC0]  }
0x1ae: {  	v7 =	vadd.f32 v7, v9;
	v18 =	vld.idx.msk [tilespmem:v19+s18+$0x0], $0xffff  }
0x1af: {  	v30 =	vadd.f32 v30, v59;
	[tilespmem:$0x1FE10] =	vst v29;
	v29 =	vld.idx.msk [tilespmem:v46+s18+$0x0], $0xffff  }
0x1b0: {  	v8 =	vsub.f32 v8, v48;
	v48 =	vadd.f32 v7, v44;
	v46 =	vld [tilespmem:$0x1FBD0]  }
0x1b1: {  	v30 =	vmul.f32 $5.000000000e-01, v30;
	v39 =	vld.idx.msk [tilespmem:v25+s25+$0x0], $0xffff  }
0x1b2: {  	v28 =	vadd.f32 v26, v24;
	v19 =	vor.u32 $0x1D, v14;
	v52 =	vld.idx.msk [tilespmem:v52+s28+$0x0], $0xffff;
	v25 =	vsub.f32 v48, v21  }
0x1b3: {  	v24 =	vor.u32 $0x1D, v15;
	v26 =	vor.u32 $0x1E, v12;
	v8 =	vand.u32 $0x7FFFFFFF, v8;
	v48 =	vld [tilespmem:$0x1FBE0]  }
0x1b4: {  	v9 =	vmul.f32 $5.000000000e-01, v28;
	v8 =	vadd.f32 v8, v20;
	v20 =	vand.u32 $0x7FFFFFFF, v25;
	v25 =	vld [tilespmem:$0x1FBF0]  }
0x1b5: {  	v37 =	vadd.f32 v34, v37;
	v7 =	vadd.f32 v7, v46;
	v46 =	vld [tilespmem:$0x1FC00]  }
0x1b6: {  	v34 =	vadd.f32 v30, v41;
	v41 =	vld [tilespmem:$0x1FC40];
	v9 =	vadd.f32 v9, v23;
	[tilespmem:$0x1FE00] =	vst v39;
	v39 =	vor.u32 $0x1E, v11  }
0x1b7: {  	v44 =	vld.idx.msk [tilespmem:v19+s17+$0x0], $0xffff  }
0x1b8: {  	[tilespmem:$0x1FDB0] =	vst v0;
	v0 =	vor.u32 $0x1B, v16;
	v19 =	vld.idx.msk [tilespmem:v24+s18+$0x0], $0xffff;
	v50 =	vadd.f32 v9, v48  }
0x1b9: {  	v5 =	vadd.f32 v22, v5;
	[tilespmem:$0x1FE20] =	vst v52;
	v52 =	vor.u32 $0x1E, v10;
	v21 =	vld.idx.msk [tilespmem:v26+s21+$0x0], $0xffff  }
0x1ba: {  	v24 =	vsub.f32 v50, v25;
	v50 =	vld [tilespmem:$0x1FC10];
	v9 =	vadd.f32 v9, v46  }
0x1bb: {  	v5 =	vmul.f32 $5.000000000e-01, v5;
	v7 =	vsub.f32 v7, v47;
	v47 =	vld.idx.msk [tilespmem:v39+s28+$0x0], $0xffff;
	v39 =	vor.u32 $0x1F, v10  }
0x1bc: {  	v26 =	vor.u32 $0x1E, v16;
	v46 =	vsub.f32 v9, v42;
	v9 =	vld [tilespmem:$0x1FC20]  }
0x1bd: {  	v5 =	vadd.f32 v5, v49;
	v38 =	vld.idx.msk [tilespmem:v0+s18+$0x0], $0xffff;
	v3 =	vand.u32 $0x7FFFFFFF, v3  }
0x1be: {  	v3 =	vadd.f32 v3, v4;
	v4 =	vor.u32 $0x1E, v13;
	v23 =	vld.idx.msk [tilespmem:v52+s23+$0x0], $0xffff  }
0x1bf: {  	v25 =	vld [tilespmem:$0x1FC30];
	v52 =	vadd.f32 v5, v50  }
0x1c0: {  	v8 =	vadd.f32 v20, v8;
	[tilespmem:$0x1FE30] =	vst v21;
	v21 =	vld.idx.msk [tilespmem:v39+s23+$0x0], $0xffff  }
0x1c1: {  	v48 =	vand.u32 $0x7FFFFFFF, v24;
	v42 =	vld.idx.msk [tilespmem:v26+s18+$0x0], $0xffff;
	v26 =	vsub.f32 v52, v9  }
0x1c2: {  	v8 =	vadd.f32 v48, v8;
	v48 =	vld [tilespmem:$0x1FC50]  }
0x1c3: {  	v0 =	vor.u32 $0x1C, v11;
	v28 =	vld.idx.msk [tilespmem:v4+s25+$0x0], $0xffff;
	v4 =	vor.u32 $0x1F, v12;
	v26 =	vand.u32 $0x7FFFFFFF, v26  }
0x1c4: {  	v7 =	vand.u32 $0x7FFFFFFF, v7;
	v5 =	vadd.f32 v5, v25;
	v8 =	vadd.f32 v26, v8;
	v26 =	vld [tilespmem:$0x1FC70]  }
0x1c5: {  	v3 =	vadd.f32 v7, v3;
	[tilespmem:$0x1FE70] =	vst v21;
	v21 =	vld [tilespmem:$0x1FC60]  }
0x1c6: {  	v24 =	vor.u32 $0x1F, v11;
	v5 =	vsub.f32 v5, v41;
	v46 =	vand.u32 $0x7FFFFFFF, v46  }
0x1c7: {  	v30 =	vld [tilespmem:$0x1FC80];
	v3 =	vadd.f32 v46, v3;
	v9 =	vadd.f32 v34, v48  }
0x1c8: {  	v0 =	vld.idx.msk [tilespmem:v0+s28+$0x0], $0xffff;
	v5 =	vand.u32 $0x7FFFFFFF, v5  }
0x1c9: {  	v22 =	vor.u32 $0x1E, v14;
	v50 =	vld.idx.msk [tilespmem:v4+s21+$0x0], $0xffff;
	v3 =	vadd.f32 v5, v3;
	v5 =	vsub.f32 v9, v26  }
0x1ca: {  	v20 =	vor.u32 $0x1E, v15;
	v41 =	vadd.f32 v34, v21;
	v34 =	vld [tilespmem:$0x1FC90]  }
0x1cb: {  	[tilespmem:$0x1FE50] =	vst v28;
	v28 =	vld.idx.msk [tilespmem:v24+s28+$0x0], $0xffff;
	v46 =	vmul.f32 $5.000000000e-01, v37;
	v5 =	vand.u32 $0x7FFFFFFF, v5  }
0x1cc: {  	v4 =	vor.u32 $0x1F, v16;
	v8 =	vadd.f32 v5, v8;
	v5 =	vld [tilespmem:$0x1FCA0]  }
0x1cd: {  	[tilespmem:$0x1FDF0] =	vst v0;
	v0 =	vadd.f32 v46, v53  }
0x1ce: {  	v49 =	vld.idx.msk [tilespmem:v22+s17+$0x0], $0xffff  }
0x1cf: {  	v22 =	vld.idx.msk [tilespmem:v20+s18+$0x0], $0xffff;
	v20 =	vor.u32 $0x1F, v14;
	v41 =	vsub.f32 v41, v30;
	v46 =	vadd.f32 v0, v34  }
0x1d0: {  	[tilespmem:$0x1FE40] =	vst v23;
	v23 =	vor.u32 $0x1F, v15  }
0x1d1: {  	[tilespmem:$0x1FE80] =	vst v28;
	v28 =	vld.idx.msk [tilespmem:v4+s18+$0x0], $0xffff;
	v4 =	vor.u32 $0x20, v11;
	v21 =	vsub.f32 v46, v5;
	v5 =	vand.u32 $0x7FFFFFFF, v41  }
0x1d2: {  	v3 =	vadd.f32 v5, v3;
	v5 =	vld [tilespmem:$0x1FCB0];
	_ =	sdelay $0x1  }
0x1d3: {  	[tilespmem:$0x1FE60] =	vst v47;
	v47 =	vld.idx.msk [tilespmem:v20+s17+$0x0], $0xffff  }
0x1d4: {  	v7 =	vor.u32 $0x1F, v13;
	v20 =	vld.idx.msk [tilespmem:v23+s18+$0x0], $0xffff  }
0x1d5: {  	v23 =	vor.u32 $0x20, v14;
	v4 =	vld.idx.msk [tilespmem:v4+s28+$0x0], $0xffff  }
0x1d6: {  	v0 =	vadd.f32 v0, v5;
	v5 =	vld [tilespmem:$0x1FCC0];
	_ =	sdelay $0x1  }
0x1d7: {  	v59 =	vor.u32 $0x20, v13  }
0x1d8: {  	v52 =	vld.idx.msk [tilespmem:v7+s25+$0x0], $0xffff;
	v7 =	vor.u32 $0x20, v12  }
0x1d9: {  	v6 =	vadd.f32 v6, v32;
	[tilespmem:$0x1FE90] =	vst v4;
	v4 =	vor.u32 $0x21, v10;
	v46 =	vld.idx.msk [tilespmem:v23+s17+$0x0], $0xffff  }
0x1da: {  	v23 =	vor.u32 $0x21, v13;
	v0 =	vsub.f32 v0, v5;
	v5 =	vld [tilespmem:$0x1FCD0]  }
0x1db: {  	v6 =	vmul.f32 $5.000000000e-01, v6;
	v41 =	vor.u32 $0x21, v14  }
0x1dc: {  	v59 =	vld.idx.msk [tilespmem:v59+s25+$0x0], $0xffff  }
0x1dd: {  	v6 =	vadd.f32 v6, v57;
	v24 =	vor.u32 $0x20, v10;
	v48 =	vld.idx.msk [tilespmem:v7+s21+$0x0], $0xffff  }
0x1de: {  	v4 =	vld.idx.msk [tilespmem:v4+s23+$0x0], $0xffff  }
0x1df: {  	v7 =	vor.u32 $0x20, v16;
	v32 =	vand.u32 $0x7FFFFFFF, v21;
	v21 =	vadd.f32 v6, v5;
	v5 =	vld.idx.msk [tilespmem:v23+s25+$0x0], $0xffff  }
0x1e0: {  	v26 =	vor.u32 $0x21, v11;
	v6 =	vadd.f32 v6, v62;
	v62 =	vld.idx.msk [tilespmem:v41+s17+$0x0], $0xffff  }
0x1e1: {  	v39 =	vor.u32 $0x22, v13;
	v41 =	vld [tilespmem:$0x1FCF0]  }
0x1e2: {  	v37 =	vor.u32 $0x20, v15;
	v53 =	vld.idx.msk [tilespmem:v24+s23+$0x0], $0xffff  }
0x1e3: {  	v1 =	vor.u32 $0x21, v12;
	v30 =	vld [tilespmem:$0x1FCE0]  }
0x1e4: {  	v25 =	vld.idx.msk [tilespmem:v7+s18+$0x0], $0xffff;
	[tilespmem:$0x1FEB0] =	vst v4  }
0x1e5: {  	v32 =	vadd.f32 v32, v8;
	v4 =	vor.u32 $0x21, v15;
	[tilespmem:$0x1FEA0] =	vst v5;
	v5 =	vld.idx.msk [tilespmem:v26+s28+$0x0], $0xffff  }
0x1e6: {  	v8 =	vadd.f32 v31, v33;
	v57 =	vsub.f32 v6, v41;
	v6 =	vld.idx.msk [tilespmem:v39+s25+$0x0], $0xffff  }
0x1e7: {  	v60 =	vor.u32 $0x1A, v12;
	v7 =	vld.idx.msk [tilespmem:v37+s18+$0x0], $0xffff  }
0x1e8: {  	v24 =	vor.u32 $0x21, v16;
	v37 =	vld.idx.msk [tilespmem:v1+s21+$0x0], $0xffff;
	v26 =	vmul.f32 $5.000000000e-01, v8  }
0x1e9: {  	v1 =	vor.u32 $0x22, v11;
	v0 =	vand.u32 $0x7FFFFFFF, v0;
	v31 =	vsub.f32 v21, v30;
	v21 =	vld [tilespmem:$0x1FD00]  }
0x1ea: {  	v23 =	vor.u32 $0x22, v12;
	[tilespmem:$0x1FEC0] =	vst v5;
	v5 =	vadd.f32 v0, v3;
	v3 =	vadd.f32 v26, v51;
	v26 =	vld.idx.msk [tilespmem:v4+s18+$0x0], $0xffff  }
0x1eb: {  	v4 =	vor.u32 $0x22, v14;
	[tilespmem:$0x1FEE0] =	vst v6;
	v6 =	vld [tilespmem:$0x1FD10]  }
0x1ec: {  	v60 =	vld.idx.msk [tilespmem:v60+s21+$0x0], $0xffff  }
0x1ed: {  	v45 =	vadd.f32 v45, v2;
	v30 =	vld.idx.msk [tilespmem:v24+s18+$0x0], $0xffff;
	v24 =	vor.u32 $0x22, v15  }
0x1ee: {  	v1 =	vld.idx.msk [tilespmem:v1+s28+$0x0], $0xffff;
	v51 =	vadd.f32 v3, v21  }
0x1ef: {  	v9 =	vld.idx.msk [tilespmem:v23+s21+$0x0], $0xffff;
	v23 =	vmul.f32 $5.000000000e-01, v45  }
0x1f0: {  	v45 =	vor.u32 $0x23, v12;
	v41 =	vand.u32 $0x7FFFFFFF, v57;
	v57 =	vsub.f32 v51, v6;
	v51 =	vld.idx.msk [tilespmem:v4+s17+$0x0], $0xffff  }
0x1f1: {  	v4 =	vld [tilespmem:$0x1FD30]  }
0x1f2: {  	v31 =	vand.u32 $0x7FFFFFFF, v31;
	v21 =	vld.idx.msk [tilespmem:v24+s18+$0x0], $0xffff  }
0x1f3: {  	v31 =	vadd.f32 v31, v32;
	v24 =	vld [tilespmem:$0x1FD50]  }
0x1f4: {  	v2 =	vor.u32 $0x24, v10;
	v0 =	vadd.f32 v23, v40;
	v6 =	vld [tilespmem:$0x1FD20];
	v39 =	vand.u32 $0x7FFFFFFF, v57  }
0x1f5: {  	v56 =	vor.u32 $0x1D, v12;
	v31 =	vadd.f32 v39, v31;
	v39 =	vld.idx.msk [tilespmem:v45+s21+$0x0], $0xffff  }
0x1f6: {  	v33 =	vor.u32 $0x22, v16;
	v45 =	vld [tilespmem:$0x1FD60];
	v40 =	vadd.f32 v0, v4  }
0x1f7: {  	[tilespmem:$0x1FED0] =	vst v9;
	v9 =	vor.u32 $0x23, v10;
	v4 =	vld [tilespmem:$0x1FD40]  }
0x1f8: {  	v57 =	vor.u32 $0x23, v16;
	v40 =	vsub.f32 v40, v24;
	v24 =	vld [tilespmem:$0x1FD70]  }
0x1f9: {  	v36 =	vadd.f32 v36, v38;
	v38 =	vld.idx.msk [tilespmem:v2+s23+$0x0], $0xffff  }
0x1fa: {  	v17 =	vadd.f32 v17, v35;
	v56 =	vld.idx.msk [tilespmem:v56+s21+$0x0], $0xffff;
	v3 =	vadd.f32 v3, v6  }
0x1fb: {  	v23 =	vld.idx.msk [tilespmem:v33+s18+$0x0], $0xffff;
	v0 =	vadd.f32 v0, v45  }
0x1fc: {  	v35 =	vor.u32 $0x23, v13;
	v17 =	vmul.f32 $5.000000000e-01, v17;
	[tilespmem:$0x1FEF0] =	vst v1;
	v1 =	vld.idx.msk [tilespmem:v9+s23+$0x0], $0xffff;
	v3 =	vsub.f32 v3, v4  }
0x1fd: {  	v33 =	vor.u32 $0x23, v11;
	v5 =	vadd.f32 v41, v5;
	v0 =	vsub.f32 v0, v24;
	v24 =	vld.idx.msk [tilespmem:v57+s18+$0x0], $0xffff  }
0x1fe: {  	v9 =	vor.u32 $0x23, v15;
	v3 =	vand.u32 $0x7FFFFFFF, v3;
	v57 =	vld [tilespmem:$0x1FD80]  }
0x1ff: {  	[tilespmem:$0x1FF30] =	vst v38;
	v38 =	vld [tilespmem:$0x1FDC0];
	v3 =	vadd.f32 v3, v5;
	v5 =	vadd.f32 v17, v55;
	v55 =	vor.u32 $0x24, v13  }
0x200: {  	v22 =	vadd.f32 v22, v42;
	v42 =	vld [tilespmem:$0x1FE20]  }
0x201: {  	[tilespmem:$0x1FF00] =	vst v39;
	v39 =	vld.idx.msk [tilespmem:v35+s25+$0x0], $0xffff;
	v45 =	vadd.f32 v5, v60  }
0x202: {  	v32 =	vand.u32 $0x7FFFFFFF, v40;
	v40 =	vld.idx.msk [tilespmem:v33+s28+$0x0], $0xffff  }
0x203: {  	v18 =	vadd.f32 v18, v27;
	v17 =	vld.idx.msk [tilespmem:v9+s18+$0x0], $0xffff;
	v60 =	vsub.f32 v45, v57  }
0x204: {  	v36 =	vmul.f32 $5.000000000e-01, v36;
	v31 =	vadd.f32 v32, v31;
	v57 =	vld.idx.msk [tilespmem:v55+s25+$0x0], $0xffff  }
0x205: {  	v18 =	vmul.f32 $5.000000000e-01, v18;
	v35 =	vor.u32 $0x24, v12;
	v9 =	vld [tilespmem:$0x1FD90];
	v33 =	vand.u32 $0x7FFFFFFF, v60  }
0x206: {  	v41 =	vor.u32 $0x23, v14;
	v45 =	vadd.f32 v36, v54;
	v27 =	vadd.f32 v33, v31;
	v33 =	vld [tilespmem:$0x1FDB0]  }
0x207: {  	v19 =	vadd.f32 v19, v29;
	[tilespmem:$0x1FF10] =	vst v1;
	v1 =	vor.u32 $0x24, v14;
	v60 =	vld [tilespmem:$0x1FDA0]  }
0x208: {  	v4 =	vor.u32 $0x24, v11;
	v31 =	vadd.f32 v45, v38;
	v38 =	vadd.f32 v18, v43;
	v43 =	vld [tilespmem:$0x1FDD0]  }
0x209: {  	[tilespmem:$0x1FF40] =	vst v57;
	v57 =	vld [tilespmem:$0x1FDE0]  }
0x20a: {  	v19 =	vmul.f32 $5.000000000e-01, v19;
	[tilespmem:$0x1FF20] =	vst v40;
	v40 =	vld.idx.msk [tilespmem:v35+s21+$0x0], $0xffff;
	v35 =	vor.u32 $0x24, v16  }
0x20b: {  	v32 =	vld.idx.msk [tilespmem:v41+s17+$0x0], $0xffff;
	v0 =	vand.u32 $0x7FFFFFFF, v0;
	v5 =	vadd.f32 v5, v9;
	v54 =	vadd.f32 v45, v33  }
0x20c: {  	v3 =	vadd.f32 v0, v3;
	v36 =	vor.u32 $0x25, v12;
	v55 =	vld.idx.msk [tilespmem:v1+s17+$0x0], $0xffff;
	v1 =	vadd.f32 v38, v58  }
0x20d: {  	v9 =	vld.idx.msk [tilespmem:v4+s28+$0x0], $0xffff;
	v5 =	vsub.f32 v5, v60;
	v45 =	vsub.f32 v54, v43;
	v54 =	vor.u32 $0x26, v12  }
0x20e: {  	v2 =	vor.u32 $0x24, v15;
	v60 =	vsub.f32 v31, v57;
	v57 =	vadd.f32 v38, v61;
	v38 =	vld [tilespmem:$0x1FDF0]  }
0x20f: {  	v0 =	vor.u32 $0x25, v13;
	v18 =	vld.idx.msk [tilespmem:v35+s18+$0x0], $0xffff;
	v35 =	vadd.f32 v19, v44;
	v41 =	vand.u32 $0x7FFFFFFF, v5  }
0x210: {  	v3 =	vadd.f32 v41, v3;
	v41 =	vand.u32 $0x7FFFFFFF, v45;
	v45 =	vand.u32 $0x7FFFFFFF, v60;
	v60 =	vld [tilespmem:$0x1FE00]  }
0x211: {  	v31 =	vld.idx.msk [tilespmem:v36+s21+$0x0], $0xffff;
	v36 =	vor.u32 $0x25, v16  }
0x212: {  	v44 =	vadd.f32 v35, v56;
	v43 =	vsub.f32 v1, v63;
	v56 =	vld.idx.msk [tilespmem:v54+s21+$0x0], $0xffff;
	v54 =	vor.u32 $0x26, v16  }
0x213: {  	v27 =	vadd.f32 v41, v27;
	v41 =	vsub.f32 v57, v38;
	v38 =	vld [tilespmem:$0x1FE10]  }
0x214: {  	v22 =	vmul.f32 $5.000000000e-01, v22;
	[tilespmem:$0x1FF50] =	vst v9;
	v9 =	vld.idx.msk [tilespmem:v2+s18+$0x0], $0xffff  }
0x215: {  	v33 =	vld.idx.msk [tilespmem:v0+s25+$0x0], $0xffff;
	v29 =	vand.u32 $0x7FFFFFFF, v43;
	v43 =	vadd.f32 v20, v28;
	v35 =	vadd.f32 v35, v60  }
0x216: {  	v34 =	vor.u32 $0x22, v10;
	v3 =	vadd.f32 v45, v3;
	v27 =	vadd.f32 v29, v27;
	v19 =	vld.idx.msk [tilespmem:v36+s18+$0x0], $0xffff  }
0x217: {  	v29 =	vand.u32 $0x7FFFFFFF, v41;
	v35 =	vsub.f32 v35, v42;
	v20 =	vld.idx.msk [tilespmem:v54+s18+$0x0], $0xffff;
	v54 =	vmul.f32 $5.000000000e-01, v43  }
0x218: {  	v36 =	vor.u32 $0x26, v11;
	v3 =	vadd.f32 v29, v3;
	v41 =	vsub.f32 v44, v38;
	v44 =	vld [tilespmem:$0x1FE30]  }
0x219: {  	v4 =	vor.u32 $0x25, v10;
	v29 =	vand.u32 $0x7FFFFFFF, v35;
	v42 =	vadd.f32 v54, v47;
	v47 =	vld [tilespmem:$0x1FE50]  }
0x21a: {  	v2 =	vor.u32 $0x25, v14;
	v28 =	vand.u32 $0x7FFFFFFF, v41;
	v6 =	vadd.f32 v29, v3;
	v29 =	vld [tilespmem:$0x1FE40]  }
0x21b: {  	v0 =	vadd.f32 v22, v49;
	v5 =	vor.u32 $0x25, v11;
	v27 =	vadd.f32 v28, v27;
	v28 =	vld [tilespmem:$0x1FE60]  }
0x21c: {  	v34 =	vld.idx.msk [tilespmem:v34+s23+$0x0], $0xffff  }
0x21d: {  	v60 =	vld.idx.msk [tilespmem:v36+s28+$0x0], $0xffff;
	v36 =	vor.u32 $0x27, v10;
	v35 =	vadd.f32 v0, v44  }
0x21e: {  	v7 =	vadd.f32 v7, v25;
	v58 =	vld.idx.msk [tilespmem:v4+s23+$0x0], $0xffff;
	v0 =	vadd.f32 v0, v47  }
0x21f: {  	v4 =	vor.u32 $0x25, v15;
	v61 =	vld.idx.msk [tilespmem:v2+s17+$0x0], $0xffff;
	v35 =	vsub.f32 v35, v29  }
0x220: {  	v7 =	vmul.f32 $5.000000000e-01, v7;
	v2 =	vor.u32 $0x26, v13;
	v63 =	vld.idx.msk [tilespmem:v5+s28+$0x0], $0xffff;
	v0 =	vsub.f32 v0, v28  }
0x221: {  	v26 =	vadd.f32 v26, v30;
	v5 =	vor.u32 $0x26, v10;
	v3 =	vand.u32 $0x7FFFFFFF, v35;
	v35 =	vld [tilespmem:$0x1FE70]  }
0x222: {  	v54 =	vld.idx.msk [tilespmem:v36+s23+$0x0], $0xffff;
	v36 =	vor.u32 $0x27, v15;
	v29 =	vadd.f32 v42, v50;
	v0 =	vand.u32 $0x7FFFFFFF, v0  }
0x223: {  	v50 =	vor.u32 $0x28, v10;
	v0 =	vadd.f32 v0, v6;
	v6 =	vadd.f32 v7, v46;
	v7 =	vld [tilespmem:$0x1FE80]  }
0x224: {  	v8 =	vld.idx.msk [tilespmem:v4+s18+$0x0], $0xffff  }
0x225: {  	v26 =	vmul.f32 $5.000000000e-01, v26;
	v4 =	vor.u32 $0x26, v14;
	v57 =	vld.idx.msk [tilespmem:v2+s25+$0x0], $0xffff  }
0x226: {  	v2 =	vor.u32 $0x27, v12;
	v45 =	vld.idx.msk [tilespmem:v5+s23+$0x0], $0xffff;
	v42 =	vadd.f32 v42, v52;
	v1 =	vsub.f32 v29, v35  }
0x227: {  	v5 =	vor.u32 $0x26, v15;
	v3 =	vadd.f32 v3, v27;
	v27 =	vld.idx.msk [tilespmem:v36+s18+$0x0], $0xffff  }
0x228: {  	v52 =	vld.idx.msk [tilespmem:v50+s23+$0x0], $0xffff;
	v50 =	vadd.f32 v26, v62;
	v7 =	vsub.f32 v42, v7;
	v1 =	vand.u32 $0x7FFFFFFF, v1  }
0x229: {  	v36 =	vor.u32 $0x29, v13;
	v62 =	vld [tilespmem:$0x1FEA0];
	v1 =	vadd.f32 v1, v3;
	v3 =	vadd.f32 v6, v48  }
0x22a: {  	v49 =	vld.idx.msk [tilespmem:v4+s17+$0x0], $0xffff  }
0x22b: {  	v41 =	vld.idx.msk [tilespmem:v2+s21+$0x0], $0xffff;
	v47 =	vor.u32 $0x28, v14;
	v7 =	vand.u32 $0x7FFFFFFF, v7;
	v3 =	vsub.f32 v3, v53  }
0x22c: {  	v0 =	vadd.f32 v7, v0;
	v7 =	vld [tilespmem:$0x1FE90]  }
0x22d: {  	v22 =	vld.idx.msk [tilespmem:v5+s18+$0x0], $0xffff;
	v42 =	vor.u32 $0x28, v15;
	v3 =	vand.u32 $0x7FFFFFFF, v3  }
0x22e: {  	v2 =	vor.u32 $0x27, v16;
	v1 =	vadd.f32 v3, v1;
	v3 =	vadd.f32 v50, v62;
	v62 =	vld.idx.msk [tilespmem:v36+s25+$0x0], $0xffff  }
0x22f: {  	v6 =	vadd.f32 v6, v59;
	v36 =	vld [tilespmem:$0x1FEB0]  }
0x230: {  	v4 =	vor.u32 $0x27, v13;
	v25 =	vld.idx.msk [tilespmem:v47+s17+$0x0], $0xffff  }
0x231: {  	v21 =	vadd.f32 v21, v23;
	v5 =	vor.u32 $0x27, v14;
	v47 =	vld [tilespmem:$0x1FED0];
	v6 =	vsub.f32 v6, v7  }
0x232: {  	v59 =	vld.idx.msk [tilespmem:v42+s18+$0x0], $0xffff;
	v42 =	vadd.f32 v50, v37  }
0x233: {  	v21 =	vmul.f32 $5.000000000e-01, v21;
	v29 =	vld.idx.msk [tilespmem:v2+s18+$0x0], $0xffff;
	v6 =	vand.u32 $0x7FFFFFFF, v6  }
0x234: {  	v38 =	vor.u32 $0x27, v11;
	v2 =	vadd.f32 v6, v0;
	v6 =	vsub.f32 v42, v36;
	v42 =	vld [tilespmem:$0x1FEC0]  }
0x235: {  	v21 =	vadd.f32 v21, v51;
	v43 =	vld.idx.msk [tilespmem:v4+s25+$0x0], $0xffff;
	v4 =	vor.u32 $0x28, v12  }
0x236: {  	v17 =	vadd.f32 v17, v24;
	v28 =	vld.idx.msk [tilespmem:v5+s17+$0x0], $0xffff;
	v5 =	vor.u32 $0x28, v13  }
0x237: {  	v36 =	vadd.f32 v21, v47  }
0x238: {  	v23 =	vor.u32 $0x29, v14;
	v51 =	vor.u32 $0x2A, v10;
	v17 =	vmul.f32 $5.000000000e-01, v17  }
0x239: {  	v44 =	vld.idx.msk [tilespmem:v38+s28+$0x0], $0xffff;
	v6 =	vand.u32 $0x7FFFFFFF, v6;
	v34 =	vsub.f32 v36, v34;
	v3 =	vsub.f32 v3, v42  }
0x23a: {  	v17 =	vadd.f32 v17, v32;
	v46 =	vld.idx.msk [tilespmem:v4+s21+$0x0], $0xffff;
	v1 =	vadd.f32 v6, v1  }
0x23b: {  	v48 =	vld.idx.msk [tilespmem:v5+s25+$0x0], $0xffff;
	v5 =	vor.u32 $0x29, v12;
	v32 =	vand.u32 $0x7FFFFFFF, v34;
	v3 =	vand.u32 $0x7FFFFFFF, v3  }
0x23c: {  	v2 =	vadd.f32 v3, v2;
	v3 =	vadd.f32 v32, v1;
	v32 =	vld [tilespmem:$0x1FF00]  }
0x23d: {  	v4 =	vor.u32 $0x28, v16;
	v7 =	vld.idx.msk [tilespmem:v23+s17+$0x0], $0xffff  }
0x23e: {  	v42 =	vld.idx.msk [tilespmem:v51+s23+$0x0], $0xffff  }
0x23f: {  	v23 =	vor.u32 $0x2A, v13;
	v51 =	vld [tilespmem:$0x1FEE0]  }
0x240: {  	v9 =	vadd.f32 v9, v18;
	v30 =	vld.idx.msk [tilespmem:v5+s21+$0x0], $0xffff;
	v5 =	vor.u32 $0x29, v16  }
0x241: {  	v18 =	vadd.f32 v17, v32;
	v17 =	vadd.f32 v17, v39;
	v39 =	vld [tilespmem:$0x1FF10]  }
0x242: {  	v38 =	vor.u32 $0x28, v11;
	v53 =	vld.idx.msk [tilespmem:v4+s18+$0x0], $0xffff  }
0x243: {  	v24 =	vor.u32 $0x2A, v14;
	v34 =	vld [tilespmem:$0x1FEF0]  }
0x244: {  	v21 =	vadd.f32 v21, v51;
	v51 =	vld.idx.msk [tilespmem:v23+s25+$0x0], $0xffff;
	v23 =	vor.u32 $0x2B, v12  }
0x245: {  	v4 =	vor.u32 $0x29, v11;
	v47 =	vld.idx.msk [tilespmem:v5+s18+$0x0], $0xffff  }
0x246: {  	v5 =	vor.u32 $0x2A, v11;
	v18 =	vsub.f32 v18, v39;
	v39 =	vld [tilespmem:$0x1FF20]  }
0x247: {  	v38 =	vld.idx.msk [tilespmem:v38+s28+$0x0], $0xffff;
	v0 =	vor.u32 $0x2A, v15  }
0x248: {  	v21 =	vsub.f32 v21, v34;
	v34 =	vld.idx.msk [tilespmem:v24+s17+$0x0], $0xffff;
	v24 =	vor.u32 $0x2B, v13  }
0x249: {  	v32 =	vld.idx.msk [tilespmem:v23+s21+$0x0], $0xffff;
	v23 =	vor.u32 $0x2B, v16  }
0x24a: {  	v37 =	vld.idx.msk [tilespmem:v4+s28+$0x0], $0xffff  }
0x24b: {  	v26 =	vor.u32 $0x29, v15;
	v36 =	vld.idx.msk [tilespmem:v5+s28+$0x0], $0xffff;
	v21 =	vand.u32 $0x7FFFFFFF, v21;
	v17 =	vsub.f32 v17, v39  }
0x24c: {  	v35 =	vor.u32 $0x29, v10;
	v4 =	vld.idx.msk [tilespmem:v0+s18+$0x0], $0xffff;
	v2 =	vadd.f32 v21, v2  }
0x24d: {  	v50 =	vor.u32 $0x2A, v12;
	v21 =	vld.idx.msk [tilespmem:v24+s25+$0x0], $0xffff;
	v24 =	vand.u32 $0x7FFFFFFF, v17  }
0x24e: {  	v9 =	vmul.f32 $5.000000000e-01, v9;
	v0 =	vor.u32 $0x2B, v14;
	v2 =	vadd.f32 v24, v2;
	v24 =	vld.idx.msk [tilespmem:v23+s18+$0x0], $0xffff  }
0x24f: {  	v5 =	vor.u32 $0x2B, v10;
	v23 =	vld [tilespmem:$0x1FF30]  }
0x250: {  	v9 =	vadd.f32 v9, v55;
	v26 =	vld.idx.msk [tilespmem:v26+s18+$0x0], $0xffff  }
0x251: {  	v35 =	vld.idx.msk [tilespmem:v35+s23+$0x0], $0xffff;
	v1 =	vor.u32 $0x2B, v11  }
0x252: {  	v55 =	vadd.f32 v9, v40;
	v6 =	vld.idx.msk [tilespmem:v50+s21+$0x0], $0xffff  }
0x253: {  	v50 =	vor.u32 $0x2A, v16;
	v40 =	vld.idx.msk [tilespmem:v0+s17+$0x0], $0xffff  }
0x254: {  	v18 =	vand.u32 $0x7FFFFFFF, v18;
	v39 =	vld.idx.msk [tilespmem:v5+s23+$0x0], $0xffff;
	v5 =	vor.u32 $0x2B, v15;
	v23 =	vsub.f32 v55, v23  }
0x255: {  	v8 =	vadd.f32 v8, v19;
	v19 =	vor.u32 $0x2C, v12;
	v3 =	vadd.f32 v18, v3;
	v55 =	vld [tilespmem:$0x1FF40]  }
0x256: {  	v22 =	vadd.f32 v22, v20;
	v17 =	vld.idx.msk [tilespmem:v1+s28+$0x0], $0xffff;
	v1 =	vor.u32 $0x2C, v10;
	v20 =	vand.u32 $0x7FFFFFFF, v23  }
0x257: {  	v8 =	vmul.f32 $5.000000000e-01, v8;
	v0 =	vor.u32 $0x2C, v13;
	v3 =	vadd.f32 v20, v3;
	v20 =	vld [tilespmem:$0x1FF50]  }
0x258: {  	v50 =	vld.idx.msk [tilespmem:v50+s18+$0x0], $0xffff;
	v18 =	vor.u32 $0x2C, v11  }
0x259: {  	v61 =	vadd.f32 v8, v61;
	v8 =	vor.u32 $0x2C, v14;
	v27 =	vadd.f32 v27, v29;
	v5 =	vld.idx.msk [tilespmem:v5+s18+$0x0], $0xffff  }
0x25a: {  	v22 =	vmul.f32 $5.000000000e-01, v22;
	v9 =	vadd.f32 v9, v55;
	v55 =	vld.idx.msk [tilespmem:v19+s21+$0x0], $0xffff;
	v19 =	vor.u32 $0x2C, v16  }
0x25b: {  	v27 =	vmul.f32 $5.000000000e-01, v27;
	v1 =	vld.idx.msk [tilespmem:v1+s23+$0x0], $0xffff;
	v23 =	vadd.f32 v61, v31;
	v31 =	vor.u32 $0x2C, v15  }
0x25c: {  	v29 =	vor.u32 $0x2D, v15;
	v9 =	vsub.f32 v9, v20;
	v20 =	vld.idx.msk [tilespmem:v0+s25+$0x0], $0xffff;
	v0 =	vor.u32 $0x2D, v12  }
0x25d: {  	v27 =	vadd.f32 v27, v28;
	v23 =	vsub.f32 v23, v58;
	v58 =	vld.idx.msk [tilespmem:v18+s28+$0x0], $0xffff;
	v18 =	vor.u32 $0x2D, v10  }
0x25e: {  	v61 =	vadd.f32 v61, v33;
	v33 =	vld.idx.msk [tilespmem:v8+s17+$0x0], $0xffff;
	v8 =	vor.u32 $0x2D, v13;
	v9 =	vand.u32 $0x7FFFFFFF, v9  }
0x25f: {  	v2 =	vadd.f32 v9, v2;
	v9 =	vadd.f32 v22, v49;
	v49 =	vld.idx.msk [tilespmem:v19+s18+$0x0], $0xffff;
	v22 =	vor.u32 $0x2D, v11  }
0x260: {  	v19 =	vand.u32 $0x7FFFFFFF, v23;
	v23 =	vsub.f32 v61, v63;
	v61 =	vld.idx.msk [tilespmem:v31+s18+$0x0], $0xffff;
	v63 =	vor.u32 $0x2D, v14  }
0x261: {  	v41 =	vadd.f32 v27, v41;
	v27 =	vadd.f32 v27, v43;
	v31 =	vld.idx.msk [tilespmem:v0+s21+$0x0], $0xffff;
	v0 =	vor.u32 $0x2D, v16  }
0x262: {  	v3 =	vadd.f32 v19, v3;
	v19 =	vld.idx.msk [tilespmem:v18+s23+$0x0], $0xffff;
	v56 =	vadd.f32 v9, v56;
	v23 =	vand.u32 $0x7FFFFFFF, v23  }
0x263: {  	v18 =	vld.idx.msk [tilespmem:v8+s25+$0x0], $0xffff;
	v8 =	vor.u32 $0x2E, v12;
	v2 =	vadd.f32 v23, v2;
	v23 =	vadd.f32 v9, v57  }
0x264: {  	v26 =	vadd.f32 v26, v47;
	v47 =	vor.u32 $0x2F, v10;
	v45 =	vsub.f32 v56, v45;
	v9 =	vld.idx.msk [tilespmem:v22+s28+$0x0], $0xffff  }
0x265: {  	v57 =	vor.u32 $0x2E, v13;
	v22 =	vor.u32 $0x2E, v10;
	v56 =	vld.idx.msk [tilespmem:v63+s17+$0x0], $0xffff;
	v23 =	vsub.f32 v23, v60  }
0x266: {  	v60 =	vadd.f32 v59, v53;
	v53 =	vor.u32 $0x2E, v11;
	v45 =	vand.u32 $0x7FFFFFFF, v45;
	v0 =	vld.idx.msk [tilespmem:v0+s18+$0x0], $0xffff  }
0x267: {  	v59 =	vor.u32 $0x2E, v14;
	v63 =	vsub.f32 v41, v54;
	v3 =	vadd.f32 v45, v3;
	v45 =	vld.idx.msk [tilespmem:v29+s18+$0x0], $0xffff  }
0x268: {  	v23 =	vand.u32 $0x7FFFFFFF, v23;
	v60 =	vmul.f32 $5.000000000e-01, v60;
	v29 =	vld.idx.msk [tilespmem:v8+s21+$0x0], $0xffff;
	v8 =	vor.u32 $0x2E, v16  }
0x269: {  	v2 =	vadd.f32 v23, v2;
	v23 =	vand.u32 $0x7FFFFFFF, v63;
	v63 =	vmul.f32 $5.000000000e-01, v26;
	v26 =	vld.idx.msk [tilespmem:v47+s23+$0x0], $0xffff  }
0x26a: {  	v47 =	vor.u32 $0x2F, v15;
	v43 =	vadd.f32 v60, v25;
	v25 =	vld.idx.msk [tilespmem:v57+s25+$0x0], $0xffff  }
0x26b: {  	v27 =	vsub.f32 v27, v44;
	v57 =	vor.u32 $0x2F, v11;
	v28 =	vld.idx.msk [tilespmem:v22+s23+$0x0], $0xffff  }
0x26c: {  	v50 =	vadd.f32 v4, v50;
	v54 =	vor.u32 $0x2F, v12;
	v22 =	vor.u32 $0x2E, v15;
	v41 =	vld.idx.msk [tilespmem:v53+s28+$0x0], $0xffff  }
0x26d: {  	v60 =	vadd.f32 v43, v46;
	v46 =	vld.idx.msk [tilespmem:v59+s17+$0x0], $0xffff;
	v59 =	vand.u32 $0x7FFFFFFF, v27;
	v43 =	vadd.f32 v43, v48  }
0x26e: {  	v53 =	vor.u32 $0x2F, v13;
	v7 =	vadd.f32 v63, v7;
	v8 =	vld.idx.msk [tilespmem:v8+s18+$0x0], $0xffff;
	v2 =	vadd.f32 v59, v2  }
0x26f: {  	v60 =	vsub.f32 v60, v52;
	v52 =	vor.u32 $0x2F, v14;
	v59 =	vsub.f32 v43, v38;
	v43 =	vld.idx.msk [tilespmem:v47+s18+$0x0], $0xffff  }
0x270: {  	v24 =	vadd.f32 v5, v24;
	v3 =	vadd.f32 v23, v3;
	v23 =	vor.u32 $0x2F, v16;
	v4 =	vld.idx.msk [tilespmem:v57+s28+$0x0], $0xffff  }
0x271: {  	v63 =	vadd.f32 v7, v30;
	v7 =	vadd.f32 v7, v62;
	v38 =	vor.u32 $0x30, v10;
	v44 =	vld.idx.msk [tilespmem:v22+s18+$0x0], $0xffff  }
0x272: {  	v47 =	vor.u32 $0x30, v14;
	v22 =	vld.idx.msk [tilespmem:v54+s21+$0x0], $0xffff;
	v27 =	vand.u32 $0x7FFFFFFF, v60;
	v60 =	vmul.f32 $5.000000000e-01, v50  }
0x273: {  	v24 =	vmul.f32 $5.000000000e-01, v24;
	v35 =	vsub.f32 v63, v35;
	v57 =	vor.u32 $0x30, v16;
	v30 =	vld.idx.msk [tilespmem:v53+s25+$0x0], $0xffff  }
0x274: {  	v7 =	vsub.f32 v7, v37;
	v53 =	vor.u32 $0x30, v12;
	v34 =	vadd.f32 v60, v34;
	v48 =	vld.idx.msk [tilespmem:v52+s17+$0x0], $0xffff  }
0x275: {  	v50 =	vor.u32 $0x30, v13;
	v54 =	vor.u32 $0x30, v11;
	v3 =	vadd.f32 v27, v3;
	v52 =	vld.idx.msk [tilespmem:v23+s18+$0x0], $0xffff  }
0x276: {  	v27 =	vand.u32 $0x7FFFFFFF, v59;
	v63 =	vand.u32 $0x7FFFFFFF, v35;
	v59 =	vadd.f32 v34, v6;
	v6 =	vld.idx.msk [tilespmem:v38+s23+$0x0], $0xffff  }
0x277: {  	v62 =	vor.u32 $0x31, v12;
	v3 =	vadd.f32 v63, v3;
	v63 =	vadd.f32 v34, v51;
	v34 =	vld.idx.msk [tilespmem:v47+s17+$0x0], $0xffff  }
0x278: {  	v40 =	vadd.f32 v24, v40;
	v27 =	vadd.f32 v27, v2;
	v60 =	vor.u32 $0x30, v15;
	v35 =	vld.idx.msk [tilespmem:v57+s18+$0x0], $0xffff  }
0x279: {  	v7 =	vand.u32 $0x7FFFFFFF, v7;
	v51 =	vor.u32 $0x31, v11;
	v23 =	vld.idx.msk [tilespmem:v53+s21+$0x0], $0xffff  }
0x27a: {  	v21 =	vadd.f32 v40, v21;
	v7 =	vadd.f32 v7, v27;
	v2 =	vld.idx.msk [tilespmem:v54+s28+$0x0], $0xffff;
	v54 =	vor.u32 $0x31, v13  }
0x27b: {  	v5 =	vld.idx.msk [tilespmem:v50+s25+$0x0], $0xffff;
	v37 =	vsub.f32 v59, v42;
	v42 =	vor.u32 $0x31, v10;
	v57 =	vsub.f32 v63, v36  }
0x27c: {  	v59 =	vadd.f32 v61, v49;
	v61 =	vadd.f32 v40, v32;
	v32 =	vld.idx.msk [tilespmem:v62+s21+$0x0], $0xffff;
	v62 =	vor.u32 $0x31, v16  }
0x27d: {  	v53 =	vor.u32 $0x31, v15;
	v36 =	vld.idx.msk [tilespmem:v60+s18+$0x0], $0xffff;
	v60 =	vor.u32 $0x31, v14;
	v37 =	vand.u32 $0x7FFFFFFF, v37  }
0x27e: {  	v24 =	vand.u32 $0x7FFFFFFF, v57;
	v63 =	vmul.f32 $5.000000000e-01, v59;
	v37 =	vadd.f32 v37, v3;
	v3 =	vld.idx.msk [tilespmem:v51+s28+$0x0], $0xffff  }
0x27f: {  	v39 =	vsub.f32 v61, v39;
	v57 =	vor.u32 $0x32, v10;
	v7 =	vadd.f32 v24, v7;
	v24 =	vld.idx.msk [tilespmem:v54+s25+$0x0], $0xffff  }
0x280: {  	v17 =	vsub.f32 v21, v17;
	v0 =	vadd.f32 v45, v0;
	v59 =	vor.u32 $0x32, v13;
	v27 =	vld.idx.msk [tilespmem:v42+s23+$0x0], $0xffff  }
0x281: {  	v54 =	vor.u32 $0x32, v12;
	v33 =	vadd.f32 v63, v33;
	v39 =	vand.u32 $0x7FFFFFFF, v39;
	v49 =	vld.idx.msk [tilespmem:v62+s18+$0x0], $0xffff  }
0x282: {  	v8 =	vadd.f32 v44, v8;
	v61 =	vor.u32 $0x32, v11;
	v37 =	vadd.f32 v39, v37;
	v39 =	vld.idx.msk [tilespmem:v53+s18+$0x0], $0xffff  }
0x283: {  	v17 =	vand.u32 $0x7FFFFFFF, v17;
	v62 =	vor.u32 $0x32, v14;
	v38 =	vld.idx.msk [tilespmem:v60+s17+$0x0], $0xffff;
	v60 =	vadd.f32 v33, v55  }
0x284: {  	v0 =	vmul.f32 $5.000000000e-01, v0;
	v8 =	vmul.f32 $5.000000000e-01, v8;
	v55 =	vor.u32 $0x32, v15;
	v40 =	vld.idx.msk [tilespmem:v57+s23+$0x0], $0xffff  }
0x285: {  	v63 =	vor.u32 $0x32, v16;
	v20 =	vadd.f32 v33, v20;
	v33 =	vld.idx.msk [tilespmem:v59+s25+$0x0], $0xffff;
	v1 =	vsub.f32 v60, v1  }
0x286: {  	v43 =	vadd.f32 v43, v52;
	v57 =	vor.u32 $0x33, v10;
	v21 =	vld.idx.msk [tilespmem:v54+s21+$0x0], $0xffff;
	v54 =	vadd.f32 v0, v56  }
0x287: {  	v20 =	vsub.f32 v20, v58;
	v58 =	vor.u32 $0x33, v13;
	v0 =	vld.idx.msk [tilespmem:v61+s28+$0x0], $0xffff;
	v1 =	vand.u32 $0x7FFFFFFF, v1  }
0x288: {  	v60 =	vor.u32 $0x33, v14;
	v31 =	vadd.f32 v54, v31;
	v1 =	vadd.f32 v1, v37;
	v37 =	vld.idx.msk [tilespmem:v62+s17+$0x0], $0xffff  }
0x289: {  	v7 =	vadd.f32 v17, v7;
	v56 =	vor.u32 $0x33, v12;
	v17 =	vadd.f32 v54, v18;
	v18 =	vld.idx.msk [tilespmem:v55+s18+$0x0], $0xffff  }
0x28a: {  	v8 =	vadd.f32 v8, v46;
	v59 =	vor.u32 $0x33, v11;
	v19 =	vsub.f32 v31, v19;
	v31 =	vld.idx.msk [tilespmem:v63+s18+$0x0], $0xffff  }
0x28b: {  	v52 =	vor.u32 $0x34, v10;
	v61 =	vor.u32 $0x33, v16;
	v9 =	vsub.f32 v17, v9;
	v17 =	vld.idx.msk [tilespmem:v57+s23+$0x0], $0xffff  }
0x28c: {  	v29 =	vadd.f32 v8, v29;
	v53 =	vmul.f32 $5.000000000e-01, v43;
	v62 =	vor.u32 $0x33, v15;
	v42 =	vld.idx.msk [tilespmem:v58+s25+$0x0], $0xffff  }
0x28d: {  	v8 =	vadd.f32 v8, v25;
	v20 =	vand.u32 $0x7FFFFFFF, v20;
	v54 =	vor.u32 $0x34, v13;
	v43 =	vld.idx.msk [tilespmem:v60+s17+$0x0], $0xffff  }
0x28e: {  	v7 =	vadd.f32 v20, v7;
	v63 =	vor.u32 $0x34, v12;
	v20 =	vld.idx.msk [tilespmem:v56+s21+$0x0], $0xffff;
	v19 =	vand.u32 $0x7FFFFFFF, v19  }
0x28f: {  	v35 =	vadd.f32 v36, v35;
	v9 =	vand.u32 $0x7FFFFFFF, v9;
	v1 =	vadd.f32 v19, v1;
	v19 =	vld.idx.msk [tilespmem:v59+s28+$0x0], $0xffff  }
0x290: {  	v28 =	vsub.f32 v29, v28;
	v55 =	vor.u32 $0x34, v11;
	v7 =	vadd.f32 v9, v7;
	v9 =	vld.idx.msk [tilespmem:v61+s18+$0x0], $0xffff  }
0x291: {  	v29 =	vadd.f32 v53, v48;
	v8 =	vsub.f32 v8, v41;
	v57 =	vor.u32 $0x34, v16;
	v44 =	vld.idx.msk [tilespmem:v62+s18+$0x0], $0xffff  }
0x292: {  	v35 =	vmul.f32 $5.000000000e-01, v35;
	v28 =	vand.u32 $0x7FFFFFFF, v28;
	v58 =	vor.u32 $0x34, v15;
	v47 =	vld.idx.msk [tilespmem:v54+s25+$0x0], $0xffff  }
0x293: {  	v22 =	vadd.f32 v29, v22;
	v8 =	vand.u32 $0x7FFFFFFF, v8;
	v56 =	vor.u32 $0x34, v14;
	v36 =	vld.idx.msk [tilespmem:v63+s21+$0x0], $0xffff  }
0x294: {  	v60 =	vor.u32 $0x35, v10;
	v62 =	vadd.f32 v35, v34;
	v1 =	vadd.f32 v28, v1;
	v28 =	vld.idx.msk [tilespmem:v52+s23+$0x0], $0xffff  }
0x295: {  	v59 =	vor.u32 $0x35, v12;
	v7 =	vadd.f32 v8, v7;
	v8 =	vsub.f32 v22, v26;
	v22 =	vld.idx.msk [tilespmem:v55+s28+$0x0], $0xffff  }
0x296: {  	v50 =	vadd.f32 v39, v49;
	v61 =	vadd.f32 v29, v30;
	v54 =	vor.u32 $0x35, v14;
	v51 =	vld.idx.msk [tilespmem:v57+s18+$0x0], $0xffff  }
0x297: {  	v63 =	vor.u32 $0x35, v13;
	v52 =	vor.u32 $0x35, v11;
	v23 =	vadd.f32 v62, v23;
	v53 =	vld.idx.msk [tilespmem:v58+s18+$0x0], $0xffff  }
0x298: {  	v4 =	vsub.f32 v61, v4;
	v55 =	vor.u32 $0x35, v16;
	v5 =	vadd.f32 v62, v5;
	v30 =	vld.idx.msk [tilespmem:v56+s17+$0x0], $0xffff  }
0x299: {  	v58 =	vor.u32 $0x36, v10;
	v8 =	vand.u32 $0x7FFFFFFF, v8;
	v6 =	vsub.f32 v23, v6;
	v23 =	vld.idx.msk [tilespmem:v60+s23+$0x0], $0xffff  }
0x29a: {  	v18 =	vadd.f32 v18, v31;
	v1 =	vadd.f32 v8, v1;
	v8 =	vmul.f32 $5.000000000e-01, v50;
	v35 =	vld.idx.msk [tilespmem:v59+s21+$0x0], $0xffff  }
0x29b: {  	v61 =	vor.u32 $0x36, v16;
	v4 =	vand.u32 $0x7FFFFFFF, v4;
	v2 =	vsub.f32 v5, v2;
	v31 =	vld.idx.msk [tilespmem:v54+s17+$0x0], $0xffff  }
0x29c: {  	v56 =	vor.u32 $0x35, v15;
	v4 =	vadd.f32 v4, v7;
	v7 =	vadd.f32 v8, v38;
	v8 =	vld.idx.msk [tilespmem:v63+s25+$0x0], $0xffff  }
0x29d: {  	v57 =	vor.u32 $0x36, v12;
	v18 =	vmul.f32 $5.000000000e-01, v18;
	v29 =	vld.idx.msk [tilespmem:v52+s28+$0x0], $0xffff  }
0x29e: {  	v62 =	vor.u32 $0x36, v15;
	v9 =	vadd.f32 v44, v9;
	v2 =	vand.u32 $0x7FFFFFFF, v2;
	v5 =	vld.idx.msk [tilespmem:v55+s18+$0x0], $0xffff  }
0x29f: {  	v44 =	vor.u32 $0x37, v10;
	v2 =	vadd.f32 v2, v4;
	v4 =	vadd.f32 v18, v37;
	v18 =	vld.idx.msk [tilespmem:v58+s23+$0x0], $0xffff  }
0x2a0: {  	v50 =	vor.u32 $0x37, v16;
	v6 =	vand.u32 $0x7FFFFFFF, v6;
	v34 =	vld.idx.msk [tilespmem:v61+s18+$0x0], $0xffff  }
0x2a1: {  	v45 =	vor.u32 $0x37, v13;
	v59 =	vor.u32 $0x36, v13;
	v1 =	vadd.f32 v6, v1;
	v25 =	vld.idx.msk [tilespmem:v56+s18+$0x0], $0xffff  }
0x2a2: {  	v46 =	vor.u32 $0x37, v11;
	v32 =	vadd.f32 v7, v32;
	v7 =	vadd.f32 v7, v24;
	v24 =	vld.idx.msk [tilespmem:v57+s21+$0x0], $0xffff  }
0x2a3: {  	v6 =	vor.u32 $0x36, v11;
	v21 =	vadd.f32 v4, v21;
	v48 =	vadd.f32 v4, v33;
	v4 =	vld.idx.msk [tilespmem:v62+s18+$0x0], $0xffff  }
0x2a4: {  	v49 =	vor.u32 $0x37, v14;
	v39 =	vor.u32 $0x3B, v13;
	v63 =	vor.u32 $0x37, v12;
	v26 =	vld.idx.msk [tilespmem:v44+s23+$0x0], $0xffff  }
0x2a5: {  	v60 =	vor.u32 $0x36, v14;
	v9 =	vmul.f32 $5.000000000e-01, v9;
	v52 =	vor.u32 $0x37, v15;
	v57 =	vld.idx.msk [tilespmem:v50+s18+$0x0], $0xffff  }
0x2a6: {  	v51 =	vadd.f32 v53, v51;
	v53 =	vor.u32 $0x38, v12;
	v3 =	vsub.f32 v7, v3;
	v7 =	vld.idx.msk [tilespmem:v59+s25+$0x0], $0xffff  }
0x2a7: {  	v54 =	vor.u32 $0x38, v10;
	v58 =	vor.u32 $0x38, v11;
	v21 =	vsub.f32 v21, v40;
	v40 =	vld.idx.msk [tilespmem:v46+s28+$0x0], $0xffff  }
0x2a8: {  	v38 =	vor.u32 $0x3B, v10;
	v56 =	vor.u32 $0x38, v13;
	v9 =	vadd.f32 v9, v43;
	v6 =	vld.idx.msk [tilespmem:v6+s28+$0x0], $0xffff  }
0x2a9: {  	v62 =	vor.u32 $0x38, v16;
	v43 =	vor.u32 $0x39, v12;
	v44 =	vor.u32 $0x39, v10;
	v37 =	vld.idx.msk [tilespmem:v63+s21+$0x0], $0xffff  }
0x2aa: {  	v50 =	vor.u32 $0x39, v14;
	v27 =	vsub.f32 v32, v27;
	v20 =	vadd.f32 v9, v20;
	v59 =	vld.idx.msk [tilespmem:v52+s18+$0x0], $0xffff  }
0x2ab: {  	v0 =	vsub.f32 v48, v0;
	v9 =	vadd.f32 v9, v42;
	v42 =	vor.u32 $0x38, v15;
	v32 =	vld.idx.msk [tilespmem:v53+s21+$0x0], $0xffff  }
0x2ac: {  	v46 =	vor.u32 $0x39, v13;
	v48 =	vor.u32 $0x39, v11;
	v55 =	vsub.f32 v20, v17;
	v17 =	vld.idx.msk [tilespmem:v49+s17+$0x0], $0xffff  }
0x2ad: {  	v27 =	vand.u32 $0x7FFFFFFF, v27;
	v3 =	vand.u32 $0x7FFFFFFF, v3;
	v5 =	vadd.f32 v25, v5;
	v20 =	vld.idx.msk [tilespmem:v56+s25+$0x0], $0xffff  }
0x2ae: {  	v21 =	vand.u32 $0x7FFFFFFF, v21;
	v9 =	vsub.f32 v9, v19;
	v1 =	vadd.f32 v27, v1;
	v27 =	vld.idx.msk [tilespmem:v60+s17+$0x0], $0xffff  }
0x2af: {  	v0 =	vand.u32 $0x7FFFFFFF, v0;
	v2 =	vadd.f32 v3, v2;
	v4 =	vadd.f32 v4, v34;
	v34 =	vld.idx.msk [tilespmem:v39+s25+$0x0], $0xffff  }
0x2b0: {  	v3 =	vmul.f32 $5.000000000e-01, v51;
	v60 =	vor.u32 $0x38, v14;
	v63 =	vmul.f32 $5.000000000e-01, v5;
	v5 =	vld.idx.msk [tilespmem:v54+s23+$0x0], $0xffff  }
0x2b1: {  	v52 =	vor.u32 $0x39, v15;
	v1 =	vadd.f32 v21, v1;
	v21 =	vld.idx.msk [tilespmem:v45+s25+$0x0], $0xffff;
	v0 =	vadd.f32 v0, v2  }
0x2b2: {  	v51 =	vor.u32 $0x39, v16;
	v9 =	vand.u32 $0x7FFFFFFF, v9;
	v3 =	vadd.f32 v3, v30;
	v49 =	vld.idx.msk [tilespmem:v42+s18+$0x0], $0xffff  }
0x2b3: {  	v56 =	vor.u32 $0x3A, v13;
	v39 =	vor.u32 $0x3D, v11;
	v0 =	vadd.f32 v9, v0;
	v9 =	vld.idx.msk [tilespmem:v58+s28+$0x0], $0xffff  }
0x2b4: {  	v4 =	vmul.f32 $5.000000000e-01, v4;
	v61 =	vadd.f32 v3, v36;
	v3 =	vadd.f32 v3, v47;
	v47 =	vld.idx.msk [tilespmem:v62+s18+$0x0], $0xffff  }
0x2b5: {  	v54 =	vor.u32 $0x3A, v12;
	v2 =	vand.u32 $0x7FFFFFFF, v55;
	v55 =	vor.u32 $0x3A, v10;
	v45 =	vld.idx.msk [tilespmem:v60+s17+$0x0], $0xffff  }
0x2b6: {  	v42 =	vor.u32 $0x3B, v11;
	v25 =	vadd.f32 v59, v57;
	v53 =	vadd.f32 v4, v27;
	v4 =	vld.idx.msk [tilespmem:v46+s25+$0x0], $0xffff  }
0x2b7: {  	v1 =	vadd.f32 v2, v1;
	v2 =	vadd.f32 v63, v31;
	v58 =	vor.u32 $0x3A, v11;
	v57 =	vld.idx.msk [tilespmem:v51+s18+$0x0], $0xffff  }
0x2b8: {  	v63 =	vor.u32 $0x3A, v15;
	v36 =	vor.u32 $0x3B, v12;
	v59 =	vmul.f32 $5.000000000e-01, v25;
	v46 =	vld.idx.msk [tilespmem:v38+s23+$0x0], $0xffff  }
0x2b9: {  	v38 =	vor.u32 $0x3D, v13;
	v19 =	vsub.f32 v61, v28;
	v35 =	vadd.f32 v2, v35;
	v28 =	vld.idx.msk [tilespmem:v43+s21+$0x0], $0xffff  }
0x2ba: {  	v3 =	vsub.f32 v3, v22;
	v2 =	vadd.f32 v2, v8;
	v8 =	vld.idx.msk [tilespmem:v44+s23+$0x0], $0xffff;
	v61 =	vor.u32 $0x3A, v14  }
0x2bb: {  	v22 =	vld.idx.msk [tilespmem:v50+s17+$0x0], $0xffff;
	v43 =	vor.u32 $0x3B, v14;
	v44 =	vor.u32 $0x3B, v16;
	v50 =	vor.u32 $0x3C, v10  }
0x2bc: {  	v60 =	vld.idx.msk [tilespmem:v52+s18+$0x0], $0xffff;
	v24 =	vadd.f32 v53, v24;
	v62 =	vadd.f32 v53, v7;
	v7 =	vor.u32 $0x3A, v16  }
0x2bd: {  	v17 =	vadd.f32 v59, v17;
	v3 =	vand.u32 $0x7FFFFFFF, v3;
	v2 =	vsub.f32 v2, v29;
	v29 =	vld.idx.msk [tilespmem:v48+s28+$0x0], $0xffff  }
0x2be: {  	v53 =	vor.u32 $0x3C, v13;
	v59 =	vor.u32 $0x3C, v16;
	v0 =	vadd.f32 v3, v0;
	v3 =	vld.idx.msk [tilespmem:v54+s21+$0x0], $0xffff  }
0x2bf: {  	v19 =	vand.u32 $0x7FFFFFFF, v19;
	v23 =	vsub.f32 v35, v23;
	v18 =	vsub.f32 v24, v18;
	v24 =	vld.idx.msk [tilespmem:v55+s23+$0x0], $0xffff  }
0x2c0: {  	v48 =	vor.u32 $0x3C, v12;
	v37 =	vadd.f32 v17, v37;
	v17 =	vadd.f32 v17, v21;
	v21 =	vld.idx.msk [tilespmem:v58+s28+$0x0], $0xffff  }
0x2c1: {  	v35 =	vor.u32 $0x3D, v15;
	v1 =	vadd.f32 v19, v1;
	v19 =	vadd.f32 v49, v47;
	v27 =	vld.idx.msk [tilespmem:v63+s18+$0x0], $0xffff  }
0x2c2: {  	v47 =	vor.u32 $0x3B, v15;
	v49 =	vld.idx.msk [tilespmem:v42+s28+$0x0], $0xffff;
	v55 =	vor.u32 $0x3C, v11;
	v2 =	vand.u32 $0x7FFFFFFF, v2  }
0x2c3: {  	v23 =	vand.u32 $0x7FFFFFFF, v23;
	v0 =	vadd.f32 v2, v0;
	v2 =	vsub.f32 v62, v6;
	v6 =	vld.idx.msk [tilespmem:v56+s25+$0x0], $0xffff  }
0x2c4: {  	v63 =	vor.u32 $0x3D, v16;
	v1 =	vadd.f32 v23, v1;
	v18 =	vand.u32 $0x7FFFFFFF, v18;
	v31 =	vld.idx.msk [tilespmem:v61+s17+$0x0], $0xffff  }
0x2c5: {  	v41 =	vsub.f32 v37, v26;
	v17 =	vsub.f32 v17, v40;
	v19 =	vmul.f32 $5.000000000e-01, v19;
	v52 =	vld.idx.msk [tilespmem:v43+s17+$0x0], $0xffff  }
0x2c6: {  	v23 =	vadd.f32 v60, v57;
	v54 =	vld.idx.msk [tilespmem:v44+s18+$0x0], $0xffff;
	v57 =	vor.u32 $0x3C, v14;
	v60 =	vor.u32 $0x3C, v15  }
0x2c7: {  	v37 =	vor.u32 $0x3D, v10;
	v40 =	vor.u32 $0x3D, v14;
	v44 =	vor.u32 $0x3E, v12;
	v7 =	vld.idx.msk [tilespmem:v7+s18+$0x0], $0xffff  }
0x2c8: {  	v26 =	vld.idx.msk [tilespmem:v50+s23+$0x0], $0xffff;
	v50 =	vor.u32 $0x3E, v11;
	v1 =	vadd.f32 v18, v1;
	v2 =	vand.u32 $0x7FFFFFFF, v2  }
0x2c9: {  	v61 =	vld.idx.msk [tilespmem:v53+s25+$0x0], $0xffff;
	v45 =	vadd.f32 v19, v45;
	v0 =	vadd.f32 v2, v0;
	v2 =	vand.u32 $0x7FFFFFFF, v41  }
0x2ca: {  	v11 =	vor.u32 $0x3F, v11;
	v23 =	vmul.f32 $5.000000000e-01, v23;
	v56 =	vld.idx.msk [tilespmem:v47+s18+$0x0], $0xffff;
	v1 =	vadd.f32 v2, v1  }
0x2cb: {  	v18 =	vld.idx.msk [tilespmem:v36+s21+$0x0], $0xffff;
	v17 =	vand.u32 $0x7FFFFFFF, v17;
	v32 =	vadd.f32 v45, v32;
	v2 =	vadd.f32 v45, v20  }
0x2cc: {  	v58 =	vld.idx.msk [tilespmem:v48+s21+$0x0], $0xffff;
	v41 =	vor.u32 $0x3E, v16;
	v51 =	vadd.f32 v23, v22;
	v7 =	vadd.f32 v27, v7  }
0x2cd: {  	v36 =	vld.idx.msk [tilespmem:v59+s18+$0x0], $0xffff;
	v16 =	vor.u32 $0x3F, v16;
	v0 =	vadd.f32 v17, v0;
	v5 =	vsub.f32 v32, v5  }
0x2ce: {  	v62 =	vld.idx.msk [tilespmem:v55+s28+$0x0], $0xffff;
	v2 =	vsub.f32 v2, v9;
	v4 =	vadd.f32 v51, v4;
	v7 =	vmul.f32 $5.000000000e-01, v7  }
0x2cf: {  	v25 =	vld.idx.msk [tilespmem:v63+s18+$0x0], $0xffff;
	v28 =	vadd.f32 v51, v28;
	v5 =	vand.u32 $0x7FFFFFFF, v5;
	v9 =	vadd.f32 v56, v54  }
0x2d0: {  	v17 =	vld.idx.msk [tilespmem:v35+s18+$0x0], $0xffff;
	v2 =	vand.u32 $0x7FFFFFFF, v2;
	v4 =	vsub.f32 v4, v29;
	v7 =	vadd.f32 v7, v31  }
0x2d1: {  	v42 =	vld.idx.msk [tilespmem:v37+s23+$0x0], $0xffff;
	v8 =	vsub.f32 v28, v8;
	v0 =	vadd.f32 v2, v0;
	v9 =	vmul.f32 $5.000000000e-01, v9  }
0x2d2: {  	v4 =	vand.u32 $0x7FFFFFFF, v4;
	v3 =	vadd.f32 v7, v3;
	v6 =	vadd.f32 v7, v6;
	v7 =	vld.idx.msk [tilespmem:v60+s18+$0x0], $0xffff  }
0x2d3: {  	v43 =	vld.idx.msk [tilespmem:v40+s17+$0x0], $0xffff;
	v1 =	vadd.f32 v5, v1;
	v0 =	vadd.f32 v4, v0;
	v4 =	vor.u32 $0x3E, v15  }
0x2d4: {  	v28 =	vld.idx.msk [tilespmem:v38+s25+$0x0], $0xffff;
	v8 =	vand.u32 $0x7FFFFFFF, v8;
	v9 =	vadd.f32 v9, v52;
	v6 =	vsub.f32 v6, v21  }
0x2d5: {  	v51 =	vor.u32 $0x3F, v12;
	v22 =	vld.idx.msk [tilespmem:v41+s18+$0x0], $0xffff;
	v5 =	vor.u32 $0x3D, v12;
	v1 =	vadd.f32 v8, v1  }
0x2d6: {  	v8 =	vld.idx.msk [tilespmem:v57+s17+$0x0], $0xffff;
	v3 =	vsub.f32 v3, v24;
	v18 =	vadd.f32 v9, v18;
	v6 =	vand.u32 $0x7FFFFFFF, v6  }
0x2d7: {  	v16 =	vld.idx.msk [tilespmem:v16+s18+$0x0], $0xffff;
	v15 =	vor.u32 $0x3F, v15;
	v0 =	vadd.f32 v6, v0;
	v6 =	vadd.f32 v7, v36  }
0x2d8: {  	v47 =	vor.u32 $0x3E, v13;
	v18 =	vsub.f32 v18, v46;
	v46 =	vor.u32 $0x3E, v14;
	v4 =	vld.idx.msk [tilespmem:v4+s18+$0x0], $0xffff  }
0x2d9: {  	v54 =	vld.idx.msk [tilespmem:v50+s28+$0x0], $0xffff;
	v17 =	vadd.f32 v17, v25;
	v3 =	vand.u32 $0x7FFFFFFF, v3;
	v6 =	vmul.f32 $5.000000000e-01, v6  }
0x2da: {  	v5 =	vld.idx.msk [tilespmem:v5+s21+$0x0], $0xffff;
	v9 =	vadd.f32 v9, v34;
	v14 =	vor.u32 $0x3F, v14;
	v1 =	vadd.f32 v3, v1  }
0x2db: {  	v55 =	vld.idx.msk [tilespmem:v51+s21+$0x0], $0xffff;
	v18 =	vand.u32 $0x7FFFFFFF, v18;
	v6 =	vadd.f32 v6, v8;
	v8 =	vmul.f32 $5.000000000e-01, v17  }
0x2dc: {  	v13 =	vor.u32 $0x3F, v13;
	v9 =	vsub.f32 v9, v49;
	v15 =	vld.idx.msk [tilespmem:v15+s18+$0x0], $0xffff;
	v1 =	vadd.f32 v18, v1  }
0x2dd: {  	v45 =	vor.u32 $0x3E, v10;
	v53 =	vld.idx.msk [tilespmem:v46+s17+$0x0], $0xffff;
	v4 =	vadd.f32 v4, v22;
	v8 =	vadd.f32 v8, v43  }
0x2de: {  	v49 =	vld.idx.msk [tilespmem:v44+s21+$0x0], $0xffff;
	v9 =	vand.u32 $0x7FFFFFFF, v9;
	v48 =	vadd.f32 v6, v58;
	v2 =	vadd.f32 v6, v61  }
0x2df: {  	v10 =	vor.u32 $0x3F, v10;
	v0 =	vadd.f32 v9, v0;
	v17 =	vld.idx.msk [tilespmem:v47+s25+$0x0], $0xffff;
	v5 =	vadd.f32 v8, v5  }
0x2e0: {  	v14 =	vld.idx.msk [tilespmem:v14+s17+$0x0], $0xffff;
	v4 =	vmul.f32 $5.000000000e-01, v4;
	v52 =	vsub.f32 v48, v26;
	v2 =	vsub.f32 v2, v62  }
0x2e1: {  	v7 =	vld.idx.msk [tilespmem:v39+s28+$0x0], $0xffff;
	v3 =	vsub.f32 v5, v42;
	v5 =	vadd.f32 v15, v16  }
0x2e2: {  	v6 =	vld.idx.msk [tilespmem:v45+s23+$0x0], $0xffff;
	v57 =	vadd.f32 v8, v28;
	v4 =	vadd.f32 v4, v53;
	v12 =	vand.u32 $0x7FFFFFFF, v52  }
0x2e3: {  	v56 =	vld.idx.msk [tilespmem:v13+s25+$0x0], $0xffff;
	v2 =	vand.u32 $0x7FFFFFFF, v2;
	v1 =	vadd.f32 v12, v1;
	v5 =	vmul.f32 $5.000000000e-01, v5  }
0x2e4: {  	v8 =	vld.idx.msk [tilespmem:v10+s23+$0x0], $0xffff;
	v0 =	vadd.f32 v2, v0;
	v58 =	vadd.f32 v4, v49  }
0x2e5: {  	v11 =	vld.idx.msk [tilespmem:v11+s28+$0x0], $0xffff;
	v4 =	vadd.f32 v4, v17;
	v3 =	vand.u32 $0x7FFFFFFF, v3;
	v5 =	vadd.f32 v5, v14  }
0x2e6: {  	v1 =	vadd.f32 v3, v1;
	v3 =	vsub.f32 v57, v7  }
0x2e7: {  	v6 =	vsub.f32 v58, v6;
	v2 =	vadd.f32 v5, v55  }
0x2e8: {  	v62 =	vld [tilespmem:$0x1FFD0];
	v4 =	vsub.f32 v4, v54;
	v3 =	vand.u32 $0x7FFFFFFF, v3;
	v5 =	vadd.f32 v5, v56  }
0x2e9: {  	v63 =	vld [tilespmem:$0x1FFE0];
	v59 =	vand.u32 $0x7FFFFFFF, v6;
	v0 =	vadd.f32 v3, v0;
	v2 =	vsub.f32 v2, v8  }
0x2ea: {  	v60 =	vand.u32 $0x7FFFFFFF, v4;
	v1 =	vadd.f32 v59, v1;
	v4 =	vsub.f32 v5, v11  }
0x2eb: {  	v0 =	vadd.f32 v60, v0;
	v2 =	vand.u32 $0x7FFFFFFF, v2  }
0x2ec: {  	p0 =	sne.s32 s12, $0xC0;
	v61 =	vand.u32 $0x7FFFFFFF, v4;
	v1 =	vadd.f32 v2, v1  }
.Ltmp1:
0x2ed: {  	v0 =	vadd.f32 v61, v0;
	(pc) =	sbr.rel @p0 .LBB2_5-.Ltmp1, $4  }
0x2ee: {  	v1 =	vsub.f32 $0.0e+00, v1  }
0x2ef: {  	v0 =	vsub.f32 $0.0e+00, v0  }
0x2f0: {  	[tilespmem:v62+s13+$0x0 ss:$0x1] =	vst.idx.msk $0xffff, v1  }
0x2f1: {  	s11 =	sadd.s32 $0x10, s11;
	s12 =	sadd.s32 $0x40, s12;
	v6 =	vld [tilespmem:$0x1FFF0];
	[tilespmem:v63+s13+$0x0 ss:$0x1] =	vst.idx.msk $0xffff, v0  }
0x2f2: {  	s10 =	sadd.s32 $0x1, s10  }
0x2f3: {  	p0 =	sne.s32 s10, $0x8  }
.Ltmp2:
0x2f4: {  	_ = 	snop;
	(pc) =	sbr.rel @p0 .LBB2_2-.Ltmp2, $4  }
0x2f5: {  	_ = 	snop  }
0x2f6: {  	s15 =	sadd.s32 $0x40, s15;
	s30 =	sadd.s32 $0x40, s30;
	s2 =	sadd.s32 $0x40, s2  }
0x2f7: {  	s9 =	sadd.s32 $0x40, s9;
	s8 =	sadd.s32 $0x40, s8;
	s7 =	sadd.s32 $0x40, s7  }
0x2f8: {  	s6 =	sadd.s32 $0x40, s6;
	s5 =	sadd.s32 $0x40, s5;
	s4 =	sadd.s32 $0x40, s4  }
0x2f9: {  	s14 =	simm.s32 $0x0;
	s0 =	rddreg [dreg:$0x14];
	s1 =	simm.s32 $0x16880  }
0x2fa: {  	[hbm4b:s0+s14] =	stream.linear.scatter [tilespmem:s1], [sflag:$0x2], $0x200, $0x38;
	[tilespmem:$0x16C80] =	vst v63  }
0x2fb: {  	_ =	swait.ge [sflag:s16], $0x200  }
0x2fc: {  	[sflag:s16] =	ssyncset.done $0x0  }
0x2fd: {  	s22 =	simm.s32 $0x16A80;
	s20 =	rddreg [dreg:$0x15];
	[sflag:s16] =	ssyncadd.s32 $0xFFFFFE00  }
0x2fe: {  	[hbm4b:s20+s14] =	stream.linear.scatter [tilespmem:s22], [sflag:$0x2], $0x200, $0x38;
	[tilespmem:$0x16C80] =	vst v63  }
0x2ff: {  	_ =	swait.ge [sflag:s16], $0x200  }
0x300: {  	s30 =	rddreg [dreg:$0x17]  }
0x301: {  	s31 =	rddreg [dreg:$0x16];
	s1 =	sadd.s32 $0x1, s30  }
0x302: {  	p0 =	sne.s32 s1, s31  }
.Ltmp3:
0x303: {  	_ = 	snop;
	(pc) =	sbr.rel @p0 .LBB2_1-.Ltmp3, $3  }
0x304: {  	_ =	sdelay $0x1  }
0x305: {  	[sflag:s16] =	ssyncset.done $0x0  }
0x306: {  	[sflag:s16] =	ssyncadd.s32 $0xFFFFFE00  }
0x307: {  	_ =	sfence.sel $0x180000  }
0x308: {  	[bflag:$0x0] =	sbarrier.arrive $0xFFFF  }
0x309: {  	_ =	strace $0x9000004D  }
0x30a: {  	s0 =	stileid.u32;
	[bflag:$0x2] =	sbarrier.arrive $0xFFFF  }
0x30b: {  	p0 =	sne.s32 s0, $0x0;
	s0 =	rddreg [dreg:$0xa]  }
0x30c: {  	s0 =	sadd.s32 @!p0 $0x100000, s0  }
0x30d: {  	[sflag:s0] =	ssyncadd.tile.s32 @!p0 $0x1;
	_ =	shalt  }
.Lfunc_end2:
_tile_overlayer_lowered:
.L_overlay_start_2:
0x30e: {  	(tag) =	ssettag $0x2  }
0x30f: {  	s0 =	rddreg [dreg:$0x0];
	s2 =	stileid.u32  }
0x310: {  	s1 =	rddreg [dreg:$0x1];
	p0 =	sne.s32 s2, $0x0  }
0x311: {  	s3 =	rddreg [dreg:$0x2];
	[bflag:$0x3] =	sbarrier.arrive $0xFFFF;
	s2 =	simm.s32 @!p0 $0x1C02  }
0x312: {  	[timem:s3], [sflag:s2] =	dma.local @!p0 [hbm:s0], s1  }
0x313: {  	s0 =	simm.s32 @!p0 $0x2  }
0x314: {  	_ =	swait.ge @!p0 [sflag:s0], s1  }
0x315: {  	s1 =	ssub.s32 @!p0 $0x0, s1;
	[sflag:s0] =	ssyncset.done @!p0 $0x0  }
0x316: {  	[sflag:s0] =	ssyncadd.s32 @!p0 s1  }
0x317: {  	[bflag:$0x3] =	sbarrier.arrive $0xFFFF  }
0x318: {  	_ =	shalt  }

// kernel: sparse-core-data-format-call.1.cloned.1.call-start
scs
called_computation.1_lowered:
.L_overlay_start_0:
0x0: {  	s1 =	sld [smem:$0x3FD9]  }
0x1: {  	s2 =	sld [smem:$0x3FFE];
	_ =	sdelay $0x1  }
0x2: {  	s3 =	srdreg.scid  }
0x3: {  	s0 =	sand.u32 $0x1, s3  }
0x4: {  	s17 =	sshll.u32 s0, $0xA;
	s1 =	sadd.s32 s2, s1  }
0x5: {  	s1 =	sadd.s32 s1, s17  }
0x6: {  	[smem:$0x3FBE] =	sst s1  }
0x7: {  	_ = 	snop  }
0x8: {  	(tm) =	ssettm $0x1  }
0x9: {  	s18 =	sld [smem:$0x3FFB];
	_ =	sdelay $0x3  }
0xa: {  	_ =	strace s18  }
0xb: {  	s1 =	sld [smem:$0x3FFC];
	_ =	sdelay $0x3  }
0xc: {  	_ =	strace s1  }
0xd: {  	s1 =	sld [smem:$0x3FFD];
	_ =	sdelay $0x3  }
0xe: {  	_ =	strace s1  }
0xf: {  	_ =	strace $0x8FFFFFFF  }
0x10: {  	s19 =	sld [smem:$0x3FDB];
	_ =	sdelay $0x1  }
0x11: {  	s20 =	simm.s32 $_scs_section_size  }
0x12: {  	s4 =	simm.s32 $_size__tile_overlayer_lowered;
	s5 =	simm.s32 $_tile_overlayer_lowered  }
0x13: {  	s23 =	simm.s32 $0x1BFF;
	s22 =	sshll.u32 s5, $0x1;
	s1 =	sadd.s32 s20, s19  }
0x14: {  	s6 =	simm.s32 $0x0;
	s21 =	sshll.u32 s4, $0x1;
	s4 =	sadd.s32 s22, s1  }
0x15: {  	[timem:s6], [sflag:s23] =	dma.local [hbm:s4], s21  }
0x16: {  	_ =	swait.ge [sflag:s23], s21  }
0x17: {  	s2 =	ssub.s32 $0x0, s21;
	[sflag:s23] =	ssyncset.done $0x0  }
0x18: {  	[sflag:s23] =	ssyncadd.s32 s2;
	_ =	sdelay $0x1  }
0x19: {  	s24 =	simm.s32 $0x1B8B  }
0x1a: {  	_ =	swait.ge [sflag:s24], $0x1  }
0x1b: {  	[sflag:s24] =	ssyncset.done $0x0  }
0x1c: {  	s26 =	simm.s32 $0x1B8E;
	s25 =	sld [smem:$0x3FFE];
	[sflag:s24] =	ssyncadd.s32 $0xFFFFFFFF  }
0x1d: {  	s27 =	simm.s32 $execute0_lowered;
	[smem:$0x3FD2] =	sst s26  }
0x1e: {  	s4 =	sshll.u32 s27, $0x1;
	_ =	strace $0x80000046;
	[dreg:$0x1] =	wrdreg $0xFFFFFFFF  }
0x1f: {  	s28 =	simm.s32 $_size_execute0_lowered;
	s1 =	sadd.s32 s1, s4;
	[dreg:$0x0] =	wrdreg $0x0  }
0x20: {  	s4 =	sshll.u32 s28, $0x1;
	[dreg:$0x2] =	wrdreg s1  }
0x21: {  	[dreg:$0x3] =	wrdreg s4  }
0x22: {  	[dreg:$0x4] =	wrdreg $0xC0  }
0x23: {  	_ =	task [dreg:s6], $0x5FFFF  }
0x24: {  	[dreg:$0x1] =	wrdreg $0xFFFFFFFF  }
0x25: {  	[dreg:$0x0] =	wrdreg $0x60  }
0x26: {  	[dreg:$0x2] =	wrdreg s25  }
0x27: {  	[dreg:$0x3] =	wrdreg $0xA  }
0x28: {  	_ =	task.clear_ibuf [dreg:s6], $0x4FFFF;
	_ =	strace $0x90000046  }
0x29: {  	s29 =	simm.s32 $0xA;
	_ =	strace $0x80000048  }
0x2a: {  	_ =	swait.ge [sflag:s29], $0x1  }
0x2b: {  	[sflag:s29] =	ssyncadd.s32 $0xFFFFFFFF  }
0x2c: {  	_ =	strace $0x90000048  }
0x2d: {  	_ =	sfence  }
0x2e: {  	s30 =	sld [smem:$0x0];
	_ =	sdelay $0x2  }
0x2f: {  	s31 =	sshll.u32 s3, $0xD;
	s3 =	sshrl.u32 s3, $0x2  }
0x30: {  	s2 =	sand.u32 $0x4000, s31;
	s1 =	sadd.s32 s3, s30  }
0x31: {  	s0 =	sor.u32 s2, s0;
	s1 =	sshll.u32 s1, $0x11  }
0x32: {  	s0 =	sor.u32 s1, s0  }
0x33: {  	s0 =	sadd.s32 $0x8F2B, s0  }
0x34: {  	[sflag:s0] =	ssyncadd.remote.s32 $0x1  }
0x35: {  	_ =	sfence.sel $0xFFFF  }
0x36: {  	[dreg:$0x0] =	wrdreg $0xFFFFFFFF;
	(pc) =	sbr.abs _section_cstart, $3  }
0x37: {  	[dreg:$0x1] =	wrdreg $0xFFFFFFFF  }
0x38: {  	_ =	task.clear_ibuf [dreg:s6], $0x2FFFF;
	_ =	strace $0x9FFFFFFF  }
0x39: {  	(tm) =	ssettm $0x7FFFFFFF  }
tec
execute0_lowered:
.L_overlay_start_1:
0x0: {  	(tag) =	ssettag $0x1  }
0x1: {  	s0 =	srdreg.scid  }
0x2: {  	s5 =	rddreg [dreg:$0x0];
	s1 =	stileid.u32;
	s4 =	simm.s32 $0x1  }
0x3: {  	s6 =	simm.s32 $0x2;
	s15 =	simm.s32 $0x0;
	p0 =	por $0x0, $0x0  }
0x4: {  	s8 =	simm.s32 $0x80;
	s14 =	simm.s32 $0x0;
	s2 =	sshll.u32 s0, $0x4  }
0x5: {  	s9 =	simm.s32 $0x0;
	s10 =	simm.s32 $0x0;
	s2 =	sand.u32 $0x10, s2  }
.Ltmp0:
0x6: {  	s12 =	simm.s32 $0x0;
	s3 =	sor.u32 s1, s2;
	(pc) =	sbr.rel .LBB1_1-.Ltmp0, $4  }
0x7: {  	s0 =	rddreg [dreg:$0x1];
	_ =	strace $0x80000047;
	s3 =	sshll.u32 s3, $0x7  }
0x8: {  	s13 =	simm.s32 $0x0;
	[sflag:s4] =	ssyncpa.u1 $0x0;
	s7 =	ssub.s32 $0x7A100, s3  }
0x9: {  	s2 =	sadd.s32 $0x1200, s5;
	[sflag:s6] =	ssyncpa.u1 $0x0;
	s6 =	sshrl.u32 s7, $0xC  }
0xa: {  	s5 =	sadd.s32 $0x3D1E00, s5;
	s11 =	smov.u32 s3;
	s7 =	sadd.s32 $0x2, s6  }
.LBB1_5:
0xb: {  	p1 =	slt.u32 s13, $0x2  }
0xc: {  	s17 =	smov.u32 s15;
	p2 =	sgt.s32 @!p1 s15, $0x7A0A0;
	s16 =	sshra.s32 @!p1 s15, $0x1F  }
0xd: {  	p3 =	sgt.s32 @!p1 s14, $0x40;
	s18 =	sshra.s32 @!p1 s14, $0x1F;
	p2 =	por !p2, p1  }
0xe: {  	s15 =	sand.u32 @!p1 s16, s15;
	p3 =	por !p3, p1;
	s16 =	smov.u32 s14  }
0xf: {  	s14 =	sand.u32 @!p1 s18, s14;
	s17 =	simm.s32 @p2 $0x7A0A0;
	s16 =	simm.s32 @p3 $0x40  }
0x10: {  	s15 =	ssub.s32 @!p1 s17, s15;
	s14 =	ssub.s32 @!p1 s16, s14  }
0x11: {  	s18 =	smov.u32 s12;
	s16 =	sadd.s32 @!p1 $0xFFF85F60, s15;
	s17 =	sadd.s32 @!p1 $0xFFFFFFC0, s14  }
0x12: {  	s15 =	ssub.s32 @!p1 $0x7A120, s15;
	p2 =	sgt.s32 @!p1 s16, $0x7F;
	p3 =	sgt.s32 @!p1 s17, $0x3F  }
0x13: {  	s14 =	ssub.s32 @!p1 $0x80, s14;
	p2 =	por !p2, p1;
	p3 =	por !p3, p1  }
0x14: {  	s16 =	sadd.s32 $0x1000, s11;
	s15 =	simm.s32 @!p2 $0x0;
	s14 =	simm.s32 @!p3 $0x0  }
0x15: {  	p2 =	sgt.s32 s16, $0x7A11F;
	s14 =	smul.u32 @!p1 s14, s15;
	s15 =	sadd.s32 $0x40, s12  }
0x16: {  	s18 =	smov.u32 @p2 s15  }
0x17: {  	s16 =	smov.u32 @p2 s3;
	p2 =	sgt.s32 s18, $0x3F  }
0x18: {  	s18 =	simm.s32 @p2 $0x0;
	p2 =	sne.s32 s13, s7  }
.Ltmp1:
0x19: {  	p0 =	por !p0, !p0;
	s17 =	simm.s32 @!p1 $0x2;
	(pc) =	sbr.rel @!p2 .LBB1_6-.Ltmp1, $4  }
0x1a: {  	s15 =	smov.u32 s9;
	s9 =	smov.u32 s11;
	s14 =	sand.u32 @!p1 $0x3FFFFFFF, s14  }
0x1b: {  	s11 =	smov.u32 s16;
	_ =	swait.ge @!p1 [sflag:s17], s14;
	s19 =	ssub.s32 @!p1 $0x0, s14  }
0x1c: {  	s14 =	smov.u32 s10;
	s13 =	sadd.s32 $0x1, s13;
	[sflag:s17] =	ssyncset.done @!p1 $0x0  }
0x1d: {  	s10 =	smov.u32 s12;
	s12 =	smov.u32 s18;
	[sflag:s17] =	ssyncadd.s32 @!p1 s19  }
.LBB1_1:
0x1e: {  	p1 =	sgt.u32 s13, s6  }
0x1f: {  	s16 =	sshrl.u32 @!p1 s12, $0x3  }
0x20: {  	s17 =	sshll.u32 @!p1 s11, $0x3;
	s16 =	smul.u32 @!p1 $0x3D0C00, s16  }
0x21: {  	s18 =	sshll.u32 @!p1 s12, $0x7;
	s17 =	sand.u32 @!p1 $0xFFFFFC00, s17  }
0x22: {  	s16 =	sadd.s32 @!p1 s16, s17;
	s17 =	sand.u32 @!p1 $0x380, s18  }
0x23: {  	s16 =	sor.u32 @!p1 s17, s16  }
0x24: {  	s17 =	sshrl.u32 @!p1 s16, $0x7  }
0x25: {  	s17 =	smulhi.u32 @!p1 $0x10C6249, s17;
	_ =	sdelay $0x1  }
0x26: {  	s17 =	sshrl.u32 @!p1 s17, $0x4  }
0x27: {  	s18 =	sand.u32 @!p1 $0x7F, s11;
	s19 =	smul.u32 @!p1 $0x7A180, s17  }
0x28: {  	s16 =	sor.u32 @!p1 s18, s16;
	s18 =	sxor.u32 @!p1 $0xFFFFFFFF, s13  }
0x29: {  	s18 =	sshll.u32 @!p1 s18, $0xD;
	s17 =	sand.u32 @!p1 $0x3F, s17;
	s16 =	ssub.s32 @!p1 s16, s19  }
0x2a: {  	s17 =	smul.u32 @!p1 $0xF430, s17;
	s19 =	sshrl.u32 @!p1 s16, $0x3;
	s16 =	sand.u32 @!p1 $0x7, s16  }
0x2b: {  	s18 =	sand.u32 @!p1 $0x2000, s18;
	s19 =	sadd.s32 @!p1 s2, s19;
	s16 =	sshll.u32 @!p1 s16, $0x12  }
0x2c: {  	s17 =	sadd.s32 @!p1 s17, s19;
	s16 =	sor.u32 @!p1 $0x400, s16;
	s19 =	simm.s32 @!p1 $0x3D0C00  }
0x2d: {  	[tilespmem:s18], [sflag:$0x1] =	stream.strided.gather @!p1 [hbm4b:s17+s16], $0x2000, s19, s16, $0x38;
	[tilespmem:$0x8100] =	vst v63  }
0x2e: {  	p1 =	seq.s32 s13, $0x0  }
0x2f: {  	p2 =	sge.u32 @!p1 s13, s7  }
0x30: {  	p1 =	por p1, p2  }
.Ltmp2:
0x31: {  	_ = 	snop;
	(pc) =	sbr.rel @p1 .LBB1_5-.Ltmp2, $1  }
0x32: {  	_ =	sdelay $0x3  }
0x33: {  	s16 =	simm.s32 $0x1  }
0x34: {  	_ =	swait.ge [sflag:s4], $0x2000;
	s16 =	simm.s32 @!p0 $0x0  }
0x35: {  	[sflag:s4] =	ssyncset.done $0x0;
	s17 =	sshll.u32 s16, $0xD  }
0x36: {  	[sflag:s4] =	ssyncadd.s32 $0xFFFFE000;
	s17 =	sor.u32 $0x40, s17  }
0x37: {  	s16 =	smul.u32 $0x8200, s16;
	v0 =	vld [tilespmem:s17+$0x30]  }
0x38: {  	v1 =	vld [tilespmem:s17+$0xFFFFFFD0]  }
0x39: {  	s16 =	sshrl.u32 s16, $0x2;
	v5 =	vld [tilespmem:s17+$0xFFFFFFE0]  }
0x3a: {  	v6 =	vld [tilespmem:s17+$0xFFFFFFF0];
	s19 =	sor.u32 $0x4000, s16  }
0x3b: {  	s31 =	sand.u32 $0x1, s13;
	v4 =	vld [tilespmem:s17+$0x0];
	s18 =	sadd.s32 $0x0, s19  }
0x3c: {  	v3 =	vld [tilespmem:s17+$0x10];
	s16 =	smul.u32 $0x8200, s31;
	[tilespmem:s18+$0x1C70 ss:$0x41] =	vst.msk $0xffff, v0  }
0x3d: {  	v2 =	vld [tilespmem:s17+$0x20];
	[tilespmem:s18+$0x410 ss:$0x41] =	vst.msk $0xffff, v1  }
0x3e: {  	s16 =	sshrl.u32 s16, $0x2;
	v1 =	vld [tilespmem:s17+$0xFFFFFFC0];
	[tilespmem:s18+$0x820 ss:$0x41] =	vst.msk $0xffff, v5;
	s17 =	sadd.s32 $0x80, s17  }
0x3f: {  	s20 =	simm.s32 $0x4;
	s21 =	simm.s32 $0x8;
	s16 =	sor.u32 $0x4000, s16;
	[tilespmem:s18+$0xC30 ss:$0x41] =	vst.msk $0xffff, v6;
	v0 =	vld [tilespmem:s17+$0x30]  }
.LBB1_3:
0x40: {  	p1 =	sne.s32 s21, $0xFC;
	v5 =	vld [tilespmem:s17+$0xFFFFFFD0];
	[tilespmem:s18+$0x1040 ss:$0x41] =	vst.msk $0xffff, v4  }
0x41: {  	v6 =	vld [tilespmem:s17+$0xFFFFFFE0];
	[tilespmem:s18+$0x1450 ss:$0x41] =	vst.msk $0xffff, v3  }
0x42: {  	s22 =	sshra.s32 s20, $0x2;
	s20 =	smov.u32 s21;
	v7 =	vld [tilespmem:s17+$0xFFFFFFF0];
	[tilespmem:s18+$0x1860 ss:$0x41] =	vst.msk $0xffff, v2  }
.Ltmp3:
0x43: {  	v4 =	vld [tilespmem:s17+$0x0];
	[tilespmem:s18+$0x0 ss:$0x41] =	vst.msk $0xffff, v1;
	s18 =	sadd.s32 s22, s19;
	(pc) =	sbr.rel @p1 .LBB1_3-.Ltmp3, $4  }
0x44: {  	v3 =	vld [tilespmem:s17+$0x10];
	[tilespmem:s18+$0x1C70 ss:$0x41] =	vst.msk $0xffff, v0  }
0x45: {  	[tilespmem:s18+$0x410 ss:$0x41] =	vst.msk $0xffff, v5;
	v2 =	vld [tilespmem:s17+$0x20]  }
0x46: {  	v1 =	vld [tilespmem:s17+$0xFFFFFFC0];
	[tilespmem:s18+$0x820 ss:$0x41] =	vst.msk $0xffff, v6;
	s17 =	sadd.s32 $0x80, s17  }
0x47: {  	s21 =	sadd.s32 $0x4, s21;
	v0 =	vld [tilespmem:s17+$0x30];
	[tilespmem:s18+$0xC30 ss:$0x41] =	vst.msk $0xffff, v7  }
0x48: {  	s21 =	sshll.u32 s9, $0x7;
	s22 =	sshll.u32 s10, $0x3;
	s20 =	sshra.s32 s20, $0x2  }
0x49: {  	p1 =	sgt.s32 s9, $0x7A0A0;
	s30 =	sshra.s32 s9, $0x1F;
	s25 =	sshra.s32 s10, $0x1F  }
0x4a: {  	v5 =	vld [tilespmem:s17+$0xFFFFFFD0];
	s28 =	sshrl.u32 s10, $0x3;
	s23 =	sand.u32 $0xFFFFFC00, s21;
	s22 =	sand.u32 $0xFFFFFC00, s22  }
0x4b: {  	[tilespmem:s18+$0x1040 ss:$0x41] =	vst.msk $0xffff, v4;
	v58 =	vld [tilespmem:s17+$0xFFFFFFE0];
	s21 =	sand.u32 $0x380, s21;
	s19 =	sadd.s32 s20, s19;
	s22 =	sadd.s32 s22, s23  }
0x4c: {  	v59 =	vld [tilespmem:s17+$0xFFFFFFF0];
	[tilespmem:s18+$0x1450 ss:$0x41] =	vst.msk $0xffff, v3;
	s29 =	sor.u32 s21, s22;
	s21 =	smov.u32 s9;
	s22 =	sand.u32 s30, s9  }
0x4d: {  	v60 =	vld [tilespmem:s17+$0x0];
	[tilespmem:s18+$0x1860 ss:$0x41] =	vst.msk $0xffff, v2;
	s30 =	sand.u32 $0x7, s10;
	s20 =	sshrl.u32 s29, $0x7;
	s21 =	simm.s32 @!p1 $0x7A0A0  }
0x4e: {  	v61 =	vld [tilespmem:s17+$0x10];
	[tilespmem:s18+$0x0 ss:$0x41] =	vst.msk $0xffff, v1;
	p1 =	sgt.s32 s10, $0x40;
	s24 =	ssub.s32 s21, s22;
	s21 =	smov.u32 s10  }
0x4f: {  	v62 =	vld [tilespmem:s17+$0x20];
	[tilespmem:s19+$0x1C70 ss:$0x41] =	vst.msk $0xffff, v0;
	s31 =	smulhi.u32 $0x218DEF5, s20;
	s22 =	sand.u32 s25, s10;
	s21 =	simm.s32 @!p1 $0x40  }
0x50: {  	v63 =	vld [tilespmem:s17+$0xFFFFFFC0];
	[tilespmem:s19+$0x410 ss:$0x41] =	vst.msk $0xffff, v5;
	s26 =	sadd.s32 $0xFFF85F60, s24;
	s17 =	ssub.s32 $0x7A120, s24;
	s21 =	ssub.s32 s21, s22  }
0x51: {  	[tilespmem:s19+$0x820 ss:$0x41] =	vst.msk $0xffff, v58;
	s23 =	sshrl.u32 s31, $0xC;
	p1 =	sgt.s32 s26, $0x7F;
	s27 =	sadd.s32 $0xFFFFFFC0, s21  }
0x52: {  	[tilespmem:s19+$0xC30 ss:$0x41] =	vst.msk $0xffff, v59;
	s23 =	smul.u32 $0x7A120, s23;
	s18 =	ssub.s32 $0x80, s21;
	p2 =	sgt.s32 s27, $0x3F  }
.Ltmp4:
0x53: {  	[tilespmem:s19+$0x1040 ss:$0x41] =	vst.msk $0xffff, v60;
	s17 =	simm.s32 @p1 $0x0;
	s18 =	simm.s32 @p2 $0x0;
	(pc) =	sbr.rel .LBB1_5-.Ltmp4, $4  }
0x54: {  	s29 =	sand.u32 $0xF, s28;
	[tilespmem:s19+$0x1450 ss:$0x41] =	vst.msk $0xffff, v61;
	s20 =	ssub.s32 s20, s23;
	s17 =	smul.u32 s18, s17  }
0x55: {  	[tilespmem:s19+$0x1860 ss:$0x41] =	vst.msk $0xffff, v62;
	s21 =	sshll.u32 s30, $0x12;
	s20 =	sshll.u32 s20, $0x4;
	s18 =	sadd.s32 s5, s29  }
0x56: {  	[tilespmem:s19+$0x0 ss:$0x41] =	vst.msk $0xffff, v63;
	s31 =	sor.u32 $0x40, s21;
	s18 =	sadd.s32 s20, s18;
	s17 =	sand.u32 $0x3FFFFFFF, s17  }
0x57: {  	[hbm4b:s18+s31] =	stream.strided.scatter [tilespmem:s16], [sflag:$0x2], s17, s8, s31, $0x18;
	[tilespmem:$0x8100] =	vst v63  }
.LBB1_6:
0x58: {  	_ =	sfence.sel $0x180000  }
0x59: {  	s2 =	simm.s32 $0x1;
	[bflag:$0x0] =	sbarrier.arrive $0xFFFF  }
0x5a: {  	s31 =	simm.s32 $0x2;
	[sflag:s2] =	ssyncpa.u1 $0x1  }
0x5b: {  	[sflag:s31] =	ssyncpa.u1 $0x1  }
0x5c: {  	p0 =	sne.s32 s1, $0x0;
	_ =	strace $0x90000047  }
0x5d: {  	s0 =	sadd.s32 @!p0 $0x100000, s0;
	[bflag:$0x2] =	sbarrier.arrive $0xFFFF  }
0x5e: {  	[sflag:s0] =	ssyncadd.tile.s32 @!p0 $0x1;
	_ =	shalt  }
.Lfunc_end1:
_tile_overlayer_lowered:
.L_overlay_start_2:
0x5f: {  	(tag) =	ssettag $0x2  }
0x60: {  	s0 =	rddreg [dreg:$0x0];
	s2 =	stileid.u32  }
0x61: {  	s1 =	rddreg [dreg:$0x1];
	p0 =	sne.s32 s2, $0x0  }
0x62: {  	s3 =	rddreg [dreg:$0x2];
	[bflag:$0x3] =	sbarrier.arrive $0xFFFF;
	s2 =	simm.s32 @!p0 $0x1C01  }
0x63: {  	[timem:s3], [sflag:s2] =	dma.local @!p0 [hbm:s0], s1  }
0x64: {  	s0 =	simm.s32 @!p0 $0x1  }
0x65: {  	_ =	swait.ge @!p0 [sflag:s0], s1  }
0x66: {  	s1 =	ssub.s32 @!p0 $0x0, s1;
	[sflag:s0] =	ssyncset.done @!p0 $0x0  }
0x67: {  	[sflag:s0] =	ssyncadd.s32 @!p0 s1  }
0x68: {  	[bflag:$0x3] =	sbarrier.arrive $0xFFFF  }
0x69: {  	_ =	shalt  }

// kernel: sparse-core-data-format-call.cloned.1.call-start
scs
called_computation_lowered:
.L_overlay_start_0:
0x0: {  	s2 =	sld [smem:$0x3FD9]  }
0x1: {  	s3 =	sld [smem:$0x3FFE];
	_ =	sdelay $0x1  }
0x2: {  	s1 =	srdreg.scid  }
0x3: {  	s0 =	sand.u32 $0x1, s1  }
0x4: {  	s18 =	sshll.u32 s0, $0xA;
	s2 =	sadd.s32 s3, s2  }
0x5: {  	s2 =	sadd.s32 s2, s18  }
0x6: {  	[smem:$0x3FBE] =	sst s2  }
0x7: {  	_ = 	snop  }
0x8: {  	(tm) =	ssettm $0x1  }
0x9: {  	s19 =	sld [smem:$0x3FFB];
	_ =	sdelay $0x3  }
0xa: {  	_ =	strace s19  }
0xb: {  	s2 =	sld [smem:$0x3FFC];
	_ =	sdelay $0x3  }
0xc: {  	_ =	strace s2  }
0xd: {  	s2 =	sld [smem:$0x3FFD];
	_ =	sdelay $0x3  }
0xe: {  	_ =	strace s2  }
0xf: {  	_ =	strace $0x8FFFFFFF  }
0x10: {  	s20 =	sld [smem:$0x3FDB];
	_ =	sdelay $0x1  }
0x11: {  	s21 =	simm.s32 $_scs_section_size  }
0x12: {  	s4 =	simm.s32 $_size__tile_overlayer_lowered;
	s5 =	simm.s32 $_tile_overlayer_lowered  }
0x13: {  	s6 =	simm.s32 $0x1BFF;
	s22 =	sshll.u32 s5, $0x1;
	s3 =	sadd.s32 s21, s20  }
0x14: {  	s23 =	simm.s32 $0x0;
	s4 =	sshll.u32 s4, $0x1;
	s5 =	sadd.s32 s22, s3  }
0x15: {  	[timem:s23], [sflag:s6] =	dma.local [hbm:s5], s4  }
0x16: {  	_ =	swait.ge [sflag:s6], s4  }
0x17: {  	s4 =	ssub.s32 $0x0, s4;
	[sflag:s6] =	ssyncset.done $0x0  }
0x18: {  	[sflag:s6] =	ssyncadd.s32 s4;
	_ =	sdelay $0x1  }
0x19: {  	s24 =	simm.s32 $0x1B8B  }
0x1a: {  	_ =	swait.ge [sflag:s24], $0x1  }
0x1b: {  	[sflag:s24] =	ssyncset.done $0x0  }
0x1c: {  	[sflag:s24] =	ssyncadd.s32 $0xFFFFFFFF  }
0x1d: {  	s4 =	sld [smem:$0x0]  }
0x1e: {  	s5 =	sand.u32 $0xFFFFFFFE, s1  }
0x1f: {  	p0 =	sne.s32 s1, s5  }
0x20: {  	s5 =	sshll.u32 @p0 s5, $0xE  }
0x21: {  	s5 =	sadd.s32 @p0 $0x11B8D, s5;
	s6 =	sshll.u32 @p0 s4, $0x11  }
0x22: {  	s5 =	sor.u32 @p0 s6, s5  }
0x23: {  	[sflag:s5] =	ssyncadd.remote.s32 @p0 $0x1;
	_ =	sdelay $0x1  }
0x24: {  	s5 =	simm.s32 @p0 $0x1B8D  }
0x25: {  	_ =	swait.eq @p0 [sflag:s5], $0x1  }
0x26: {  	[sflag:s5] =	ssyncadd.s32 @p0 $0xFFFFFFFF  }
0x27: {  	s6 =	sshll.u32 @!p0 s1, $0xE  }
0x28: {  	s6 =	sor.u32 @!p0 $0x4000, s6;
	s5 =	simm.s32 @!p0 $0x1B8D  }
0x29: {  	s4 =	sshll.u32 @!p0 s4, $0x11;
	s6 =	sadd.s32 @!p0 $0x11B8D, s6;
	_ =	swait.eq @!p0 [sflag:s5], $0x1  }
0x2a: {  	s4 =	sor.u32 @!p0 s4, s6;
	[sflag:s5] =	ssyncadd.s32 @!p0 $0xFFFFFFFF  }
0x2b: {  	s26 =	simm.s32 $0x1B8E;
	s25 =	sld [smem:$0x3FFE];
	[sflag:s4] =	ssyncadd.remote.s32 @!p0 $0x1  }
0x2c: {  	s27 =	simm.s32 $execute0_lowered;
	[smem:$0x3FD2] =	sst s26  }
0x2d: {  	s5 =	sshll.u32 s27, $0x1;
	_ =	strace $0x80000049;
	[dreg:$0x1] =	wrdreg $0xFFFFFFFF  }
0x2e: {  	s28 =	simm.s32 $_size_execute0_lowered;
	s3 =	sadd.s32 s3, s5;
	[dreg:$0x0] =	wrdreg $0x0  }
0x2f: {  	s5 =	sshll.u32 s28, $0x1;
	[dreg:$0x2] =	wrdreg s3  }
0x30: {  	[dreg:$0x3] =	wrdreg s5  }
0x31: {  	[dreg:$0x4] =	wrdreg $0xC0  }
0x32: {  	_ =	task [dreg:s23], $0x5FFFF  }
0x33: {  	[dreg:$0x1] =	wrdreg $0xFFFFFFFF  }
0x34: {  	[dreg:$0x0] =	wrdreg $0x60  }
0x35: {  	[dreg:$0x2] =	wrdreg s25  }
0x36: {  	[dreg:$0x3] =	wrdreg $0x9  }
0x37: {  	_ =	task.clear_ibuf [dreg:s23], $0x4FFFF;
	_ =	strace $0x90000049  }
0x38: {  	s29 =	simm.s32 $0x9;
	_ =	strace $0x8000004B  }
0x39: {  	_ =	swait.ge [sflag:s29], $0x1  }
0x3a: {  	[sflag:s29] =	ssyncadd.s32 $0xFFFFFFFF  }
0x3b: {  	_ =	strace $0x9000004B  }
0x3c: {  	_ =	sfence  }
0x3d: {  	s30 =	sld [smem:$0x0];
	_ =	sdelay $0x2  }
0x3e: {  	s31 =	sshll.u32 s1, $0xD;
	s1 =	sshrl.u32 s1, $0x2  }
0x3f: {  	s4 =	sand.u32 $0x4000, s31;
	s1 =	sadd.s32 s1, s30  }
0x40: {  	s0 =	sor.u32 s4, s0;
	s1 =	sshll.u32 s1, $0x11  }
0x41: {  	s0 =	sor.u32 s1, s0  }
0x42: {  	s0 =	sadd.s32 $0x8F2B, s0  }
0x43: {  	[sflag:s0] =	ssyncadd.remote.s32 $0x1  }
0x44: {  	_ =	sfence.sel $0xFFFF  }
0x45: {  	[dreg:$0x0] =	wrdreg $0xFFFFFFFF;
	(pc) =	sbr.abs _section_cstart, $3  }
0x46: {  	[dreg:$0x1] =	wrdreg $0xFFFFFFFF  }
0x47: {  	_ =	task.clear_ibuf [dreg:s23], $0x2FFFF;
	_ =	strace $0x9FFFFFFF  }
0x48: {  	(tm) =	ssettm $0x7FFFFFFF  }
0x49: {  	_ =	shalt  }
tec
execute0_lowered:
.L_overlay_start_1:
0x0: {  	(tag) =	ssettag $0x1  }
0x1: {  	s0 =	srdreg.scid  }
0x2: {  	s5 =	rddreg [dreg:$0x0];
	s1 =	stileid.u32;
	s4 =	simm.s32 $0x1  }
0x3: {  	s6 =	simm.s32 $0x2;
	s15 =	simm.s32 $0x0;
	p0 =	por $0x0, $0x0  }
0x4: {  	s8 =	simm.s32 $0x80;
	s14 =	simm.s32 $0x0;
	s2 =	sshll.u32 s0, $0x4  }
0x5: {  	s9 =	simm.s32 $0x0;
	s10 =	simm.s32 $0x0;
	s2 =	sand.u32 $0x10, s2  }
.Ltmp0:
0x6: {  	s12 =	simm.s32 $0x0;
	s3 =	sor.u32 s1, s2;
	(pc) =	sbr.rel .LBB1_1-.Ltmp0, $4  }
0x7: {  	s0 =	rddreg [dreg:$0x1];
	_ =	strace $0x8000004A;
	s3 =	sshll.u32 s3, $0x7  }
0x8: {  	s13 =	simm.s32 $0x0;
	[sflag:s4] =	ssyncpa.u1 $0x0;
	s7 =	ssub.s32 $0x7A100, s3  }
0x9: {  	s2 =	sadd.s32 $0xB73000, s5;
	[sflag:s6] =	ssyncpa.u1 $0x0;
	s6 =	sshrl.u32 s7, $0xC  }
0xa: {  	s5 =	sadd.s32 $0xF43C00, s5;
	s11 =	smov.u32 s3;
	s7 =	sadd.s32 $0x2, s6  }
.LBB1_5:
0xb: {  	p1 =	slt.u32 s13, $0x2  }
0xc: {  	s17 =	smov.u32 s15;
	p2 =	sgt.s32 @!p1 s15, $0x7A0A0;
	s16 =	sshra.s32 @!p1 s15, $0x1F  }
0xd: {  	p3 =	sgt.s32 @!p1 s14, $0x40;
	s18 =	sshra.s32 @!p1 s14, $0x1F;
	p2 =	por !p2, p1  }
0xe: {  	s15 =	sand.u32 @!p1 s16, s15;
	p3 =	por !p3, p1;
	s16 =	smov.u32 s14  }
0xf: {  	s14 =	sand.u32 @!p1 s18, s14;
	s17 =	simm.s32 @p2 $0x7A0A0;
	s16 =	simm.s32 @p3 $0x40  }
0x10: {  	s15 =	ssub.s32 @!p1 s17, s15;
	s14 =	ssub.s32 @!p1 s16, s14  }
0x11: {  	s18 =	smov.u32 s12;
	s16 =	sadd.s32 @!p1 $0xFFF85F60, s15;
	s17 =	sadd.s32 @!p1 $0xFFFFFFC0, s14  }
0x12: {  	s15 =	ssub.s32 @!p1 $0x7A120, s15;
	p2 =	sgt.s32 @!p1 s16, $0x7F;
	p3 =	sgt.s32 @!p1 s17, $0x3F  }
0x13: {  	s14 =	ssub.s32 @!p1 $0x80, s14;
	p2 =	por !p2, p1;
	p3 =	por !p3, p1  }
0x14: {  	s16 =	sadd.s32 $0x1000, s11;
	s15 =	simm.s32 @!p2 $0x0;
	s14 =	simm.s32 @!p3 $0x0  }
0x15: {  	p2 =	sgt.s32 s16, $0x7A11F;
	s14 =	smul.u32 @!p1 s14, s15;
	s15 =	sadd.s32 $0x40, s12  }
0x16: {  	s18 =	smov.u32 @p2 s15  }
0x17: {  	s16 =	smov.u32 @p2 s3;
	p2 =	sgt.s32 s18, $0x3F  }
0x18: {  	s18 =	simm.s32 @p2 $0x0;
	p2 =	sne.s32 s13, s7  }
.Ltmp1:
0x19: {  	p0 =	por !p0, !p0;
	s17 =	simm.s32 @!p1 $0x2;
	(pc) =	sbr.rel @!p2 .LBB1_6-.Ltmp1, $4  }
0x1a: {  	s15 =	smov.u32 s9;
	s9 =	smov.u32 s11;
	s14 =	sand.u32 @!p1 $0x3FFFFFFF, s14  }
0x1b: {  	s11 =	smov.u32 s16;
	_ =	swait.ge @!p1 [sflag:s17], s14;
	s19 =	ssub.s32 @!p1 $0x0, s14  }
0x1c: {  	s14 =	smov.u32 s10;
	s13 =	sadd.s32 $0x1, s13;
	[sflag:s17] =	ssyncset.done @!p1 $0x0  }
0x1d: {  	s10 =	smov.u32 s12;
	s12 =	smov.u32 s18;
	[sflag:s17] =	ssyncadd.s32 @!p1 s19  }
.LBB1_1:
0x1e: {  	p1 =	sgt.u32 s13, s6  }
0x1f: {  	s16 =	sshrl.u32 @!p1 s12, $0x3  }
0x20: {  	s17 =	sshll.u32 @!p1 s11, $0x3;
	s16 =	smul.u32 @!p1 $0x3D0C00, s16  }
0x21: {  	s18 =	sshll.u32 @!p1 s12, $0x7;
	s17 =	sand.u32 @!p1 $0xFFFFFC00, s17  }
0x22: {  	s16 =	sadd.s32 @!p1 s16, s17;
	s17 =	sand.u32 @!p1 $0x380, s18  }
0x23: {  	s16 =	sor.u32 @!p1 s17, s16  }
0x24: {  	s17 =	sshrl.u32 @!p1 s16, $0x7  }
0x25: {  	s17 =	smulhi.u32 @!p1 $0x10C6249, s17;
	_ =	sdelay $0x1  }
0x26: {  	s17 =	sshrl.u32 @!p1 s17, $0x4  }
0x27: {  	s18 =	sand.u32 @!p1 $0x7F, s11;
	s19 =	smul.u32 @!p1 $0x7A180, s17  }
0x28: {  	s16 =	sor.u32 @!p1 s18, s16;
	s18 =	sxor.u32 @!p1 $0xFFFFFFFF, s13  }
0x29: {  	s18 =	sshll.u32 @!p1 s18, $0xD;
	s17 =	sand.u32 @!p1 $0x3F, s17;
	s16 =	ssub.s32 @!p1 s16, s19  }
0x2a: {  	s17 =	smul.u32 @!p1 $0xF430, s17;
	s19 =	sshrl.u32 @!p1 s16, $0x3;
	s16 =	sand.u32 @!p1 $0x7, s16  }
0x2b: {  	s18 =	sand.u32 @!p1 $0x2000, s18;
	s19 =	sadd.s32 @!p1 s2, s19;
	s16 =	sshll.u32 @!p1 s16, $0x12  }
0x2c: {  	s17 =	sadd.s32 @!p1 s17, s19;
	s16 =	sor.u32 @!p1 $0x400, s16;
	s19 =	simm.s32 @!p1 $0x3D0C00  }
0x2d: {  	[tilespmem:s18], [sflag:$0x1] =	stream.strided.gather @!p1 [hbm4b:s17+s16], $0x2000, s19, s16, $0x38;
	[tilespmem:$0x8100] =	vst v63  }
0x2e: {  	p1 =	seq.s32 s13, $0x0  }
0x2f: {  	p2 =	sge.u32 @!p1 s13, s7  }
0x30: {  	p1 =	por p1, p2  }
.Ltmp2:
0x31: {  	_ = 	snop;
	(pc) =	sbr.rel @p1 .LBB1_5-.Ltmp2, $1  }
0x32: {  	_ =	sdelay $0x3  }
0x33: {  	s16 =	simm.s32 $0x1  }
0x34: {  	_ =	swait.ge [sflag:s4], $0x2000;
	s16 =	simm.s32 @!p0 $0x0  }
0x35: {  	[sflag:s4] =	ssyncset.done $0x0;
	s17 =	sshll.u32 s16, $0xD  }
0x36: {  	[sflag:s4] =	ssyncadd.s32 $0xFFFFE000;
	s17 =	sor.u32 $0x40, s17  }
0x37: {  	s16 =	smul.u32 $0x8200, s16;
	v0 =	vld [tilespmem:s17+$0x30]  }
0x38: {  	v1 =	vld [tilespmem:s17+$0xFFFFFFD0]  }
0x39: {  	s16 =	sshrl.u32 s16, $0x2;
	v5 =	vld [tilespmem:s17+$0xFFFFFFE0]  }
0x3a: {  	v6 =	vld [tilespmem:s17+$0xFFFFFFF0];
	s19 =	sor.u32 $0x4000, s16  }
0x3b: {  	s31 =	sand.u32 $0x1, s13;
	v4 =	vld [tilespmem:s17+$0x0];
	s18 =	sadd.s32 $0x0, s19  }
0x3c: {  	v3 =	vld [tilespmem:s17+$0x10];
	s16 =	smul.u32 $0x8200, s31;
	[tilespmem:s18+$0x1C70 ss:$0x41] =	vst.msk $0xffff, v0  }
0x3d: {  	v2 =	vld [tilespmem:s17+$0x20];
	[tilespmem:s18+$0x410 ss:$0x41] =	vst.msk $0xffff, v1  }
0x3e: {  	s16 =	sshrl.u32 s16, $0x2;
	v1 =	vld [tilespmem:s17+$0xFFFFFFC0];
	[tilespmem:s18+$0x820 ss:$0x41] =	vst.msk $0xffff, v5;
	s17 =	sadd.s32 $0x80, s17  }
0x3f: {  	s20 =	simm.s32 $0x4;
	s21 =	simm.s32 $0x8;
	s16 =	sor.u32 $0x4000, s16;
	[tilespmem:s18+$0xC30 ss:$0x41] =	vst.msk $0xffff, v6;
	v0 =	vld [tilespmem:s17+$0x30]  }
.LBB1_3:
0x40: {  	p1 =	sne.s32 s21, $0xFC;
	v5 =	vld [tilespmem:s17+$0xFFFFFFD0];
	[tilespmem:s18+$0x1040 ss:$0x41] =	vst.msk $0xffff, v4  }
0x41: {  	v6 =	vld [tilespmem:s17+$0xFFFFFFE0];
	[tilespmem:s18+$0x1450 ss:$0x41] =	vst.msk $0xffff, v3  }
0x42: {  	s22 =	sshra.s32 s20, $0x2;
	s20 =	smov.u32 s21;
	v7 =	vld [tilespmem:s17+$0xFFFFFFF0];
	[tilespmem:s18+$0x1860 ss:$0x41] =	vst.msk $0xffff, v2  }
.Ltmp3:
0x43: {  	v4 =	vld [tilespmem:s17+$0x0];
	[tilespmem:s18+$0x0 ss:$0x41] =	vst.msk $0xffff, v1;
	s18 =	sadd.s32 s22, s19;
	(pc) =	sbr.rel @p1 .LBB1_3-.Ltmp3, $4  }
0x44: {  	v3 =	vld [tilespmem:s17+$0x10];
	[tilespmem:s18+$0x1C70 ss:$0x41] =	vst.msk $0xffff, v0  }
0x45: {  	[tilespmem:s18+$0x410 ss:$0x41] =	vst.msk $0xffff, v5;
	v2 =	vld [tilespmem:s17+$0x20]  }
0x46: {  	v1 =	vld [tilespmem:s17+$0xFFFFFFC0];
	[tilespmem:s18+$0x820 ss:$0x41] =	vst.msk $0xffff, v6;
	s17 =	sadd.s32 $0x80, s17  }
0x47: {  	s21 =	sadd.s32 $0x4, s21;
	v0 =	vld [tilespmem:s17+$0x30];
	[tilespmem:s18+$0xC30 ss:$0x41] =	vst.msk $0xffff, v7  }
0x48: {  	s21 =	sshll.u32 s9, $0x7;
	s22 =	sshll.u32 s10, $0x3;
	s20 =	sshra.s32 s20, $0x2  }
0x49: {  	p1 =	sgt.s32 s9, $0x7A0A0;
	s30 =	sshra.s32 s9, $0x1F;
	s25 =	sshra.s32 s10, $0x1F  }
0x4a: {  	v5 =	vld [tilespmem:s17+$0xFFFFFFD0];
	s28 =	sshrl.u32 s10, $0x3;
	s23 =	sand.u32 $0xFFFFFC00, s21;
	s22 =	sand.u32 $0xFFFFFC00, s22  }
0x4b: {  	[tilespmem:s18+$0x1040 ss:$0x41] =	vst.msk $0xffff, v4;
	v58 =	vld [tilespmem:s17+$0xFFFFFFE0];
	s21 =	sand.u32 $0x380, s21;
	s19 =	sadd.s32 s20, s19;
	s22 =	sadd.s32 s22, s23  }
0x4c: {  	v59 =	vld [tilespmem:s17+$0xFFFFFFF0];
	[tilespmem:s18+$0x1450 ss:$0x41] =	vst.msk $0xffff, v3;
	s29 =	sor.u32 s21, s22;
	s21 =	smov.u32 s9;
	s22 =	sand.u32 s30, s9  }
0x4d: {  	v60 =	vld [tilespmem:s17+$0x0];
	[tilespmem:s18+$0x1860 ss:$0x41] =	vst.msk $0xffff, v2;
	s30 =	sand.u32 $0x7, s10;
	s20 =	sshrl.u32 s29, $0x7;
	s21 =	simm.s32 @!p1 $0x7A0A0  }
0x4e: {  	v61 =	vld [tilespmem:s17+$0x10];
	[tilespmem:s18+$0x0 ss:$0x41] =	vst.msk $0xffff, v1;
	p1 =	sgt.s32 s10, $0x40;
	s24 =	ssub.s32 s21, s22;
	s21 =	smov.u32 s10  }
0x4f: {  	v62 =	vld [tilespmem:s17+$0x20];
	[tilespmem:s19+$0x1C70 ss:$0x41] =	vst.msk $0xffff, v0;
	s31 =	smulhi.u32 $0x218DEF5, s20;
	s22 =	sand.u32 s25, s10;
	s21 =	simm.s32 @!p1 $0x40  }
0x50: {  	v63 =	vld [tilespmem:s17+$0xFFFFFFC0];
	[tilespmem:s19+$0x410 ss:$0x41] =	vst.msk $0xffff, v5;
	s26 =	sadd.s32 $0xFFF85F60, s24;
	s17 =	ssub.s32 $0x7A120, s24;
	s21 =	ssub.s32 s21, s22  }
0x51: {  	[tilespmem:s19+$0x820 ss:$0x41] =	vst.msk $0xffff, v58;
	s23 =	sshrl.u32 s31, $0xC;
	p1 =	sgt.s32 s26, $0x7F;
	s27 =	sadd.s32 $0xFFFFFFC0, s21  }
0x52: {  	[tilespmem:s19+$0xC30 ss:$0x41] =	vst.msk $0xffff, v59;
	s23 =	smul.u32 $0x7A120, s23;
	s18 =	ssub.s32 $0x80, s21;
	p2 =	sgt.s32 s27, $0x3F  }
.Ltmp4:
0x53: {  	[tilespmem:s19+$0x1040 ss:$0x41] =	vst.msk $0xffff, v60;
	s17 =	simm.s32 @p1 $0x0;
	s18 =	simm.s32 @p2 $0x0;
	(pc) =	sbr.rel .LBB1_5-.Ltmp4, $4  }
0x54: {  	s29 =	sand.u32 $0xF, s28;
	[tilespmem:s19+$0x1450 ss:$0x41] =	vst.msk $0xffff, v61;
	s20 =	ssub.s32 s20, s23;
	s17 =	smul.u32 s18, s17  }
0x55: {  	[tilespmem:s19+$0x1860 ss:$0x41] =	vst.msk $0xffff, v62;
	s21 =	sshll.u32 s30, $0x12;
	s20 =	sshll.u32 s20, $0x4;
	s18 =	sadd.s32 s5, s29  }
0x56: {  	[tilespmem:s19+$0x0 ss:$0x41] =	vst.msk $0xffff, v63;
	s31 =	sor.u32 $0x40, s21;
	s18 =	sadd.s32 s20, s18;
	s17 =	sand.u32 $0x3FFFFFFF, s17  }
0x57: {  	[hbm4b:s18+s31] =	stream.strided.scatter [tilespmem:s16], [sflag:$0x2], s17, s8, s31, $0x18;
	[tilespmem:$0x8100] =	vst v63  }
.LBB1_6:
0x58: {  	_ =	sfence.sel $0x180000  }
0x59: {  	s2 =	simm.s32 $0x1;
	[bflag:$0x0] =	sbarrier.arrive $0xFFFF  }
0x5a: {  	s31 =	simm.s32 $0x2;
	[sflag:s2] =	ssyncpa.u1 $0x1  }
0x5b: {  	[sflag:s31] =	ssyncpa.u1 $0x1  }
0x5c: {  	p0 =	sne.s32 s1, $0x0;
	_ =	strace $0x9000004A  }
0x5d: {  	s0 =	sadd.s32 @!p0 $0x100000, s0;
	[bflag:$0x2] =	sbarrier.arrive $0xFFFF  }
0x5e: {  	[sflag:s0] =	ssyncadd.tile.s32 @!p0 $0x1;
	_ =	shalt  }
.Lfunc_end1:
_tile_overlayer_lowered:
.L_overlay_start_2:
0x5f: {  	(tag) =	ssettag $0x2  }
0x60: {  	s0 =	rddreg [dreg:$0x0];
	s2 =	stileid.u32  }
0x61: {  	s1 =	rddreg [dreg:$0x1];
	p0 =	sne.s32 s2, $0x0  }
0x62: {  	s3 =	rddreg [dreg:$0x2];
	[bflag:$0x3] =	sbarrier.arrive $0xFFFF;
	s2 =	simm.s32 @!p0 $0x1C01  }
0x63: {  	[timem:s3], [sflag:s2] =	dma.local @!p0 [hbm:s0], s1  }
0x64: {  	s0 =	simm.s32 @!p0 $0x1  }
0x65: {  	_ =	swait.ge @!p0 [sflag:s0], s1  }
0x66: {  	s1 =	ssub.s32 @!p0 $0x0, s1;
	[sflag:s0] =	ssyncset.done @!p0 $0x0  }
0x67: {  	[sflag:s0] =	ssyncadd.s32 @!p0 s1  }
0x68: {  	[bflag:$0x3] =	sbarrier.arrive $0xFFFF  }
0x69: {  	_ =	shalt  }

</sc_bundles>
